<compile_context>
chip_gen: v7x
topology: tpu7x:2x2x1
jax: 0.10.2.dev20260603
libtpu: 0.0.44.dev20260713+nightly
codegen_flags: <defaults>
</compile_context>

<pallas_src>
import jax
import jax.numpy as jnp
from jax import lax
from jax.experimental import pallas as pl
from jax.experimental.pallas import tpu as pltpu
from jax.experimental.pallas import tpu_sc as plsc

L = 4
N = 100000
D = 128
B = 512

ROWS = L * N
CHUNK = 128
SC_N = 66560
SPAN = SC_N // 8
CNT = SPAN // CHUNK
NBUF = 5
LA = 4
ACC_ROWS = L * B

TC_BLK = 2000
TC_OFF = SC_N // TC_BLK
TC_BPL = N // TC_BLK - TC_OFF
BPL = N // TC_BLK


def _sc_body(hs_ref, bat_ref, out_ref, idx_dbuf, dbuf, stage, acc,
             sem_l0, sem_l1, sem_l2, sem_l3, sem_l4,
             sem_s0, sem_s1, sem_s2, sem_s3, sem_s4):
    c = lax.axis_index("c")
    s = lax.axis_index("s")
    loc_l = s // 8
    sl = s % 8
    layer = 2 * c + loc_l
    tile_base = layer * N + sl * SPAN

    sem_ld = (sem_l0, sem_l1, sem_l2, sem_l3, sem_l4)
    sem_sc = (sem_s0, sem_s1, sem_s2, sem_s3, sem_s4)
    dslot = tuple(dbuf.at[i] for i in range(NBUF))
    islot = tuple(idx_dbuf.at[i] for i in range(NBUF))

    def loads_start(j, slot):
        base = tile_base + j * CHUNK
        pltpu.async_copy(bat_ref.at[pl.ds(base, CHUNK)], islot[slot],
                         sem_ld[slot])
        pltpu.async_copy(hs_ref.at[pl.ds(base, CHUNK), :], dslot[slot],
                         sem_ld[slot])

    def loads_wait(slot):
        pltpu.make_async_copy(bat_ref.at[pl.ds(0, CHUNK)], islot[slot],
                              sem_ld[slot]).wait()
        pltpu.make_async_copy(hs_ref.at[pl.ds(0, CHUNK), :], dslot[slot],
                              sem_ld[slot]).wait()

    def fix_idx(slot):
        for g in range(8):
            v = idx_dbuf[slot, pl.ds(g * 16, 16)] + loc_l * B
            idx_dbuf[slot, pl.ds(g * 16, 16)] = v

    def scat_start(slot):
        pltpu.async_copy(dslot[slot], acc.at[islot[slot]],
                         sem_sc[slot], add=True)

    def scat_wait(slot):
        pltpu.make_async_copy(dslot[slot], acc.at[islot[slot]],
                              sem_sc[slot]).wait()

    for j in range(LA):
        loads_start(j, j)

    zeros16 = jnp.zeros((16,), jnp.float32)
    for r in range(32):
        for g in range(8):
            stage[r, pl.ds(g * 16, 16)] = zeros16
    for k in range(2):
        pltpu.sync_copy(stage, acc.at[pl.ds(s * 64 + k * 32, 32), :])

    plsc.subcore_barrier()

    def quint_step(t, carry):
        for k in range(5):
            j = 5 * t + k
            loads_wait(k)
            fix_idx(k)
            scat_start(k)

            @pl.when(j >= 5 - LA)
            def _ws():
                scat_wait((k + LA) % 5)

            @pl.when(j + LA < CNT)
            def _nl():
                loads_start(j + LA, (k + LA) % 5)

        return carry

    lax.fori_loop(0, CNT // 5, quint_step, 0)

    for j in range(CNT - (5 - LA), CNT):
        scat_wait(j % 5)

    plsc.subcore_barrier()

    for k in range(2):
        pltpu.sync_copy(acc.at[pl.ds(s * 64 + k * 32, 32), :], stage)
        pltpu.sync_copy(
            stage, out_ref.at[pl.ds(c * 1024 + s * 64 + k * 32, 32), :])


_sc_segsum = pl.kernel(
    _sc_body,
    out_type=jax.ShapeDtypeStruct((ACC_ROWS, D), jnp.float32),
    mesh=plsc.VectorSubcoreMesh(core_axis_name="c", subcore_axis_name="s"),
    scratch_types=[
        pltpu.VMEM((NBUF, CHUNK), jnp.int32),
        pltpu.VMEM((NBUF, CHUNK, D), jnp.float32),
        pltpu.VMEM((32, D), jnp.float32),
        pltpu.VMEM_SHARED((2 * B, D), jnp.float32),
    ] + [pltpu.SemaphoreType.DMA] * 10,
)


def _tc_seg_body(idx_ref, x_ref, o_ref):
    t = pl.program_id(1)

    @pl.when(t == 0)
    def _init():
        o_ref[...] = jnp.zeros((B, D), jnp.float32)

    seg = jax.lax.broadcasted_iota(jnp.int32, (B, TC_BLK), 0)
    rows = jax.lax.broadcasted_iota(jnp.int32, (B, TC_BLK), 1)
    thr = jnp.maximum(0, SC_N - (TC_OFF + t) * TC_BLK)
    oh = ((seg == idx_ref[...][0, 0]) & (rows >= thr)).astype(jnp.bfloat16)
    x = x_ref[...].astype(jnp.bfloat16)
    o_ref[...] += lax.dot_general(oh, x, (((1,), (0,)), ((), ())),
                                  preferred_element_type=jnp.float32)


def _tc_segsum(bat3, hs2):
    return pl.pallas_call(
        _tc_seg_body,
        grid=(L, TC_BPL),
        in_specs=[
            pl.BlockSpec((1, 1, TC_BLK), lambda l, t: (l * BPL + TC_OFF + t, 0, 0)),
            pl.BlockSpec((TC_BLK, D), lambda l, t: (l * BPL + TC_OFF + t, 0)),
        ],
        out_specs=pl.BlockSpec((B, D), lambda l, t: (l, 0)),
        out_shape=jax.ShapeDtypeStruct((ACC_ROWS, D), jnp.float32),
    )(bat3, hs2)


def _proj_body(xs_ref, xt_ref, w_ref, b_ref, o_ref):
    w = w_ref[...]
    r = jnp.broadcast_to(b_ref[...], (B, D))
    for l in range(L):
        x = xs_ref[pl.ds(l * B, B), :] + xt_ref[pl.ds(l * B, B), :]
        wl = w[:, l * D:(l + 1) * D]
        r = r + lax.dot_general(x, wl, (((1,), (1,)), ((), ())),
                                preferred_element_type=jnp.float32)
    o_ref[...] = r


def _project(parts_sc, parts_tc, W, b2):
    return pl.pallas_call(
        _proj_body,
        out_shape=jax.ShapeDtypeStruct((B, D), jnp.float32),
    )(parts_sc, parts_tc, W, b2)


@jax.jit
def kernel(hs, batches, W, b):
    hs2 = hs.reshape(ROWS, D)
    bat1 = batches.reshape(ROWS).astype(jnp.int32)
    bat3 = bat1.reshape(ROWS // TC_BLK, 1, TC_BLK)
    parts_sc = _sc_segsum(hs2, bat1)
    parts_tc = _tc_segsum(bat3, hs2)
    return _project(parts_sc, parts_tc, W, b.reshape(1, D))

# --- scband reference (transcript-rebuilt; emitter-appended) ---
"""Pipeline reference for scband-last-readout-layer-38568806318311 (READ-ONLY COPY).

The authoritative reference and input builder live on the scoring server;
editing this copy changes nothing except your own understanding.
"""

import jax, jax.numpy as jnp
import numpy as np

L = 4        # pool_num_layer + 1
N = 100000   # nodes
D = 128      # emb_dim
B = 512      # number of graphs (batch_size / dim_size)


def setup_inputs(seed: int = 0) -> dict:
    key = jax.random.key(seed)
    k1, k2, k3, k4 = jax.random.split(key, 4)
    hs = jax.random.normal(k1, (L, N, D), dtype=jnp.float32)
    batches = jnp.sort(jax.random.randint(k2, (L, N), 0, B), axis=-1)
    # projection_layer: torch.nn.Linear((pool_num_layer+1)*emb_dim, emb_dim)
    W = jax.random.normal(k3, (D, L * D), dtype=jnp.float32) * (1.0 / np.sqrt(L * D))
    b = jax.random.normal(k4, (D,), dtype=jnp.float32) * 0.01
    return {"hs": hs, "batches": batches, "W": W, "b": b}


def reference(hs, batches, W, b):
    # final_readout = 'concate_add_pool':
    # g = global_add_pool(hs[0], batches[0]); then for each later layer,
    # concat scatter(hs[l], batches[l], dim=0, dim_size=batch_size, reduce='sum');
    # finally apply the linear projection.
    parts = [jax.ops.segment_sum(hs[l], batches[l], num_segments=B) for l in range(L)]
    g = jnp.concatenate(parts, axis=1)  # [B, L*D]
    g = g @ W.T + b                     # [B, D]
    return g

if __name__ == "__main__":
    import jax
    _d = setup_inputs()
    print(jax.jit(kernel)(*tuple(_d.values())))

</pallas_src>

<mosaic_0001>
#map = affine_map<(d0, d1) -> (0, 0)>
#map1 = affine_map<(d0, d1) -> (0)>
module attributes {stable_mosaic.version = 14 : i64} {
  func.func @_sc_body(%arg0: i32, %arg1: i32, %arg2: memref<400000x128xf32, #tpu.memory_space<hbm>>, %arg3: memref<400000xi32, #tpu.memory_space<hbm>>, %arg4: memref<2048x128xf32, #tpu.memory_space<hbm>>, %arg5: memref<5x128xi32, #tpu.memory_space<vmem>>, %arg6: memref<5x128x128xf32, #tpu.memory_space<vmem>>, %arg7: memref<32x128xf32, #tpu.memory_space<vmem>>, %arg8: memref<1024x128xf32, #tpu.memory_space<vmem_shared>>, %arg9: memref<!tpu.dma_semaphore, #tpu.memory_space<semaphore_mem>>, %arg10: memref<!tpu.dma_semaphore, #tpu.memory_space<semaphore_mem>>, %arg11: memref<!tpu.dma_semaphore, #tpu.memory_space<semaphore_mem>>, %arg12: memref<!tpu.dma_semaphore, #tpu.memory_space<semaphore_mem>>, %arg13: memref<!tpu.dma_semaphore, #tpu.memory_space<semaphore_mem>>, %arg14: memref<!tpu.dma_semaphore, #tpu.memory_space<semaphore_mem>>, %arg15: memref<!tpu.dma_semaphore, #tpu.memory_space<semaphore_mem>>, %arg16: memref<!tpu.dma_semaphore, #tpu.memory_space<semaphore_mem>>, %arg17: memref<!tpu.dma_semaphore, #tpu.memory_space<semaphore_mem>>, %arg18: memref<!tpu.dma_semaphore, #tpu.memory_space<semaphore_mem>>) attributes {dimension_semantics = [#tpu.dimension_semantics<core_parallel>, #tpu.dimension_semantics<subcore_parallel>], iteration_bounds = array<i64: 2, 16>, scalar_prefetch = 0 : i64, scratch_operands = 14 : i64, tpu.core_type = #tpu.core_type<sc_vector_subcore>, window_params = [{transform_indices = #map}, {transform_indices = #map1}, {transform_indices = #map}]} {
    %jit3A = arith.constant 8 : i32
    %div3A = arith.divsi %arg1, %jit3A : i32
    %sign3A = arith.constant 0 : i32
    %sign3A_0 = arith.cmpi sgt, %arg1, %sign3A : i32
    %sign3A_1 = arith.extui %sign3A_0 : i1 to i32
    %sign3A_2 = arith.constant 0 : i32
    %sign3A_3 = arith.cmpi slt, %arg1, %sign3A_2 : i32
    %sign3A_4 = arith.extui %sign3A_3 : i1 to i32
    %sign3A_5 = arith.subi %sign3A_1, %sign3A_4 : i32
    %sign3A_6 = arith.constant 0 : i32
    %sign3A_7 = arith.cmpi sgt, %jit3A, %sign3A_6 : i32
    %sign3A_8 = arith.extui %sign3A_7 : i1 to i32
    %sign3A_9 = arith.constant 0 : i32
    %sign3A_10 = arith.cmpi slt, %jit3A, %sign3A_9 : i32
    %sign3A_11 = arith.extui %sign3A_10 : i1 to i32
    %sign3A_12 = arith.subi %sign3A_8, %sign3A_11 : i32
    %ne3A = arith.cmpi ne, %sign3A_5, %sign3A_12 : i32
    %rem3A = arith.remsi %arg1, %jit3A : i32
    %ne3A_13 = arith.constant 0 : i32
    %ne3A_14 = arith.cmpi ne, %rem3A, %ne3A_13 : i32
    %and3A = arith.andi %ne3A, %ne3A_14 : i1
    %sub3A = arith.constant 1 : i32
    %sub3A_15 = arith.subi %div3A, %sub3A : i32
    %select_n3A = arith.select %and3A, %sub3A_15, %div3A : i32
    %jit3A_16 = arith.constant 8 : i32
    %eq3A = arith.constant 0 : i32
    %eq3A_17 = arith.cmpi eq, %jit3A_16, %eq3A : i32
    %jit3A_18 = arith.constant 1 : i32
    %select_n3A_19 = arith.select %eq3A_17, %jit3A_18, %jit3A_16 : i32
    %rem3A_20 = arith.remsi %arg1, %select_n3A_19 : i32
    %ne3A_21 = arith.constant 0 : i32
    %ne3A_22 = arith.cmpi ne, %rem3A_20, %ne3A_21 : i32
    %lt3A = arith.constant 0 : i32
    %lt3A_23 = arith.cmpi slt, %rem3A_20, %lt3A : i32
    %lt3A_24 = arith.constant 0 : i32
    %lt3A_25 = arith.cmpi slt, %select_n3A_19, %lt3A_24 : i32
    %ne3A_26 = arith.xori %lt3A_23, %lt3A_25 : i1
    %and3A_27 = arith.andi %ne3A_26, %ne3A_22 : i1
    %add3A = arith.addi %rem3A_20, %select_n3A_19 : i32
    %select_n3A_28 = arith.select %and3A_27, %add3A, %rem3A_20 : i32
    %mul3A = arith.constant 2 : i32
    %mul3A_29 = arith.muli %mul3A, %arg0 : i32
    %add3A_30 = arith.addi %mul3A_29, %select_n3A : i32
    %mul3A_31 = arith.constant 100000 : i32
    %mul3A_32 = arith.muli %add3A_30, %mul3A_31 : i32
    %mul3A_33 = arith.constant 8320 : i32
    %mul3A_34 = arith.muli %select_n3A_28, %mul3A_33 : i32
    %add3A_35 = arith.addi %mul3A_32, %mul3A_34 : i32
    %add3A_36 = arith.constant 0 : i32
    %add3A_37 = arith.addi %add3A_35, %add3A_36 : i32
    %dma_start3A = arith.constant 0 : i32
    %dma_start3A_38 = arith.constant 0 : i32
    %dma_start3A_39 = tpu.memref_slice %arg5[%dma_start3A, %dma_start3A_38] : memref<5x128xi32, #tpu.memory_space<vmem>> -> memref<1x128xi32, #tpu.memory_space<vmem>>
    %dma_start3A_40 = tpu.memref_squeeze %dma_start3A_39 : memref<1x128xi32, #tpu.memory_space<vmem>> -> memref<128xi32, #tpu.memory_space<vmem>>
    %dma_start3A_41 = tpu.memref_slice %arg3[%add3A_37] : memref<400000xi32, #tpu.memory_space<hbm>> -> memref<128xi32, #tpu.memory_space<hbm>>
    %dma_start3A_42 = arith.constant 0 : i32
    %dma_start3A_43 = tpu.memref_slice %arg5[%dma_start3A, %dma_start3A_42] : memref<5x128xi32, #tpu.memory_space<vmem>> -> memref<1x128xi32, #tpu.memory_space<vmem>>
    %dma_start3A_44 = tpu.memref_squeeze %dma_start3A_43 : memref<1x128xi32, #tpu.memory_space<vmem>> -> memref<128xi32, #tpu.memory_space<vmem>>
    %dma_start3A_45 = tpu.memref_slice %arg3[%add3A_37] : memref<400000xi32, #tpu.memory_space<hbm>> -> memref<128xi32, #tpu.memory_space<hbm>>
    tpu.enqueue_dma source(%dma_start3A_45 : memref<128xi32, #tpu.memory_space<hbm>>) target(%dma_start3A_44 : memref<128xi32, #tpu.memory_space<vmem>>) target_semaphore(%arg9 : memref<!tpu.dma_semaphore, #tpu.memory_space<semaphore_mem>>)
    %dma_start3A_46 = arith.constant 0 : i32
    %dma_start3A_47 = arith.constant 0 : i32
    %dma_start3A_48 = arith.constant 0 : i32
    %dma_start3A_49 = tpu.memref_slice %arg6[%dma_start3A_46, %dma_start3A_47, %dma_start3A_48] : memref<5x128x128xf32, #tpu.memory_space<vmem>> -> memref<1x128x128xf32, #tpu.memory_space<vmem>>
    %dma_start3A_50 = tpu.memref_squeeze %dma_start3A_49 : memref<1x128x128xf32, #tpu.memory_space<vmem>> -> memref<128x128xf32, #tpu.memory_space<vmem>>
    %dma_start3A_51 = arith.constant 0 : i32
    %dma_start3A_52 = tpu.memref_slice %arg2[%add3A_37, %dma_start3A_51] : memref<400000x128xf32, #tpu.memory_space<hbm>> -> memref<128x128xf32, #tpu.memory_space<hbm>>
    %dma_start3A_53 = arith.constant 0 : i32
    %dma_start3A_54 = arith.constant 0 : i32
    %dma_start3A_55 = tpu.memref_slice %arg6[%dma_start3A_46, %dma_start3A_53, %dma_start3A_54] : memref<5x128x128xf32, #tpu.memory_space<vmem>> -> memref<1x128x128xf32, #tpu.memory_space<vmem>>
    %dma_start3A_56 = tpu.memref_squeeze %dma_start3A_55 : memref<1x128x128xf32, #tpu.memory_space<vmem>> -> memref<128x128xf32, #tpu.memory_space<vmem>>
    %dma_start3A_57 = arith.constant 0 : i32
    %dma_start3A_58 = tpu.memref_slice %arg2[%add3A_37, %dma_start3A_57] : memref<400000x128xf32, #tpu.memory_space<hbm>> -> memref<128x128xf32, #tpu.memory_space<hbm>>
    tpu.enqueue_dma source(%dma_start3A_58 : memref<128x128xf32, #tpu.memory_space<hbm>>) target(%dma_start3A_56 : memref<128x128xf32, #tpu.memory_space<vmem>>) target_semaphore(%arg9 : memref<!tpu.dma_semaphore, #tpu.memory_space<semaphore_mem>>)
    %add3A_59 = arith.constant 128 : i32
    %add3A_60 = arith.addi %add3A_35, %add3A_59 : i32
    %dma_start3A_61 = arith.constant 1 : i32
    %dma_start3A_62 = arith.constant 0 : i32
    %dma_start3A_63 = tpu.memref_slice %arg5[%dma_start3A_61, %dma_start3A_62] : memref<5x128xi32, #tpu.memory_space<vmem>> -> memref<1x128xi32, #tpu.memory_space<vmem>>
    %dma_start3A_64 = tpu.memref_squeeze %dma_start3A_63 : memref<1x128xi32, #tpu.memory_space<vmem>> -> memref<128xi32, #tpu.memory_space<vmem>>
    %dma_start3A_65 = tpu.memref_slice %arg3[%add3A_60] : memref<400000xi32, #tpu.memory_space<hbm>> -> memref<128xi32, #tpu.memory_space<hbm>>
    %dma_start3A_66 = arith.constant 0 : i32
    %dma_start3A_67 = tpu.memref_slice %arg5[%dma_start3A_61, %dma_start3A_66] : memref<5x128xi32, #tpu.memory_space<vmem>> -> memref<1x128xi32, #tpu.memory_space<vmem>>
    %dma_start3A_68 = tpu.memref_squeeze %dma_start3A_67 : memref<1x128xi32, #tpu.memory_space<vmem>> -> memref<128xi32, #tpu.memory_space<vmem>>
    %dma_start3A_69 = tpu.memref_slice %arg3[%add3A_60] : memref<400000xi32, #tpu.memory_space<hbm>> -> memref<128xi32, #tpu.memory_space<hbm>>
    tpu.enqueue_dma source(%dma_start3A_69 : memref<128xi32, #tpu.memory_space<hbm>>) target(%dma_start3A_68 : memref<128xi32, #tpu.memory_space<vmem>>) target_semaphore(%arg10 : memref<!tpu.dma_semaphore, #tpu.memory_space<semaphore_mem>>)
    %dma_start3A_70 = arith.constant 1 : i32
    %dma_start3A_71 = arith.constant 0 : i32
    %dma_start3A_72 = arith.constant 0 : i32
    %dma_start3A_73 = tpu.memref_slice %arg6[%dma_start3A_70, %dma_start3A_71, %dma_start3A_72] : memref<5x128x128xf32, #tpu.memory_space<vmem>> -> memref<1x128x128xf32, #tpu.memory_space<vmem>>
    %dma_start3A_74 = tpu.memref_squeeze %dma_start3A_73 : memref<1x128x128xf32, #tpu.memory_space<vmem>> -> memref<128x128xf32, #tpu.memory_space<vmem>>
    %dma_start3A_75 = arith.constant 0 : i32
    %dma_start3A_76 = tpu.memref_slice %arg2[%add3A_60, %dma_start3A_75] : memref<400000x128xf32, #tpu.memory_space<hbm>> -> memref<128x128xf32, #tpu.memory_space<hbm>>
    %dma_start3A_77 = arith.constant 0 : i32
    %dma_start3A_78 = arith.constant 0 : i32
    %dma_start3A_79 = tpu.memref_slice %arg6[%dma_start3A_70, %dma_start3A_77, %dma_start3A_78] : memref<5x128x128xf32, #tpu.memory_space<vmem>> -> memref<1x128x128xf32, #tpu.memory_space<vmem>>
    %dma_start3A_80 = tpu.memref_squeeze %dma_start3A_79 : memref<1x128x128xf32, #tpu.memory_space<vmem>> -> memref<128x128xf32, #tpu.memory_space<vmem>>
    %dma_start3A_81 = arith.constant 0 : i32
    %dma_start3A_82 = tpu.memref_slice %arg2[%add3A_60, %dma_start3A_81] : memref<400000x128xf32, #tpu.memory_space<hbm>> -> memref<128x128xf32, #tpu.memory_space<hbm>>
    tpu.enqueue_dma source(%dma_start3A_82 : memref<128x128xf32, #tpu.memory_space<hbm>>) target(%dma_start3A_80 : memref<128x128xf32, #tpu.memory_space<vmem>>) target_semaphore(%arg10 : memref<!tpu.dma_semaphore, #tpu.memory_space<semaphore_mem>>)
    %add3A_83 = arith.constant 256 : i32
    %add3A_84 = arith.addi %add3A_35, %add3A_83 : i32
    %dma_start3A_85 = arith.constant 2 : i32
    %dma_start3A_86 = arith.constant 0 : i32
    %dma_start3A_87 = tpu.memref_slice %arg5[%dma_start3A_85, %dma_start3A_86] : memref<5x128xi32, #tpu.memory_space<vmem>> -> memref<1x128xi32, #tpu.memory_space<vmem>>
    %dma_start3A_88 = tpu.memref_squeeze %dma_start3A_87 : memref<1x128xi32, #tpu.memory_space<vmem>> -> memref<128xi32, #tpu.memory_space<vmem>>
    %dma_start3A_89 = tpu.memref_slice %arg3[%add3A_84] : memref<400000xi32, #tpu.memory_space<hbm>> -> memref<128xi32, #tpu.memory_space<hbm>>
    %dma_start3A_90 = arith.constant 0 : i32
    %dma_start3A_91 = tpu.memref_slice %arg5[%dma_start3A_85, %dma_start3A_90] : memref<5x128xi32, #tpu.memory_space<vmem>> -> memref<1x128xi32, #tpu.memory_space<vmem>>
    %dma_start3A_92 = tpu.memref_squeeze %dma_start3A_91 : memref<1x128xi32, #tpu.memory_space<vmem>> -> memref<128xi32, #tpu.memory_space<vmem>>
    %dma_start3A_93 = tpu.memref_slice %arg3[%add3A_84] : memref<400000xi32, #tpu.memory_space<hbm>> -> memref<128xi32, #tpu.memory_space<hbm>>
    tpu.enqueue_dma source(%dma_start3A_93 : memref<128xi32, #tpu.memory_space<hbm>>) target(%dma_start3A_92 : memref<128xi32, #tpu.memory_space<vmem>>) target_semaphore(%arg11 : memref<!tpu.dma_semaphore, #tpu.memory_space<semaphore_mem>>)
    %dma_start3A_94 = arith.constant 2 : i32
    %dma_start3A_95 = arith.constant 0 : i32
    %dma_start3A_96 = arith.constant 0 : i32
    %dma_start3A_97 = tpu.memref_slice %arg6[%dma_start3A_94, %dma_start3A_95, %dma_start3A_96] : memref<5x128x128xf32, #tpu.memory_space<vmem>> -> memref<1x128x128xf32, #tpu.memory_space<vmem>>
    %dma_start3A_98 = tpu.memref_squeeze %dma_start3A_97 : memref<1x128x128xf32, #tpu.memory_space<vmem>> -> memref<128x128xf32, #tpu.memory_space<vmem>>
    %dma_start3A_99 = arith.constant 0 : i32
    %dma_start3A_100 = tpu.memref_slice %arg2[%add3A_84, %dma_start3A_99] : memref<400000x128xf32, #tpu.memory_space<hbm>> -> memref<128x128xf32, #tpu.memory_space<hbm>>
    %dma_start3A_101 = arith.constant 0 : i32
    %dma_start3A_102 = arith.constant 0 : i32
    %dma_start3A_103 = tpu.memref_slice %arg6[%dma_start3A_94, %dma_start3A_101, %dma_start3A_102] : memref<5x128x128xf32, #tpu.memory_space<vmem>> -> memref<1x128x128xf32, #tpu.memory_space<vmem>>
    %dma_start3A_104 = tpu.memref_squeeze %dma_start3A_103 : memref<1x128x128xf32, #tpu.memory_space<vmem>> -> memref<128x128xf32, #tpu.memory_space<vmem>>
    %dma_start3A_105 = arith.constant 0 : i32
    %dma_start3A_106 = tpu.memref_slice %arg2[%add3A_84, %dma_start3A_105] : memref<400000x128xf32, #tpu.memory_space<hbm>> -> memref<128x128xf32, #tpu.memory_space<hbm>>
    tpu.enqueue_dma source(%dma_start3A_106 : memref<128x128xf32, #tpu.memory_space<hbm>>) target(%dma_start3A_104 : memref<128x128xf32, #tpu.memory_space<vmem>>) target_semaphore(%arg11 : memref<!tpu.dma_semaphore, #tpu.memory_space<semaphore_mem>>)
    %add3A_107 = arith.constant 384 : i32
    %add3A_108 = arith.addi %add3A_35, %add3A_107 : i32
    %dma_start3A_109 = arith.constant 3 : i32
    %dma_start3A_110 = arith.constant 0 : i32
    %dma_start3A_111 = tpu.memref_slice %arg5[%dma_start3A_109, %dma_start3A_110] : memref<5x128xi32, #tpu.memory_space<vmem>> -> memref<1x128xi32, #tpu.memory_space<vmem>>
    %dma_start3A_112 = tpu.memref_squeeze %dma_start3A_111 : memref<1x128xi32, #tpu.memory_space<vmem>> -> memref<128xi32, #tpu.memory_space<vmem>>
    %dma_start3A_113 = tpu.memref_slice %arg3[%add3A_108] : memref<400000xi32, #tpu.memory_space<hbm>> -> memref<128xi32, #tpu.memory_space<hbm>>
    %dma_start3A_114 = arith.constant 0 : i32
    %dma_start3A_115 = tpu.memref_slice %arg5[%dma_start3A_109, %dma_start3A_114] : memref<5x128xi32, #tpu.memory_space<vmem>> -> memref<1x128xi32, #tpu.memory_space<vmem>>
    %dma_start3A_116 = tpu.memref_squeeze %dma_start3A_115 : memref<1x128xi32, #tpu.memory_space<vmem>> -> memref<128xi32, #tpu.memory_space<vmem>>
    %dma_start3A_117 = tpu.memref_slice %arg3[%add3A_108] : memref<400000xi32, #tpu.memory_space<hbm>> -> memref<128xi32, #tpu.memory_space<hbm>>
    tpu.enqueue_dma source(%dma_start3A_117 : memref<128xi32, #tpu.memory_space<hbm>>) target(%dma_start3A_116 : memref<128xi32, #tpu.memory_space<vmem>>) target_semaphore(%arg12 : memref<!tpu.dma_semaphore, #tpu.memory_space<semaphore_mem>>)
    %dma_start3A_118 = arith.constant 3 : i32
    %dma_start3A_119 = arith.constant 0 : i32
    %dma_start3A_120 = arith.constant 0 : i32
    %dma_start3A_121 = tpu.memref_slice %arg6[%dma_start3A_118, %dma_start3A_119, %dma_start3A_120] : memref<5x128x128xf32, #tpu.memory_space<vmem>> -> memref<1x128x128xf32, #tpu.memory_space<vmem>>
    %dma_start3A_122 = tpu.memref_squeeze %dma_start3A_121 : memref<1x128x128xf32, #tpu.memory_space<vmem>> -> memref<128x128xf32, #tpu.memory_space<vmem>>
    %dma_start3A_123 = arith.constant 0 : i32
    %dma_start3A_124 = tpu.memref_slice %arg2[%add3A_108, %dma_start3A_123] : memref<400000x128xf32, #tpu.memory_space<hbm>> -> memref<128x128xf32, #tpu.memory_space<hbm>>
    %dma_start3A_125 = arith.constant 0 : i32
    %dma_start3A_126 = arith.constant 0 : i32
    %dma_start3A_127 = tpu.memref_slice %arg6[%dma_start3A_118, %dma_start3A_125, %dma_start3A_126] : memref<5x128x128xf32, #tpu.memory_space<vmem>> -> memref<1x128x128xf32, #tpu.memory_space<vmem>>
    %dma_start3A_128 = tpu.memref_squeeze %dma_start3A_127 : memref<1x128x128xf32, #tpu.memory_space<vmem>> -> memref<128x128xf32, #tpu.memory_space<vmem>>
    %dma_start3A_129 = arith.constant 0 : i32
    %dma_start3A_130 = tpu.memref_slice %arg2[%add3A_108, %dma_start3A_129] : memref<400000x128xf32, #tpu.memory_space<hbm>> -> memref<128x128xf32, #tpu.memory_space<hbm>>
    tpu.enqueue_dma source(%dma_start3A_130 : memref<128x128xf32, #tpu.memory_space<hbm>>) target(%dma_start3A_128 : memref<128x128xf32, #tpu.memory_space<vmem>>) target_semaphore(%arg12 : memref<!tpu.dma_semaphore, #tpu.memory_space<semaphore_mem>>)
    %broadcast_in_dim3A = arith.constant 0.000000e+00 : f32
    %broadcast_in_dim3A_131 = vector.broadcast %broadcast_in_dim3A : f32 to vector<16xf32>
    %swap3A = arith.constant 0 : i32
    %swap3A_132 = arith.index_cast %swap3A : i32 to index
    %swap3A_133 = arith.constant 0 : index
    %swap3A_134 = tpu.vector_load %arg7[%swap3A_132, %swap3A_133] {strides = array<i32>} : memref<32x128xf32, #tpu.memory_space<vmem>>, vector<1x16xf32>,
    %swap3A_135 = vector.shape_cast %swap3A_134 : vector<1x16xf32> to vector<16xf32>
    %swap3A_136 = vector.shape_cast %broadcast_in_dim3A_131 : vector<16xf32> to vector<1x16xf32>
    tpu.vector_store %arg7[%swap3A_132, %swap3A_133], %swap3A_136 {strides = array<i32>} : memref<32x128xf32, #tpu.memory_space<vmem>>, vector<1x16xf32>,
    %swap3A_137 = arith.constant 0 : i32
    %swap3A_138 = arith.index_cast %swap3A_137 : i32 to index
    %swap3A_139 = arith.constant 16 : index
    %swap3A_140 = tpu.vector_load %arg7[%swap3A_138, %swap3A_139] {strides = array<i32>} : memref<32x128xf32, #tpu.memory_space<vmem>>, vector<1x16xf32>,
    %swap3A_141 = vector.shape_cast %swap3A_140 : vector<1x16xf32> to vector<16xf32>
    %swap3A_142 = vector.shape_cast %broadcast_in_dim3A_131 : vector<16xf32> to vector<1x16xf32>
    tpu.vector_store %arg7[%swap3A_138, %swap3A_139], %swap3A_142 {strides = array<i32>} : memref<32x128xf32, #tpu.memory_space<vmem>>, vector<1x16xf32>,
    %swap3A_143 = arith.constant 0 : i32
    %swap3A_144 = arith.index_cast %swap3A_143 : i32 to index
    %swap3A_145 = arith.constant 32 : index
    %swap3A_146 = tpu.vector_load %arg7[%swap3A_144, %swap3A_145] {strides = array<i32>} : memref<32x128xf32, #tpu.memory_space<vmem>>, vector<1x16xf32>,
    %swap3A_147 = vector.shape_cast %swap3A_146 : vector<1x16xf32> to vector<16xf32>
    %swap3A_148 = vector.shape_cast %broadcast_in_dim3A_131 : vector<16xf32> to vector<1x16xf32>
    tpu.vector_store %arg7[%swap3A_144, %swap3A_145], %swap3A_148 {strides = array<i32>} : memref<32x128xf32, #tpu.memory_space<vmem>>, vector<1x16xf32>,
    %swap3A_149 = arith.constant 0 : i32
    %swap3A_150 = arith.index_cast %swap3A_149 : i32 to index
    %swap3A_151 = arith.constant 48 : index
    %swap3A_152 = tpu.vector_load %arg7[%swap3A_150, %swap3A_151] {strides = array<i32>} : memref<32x128xf32, #tpu.memory_space<vmem>>, vector<1x16xf32>,
    %swap3A_153 = vector.shape_cast %swap3A_152 : vector<1x16xf32> to vector<16xf32>
    %swap3A_154 = vector.shape_cast %broadcast_in_dim3A_131 : vector<16xf32> to vector<1x16xf32>
    tpu.vector_store %arg7[%swap3A_150, %swap3A_151], %swap3A_154 {strides = array<i32>} : memref<32x128xf32, #tpu.memory_space<vmem>>, vector<1x16xf32>,
    %swap3A_155 = arith.constant 0 : i32
    %swap3A_156 = arith.index_cast %swap3A_155 : i32 to index
    %swap3A_157 = arith.constant 64 : index
    %swap3A_158 = tpu.vector_load %arg7[%swap3A_156, %swap3A_157] {strides = array<i32>} : memref<32x128xf32, #tpu.memory_space<vmem>>, vector<1x16xf32>,
    %swap3A_159 = vector.shape_cast %swap3A_158 : vector<1x16xf32> to vector<16xf32>
    %swap3A_160 = vector.shape_cast %broadcast_in_dim3A_131 : vector<16xf32> to vector<1x16xf32>
    tpu.vector_store %arg7[%swap3A_156, %swap3A_157], %swap3A_160 {strides = array<i32>} : memref<32x128xf32, #tpu.memory_space<vmem>>, vector<1x16xf32>,
    %swap3A_161 = arith.constant 0 : i32
    %swap3A_162 = arith.index_cast %swap3A_161 : i32 to index
    %swap3A_163 = arith.constant 80 : index
    %swap3A_164 = tpu.vector_load %arg7[%swap3A_162, %swap3A_163] {strides = array<i32>} : memref<32x128xf32, #tpu.memory_space<vmem>>, vector<1x16xf32>,
    %swap3A_165 = vector.shape_cast %swap3A_164 : vector<1x16xf32> to vector<16xf32>
    %swap3A_166 = vector.shape_cast %broadcast_in_dim3A_131 : vector<16xf32> to vector<1x16xf32>
    tpu.vector_store %arg7[%swap3A_162, %swap3A_163], %swap3A_166 {strides = array<i32>} : memref<32x128xf32, #tpu.memory_space<vmem>>, vector<1x16xf32>,
    %swap3A_167 = arith.constant 0 : i32
    %swap3A_168 = arith.index_cast %swap3A_167 : i32 to index
    %swap3A_169 = arith.constant 96 : index
    %swap3A_170 = tpu.vector_load %arg7[%swap3A_168, %swap3A_169] {strides = array<i32>} : memref<32x128xf32, #tpu.memory_space<vmem>>, vector<1x16xf32>,
    %swap3A_171 = vector.shape_cast %swap3A_170 : vector<1x16xf32> to vector<16xf32>
    %swap3A_172 = vector.shape_cast %broadcast_in_dim3A_131 : vector<16xf32> to vector<1x16xf32>
    tpu.vector_store %arg7[%swap3A_168, %swap3A_169], %swap3A_172 {strides = array<i32>} : memref<32x128xf32, #tpu.memory_space<vmem>>, vector<1x16xf32>,
    %swap3A_173 = arith.constant 0 : i32
    %swap3A_174 = arith.index_cast %swap3A_173 : i32 to index
    %swap3A_175 = arith.constant 112 : index
    %swap3A_176 = tpu.vector_load %arg7[%swap3A_174, %swap3A_175] {strides = array<i32>} : memref<32x128xf32, #tpu.memory_space<vmem>>, vector<1x16xf32>,
    %swap3A_177 = vector.shape_cast %swap3A_176 : vector<1x16xf32> to vector<16xf32>
    %swap3A_178 = vector.shape_cast %broadcast_in_dim3A_131 : vector<16xf32> to vector<1x16xf32>
    tpu.vector_store %arg7[%swap3A_174, %swap3A_175], %swap3A_178 {strides = array<i32>} : memref<32x128xf32, #tpu.memory_space<vmem>>, vector<1x16xf32>,
    %swap3A_179 = arith.constant 1 : i32
    %swap3A_180 = arith.index_cast %swap3A_179 : i32 to index
    %swap3A_181 = arith.constant 0 : index
    %swap3A_182 = tpu.vector_load %arg7[%swap3A_180, %swap3A_181] {strides = array<i32>} : memref<32x128xf32, #tpu.memory_space<vmem>>, vector<1x16xf32>,
    %swap3A_183 = vector.shape_cast %swap3A_182 : vector<1x16xf32> to vector<16xf32>
    %swap3A_184 = vector.shape_cast %broadcast_in_dim3A_131 : vector<16xf32> to vector<1x16xf32>
    tpu.vector_store %arg7[%swap3A_180, %swap3A_181], %swap3A_184 {strides = array<i32>} : memref<32x128xf32, #tpu.memory_space<vmem>>, vector<1x16xf32>,
    %swap3A_185 = arith.constant 1 : i32
    %swap3A_186 = arith.index_cast %swap3A_185 : i32 to index
    %swap3A_187 = arith.constant 16 : index
    %swap3A_188 = tpu.vector_load %arg7[%swap3A_186, %swap3A_187] {strides = array<i32>} : memref<32x128xf32, #tpu.memory_space<vmem>>, vector<1x16xf32>,
    %swap3A_189 = vector.shape_cast %swap3A_188 : vector<1x16xf32> to vector<16xf32>
    %swap3A_190 = vector.shape_cast %broadcast_in_dim3A_131 : vector<16xf32> to vector<1x16xf32>
    tpu.vector_store %arg7[%swap3A_186, %swap3A_187], %swap3A_190 {strides = array<i32>} : memref<32x128xf32, #tpu.memory_space<vmem>>, vector<1x16xf32>,
    %swap3A_191 = arith.constant 1 : i32
    %swap3A_192 = arith.index_cast %swap3A_191 : i32 to index
    %swap3A_193 = arith.constant 32 : index
    %swap3A_194 = tpu.vector_load %arg7[%swap3A_192, %swap3A_193] {strides = array<i32>} : memref<32x128xf32, #tpu.memory_space<vmem>>, vector<1x16xf32>,
    %swap3A_195 = vector.shape_cast %swap3A_194 : vector<1x16xf32> to vector<16xf32>
    %swap3A_196 = vector.shape_cast %broadcast_in_dim3A_131 : vector<16xf32> to vector<1x16xf32>
    tpu.vector_store %arg7[%swap3A_192, %swap3A_193], %swap3A_196 {strides = array<i32>} : memref<32x128xf32, #tpu.memory_space<vmem>>, vector<1x16xf32>,
    %swap3A_197 = arith.constant 1 : i32
    %swap3A_198 = arith.index_cast %swap3A_197 : i32 to index
    %swap3A_199 = arith.constant 48 : index
    %swap3A_200 = tpu.vector_load %arg7[%swap3A_198, %swap3A_199] {strides = array<i32>} : memref<32x128xf32, #tpu.memory_space<vmem>>, vector<1x16xf32>,
    %swap3A_201 = vector.shape_cast %swap3A_200 : vector<1x16xf32> to vector<16xf32>
    %swap3A_202 = vector.shape_cast %broadcast_in_dim3A_131 : vector<16xf32> to vector<1x16xf32>
    tpu.vector_store %arg7[%swap3A_198, %swap3A_199], %swap3A_202 {strides = array<i32>} : memref<32x128xf32, #tpu.memory_space<vmem>>, vector<1x16xf32>,
    %swap3A_203 = arith.constant 1 : i32
    %swap3A_204 = arith.index_cast %swap3A_203 : i32 to index
    %swap3A_205 = arith.constant 64 : index
    %swap3A_206 = tpu.vector_load %arg7[%swap3A_204, %swap3A_205] {strides = array<i32>} : memref<32x128xf32, #tpu.memory_space<vmem>>, vector<1x16xf32>,
    %swap3A_207 = vector.shape_cast %swap3A_206 : vector<1x16xf32> to vector<16xf32>
    %swap3A_208 = vector.shape_cast %broadcast_in_dim3A_131 : vector<16xf32> to vector<1x16xf32>
    tpu.vector_store %arg7[%swap3A_204, %swap3A_205], %swap3A_208 {strides = array<i32>} : memref<32x128xf32, #tpu.memory_space<vmem>>, vector<1x16xf32>,
    %swap3A_209 = arith.constant 1 : i32
    %swap3A_210 = arith.index_cast %swap3A_209 : i32 to index
    %swap3A_211 = arith.constant 80 : index
    %swap3A_212 = tpu.vector_load %arg7[%swap3A_210, %swap3A_211] {strides = array<i32>} : memref<32x128xf32, #tpu.memory_space<vmem>>, vector<1x16xf32>,
    %swap3A_213 = vector.shape_cast %swap3A_212 : vector<1x16xf32> to vector<16xf32>
    %swap3A_214 = vector.shape_cast %broadcast_in_dim3A_131 : vector<16xf32> to vector<1x16xf32>
    tpu.vector_store %arg7[%swap3A_210, %swap3A_211], %swap3A_214 {strides = array<i32>} : memref<32x128xf32, #tpu.memory_space<vmem>>, vector<1x16xf32>,
    %swap3A_215 = arith.constant 1 : i32
    %swap3A_216 = arith.index_cast %swap3A_215 : i32 to index
    %swap3A_217 = arith.constant 96 : index
    %swap3A_218 = tpu.vector_load %arg7[%swap3A_216, %swap3A_217] {strides = array<i32>} : memref<32x128xf32, #tpu.memory_space<vmem>>, vector<1x16xf32>,
    %swap3A_219 = vector.shape_cast %swap3A_218 : vector<1x16xf32> to vector<16xf32>
    %swap3A_220 = vector.shape_cast %broadcast_in_dim3A_131 : vector<16xf32> to vector<1x16xf32>
    tpu.vector_store %arg7[%swap3A_216, %swap3A_217], %swap3A_220 {strides = array<i32>} : memref<32x128xf32, #tpu.memory_space<vmem>>, vector<1x16xf32>,
    %swap3A_221 = arith.constant 1 : i32
    %swap3A_222 = arith.index_cast %swap3A_221 : i32 to index
    %swap3A_223 = arith.constant 112 : index
    %swap3A_224 = tpu.vector_load %arg7[%swap3A_222, %swap3A_223] {strides = array<i32>} : memref<32x128xf32, #tpu.memory_space<vmem>>, vector<1x16xf32>,
    %swap3A_225 = vector.shape_cast %swap3A_224 : vector<1x16xf32> to vector<16xf32>
    %swap3A_226 = vector.shape_cast %broadcast_in_dim3A_131 : vector<16xf32> to vector<1x16xf32>
    tpu.vector_store %arg7[%swap3A_222, %swap3A_223], %swap3A_226 {strides = array<i32>} : memref<32x128xf32, #tpu.memory_space<vmem>>, vector<1x16xf32>,
    %swap3A_227 = arith.constant 2 : i32
    %swap3A_228 = arith.index_cast %swap3A_227 : i32 to index
    %swap3A_229 = arith.constant 0 : index
    %swap3A_230 = tpu.vector_load %arg7[%swap3A_228, %swap3A_229] {strides = array<i32>} : memref<32x128xf32, #tpu.memory_space<vmem>>, vector<1x16xf32>,
    %swap3A_231 = vector.shape_cast %swap3A_230 : vector<1x16xf32> to vector<16xf32>
    %swap3A_232 = vector.shape_cast %broadcast_in_dim3A_131 : vector<16xf32> to vector<1x16xf32>
    tpu.vector_store %arg7[%swap3A_228, %swap3A_229], %swap3A_232 {strides = array<i32>} : memref<32x128xf32, #tpu.memory_space<vmem>>, vector<1x16xf32>,
    %swap3A_233 = arith.constant 2 : i32
    %swap3A_234 = arith.index_cast %swap3A_233 : i32 to index
    %swap3A_235 = arith.constant 16 : index
    %swap3A_236 = tpu.vector_load %arg7[%swap3A_234, %swap3A_235] {strides = array<i32>} : memref<32x128xf32, #tpu.memory_space<vmem>>, vector<1x16xf32>,
    %swap3A_237 = vector.shape_cast %swap3A_236 : vector<1x16xf32> to vector<16xf32>
    %swap3A_238 = vector.shape_cast %broadcast_in_dim3A_131 : vector<16xf32> to vector<1x16xf32>
    tpu.vector_store %arg7[%swap3A_234, %swap3A_235], %swap3A_238 {strides = array<i32>} : memref<32x128xf32, #tpu.memory_space<vmem>>, vector<1x16xf32>,
    %swap3A_239 = arith.constant 2 : i32
    %swap3A_240 = arith.index_cast %swap3A_239 : i32 to index
    %swap3A_241 = arith.constant 32 : index
    %swap3A_242 = tpu.vector_load %arg7[%swap3A_240, %swap3A_241] {strides = array<i32>} : memref<32x128xf32, #tpu.memory_space<vmem>>, vector<1x16xf32>,
    %swap3A_243 = vector.shape_cast %swap3A_242 : vector<1x16xf32> to vector<16xf32>
    %swap3A_244 = vector.shape_cast %broadcast_in_dim3A_131 : vector<16xf32> to vector<1x16xf32>
    tpu.vector_store %arg7[%swap3A_240, %swap3A_241], %swap3A_244 {strides = array<i32>} : memref<32x128xf32, #tpu.memory_space<vmem>>, vector<1x16xf32>,
    %swap3A_245 = arith.constant 2 : i32
    %swap3A_246 = arith.index_cast %swap3A_245 : i32 to index
    %swap3A_247 = arith.constant 48 : index
    %swap3A_248 = tpu.vector_load %arg7[%swap3A_246, %swap3A_247] {strides = array<i32>} : memref<32x128xf32, #tpu.memory_space<vmem>>, vector<1x16xf32>,
    %swap3A_249 = vector.shape_cast %swap3A_248 : vector<1x16xf32> to vector<16xf32>
    %swap3A_250 = vector.shape_cast %broadcast_in_dim3A_131 : vector<16xf32> to vector<1x16xf32>
    tpu.vector_store %arg7[%swap3A_246, %swap3A_247], %swap3A_250 {strides = array<i32>} : memref<32x128xf32, #tpu.memory_space<vmem>>, vector<1x16xf32>,
    %swap3A_251 = arith.constant 2 : i32
    %swap3A_252 = arith.index_cast %swap3A_251 : i32 to index
    %swap3A_253 = arith.constant 64 : index
    %swap3A_254 = tpu.vector_load %arg7[%swap3A_252, %swap3A_253] {strides = array<i32>} : memref<32x128xf32, #tpu.memory_space<vmem>>, vector<1x16xf32>,
    %swap3A_255 = vector.shape_cast %swap3A_254 : vector<1x16xf32> to vector<16xf32>
    %swap3A_256 = vector.shape_cast %broadcast_in_dim3A_131 : vector<16xf32> to vector<1x16xf32>
    tpu.vector_store %arg7[%swap3A_252, %swap3A_253], %swap3A_256 {strides = array<i32>} : memref<32x128xf32, #tpu.memory_space<vmem>>, vector<1x16xf32>,
    %swap3A_257 = arith.constant 2 : i32
    %swap3A_258 = arith.index_cast %swap3A_257 : i32 to index
    %swap3A_259 = arith.constant 80 : index
    %swap3A_260 = tpu.vector_load %arg7[%swap3A_258, %swap3A_259] {strides = array<i32>} : memref<32x128xf32, #tpu.memory_space<vmem>>, vector<1x16xf32>,
    %swap3A_261 = vector.shape_cast %swap3A_260 : vector<1x16xf32> to vector<16xf32>
    %swap3A_262 = vector.shape_cast %broadcast_in_dim3A_131 : vector<16xf32> to vector<1x16xf32>
    tpu.vector_store %arg7[%swap3A_258, %swap3A_259], %swap3A_262 {strides = array<i32>} : memref<32x128xf32, #tpu.memory_space<vmem>>, vector<1x16xf32>,
    %swap3A_263 = arith.constant 2 : i32
    %swap3A_264 = arith.index_cast %swap3A_263 : i32 to index
    %swap3A_265 = arith.constant 96 : index
    %swap3A_266 = tpu.vector_load %arg7[%swap3A_264, %swap3A_265] {strides = array<i32>} : memref<32x128xf32, #tpu.memory_space<vmem>>, vector<1x16xf32>,
    %swap3A_267 = vector.shape_cast %swap3A_266 : vector<1x16xf32> to vector<16xf32>
    %swap3A_268 = vector.shape_cast %broadcast_in_dim3A_131 : vector<16xf32> to vector<1x16xf32>
    tpu.vector_store %arg7[%swap3A_264, %swap3A_265], %swap3A_268 {strides = array<i32>} : memref<32x128xf32, #tpu.memory_space<vmem>>, vector<1x16xf32>,
    %swap3A_269 = arith.constant 2 : i32
    %swap3A_270 = arith.index_cast %swap3A_269 : i32 to index
    %swap3A_271 = arith.constant 112 : index
    %swap3A_272 = tpu.vector_load %arg7[%swap3A_270, %swap3A_271] {strides = array<i32>} : memref<32x128xf32, #tpu.memory_space<vmem>>, vector<1x16xf32>,
    %swap3A_273 = vector.shape_cast %swap3A_272 : vector<1x16xf32> to vector<16xf32>
    %swap3A_274 = vector.shape_cast %broadcast_in_dim3A_131 : vector<16xf32> to vector<1x16xf32>
    tpu.vector_store %arg7[%swap3A_270, %swap3A_271], %swap3A_274 {strides = array<i32>} : memref<32x128xf32, #tpu.memory_space<vmem>>, vector<1x16xf32>,
    %swap3A_275 = arith.constant 3 : i32
    %swap3A_276 = arith.index_cast %swap3A_275 : i32 to index
    %swap3A_277 = arith.constant 0 : index
    %swap3A_278 = tpu.vector_load %arg7[%swap3A_276, %swap3A_277] {strides = array<i32>} : memref<32x128xf32, #tpu.memory_space<vmem>>, vector<1x16xf32>,
    %swap3A_279 = vector.shape_cast %swap3A_278 : vector<1x16xf32> to vector<16xf32>
    %swap3A_280 = vector.shape_cast %broadcast_in_dim3A_131 : vector<16xf32> to vector<1x16xf32>
    tpu.vector_store %arg7[%swap3A_276, %swap3A_277], %swap3A_280 {strides = array<i32>} : memref<32x128xf32, #tpu.memory_space<vmem>>, vector<1x16xf32>,
    %swap3A_281 = arith.constant 3 : i32
    %swap3A_282 = arith.index_cast %swap3A_281 : i32 to index
    %swap3A_283 = arith.constant 16 : index
    %swap3A_284 = tpu.vector_load %arg7[%swap3A_282, %swap3A_283] {strides = array<i32>} : memref<32x128xf32, #tpu.memory_space<vmem>>, vector<1x16xf32>,
    %swap3A_285 = vector.shape_cast %swap3A_284 : vector<1x16xf32> to vector<16xf32>
    %swap3A_286 = vector.shape_cast %broadcast_in_dim3A_131 : vector<16xf32> to vector<1x16xf32>
    tpu.vector_store %arg7[%swap3A_282, %swap3A_283], %swap3A_286 {strides = array<i32>} : memref<32x128xf32, #tpu.memory_space<vmem>>, vector<1x16xf32>,
    %swap3A_287 = arith.constant 3 : i32
    %swap3A_288 = arith.index_cast %swap3A_287 : i32 to index
    %swap3A_289 = arith.constant 32 : index
    %swap3A_290 = tpu.vector_load %arg7[%swap3A_288, %swap3A_289] {strides = array<i32>} : memref<32x128xf32, #tpu.memory_space<vmem>>, vector<1x16xf32>,
    %swap3A_291 = vector.shape_cast %swap3A_290 : vector<1x16xf32> to vector<16xf32>
    %swap3A_292 = vector.shape_cast %broadcast_in_dim3A_131 : vector<16xf32> to vector<1x16xf32>
    tpu.vector_store %arg7[%swap3A_288, %swap3A_289], %swap3A_292 {strides = array<i32>} : memref<32x128xf32, #tpu.memory_space<vmem>>, vector<1x16xf32>,
    %swap3A_293 = arith.constant 3 : i32
    %swap3A_294 = arith.index_cast %swap3A_293 : i32 to index
    %swap3A_295 = arith.constant 48 : index
    %swap3A_296 = tpu.vector_load %arg7[%swap3A_294, %swap3A_295] {strides = array<i32>} : memref<32x128xf32, #tpu.memory_space<vmem>>, vector<1x16xf32>,
    %swap3A_297 = vector.shape_cast %swap3A_296 : vector<1x16xf32> to vector<16xf32>
    %swap3A_298 = vector.shape_cast %broadcast_in_dim3A_131 : vector<16xf32> to vector<1x16xf32>
    tpu.vector_store %arg7[%swap3A_294, %swap3A_295], %swap3A_298 {strides = array<i32>} : memref<32x128xf32, #tpu.memory_space<vmem>>, vector<1x16xf32>,
    %swap3A_299 = arith.constant 3 : i32
    %swap3A_300 = arith.index_cast %swap3A_299 : i32 to index
    %swap3A_301 = arith.constant 64 : index
    %swap3A_302 = tpu.vector_load %arg7[%swap3A_300, %swap3A_301] {strides = array<i32>} : memref<32x128xf32, #tpu.memory_space<vmem>>, vector<1x16xf32>,
    %swap3A_303 = vector.shape_cast %swap3A_302 : vector<1x16xf32> to vector<16xf32>
    %swap3A_304 = vector.shape_cast %broadcast_in_dim3A_131 : vector<16xf32> to vector<1x16xf32>
    tpu.vector_store %arg7[%swap3A_300, %swap3A_301], %swap3A_304 {strides = array<i32>} : memref<32x128xf32, #tpu.memory_space<vmem>>, vector<1x16xf32>,
    %swap3A_305 = arith.constant 3 : i32
    %swap3A_306 = arith.index_cast %swap3A_305 : i32 to index
    %swap3A_307 = arith.constant 80 : index
    %swap3A_308 = tpu.vector_load %arg7[%swap3A_306, %swap3A_307] {strides = array<i32>} : memref<32x128xf32, #tpu.memory_space<vmem>>, vector<1x16xf32>,
    %swap3A_309 = vector.shape_cast %swap3A_308 : vector<1x16xf32> to vector<16xf32>
    %swap3A_310 = vector.shape_cast %broadcast_in_dim3A_131 : vector<16xf32> to vector<1x16xf32>
    tpu.vector_store %arg7[%swap3A_306, %swap3A_307], %swap3A_310 {strides = array<i32>} : memref<32x128xf32, #tpu.memory_space<vmem>>, vector<1x16xf32>,
    %swap3A_311 = arith.constant 3 : i32
    %swap3A_312 = arith.index_cast %swap3A_311 : i32 to index
    %swap3A_313 = arith.constant 96 : index
    %swap3A_314 = tpu.vector_load %arg7[%swap3A_312, %swap3A_313] {strides = array<i32>} : memref<32x128xf32, #tpu.memory_space<vmem>>, vector<1x16xf32>,
    %swap3A_315 = vector.shape_cast %swap3A_314 : vector<1x16xf32> to vector<16xf32>
    %swap3A_316 = vector.shape_cast %broadcast_in_dim3A_131 : vector<16xf32> to vector<1x16xf32>
    tpu.vector_store %arg7[%swap3A_312, %swap3A_313], %swap3A_316 {strides = array<i32>} : memref<32x128xf32, #tpu.memory_space<vmem>>, vector<1x16xf32>,
    %swap3A_317 = arith.constant 3 : i32
    %swap3A_318 = arith.index_cast %swap3A_317 : i32 to index
    %swap3A_319 = arith.constant 112 : index
    %swap3A_320 = tpu.vector_load %arg7[%swap3A_318, %swap3A_319] {strides = array<i32>} : memref<32x128xf32, #tpu.memory_space<vmem>>, vector<1x16xf32>,
    %swap3A_321 = vector.shape_cast %swap3A_320 : vector<1x16xf32> to vector<16xf32>
    %swap3A_322 = vector.shape_cast %broadcast_in_dim3A_131 : vector<16xf32> to vector<1x16xf32>
    tpu.vector_store %arg7[%swap3A_318, %swap3A_319], %swap3A_322 {strides = array<i32>} : memref<32x128xf32, #tpu.memory_space<vmem>>, vector<1x16xf32>,
    %swap3A_323 = arith.constant 4 : i32
    %swap3A_324 = arith.index_cast %swap3A_323 : i32 to index
    %swap3A_325 = arith.constant 0 : index
    %swap3A_326 = tpu.vector_load %arg7[%swap3A_324, %swap3A_325] {strides = array<i32>} : memref<32x128xf32, #tpu.memory_space<vmem>>, vector<1x16xf32>,
    %swap3A_327 = vector.shape_cast %swap3A_326 : vector<1x16xf32> to vector<16xf32>
    %swap3A_328 = vector.shape_cast %broadcast_in_dim3A_131 : vector<16xf32> to vector<1x16xf32>
    tpu.vector_store %arg7[%swap3A_324, %swap3A_325], %swap3A_328 {strides = array<i32>} : memref<32x128xf32, #tpu.memory_space<vmem>>, vector<1x16xf32>,
    %swap3A_329 = arith.constant 4 : i32
    %swap3A_330 = arith.index_cast %swap3A_329 : i32 to index
    %swap3A_331 = arith.constant 16 : index
    %swap3A_332 = tpu.vector_load %arg7[%swap3A_330, %swap3A_331] {strides = array<i32>} : memref<32x128xf32, #tpu.memory_space<vmem>>, vector<1x16xf32>,
    %swap3A_333 = vector.shape_cast %swap3A_332 : vector<1x16xf32> to vector<16xf32>
    %swap3A_334 = vector.shape_cast %broadcast_in_dim3A_131 : vector<16xf32> to vector<1x16xf32>
    tpu.vector_store %arg7[%swap3A_330, %swap3A_331], %swap3A_334 {strides = array<i32>} : memref<32x128xf32, #tpu.memory_space<vmem>>, vector<1x16xf32>,
    %swap3A_335 = arith.constant 4 : i32
    %swap3A_336 = arith.index_cast %swap3A_335 : i32 to index
    %swap3A_337 = arith.constant 32 : index
    %swap3A_338 = tpu.vector_load %arg7[%swap3A_336, %swap3A_337] {strides = array<i32>} : memref<32x128xf32, #tpu.memory_space<vmem>>, vector<1x16xf32>,
    %swap3A_339 = vector.shape_cast %swap3A_338 : vector<1x16xf32> to vector<16xf32>
    %swap3A_340 = vector.shape_cast %broadcast_in_dim3A_131 : vector<16xf32> to vector<1x16xf32>
    tpu.vector_store %arg7[%swap3A_336, %swap3A_337], %swap3A_340 {strides = array<i32>} : memref<32x128xf32, #tpu.memory_space<vmem>>, vector<1x16xf32>,
    %swap3A_341 = arith.constant 4 : i32
    %swap3A_342 = arith.index_cast %swap3A_341 : i32 to index
    %swap3A_343 = arith.constant 48 : index
    %swap3A_344 = tpu.vector_load %arg7[%swap3A_342, %swap3A_343] {strides = array<i32>} : memref<32x128xf32, #tpu.memory_space<vmem>>, vector<1x16xf32>,
    %swap3A_345 = vector.shape_cast %swap3A_344 : vector<1x16xf32> to vector<16xf32>
    %swap3A_346 = vector.shape_cast %broadcast_in_dim3A_131 : vector<16xf32> to vector<1x16xf32>
    tpu.vector_store %arg7[%swap3A_342, %swap3A_343], %swap3A_346 {strides = array<i32>} : memref<32x128xf32, #tpu.memory_space<vmem>>, vector<1x16xf32>,
    %swap3A_347 = arith.constant 4 : i32
    %swap3A_348 = arith.index_cast %swap3A_347 : i32 to index
    %swap3A_349 = arith.constant 64 : index
    %swap3A_350 = tpu.vector_load %arg7[%swap3A_348, %swap3A_349] {strides = array<i32>} : memref<32x128xf32, #tpu.memory_space<vmem>>, vector<1x16xf32>,
    %swap3A_351 = vector.shape_cast %swap3A_350 : vector<1x16xf32> to vector<16xf32>
    %swap3A_352 = vector.shape_cast %broadcast_in_dim3A_131 : vector<16xf32> to vector<1x16xf32>
    tpu.vector_store %arg7[%swap3A_348, %swap3A_349], %swap3A_352 {strides = array<i32>} : memref<32x128xf32, #tpu.memory_space<vmem>>, vector<1x16xf32>,
    %swap3A_353 = arith.constant 4 : i32
    %swap3A_354 = arith.index_cast %swap3A_353 : i32 to index
    %swap3A_355 = arith.constant 80 : index
    %swap3A_356 = tpu.vector_load %arg7[%swap3A_354, %swap3A_355] {strides = array<i32>} : memref<32x128xf32, #tpu.memory_space<vmem>>, vector<1x16xf32>,
    %swap3A_357 = vector.shape_cast %swap3A_356 : vector<1x16xf32> to vector<16xf32>
    %swap3A_358 = vector.shape_cast %broadcast_in_dim3A_131 : vector<16xf32> to vector<1x16xf32>
    tpu.vector_store %arg7[%swap3A_354, %swap3A_355], %swap3A_358 {strides = array<i32>} : memref<32x128xf32, #tpu.memory_space<vmem>>, vector<1x16xf32>,
    %swap3A_359 = arith.constant 4 : i32
    %swap3A_360 = arith.index_cast %swap3A_359 : i32 to index
    %swap3A_361 = arith.constant 96 : index
    %swap3A_362 = tpu.vector_load %arg7[%swap3A_360, %swap3A_361] {strides = array<i32>} : memref<32x128xf32, #tpu.memory_space<vmem>>, vector<1x16xf32>,
    %swap3A_363 = vector.shape_cast %swap3A_362 : vector<1x16xf32> to vector<16xf32>
    %swap3A_364 = vector.shape_cast %broadcast_in_dim3A_131 : vector<16xf32> to vector<1x16xf32>
    tpu.vector_store %arg7[%swap3A_360, %swap3A_361], %swap3A_364 {strides = array<i32>} : memref<32x128xf32, #tpu.memory_space<vmem>>, vector<1x16xf32>,
    %swap3A_365 = arith.constant 4 : i32
    %swap3A_366 = arith.index_cast %swap3A_365 : i32 to index
    %swap3A_367 = arith.constant 112 : index
    %swap3A_368 = tpu.vector_load %arg7[%swap3A_366, %swap3A_367] {strides = array<i32>} : memref<32x128xf32, #tpu.memory_space<vmem>>, vector<1x16xf32>,
    %swap3A_369 = vector.shape_cast %swap3A_368 : vector<1x16xf32> to vector<16xf32>
    %swap3A_370 = vector.shape_cast %broadcast_in_dim3A_131 : vector<16xf32> to vector<1x16xf32>
    tpu.vector_store %arg7[%swap3A_366, %swap3A_367], %swap3A_370 {strides = array<i32>} : memref<32x128xf32, #tpu.memory_space<vmem>>, vector<1x16xf32>,
    %swap3A_371 = arith.constant 5 : i32
    %swap3A_372 = arith.index_cast %swap3A_371 : i32 to index
    %swap3A_373 = arith.constant 0 : index
    %swap3A_374 = tpu.vector_load %arg7[%swap3A_372, %swap3A_373] {strides = array<i32>} : memref<32x128xf32, #tpu.memory_space<vmem>>, vector<1x16xf32>,
    %swap3A_375 = vector.shape_cast %swap3A_374 : vector<1x16xf32> to vector<16xf32>
    %swap3A_376 = vector.shape_cast %broadcast_in_dim3A_131 : vector<16xf32> to vector<1x16xf32>
    tpu.vector_store %arg7[%swap3A_372, %swap3A_373], %swap3A_376 {strides = array<i32>} : memref<32x128xf32, #tpu.memory_space<vmem>>, vector<1x16xf32>,
    %swap3A_377 = arith.constant 5 : i32
    %swap3A_378 = arith.index_cast %swap3A_377 : i32 to index
    %swap3A_379 = arith.constant 16 : index
    %swap3A_380 = tpu.vector_load %arg7[%swap3A_378, %swap3A_379] {strides = array<i32>} : memref<32x128xf32, #tpu.memory_space<vmem>>, vector<1x16xf32>,
    %swap3A_381 = vector.shape_cast %swap3A_380 : vector<1x16xf32> to vector<16xf32>
    %swap3A_382 = vector.shape_cast %broadcast_in_dim3A_131 : vector<16xf32> to vector<1x16xf32>
    tpu.vector_store %arg7[%swap3A_378, %swap3A_379], %swap3A_382 {strides = array<i32>} : memref<32x128xf32, #tpu.memory_space<vmem>>, vector<1x16xf32>,
    %swap3A_383 = arith.constant 5 : i32
    %swap3A_384 = arith.index_cast %swap3A_383 : i32 to index
    %swap3A_385 = arith.constant 32 : index
    %swap3A_386 = tpu.vector_load %arg7[%swap3A_384, %swap3A_385] {strides = array<i32>} : memref<32x128xf32, #tpu.memory_space<vmem>>, vector<1x16xf32>,
    %swap3A_387 = vector.shape_cast %swap3A_386 : vector<1x16xf32> to vector<16xf32>
    %swap3A_388 = vector.shape_cast %broadcast_in_dim3A_131 : vector<16xf32> to vector<1x16xf32>
    tpu.vector_store %arg7[%swap3A_384, %swap3A_385], %swap3A_388 {strides = array<i32>} : memref<32x128xf32, #tpu.memory_space<vmem>>, vector<1x16xf32>,
    %swap3A_389 = arith.constant 5 : i32
    %swap3A_390 = arith.index_cast %swap3A_389 : i32 to index
    %swap3A_391 = arith.constant 48 : index
    %swap3A_392 = tpu.vector_load %arg7[%swap3A_390, %swap3A_391] {strides = array<i32>} : memref<32x128xf32, #tpu.memory_space<vmem>>, vector<1x16xf32>,
    %swap3A_393 = vector.shape_cast %swap3A_392 : vector<1x16xf32> to vector<16xf32>
    %swap3A_394 = vector.shape_cast %broadcast_in_dim3A_131 : vector<16xf32> to vector<1x16xf32>
    tpu.vector_store %arg7[%swap3A_390, %swap3A_391], %swap3A_394 {strides = array<i32>} : memref<32x128xf32, #tpu.memory_space<vmem>>, vector<1x16xf32>,
    %swap3A_395 = arith.constant 5 : i32
    %swap3A_396 = arith.index_cast %swap3A_395 : i32 to index
    %swap3A_397 = arith.constant 64 : index
    %swap3A_398 = tpu.vector_load %arg7[%swap3A_396, %swap3A_397] {strides = array<i32>} : memref<32x128xf32, #tpu.memory_space<vmem>>, vector<1x16xf32>,
    %swap3A_399 = vector.shape_cast %swap3A_398 : vector<1x16xf32> to vector<16xf32>
    %swap3A_400 = vector.shape_cast %broadcast_in_dim3A_131 : vector<16xf32> to vector<1x16xf32>
    tpu.vector_store %arg7[%swap3A_396, %swap3A_397], %swap3A_400 {strides = array<i32>} : memref<32x128xf32, #tpu.memory_space<vmem>>, vector<1x16xf32>,
    %swap3A_401 = arith.constant 5 : i32
    %swap3A_402 = arith.index_cast %swap3A_401 : i32 to index
    %swap3A_403 = arith.constant 80 : index
    %swap3A_404 = tpu.vector_load %arg7[%swap3A_402, %swap3A_403] {strides = array<i32>} : memref<32x128xf32, #tpu.memory_space<vmem>>, vector<1x16xf32>,
    %swap3A_405 = vector.shape_cast %swap3A_404 : vector<1x16xf32> to vector<16xf32>
    %swap3A_406 = vector.shape_cast %broadcast_in_dim3A_131 : vector<16xf32> to vector<1x16xf32>
    tpu.vector_store %arg7[%swap3A_402, %swap3A_403], %swap3A_406 {strides = array<i32>} : memref<32x128xf32, #tpu.memory_space<vmem>>, vector<1x16xf32>,
    %swap3A_407 = arith.constant 5 : i32
    %swap3A_408 = arith.index_cast %swap3A_407 : i32 to index
    %swap3A_409 = arith.constant 96 : index
    %swap3A_410 = tpu.vector_load %arg7[%swap3A_408, %swap3A_409] {strides = array<i32>} : memref<32x128xf32, #tpu.memory_space<vmem>>, vector<1x16xf32>,
    %swap3A_411 = vector.shape_cast %swap3A_410 : vector<1x16xf32> to vector<16xf32>
    %swap3A_412 = vector.shape_cast %broadcast_in_dim3A_131 : vector<16xf32> to vector<1x16xf32>
    tpu.vector_store %arg7[%swap3A_408, %swap3A_409], %swap3A_412 {strides = array<i32>} : memref<32x128xf32, #tpu.memory_space<vmem>>, vector<1x16xf32>,
    %swap3A_413 = arith.constant 5 : i32
    %swap3A_414 = arith.index_cast %swap3A_413 : i32 to index
    %swap3A_415 = arith.constant 112 : index
    %swap3A_416 = tpu.vector_load %arg7[%swap3A_414, %swap3A_415] {strides = array<i32>} : memref<32x128xf32, #tpu.memory_space<vmem>>, vector<1x16xf32>,
    %swap3A_417 = vector.shape_cast %swap3A_416 : vector<1x16xf32> to vector<16xf32>
    %swap3A_418 = vector.shape_cast %broadcast_in_dim3A_131 : vector<16xf32> to vector<1x16xf32>
    tpu.vector_store %arg7[%swap3A_414, %swap3A_415], %swap3A_418 {strides = array<i32>} : memref<32x128xf32, #tpu.memory_space<vmem>>, vector<1x16xf32>,
    %swap3A_419 = arith.constant 6 : i32
    %swap3A_420 = arith.index_cast %swap3A_419 : i32 to index
    %swap3A_421 = arith.constant 0 : index
    %swap3A_422 = tpu.vector_load %arg7[%swap3A_420, %swap3A_421] {strides = array<i32>} : memref<32x128xf32, #tpu.memory_space<vmem>>, vector<1x16xf32>,
    %swap3A_423 = vector.shape_cast %swap3A_422 : vector<1x16xf32> to vector<16xf32>
    %swap3A_424 = vector.shape_cast %broadcast_in_dim3A_131 : vector<16xf32> to vector<1x16xf32>
    tpu.vector_store %arg7[%swap3A_420, %swap3A_421], %swap3A_424 {strides = array<i32>} : memref<32x128xf32, #tpu.memory_space<vmem>>, vector<1x16xf32>,
    %swap3A_425 = arith.constant 6 : i32
    %swap3A_426 = arith.index_cast %swap3A_425 : i32 to index
    %swap3A_427 = arith.constant 16 : index
    %swap3A_428 = tpu.vector_load %arg7[%swap3A_426, %swap3A_427] {strides = array<i32>} : memref<32x128xf32, #tpu.memory_space<vmem>>, vector<1x16xf32>,
    %swap3A_429 = vector.shape_cast %swap3A_428 : vector<1x16xf32> to vector<16xf32>
    %swap3A_430 = vector.shape_cast %broadcast_in_dim3A_131 : vector<16xf32> to vector<1x16xf32>
    tpu.vector_store %arg7[%swap3A_426, %swap3A_427], %swap3A_430 {strides = array<i32>} : memref<32x128xf32, #tpu.memory_space<vmem>>, vector<1x16xf32>,
    %swap3A_431 = arith.constant 6 : i32
    %swap3A_432 = arith.index_cast %swap3A_431 : i32 to index
    %swap3A_433 = arith.constant 32 : index
    %swap3A_434 = tpu.vector_load %arg7[%swap3A_432, %swap3A_433] {strides = array<i32>} : memref<32x128xf32, #tpu.memory_space<vmem>>, vector<1x16xf32>,
    %swap3A_435 = vector.shape_cast %swap3A_434 : vector<1x16xf32> to vector<16xf32>
    %swap3A_436 = vector.shape_cast %broadcast_in_dim3A_131 : vector<16xf32> to vector<1x16xf32>
    tpu.vector_store %arg7[%swap3A_432, %swap3A_433], %swap3A_436 {strides = array<i32>} : memref<32x128xf32, #tpu.memory_space<vmem>>, vector<1x16xf32>,
    %swap3A_437 = arith.constant 6 : i32
    %swap3A_438 = arith.index_cast %swap3A_437 : i32 to index
    %swap3A_439 = arith.constant 48 : index
    %swap3A_440 = tpu.vector_load %arg7[%swap3A_438, %swap3A_439] {strides = array<i32>} : memref<32x128xf32, #tpu.memory_space<vmem>>, vector<1x16xf32>,
    %swap3A_441 = vector.shape_cast %swap3A_440 : vector<1x16xf32> to vector<16xf32>
    %swap3A_442 = vector.shape_cast %broadcast_in_dim3A_131 : vector<16xf32> to vector<1x16xf32>
    tpu.vector_store %arg7[%swap3A_438, %swap3A_439], %swap3A_442 {strides = array<i32>} : memref<32x128xf32, #tpu.memory_space<vmem>>, vector<1x16xf32>,
    %swap3A_443 = arith.constant 6 : i32
    %swap3A_444 = arith.index_cast %swap3A_443 : i32 to index
    %swap3A_445 = arith.constant 64 : index
    %swap3A_446 = tpu.vector_load %arg7[%swap3A_444, %swap3A_445] {strides = array<i32>} : memref<32x128xf32, #tpu.memory_space<vmem>>, vector<1x16xf32>,
    %swap3A_447 = vector.shape_cast %swap3A_446 : vector<1x16xf32> to vector<16xf32>
    %swap3A_448 = vector.shape_cast %broadcast_in_dim3A_131 : vector<16xf32> to vector<1x16xf32>
    tpu.vector_store %arg7[%swap3A_444, %swap3A_445], %swap3A_448 {strides = array<i32>} : memref<32x128xf32, #tpu.memory_space<vmem>>, vector<1x16xf32>,
    %swap3A_449 = arith.constant 6 : i32
    %swap3A_450 = arith.index_cast %swap3A_449 : i32 to index
    %swap3A_451 = arith.constant 80 : index
    %swap3A_452 = tpu.vector_load %arg7[%swap3A_450, %swap3A_451] {strides = array<i32>} : memref<32x128xf32, #tpu.memory_space<vmem>>, vector<1x16xf32>,
    %swap3A_453 = vector.shape_cast %swap3A_452 : vector<1x16xf32> to vector<16xf32>
    %swap3A_454 = vector.shape_cast %broadcast_in_dim3A_131 : vector<16xf32> to vector<1x16xf32>
    tpu.vector_store %arg7[%swap3A_450, %swap3A_451], %swap3A_454 {strides = array<i32>} : memref<32x128xf32, #tpu.memory_space<vmem>>, vector<1x16xf32>,
    %swap3A_455 = arith.constant 6 : i32
    %swap3A_456 = arith.index_cast %swap3A_455 : i32 to index
    %swap3A_457 = arith.constant 96 : index
    %swap3A_458 = tpu.vector_load %arg7[%swap3A_456, %swap3A_457] {strides = array<i32>} : memref<32x128xf32, #tpu.memory_space<vmem>>, vector<1x16xf32>,
    %swap3A_459 = vector.shape_cast %swap3A_458 : vector<1x16xf32> to vector<16xf32>
    %swap3A_460 = vector.shape_cast %broadcast_in_dim3A_131 : vector<16xf32> to vector<1x16xf32>
    tpu.vector_store %arg7[%swap3A_456, %swap3A_457], %swap3A_460 {strides = array<i32>} : memref<32x128xf32, #tpu.memory_space<vmem>>, vector<1x16xf32>,
    %swap3A_461 = arith.constant 6 : i32
    %swap3A_462 = arith.index_cast %swap3A_461 : i32 to index
    %swap3A_463 = arith.constant 112 : index
    %swap3A_464 = tpu.vector_load %arg7[%swap3A_462, %swap3A_463] {strides = array<i32>} : memref<32x128xf32, #tpu.memory_space<vmem>>, vector<1x16xf32>,
    %swap3A_465 = vector.shape_cast %swap3A_464 : vector<1x16xf32> to vector<16xf32>
    %swap3A_466 = vector.shape_cast %broadcast_in_dim3A_131 : vector<16xf32> to vector<1x16xf32>
    tpu.vector_store %arg7[%swap3A_462, %swap3A_463], %swap3A_466 {strides = array<i32>} : memref<32x128xf32, #tpu.memory_space<vmem>>, vector<1x16xf32>,
    %swap3A_467 = arith.constant 7 : i32
    %swap3A_468 = arith.index_cast %swap3A_467 : i32 to index
    %swap3A_469 = arith.constant 0 : index
    %swap3A_470 = tpu.vector_load %arg7[%swap3A_468, %swap3A_469] {strides = array<i32>} : memref<32x128xf32, #tpu.memory_space<vmem>>, vector<1x16xf32>,
    %swap3A_471 = vector.shape_cast %swap3A_470 : vector<1x16xf32> to vector<16xf32>
    %swap3A_472 = vector.shape_cast %broadcast_in_dim3A_131 : vector<16xf32> to vector<1x16xf32>
    tpu.vector_store %arg7[%swap3A_468, %swap3A_469], %swap3A_472 {strides = array<i32>} : memref<32x128xf32, #tpu.memory_space<vmem>>, vector<1x16xf32>,
    %swap3A_473 = arith.constant 7 : i32
    %swap3A_474 = arith.index_cast %swap3A_473 : i32 to index
    %swap3A_475 = arith.constant 16 : index
    %swap3A_476 = tpu.vector_load %arg7[%swap3A_474, %swap3A_475] {strides = array<i32>} : memref<32x128xf32, #tpu.memory_space<vmem>>, vector<1x16xf32>,
    %swap3A_477 = vector.shape_cast %swap3A_476 : vector<1x16xf32> to vector<16xf32>
    %swap3A_478 = vector.shape_cast %broadcast_in_dim3A_131 : vector<16xf32> to vector<1x16xf32>
    tpu.vector_store %arg7[%swap3A_474, %swap3A_475], %swap3A_478 {strides = array<i32>} : memref<32x128xf32, #tpu.memory_space<vmem>>, vector<1x16xf32>,
    %swap3A_479 = arith.constant 7 : i32
    %swap3A_480 = arith.index_cast %swap3A_479 : i32 to index
    %swap3A_481 = arith.constant 32 : index
    %swap3A_482 = tpu.vector_load %arg7[%swap3A_480, %swap3A_481] {strides = array<i32>} : memref<32x128xf32, #tpu.memory_space<vmem>>, vector<1x16xf32>,
    %swap3A_483 = vector.shape_cast %swap3A_482 : vector<1x16xf32> to vector<16xf32>
    %swap3A_484 = vector.shape_cast %broadcast_in_dim3A_131 : vector<16xf32> to vector<1x16xf32>
    tpu.vector_store %arg7[%swap3A_480, %swap3A_481], %swap3A_484 {strides = array<i32>} : memref<32x128xf32, #tpu.memory_space<vmem>>, vector<1x16xf32>,
    %swap3A_485 = arith.constant 7 : i32
    %swap3A_486 = arith.index_cast %swap3A_485 : i32 to index
    %swap3A_487 = arith.constant 48 : index
    %swap3A_488 = tpu.vector_load %arg7[%swap3A_486, %swap3A_487] {strides = array<i32>} : memref<32x128xf32, #tpu.memory_space<vmem>>, vector<1x16xf32>,
    %swap3A_489 = vector.shape_cast %swap3A_488 : vector<1x16xf32> to vector<16xf32>
    %swap3A_490 = vector.shape_cast %broadcast_in_dim3A_131 : vector<16xf32> to vector<1x16xf32>
    tpu.vector_store %arg7[%swap3A_486, %swap3A_487], %swap3A_490 {strides = array<i32>} : memref<32x128xf32, #tpu.memory_space<vmem>>, vector<1x16xf32>,
    %swap3A_491 = arith.constant 7 : i32
    %swap3A_492 = arith.index_cast %swap3A_491 : i32 to index
    %swap3A_493 = arith.constant 64 : index
    %swap3A_494 = tpu.vector_load %arg7[%swap3A_492, %swap3A_493] {strides = array<i32>} : memref<32x128xf32, #tpu.memory_space<vmem>>, vector<1x16xf32>,
    %swap3A_495 = vector.shape_cast %swap3A_494 : vector<1x16xf32> to vector<16xf32>
    %swap3A_496 = vector.shape_cast %broadcast_in_dim3A_131 : vector<16xf32> to vector<1x16xf32>
    tpu.vector_store %arg7[%swap3A_492, %swap3A_493], %swap3A_496 {strides = array<i32>} : memref<32x128xf32, #tpu.memory_space<vmem>>, vector<1x16xf32>,
    %swap3A_497 = arith.constant 7 : i32
    %swap3A_498 = arith.index_cast %swap3A_497 : i32 to index
    %swap3A_499 = arith.constant 80 : index
    %swap3A_500 = tpu.vector_load %arg7[%swap3A_498, %swap3A_499] {strides = array<i32>} : memref<32x128xf32, #tpu.memory_space<vmem>>, vector<1x16xf32>,
    %swap3A_501 = vector.shape_cast %swap3A_500 : vector<1x16xf32> to vector<16xf32>
    %swap3A_502 = vector.shape_cast %broadcast_in_dim3A_131 : vector<16xf32> to vector<1x16xf32>
    tpu.vector_store %arg7[%swap3A_498, %swap3A_499], %swap3A_502 {strides = array<i32>} : memref<32x128xf32, #tpu.memory_space<vmem>>, vector<1x16xf32>,
    %swap3A_503 = arith.constant 7 : i32
    %swap3A_504 = arith.index_cast %swap3A_503 : i32 to index
    %swap3A_505 = arith.constant 96 : index
    %swap3A_506 = tpu.vector_load %arg7[%swap3A_504, %swap3A_505] {strides = array<i32>} : memref<32x128xf32, #tpu.memory_space<vmem>>, vector<1x16xf32>,
    %swap3A_507 = vector.shape_cast %swap3A_506 : vector<1x16xf32> to vector<16xf32>
    %swap3A_508 = vector.shape_cast %broadcast_in_dim3A_131 : vector<16xf32> to vector<1x16xf32>
    tpu.vector_store %arg7[%swap3A_504, %swap3A_505], %swap3A_508 {strides = array<i32>} : memref<32x128xf32, #tpu.memory_space<vmem>>, vector<1x16xf32>,
    %swap3A_509 = arith.constant 7 : i32
    %swap3A_510 = arith.index_cast %swap3A_509 : i32 to index
    %swap3A_511 = arith.constant 112 : index
    %swap3A_512 = tpu.vector_load %arg7[%swap3A_510, %swap3A_511] {strides = array<i32>} : memref<32x128xf32, #tpu.memory_space<vmem>>, vector<1x16xf32>,
    %swap3A_513 = vector.shape_cast %swap3A_512 : vector<1x16xf32> to vector<16xf32>
    %swap3A_514 = vector.shape_cast %broadcast_in_dim3A_131 : vector<16xf32> to vector<1x16xf32>
    tpu.vector_store %arg7[%swap3A_510, %swap3A_511], %swap3A_514 {strides = array<i32>} : memref<32x128xf32, #tpu.memory_space<vmem>>, vector<1x16xf32>,
    %swap3A_515 = arith.constant 8 : i32
    %swap3A_516 = arith.index_cast %swap3A_515 : i32 to index
    %swap3A_517 = arith.constant 0 : index
    %swap3A_518 = tpu.vector_load %arg7[%swap3A_516, %swap3A_517] {strides = array<i32>} : memref<32x128xf32, #tpu.memory_space<vmem>>, vector<1x16xf32>,
    %swap3A_519 = vector.shape_cast %swap3A_518 : vector<1x16xf32> to vector<16xf32>
    %swap3A_520 = vector.shape_cast %broadcast_in_dim3A_131 : vector<16xf32> to vector<1x16xf32>
    tpu.vector_store %arg7[%swap3A_516, %swap3A_517], %swap3A_520 {strides = array<i32>} : memref<32x128xf32, #tpu.memory_space<vmem>>, vector<1x16xf32>,
    %swap3A_521 = arith.constant 8 : i32
    %swap3A_522 = arith.index_cast %swap3A_521 : i32 to index
    %swap3A_523 = arith.constant 16 : index
    %swap3A_524 = tpu.vector_load %arg7[%swap3A_522, %swap3A_523] {strides = array<i32>} : memref<32x128xf32, #tpu.memory_space<vmem>>, vector<1x16xf32>,
    %swap3A_525 = vector.shape_cast %swap3A_524 : vector<1x16xf32> to vector<16xf32>
    %swap3A_526 = vector.shape_cast %broadcast_in_dim3A_131 : vector<16xf32> to vector<1x16xf32>
    tpu.vector_store %arg7[%swap3A_522, %swap3A_523], %swap3A_526 {strides = array<i32>} : memref<32x128xf32, #tpu.memory_space<vmem>>, vector<1x16xf32>,
    %swap3A_527 = arith.constant 8 : i32
    %swap3A_528 = arith.index_cast %swap3A_527 : i32 to index
    %swap3A_529 = arith.constant 32 : index
    %swap3A_530 = tpu.vector_load %arg7[%swap3A_528, %swap3A_529] {strides = array<i32>} : memref<32x128xf32, #tpu.memory_space<vmem>>, vector<1x16xf32>,
    %swap3A_531 = vector.shape_cast %swap3A_530 : vector<1x16xf32> to vector<16xf32>
    %swap3A_532 = vector.shape_cast %broadcast_in_dim3A_131 : vector<16xf32> to vector<1x16xf32>
    tpu.vector_store %arg7[%swap3A_528, %swap3A_529], %swap3A_532 {strides = array<i32>} : memref<32x128xf32, #tpu.memory_space<vmem>>, vector<1x16xf32>,
    %swap3A_533 = arith.constant 8 : i32
    %swap3A_534 = arith.index_cast %swap3A_533 : i32 to index
    %swap3A_535 = arith.constant 48 : index
    %swap3A_536 = tpu.vector_load %arg7[%swap3A_534, %swap3A_535] {strides = array<i32>} : memref<32x128xf32, #tpu.memory_space<vmem>>, vector<1x16xf32>,
    %swap3A_537 = vector.shape_cast %swap3A_536 : vector<1x16xf32> to vector<16xf32>
    %swap3A_538 = vector.shape_cast %broadcast_in_dim3A_131 : vector<16xf32> to vector<1x16xf32>
    tpu.vector_store %arg7[%swap3A_534, %swap3A_535], %swap3A_538 {strides = array<i32>} : memref<32x128xf32, #tpu.memory_space<vmem>>, vector<1x16xf32>,
    %swap3A_539 = arith.constant 8 : i32
    %swap3A_540 = arith.index_cast %swap3A_539 : i32 to index
    %swap3A_541 = arith.constant 64 : index
    %swap3A_542 = tpu.vector_load %arg7[%swap3A_540, %swap3A_541] {strides = array<i32>} : memref<32x128xf32, #tpu.memory_space<vmem>>, vector<1x16xf32>,
    %swap3A_543 = vector.shape_cast %swap3A_542 : vector<1x16xf32> to vector<16xf32>
    %swap3A_544 = vector.shape_cast %broadcast_in_dim3A_131 : vector<16xf32> to vector<1x16xf32>
    tpu.vector_store %arg7[%swap3A_540, %swap3A_541], %swap3A_544 {strides = array<i32>} : memref<32x128xf32, #tpu.memory_space<vmem>>, vector<1x16xf32>,
    %swap3A_545 = arith.constant 8 : i32
    %swap3A_546 = arith.index_cast %swap3A_545 : i32 to index
    %swap3A_547 = arith.constant 80 : index
    %swap3A_548 = tpu.vector_load %arg7[%swap3A_546, %swap3A_547] {strides = array<i32>} : memref<32x128xf32, #tpu.memory_space<vmem>>, vector<1x16xf32>,
    %swap3A_549 = vector.shape_cast %swap3A_548 : vector<1x16xf32> to vector<16xf32>
    %swap3A_550 = vector.shape_cast %broadcast_in_dim3A_131 : vector<16xf32> to vector<1x16xf32>
    tpu.vector_store %arg7[%swap3A_546, %swap3A_547], %swap3A_550 {strides = array<i32>} : memref<32x128xf32, #tpu.memory_space<vmem>>, vector<1x16xf32>,
    %swap3A_551 = arith.constant 8 : i32
    %swap3A_552 = arith.index_cast %swap3A_551 : i32 to index
    %swap3A_553 = arith.constant 96 : index
    %swap3A_554 = tpu.vector_load %arg7[%swap3A_552, %swap3A_553] {strides = array<i32>} : memref<32x128xf32, #tpu.memory_space<vmem>>, vector<1x16xf32>,
    %swap3A_555 = vector.shape_cast %swap3A_554 : vector<1x16xf32> to vector<16xf32>
    %swap3A_556 = vector.shape_cast %broadcast_in_dim3A_131 : vector<16xf32> to vector<1x16xf32>
    tpu.vector_store %arg7[%swap3A_552, %swap3A_553], %swap3A_556 {strides = array<i32>} : memref<32x128xf32, #tpu.memory_space<vmem>>, vector<1x16xf32>,
    %swap3A_557 = arith.constant 8 : i32
    %swap3A_558 = arith.index_cast %swap3A_557 : i32 to index
    %swap3A_559 = arith.constant 112 : index
    %swap3A_560 = tpu.vector_load %arg7[%swap3A_558, %swap3A_559] {strides = array<i32>} : memref<32x128xf32, #tpu.memory_space<vmem>>, vector<1x16xf32>,
    %swap3A_561 = vector.shape_cast %swap3A_560 : vector<1x16xf32> to vector<16xf32>
    %swap3A_562 = vector.shape_cast %broadcast_in_dim3A_131 : vector<16xf32> to vector<1x16xf32>
    tpu.vector_store %arg7[%swap3A_558, %swap3A_559], %swap3A_562 {strides = array<i32>} : memref<32x128xf32, #tpu.memory_space<vmem>>, vector<1x16xf32>,
    %swap3A_563 = arith.constant 9 : i32
    %swap3A_564 = arith.index_cast %swap3A_563 : i32 to index
    %swap3A_565 = arith.constant 0 : index
    %swap3A_566 = tpu.vector_load %arg7[%swap3A_564, %swap3A_565] {strides = array<i32>} : memref<32x128xf32, #tpu.memory_space<vmem>>, vector<1x16xf32>,
    %swap3A_567 = vector.shape_cast %swap3A_566 : vector<1x16xf32> to vector<16xf32>
    %swap3A_568 = vector.shape_cast %broadcast_in_dim3A_131 : vector<16xf32> to vector<1x16xf32>
    tpu.vector_store %arg7[%swap3A_564, %swap3A_565], %swap3A_568 {strides = array<i32>} : memref<32x128xf32, #tpu.memory_space<vmem>>, vector<1x16xf32>,
    %swap3A_569 = arith.constant 9 : i32
    %swap3A_570 = arith.index_cast %swap3A_569 : i32 to index
    %swap3A_571 = arith.constant 16 : index
    %swap3A_572 = tpu.vector_load %arg7[%swap3A_570, %swap3A_571] {strides = array<i32>} : memref<32x128xf32, #tpu.memory_space<vmem>>, vector<1x16xf32>,
    %swap3A_573 = vector.shape_cast %swap3A_572 : vector<1x16xf32> to vector<16xf32>
    %swap3A_574 = vector.shape_cast %broadcast_in_dim3A_131 : vector<16xf32> to vector<1x16xf32>
    tpu.vector_store %arg7[%swap3A_570, %swap3A_571], %swap3A_574 {strides = array<i32>} : memref<32x128xf32, #tpu.memory_space<vmem>>, vector<1x16xf32>,
    %swap3A_575 = arith.constant 9 : i32
    %swap3A_576 = arith.index_cast %swap3A_575 : i32 to index
    %swap3A_577 = arith.constant 32 : index
    %swap3A_578 = tpu.vector_load %arg7[%swap3A_576, %swap3A_577] {strides = array<i32>} : memref<32x128xf32, #tpu.memory_space<vmem>>, vector<1x16xf32>,
    %swap3A_579 = vector.shape_cast %swap3A_578 : vector<1x16xf32> to vector<16xf32>
    %swap3A_580 = vector.shape_cast %broadcast_in_dim3A_131 : vector<16xf32> to vector<1x16xf32>
    tpu.vector_store %arg7[%swap3A_576, %swap3A_577], %swap3A_580 {strides = array<i32>} : memref<32x128xf32, #tpu.memory_space<vmem>>, vector<1x16xf32>,
    %swap3A_581 = arith.constant 9 : i32
    %swap3A_582 = arith.index_cast %swap3A_581 : i32 to index
    %swap3A_583 = arith.constant 48 : index
    %swap3A_584 = tpu.vector_load %arg7[%swap3A_582, %swap3A_583] {strides = array<i32>} : memref<32x128xf32, #tpu.memory_space<vmem>>, vector<1x16xf32>,
    %swap3A_585 = vector.shape_cast %swap3A_584 : vector<1x16xf32> to vector<16xf32>
    %swap3A_586 = vector.shape_cast %broadcast_in_dim3A_131 : vector<16xf32> to vector<1x16xf32>
    tpu.vector_store %arg7[%swap3A_582, %swap3A_583], %swap3A_586 {strides = array<i32>} : memref<32x128xf32, #tpu.memory_space<vmem>>, vector<1x16xf32>,
    %swap3A_587 = arith.constant 9 : i32
    %swap3A_588 = arith.index_cast %swap3A_587 : i32 to index
    %swap3A_589 = arith.constant 64 : index
    %swap3A_590 = tpu.vector_load %arg7[%swap3A_588, %swap3A_589] {strides = array<i32>} : memref<32x128xf32, #tpu.memory_space<vmem>>, vector<1x16xf32>,
    %swap3A_591 = vector.shape_cast %swap3A_590 : vector<1x16xf32> to vector<16xf32>
    %swap3A_592 = vector.shape_cast %broadcast_in_dim3A_131 : vector<16xf32> to vector<1x16xf32>
    tpu.vector_store %arg7[%swap3A_588, %swap3A_589], %swap3A_592 {strides = array<i32>} : memref<32x128xf32, #tpu.memory_space<vmem>>, vector<1x16xf32>,
    %swap3A_593 = arith.constant 9 : i32
    %swap3A_594 = arith.index_cast %swap3A_593 : i32 to index
    %swap3A_595 = arith.constant 80 : index
    %swap3A_596 = tpu.vector_load %arg7[%swap3A_594, %swap3A_595] {strides = array<i32>} : memref<32x128xf32, #tpu.memory_space<vmem>>, vector<1x16xf32>,
    %swap3A_597 = vector.shape_cast %swap3A_596 : vector<1x16xf32> to vector<16xf32>
    %swap3A_598 = vector.shape_cast %broadcast_in_dim3A_131 : vector<16xf32> to vector<1x16xf32>
    tpu.vector_store %arg7[%swap3A_594, %swap3A_595], %swap3A_598 {strides = array<i32>} : memref<32x128xf32, #tpu.memory_space<vmem>>, vector<1x16xf32>,
    %swap3A_599 = arith.constant 9 : i32
    %swap3A_600 = arith.index_cast %swap3A_599 : i32 to index
    %swap3A_601 = arith.constant 96 : index
    %swap3A_602 = tpu.vector_load %arg7[%swap3A_600, %swap3A_601] {strides = array<i32>} : memref<32x128xf32, #tpu.memory_space<vmem>>, vector<1x16xf32>,
    %swap3A_603 = vector.shape_cast %swap3A_602 : vector<1x16xf32> to vector<16xf32>
    %swap3A_604 = vector.shape_cast %broadcast_in_dim3A_131 : vector<16xf32> to vector<1x16xf32>
    tpu.vector_store %arg7[%swap3A_600, %swap3A_601], %swap3A_604 {strides = array<i32>} : memref<32x128xf32, #tpu.memory_space<vmem>>, vector<1x16xf32>,
    %swap3A_605 = arith.constant 9 : i32
    %swap3A_606 = arith.index_cast %swap3A_605 : i32 to index
    %swap3A_607 = arith.constant 112 : index
    %swap3A_608 = tpu.vector_load %arg7[%swap3A_606, %swap3A_607] {strides = array<i32>} : memref<32x128xf32, #tpu.memory_space<vmem>>, vector<1x16xf32>,
    %swap3A_609 = vector.shape_cast %swap3A_608 : vector<1x16xf32> to vector<16xf32>
    %swap3A_610 = vector.shape_cast %broadcast_in_dim3A_131 : vector<16xf32> to vector<1x16xf32>
    tpu.vector_store %arg7[%swap3A_606, %swap3A_607], %swap3A_610 {strides = array<i32>} : memref<32x128xf32, #tpu.memory_space<vmem>>, vector<1x16xf32>,
    %swap3A_611 = arith.constant 10 : i32
    %swap3A_612 = arith.index_cast %swap3A_611 : i32 to index
    %swap3A_613 = arith.constant 0 : index
    %swap3A_614 = tpu.vector_load %arg7[%swap3A_612, %swap3A_613] {strides = array<i32>} : memref<32x128xf32, #tpu.memory_space<vmem>>, vector<1x16xf32>,
    %swap3A_615 = vector.shape_cast %swap3A_614 : vector<1x16xf32> to vector<16xf32>
    %swap3A_616 = vector.shape_cast %broadcast_in_dim3A_131 : vector<16xf32> to vector<1x16xf32>
    tpu.vector_store %arg7[%swap3A_612, %swap3A_613], %swap3A_616 {strides = array<i32>} : memref<32x128xf32, #tpu.memory_space<vmem>>, vector<1x16xf32>,
    %swap3A_617 = arith.constant 10 : i32
    %swap3A_618 = arith.index_cast %swap3A_617 : i32 to index
    %swap3A_619 = arith.constant 16 : index
    %swap3A_620 = tpu.vector_load %arg7[%swap3A_618, %swap3A_619] {strides = array<i32>} : memref<32x128xf32, #tpu.memory_space<vmem>>, vector<1x16xf32>,
    %swap3A_621 = vector.shape_cast %swap3A_620 : vector<1x16xf32> to vector<16xf32>
    %swap3A_622 = vector.shape_cast %broadcast_in_dim3A_131 : vector<16xf32> to vector<1x16xf32>
    tpu.vector_store %arg7[%swap3A_618, %swap3A_619], %swap3A_622 {strides = array<i32>} : memref<32x128xf32, #tpu.memory_space<vmem>>, vector<1x16xf32>,
    %swap3A_623 = arith.constant 10 : i32
    %swap3A_624 = arith.index_cast %swap3A_623 : i32 to index
    %swap3A_625 = arith.constant 32 : index
    %swap3A_626 = tpu.vector_load %arg7[%swap3A_624, %swap3A_625] {strides = array<i32>} : memref<32x128xf32, #tpu.memory_space<vmem>>, vector<1x16xf32>,
    %swap3A_627 = vector.shape_cast %swap3A_626 : vector<1x16xf32> to vector<16xf32>
    %swap3A_628 = vector.shape_cast %broadcast_in_dim3A_131 : vector<16xf32> to vector<1x16xf32>
    tpu.vector_store %arg7[%swap3A_624, %swap3A_625], %swap3A_628 {strides = array<i32>} : memref<32x128xf32, #tpu.memory_space<vmem>>, vector<1x16xf32>,
    %swap3A_629 = arith.constant 10 : i32
    %swap3A_630 = arith.index_cast %swap3A_629 : i32 to index
    %swap3A_631 = arith.constant 48 : index
    %swap3A_632 = tpu.vector_load %arg7[%swap3A_630, %swap3A_631] {strides = array<i32>} : memref<32x128xf32, #tpu.memory_space<vmem>>, vector<1x16xf32>,
    %swap3A_633 = vector.shape_cast %swap3A_632 : vector<1x16xf32> to vector<16xf32>
    %swap3A_634 = vector.shape_cast %broadcast_in_dim3A_131 : vector<16xf32> to vector<1x16xf32>
    tpu.vector_store %arg7[%swap3A_630, %swap3A_631], %swap3A_634 {strides = array<i32>} : memref<32x128xf32, #tpu.memory_space<vmem>>, vector<1x16xf32>,
    %swap3A_635 = arith.constant 10 : i32
    %swap3A_636 = arith.index_cast %swap3A_635 : i32 to index
    %swap3A_637 = arith.constant 64 : index
    %swap3A_638 = tpu.vector_load %arg7[%swap3A_636, %swap3A_637] {strides = array<i32>} : memref<32x128xf32, #tpu.memory_space<vmem>>, vector<1x16xf32>,
    %swap3A_639 = vector.shape_cast %swap3A_638 : vector<1x16xf32> to vector<16xf32>
    %swap3A_640 = vector.shape_cast %broadcast_in_dim3A_131 : vector<16xf32> to vector<1x16xf32>
    tpu.vector_store %arg7[%swap3A_636, %swap3A_637], %swap3A_640 {strides = array<i32>} : memref<32x128xf32, #tpu.memory_space<vmem>>, vector<1x16xf32>,
    %swap3A_641 = arith.constant 10 : i32
    %swap3A_642 = arith.index_cast %swap3A_641 : i32 to index
    %swap3A_643 = arith.constant 80 : index
    %swap3A_644 = tpu.vector_load %arg7[%swap3A_642, %swap3A_643] {strides = array<i32>} : memref<32x128xf32, #tpu.memory_space<vmem>>, vector<1x16xf32>,
    %swap3A_645 = vector.shape_cast %swap3A_644 : vector<1x16xf32> to vector<16xf32>
    %swap3A_646 = vector.shape_cast %broadcast_in_dim3A_131 : vector<16xf32> to vector<1x16xf32>
    tpu.vector_store %arg7[%swap3A_642, %swap3A_643], %swap3A_646 {strides = array<i32>} : memref<32x128xf32, #tpu.memory_space<vmem>>, vector<1x16xf32>,
    %swap3A_647 = arith.constant 10 : i32
    %swap3A_648 = arith.index_cast %swap3A_647 : i32 to index
    %swap3A_649 = arith.constant 96 : index
    %swap3A_650 = tpu.vector_load %arg7[%swap3A_648, %swap3A_649] {strides = array<i32>} : memref<32x128xf32, #tpu.memory_space<vmem>>, vector<1x16xf32>,
    %swap3A_651 = vector.shape_cast %swap3A_650 : vector<1x16xf32> to vector<16xf32>
    %swap3A_652 = vector.shape_cast %broadcast_in_dim3A_131 : vector<16xf32> to vector<1x16xf32>
    tpu.vector_store %arg7[%swap3A_648, %swap3A_649], %swap3A_652 {strides = array<i32>} : memref<32x128xf32, #tpu.memory_space<vmem>>, vector<1x16xf32>,
    %swap3A_653 = arith.constant 10 : i32
    %swap3A_654 = arith.index_cast %swap3A_653 : i32 to index
    %swap3A_655 = arith.constant 112 : index
    %swap3A_656 = tpu.vector_load %arg7[%swap3A_654, %swap3A_655] {strides = array<i32>} : memref<32x128xf32, #tpu.memory_space<vmem>>, vector<1x16xf32>,
    %swap3A_657 = vector.shape_cast %swap3A_656 : vector<1x16xf32> to vector<16xf32>
    %swap3A_658 = vector.shape_cast %broadcast_in_dim3A_131 : vector<16xf32> to vector<1x16xf32>
    tpu.vector_store %arg7[%swap3A_654, %swap3A_655], %swap3A_658 {strides = array<i32>} : memref<32x128xf32, #tpu.memory_space<vmem>>, vector<1x16xf32>,
    %swap3A_659 = arith.constant 11 : i32
    %swap3A_660 = arith.index_cast %swap3A_659 : i32 to index
    %swap3A_661 = arith.constant 0 : index
    %swap3A_662 = tpu.vector_load %arg7[%swap3A_660, %swap3A_661] {strides = array<i32>} : memref<32x128xf32, #tpu.memory_space<vmem>>, vector<1x16xf32>,
    %swap3A_663 = vector.shape_cast %swap3A_662 : vector<1x16xf32> to vector<16xf32>
    %swap3A_664 = vector.shape_cast %broadcast_in_dim3A_131 : vector<16xf32> to vector<1x16xf32>
    tpu.vector_store %arg7[%swap3A_660, %swap3A_661], %swap3A_664 {strides = array<i32>} : memref<32x128xf32, #tpu.memory_space<vmem>>, vector<1x16xf32>,
    %swap3A_665 = arith.constant 11 : i32
    %swap3A_666 = arith.index_cast %swap3A_665 : i32 to index
    %swap3A_667 = arith.constant 16 : index
    %swap3A_668 = tpu.vector_load %arg7[%swap3A_666, %swap3A_667] {strides = array<i32>} : memref<32x128xf32, #tpu.memory_space<vmem>>, vector<1x16xf32>,
    %swap3A_669 = vector.shape_cast %swap3A_668 : vector<1x16xf32> to vector<16xf32>
    %swap3A_670 = vector.shape_cast %broadcast_in_dim3A_131 : vector<16xf32> to vector<1x16xf32>
    tpu.vector_store %arg7[%swap3A_666, %swap3A_667], %swap3A_670 {strides = array<i32>} : memref<32x128xf32, #tpu.memory_space<vmem>>, vector<1x16xf32>,
    %swap3A_671 = arith.constant 11 : i32
    %swap3A_672 = arith.index_cast %swap3A_671 : i32 to index
    %swap3A_673 = arith.constant 32 : index
    %swap3A_674 = tpu.vector_load %arg7[%swap3A_672, %swap3A_673] {strides = array<i32>} : memref<32x128xf32, #tpu.memory_space<vmem>>, vector<1x16xf32>,
    %swap3A_675 = vector.shape_cast %swap3A_674 : vector<1x16xf32> to vector<16xf32>
    %swap3A_676 = vector.shape_cast %broadcast_in_dim3A_131 : vector<16xf32> to vector<1x16xf32>
    tpu.vector_store %arg7[%swap3A_672, %swap3A_673], %swap3A_676 {strides = array<i32>} : memref<32x128xf32, #tpu.memory_space<vmem>>, vector<1x16xf32>,
    %swap3A_677 = arith.constant 11 : i32
    %swap3A_678 = arith.index_cast %swap3A_677 : i32 to index
    %swap3A_679 = arith.constant 48 : index
    %swap3A_680 = tpu.vector_load %arg7[%swap3A_678, %swap3A_679] {strides = array<i32>} : memref<32x128xf32, #tpu.memory_space<vmem>>, vector<1x16xf32>,
    %swap3A_681 = vector.shape_cast %swap3A_680 : vector<1x16xf32> to vector<16xf32>
    %swap3A_682 = vector.shape_cast %broadcast_in_dim3A_131 : vector<16xf32> to vector<1x16xf32>
    tpu.vector_store %arg7[%swap3A_678, %swap3A_679], %swap3A_682 {strides = array<i32>} : memref<32x128xf32, #tpu.memory_space<vmem>>, vector<1x16xf32>,
    %swap3A_683 = arith.constant 11 : i32
    %swap3A_684 = arith.index_cast %swap3A_683 : i32 to index
    %swap3A_685 = arith.constant 64 : index
    %swap3A_686 = tpu.vector_load %arg7[%swap3A_684, %swap3A_685] {strides = array<i32>} : memref<32x128xf32, #tpu.memory_space<vmem>>, vector<1x16xf32>,
    %swap3A_687 = vector.shape_cast %swap3A_686 : vector<1x16xf32> to vector<16xf32>
    %swap3A_688 = vector.shape_cast %broadcast_in_dim3A_131 : vector<16xf32> to vector<1x16xf32>
    tpu.vector_store %arg7[%swap3A_684, %swap3A_685], %swap3A_688 {strides = array<i32>} : memref<32x128xf32, #tpu.memory_space<vmem>>, vector<1x16xf32>,
    %swap3A_689 = arith.constant 11 : i32
    %swap3A_690 = arith.index_cast %swap3A_689 : i32 to index
    %swap3A_691 = arith.constant 80 : index
    %swap3A_692 = tpu.vector_load %arg7[%swap3A_690, %swap3A_691] {strides = array<i32>} : memref<32x128xf32, #tpu.memory_space<vmem>>, vector<1x16xf32>,
    %swap3A_693 = vector.shape_cast %swap3A_692 : vector<1x16xf32> to vector<16xf32>
    %swap3A_694 = vector.shape_cast %broadcast_in_dim3A_131 : vector<16xf32> to vector<1x16xf32>
    tpu.vector_store %arg7[%swap3A_690, %swap3A_691], %swap3A_694 {strides = array<i32>} : memref<32x128xf32, #tpu.memory_space<vmem>>, vector<1x16xf32>,
    %swap3A_695 = arith.constant 11 : i32
    %swap3A_696 = arith.index_cast %swap3A_695 : i32 to index
    %swap3A_697 = arith.constant 96 : index
    %swap3A_698 = tpu.vector_load %arg7[%swap3A_696, %swap3A_697] {strides = array<i32>} : memref<32x128xf32, #tpu.memory_space<vmem>>, vector<1x16xf32>,
    %swap3A_699 = vector.shape_cast %swap3A_698 : vector<1x16xf32> to vector<16xf32>
    %swap3A_700 = vector.shape_cast %broadcast_in_dim3A_131 : vector<16xf32> to vector<1x16xf32>
    tpu.vector_store %arg7[%swap3A_696, %swap3A_697], %swap3A_700 {strides = array<i32>} : memref<32x128xf32, #tpu.memory_space<vmem>>, vector<1x16xf32>,
    %swap3A_701 = arith.constant 11 : i32
    %swap3A_702 = arith.index_cast %swap3A_701 : i32 to index
    %swap3A_703 = arith.constant 112 : index
    %swap3A_704 = tpu.vector_load %arg7[%swap3A_702, %swap3A_703] {strides = array<i32>} : memref<32x128xf32, #tpu.memory_space<vmem>>, vector<1x16xf32>,
    %swap3A_705 = vector.shape_cast %swap3A_704 : vector<1x16xf32> to vector<16xf32>
    %swap3A_706 = vector.shape_cast %broadcast_in_dim3A_131 : vector<16xf32> to vector<1x16xf32>
    tpu.vector_store %arg7[%swap3A_702, %swap3A_703], %swap3A_706 {strides = array<i32>} : memref<32x128xf32, #tpu.memory_space<vmem>>, vector<1x16xf32>,
    %swap3A_707 = arith.constant 12 : i32
    %swap3A_708 = arith.index_cast %swap3A_707 : i32 to index
    %swap3A_709 = arith.constant 0 : index
    %swap3A_710 = tpu.vector_load %arg7[%swap3A_708, %swap3A_709] {strides = array<i32>} : memref<32x128xf32, #tpu.memory_space<vmem>>, vector<1x16xf32>,
    %swap3A_711 = vector.shape_cast %swap3A_710 : vector<1x16xf32> to vector<16xf32>
    %swap3A_712 = vector.shape_cast %broadcast_in_dim3A_131 : vector<16xf32> to vector<1x16xf32>
    tpu.vector_store %arg7[%swap3A_708, %swap3A_709], %swap3A_712 {strides = array<i32>} : memref<32x128xf32, #tpu.memory_space<vmem>>, vector<1x16xf32>,
    %swap3A_713 = arith.constant 12 : i32
    %swap3A_714 = arith.index_cast %swap3A_713 : i32 to index
    %swap3A_715 = arith.constant 16 : index
    %swap3A_716 = tpu.vector_load %arg7[%swap3A_714, %swap3A_715] {strides = array<i32>} : memref<32x128xf32, #tpu.memory_space<vmem>>, vector<1x16xf32>,
    %swap3A_717 = vector.shape_cast %swap3A_716 : vector<1x16xf32> to vector<16xf32>
    %swap3A_718 = vector.shape_cast %broadcast_in_dim3A_131 : vector<16xf32> to vector<1x16xf32>
    tpu.vector_store %arg7[%swap3A_714, %swap3A_715], %swap3A_718 {strides = array<i32>} : memref<32x128xf32, #tpu.memory_space<vmem>>, vector<1x16xf32>,
    %swap3A_719 = arith.constant 12 : i32
    %swap3A_720 = arith.index_cast %swap3A_719 : i32 to index
    %swap3A_721 = arith.constant 32 : index
    %swap3A_722 = tpu.vector_load %arg7[%swap3A_720, %swap3A_721] {strides = array<i32>} : memref<32x128xf32, #tpu.memory_space<vmem>>, vector<1x16xf32>,
    %swap3A_723 = vector.shape_cast %swap3A_722 : vector<1x16xf32> to vector<16xf32>
    %swap3A_724 = vector.shape_cast %broadcast_in_dim3A_131 : vector<16xf32> to vector<1x16xf32>
    tpu.vector_store %arg7[%swap3A_720, %swap3A_721], %swap3A_724 {strides = array<i32>} : memref<32x128xf32, #tpu.memory_space<vmem>>, vector<1x16xf32>,
    %swap3A_725 = arith.constant 12 : i32
    %swap3A_726 = arith.index_cast %swap3A_725 : i32 to index
    %swap3A_727 = arith.constant 48 : index
    %swap3A_728 = tpu.vector_load %arg7[%swap3A_726, %swap3A_727] {strides = array<i32>} : memref<32x128xf32, #tpu.memory_space<vmem>>, vector<1x16xf32>,
    %swap3A_729 = vector.shape_cast %swap3A_728 : vector<1x16xf32> to vector<16xf32>
    %swap3A_730 = vector.shape_cast %broadcast_in_dim3A_131 : vector<16xf32> to vector<1x16xf32>
    tpu.vector_store %arg7[%swap3A_726, %swap3A_727], %swap3A_730 {strides = array<i32>} : memref<32x128xf32, #tpu.memory_space<vmem>>, vector<1x16xf32>,
    %swap3A_731 = arith.constant 12 : i32
    %swap3A_732 = arith.index_cast %swap3A_731 : i32 to index
    %swap3A_733 = arith.constant 64 : index
    %swap3A_734 = tpu.vector_load %arg7[%swap3A_732, %swap3A_733] {strides = array<i32>} : memref<32x128xf32, #tpu.memory_space<vmem>>, vector<1x16xf32>,
    %swap3A_735 = vector.shape_cast %swap3A_734 : vector<1x16xf32> to vector<16xf32>
    %swap3A_736 = vector.shape_cast %broadcast_in_dim3A_131 : vector<16xf32> to vector<1x16xf32>
    tpu.vector_store %arg7[%swap3A_732, %swap3A_733], %swap3A_736 {strides = array<i32>} : memref<32x128xf32, #tpu.memory_space<vmem>>, vector<1x16xf32>,
    %swap3A_737 = arith.constant 12 : i32
    %swap3A_738 = arith.index_cast %swap3A_737 : i32 to index
    %swap3A_739 = arith.constant 80 : index
    %swap3A_740 = tpu.vector_load %arg7[%swap3A_738, %swap3A_739] {strides = array<i32>} : memref<32x128xf32, #tpu.memory_space<vmem>>, vector<1x16xf32>,
    %swap3A_741 = vector.shape_cast %swap3A_740 : vector<1x16xf32> to vector<16xf32>
    %swap3A_742 = vector.shape_cast %broadcast_in_dim3A_131 : vector<16xf32> to vector<1x16xf32>
    tpu.vector_store %arg7[%swap3A_738, %swap3A_739], %swap3A_742 {strides = array<i32>} : memref<32x128xf32, #tpu.memory_space<vmem>>, vector<1x16xf32>,
    %swap3A_743 = arith.constant 12 : i32
    %swap3A_744 = arith.index_cast %swap3A_743 : i32 to index
    %swap3A_745 = arith.constant 96 : index
    %swap3A_746 = tpu.vector_load %arg7[%swap3A_744, %swap3A_745] {strides = array<i32>} : memref<32x128xf32, #tpu.memory_space<vmem>>, vector<1x16xf32>,
    %swap3A_747 = vector.shape_cast %swap3A_746 : vector<1x16xf32> to vector<16xf32>
    %swap3A_748 = vector.shape_cast %broadcast_in_dim3A_131 : vector<16xf32> to vector<1x16xf32>
    tpu.vector_store %arg7[%swap3A_744, %swap3A_745], %swap3A_748 {strides = array<i32>} : memref<32x128xf32, #tpu.memory_space<vmem>>, vector<1x16xf32>,
    %swap3A_749 = arith.constant 12 : i32
    %swap3A_750 = arith.index_cast %swap3A_749 : i32 to index
    %swap3A_751 = arith.constant 112 : index
    %swap3A_752 = tpu.vector_load %arg7[%swap3A_750, %swap3A_751] {strides = array<i32>} : memref<32x128xf32, #tpu.memory_space<vmem>>, vector<1x16xf32>,
    %swap3A_753 = vector.shape_cast %swap3A_752 : vector<1x16xf32> to vector<16xf32>
    %swap3A_754 = vector.shape_cast %broadcast_in_dim3A_131 : vector<16xf32> to vector<1x16xf32>
    tpu.vector_store %arg7[%swap3A_750, %swap3A_751], %swap3A_754 {strides = array<i32>} : memref<32x128xf32, #tpu.memory_space<vmem>>, vector<1x16xf32>,
    %swap3A_755 = arith.constant 13 : i32
    %swap3A_756 = arith.index_cast %swap3A_755 : i32 to index
    %swap3A_757 = arith.constant 0 : index
    %swap3A_758 = tpu.vector_load %arg7[%swap3A_756, %swap3A_757] {strides = array<i32>} : memref<32x128xf32, #tpu.memory_space<vmem>>, vector<1x16xf32>,
    %swap3A_759 = vector.shape_cast %swap3A_758 : vector<1x16xf32> to vector<16xf32>
    %swap3A_760 = vector.shape_cast %broadcast_in_dim3A_131 : vector<16xf32> to vector<1x16xf32>
    tpu.vector_store %arg7[%swap3A_756, %swap3A_757], %swap3A_760 {strides = array<i32>} : memref<32x128xf32, #tpu.memory_space<vmem>>, vector<1x16xf32>,
    %swap3A_761 = arith.constant 13 : i32
    %swap3A_762 = arith.index_cast %swap3A_761 : i32 to index
    %swap3A_763 = arith.constant 16 : index
    %swap3A_764 = tpu.vector_load %arg7[%swap3A_762, %swap3A_763] {strides = array<i32>} : memref<32x128xf32, #tpu.memory_space<vmem>>, vector<1x16xf32>,
    %swap3A_765 = vector.shape_cast %swap3A_764 : vector<1x16xf32> to vector<16xf32>
    %swap3A_766 = vector.shape_cast %broadcast_in_dim3A_131 : vector<16xf32> to vector<1x16xf32>
    tpu.vector_store %arg7[%swap3A_762, %swap3A_763], %swap3A_766 {strides = array<i32>} : memref<32x128xf32, #tpu.memory_space<vmem>>, vector<1x16xf32>,
    %swap3A_767 = arith.constant 13 : i32
    %swap3A_768 = arith.index_cast %swap3A_767 : i32 to index
    %swap3A_769 = arith.constant 32 : index
    %swap3A_770 = tpu.vector_load %arg7[%swap3A_768, %swap3A_769] {strides = array<i32>} : memref<32x128xf32, #tpu.memory_space<vmem>>, vector<1x16xf32>,
    %swap3A_771 = vector.shape_cast %swap3A_770 : vector<1x16xf32> to vector<16xf32>
    %swap3A_772 = vector.shape_cast %broadcast_in_dim3A_131 : vector<16xf32> to vector<1x16xf32>
    tpu.vector_store %arg7[%swap3A_768, %swap3A_769], %swap3A_772 {strides = array<i32>} : memref<32x128xf32, #tpu.memory_space<vmem>>, vector<1x16xf32>,
    %swap3A_773 = arith.constant 13 : i32
    %swap3A_774 = arith.index_cast %swap3A_773 : i32 to index
    %swap3A_775 = arith.constant 48 : index
    %swap3A_776 = tpu.vector_load %arg7[%swap3A_774, %swap3A_775] {strides = array<i32>} : memref<32x128xf32, #tpu.memory_space<vmem>>, vector<1x16xf32>,
    %swap3A_777 = vector.shape_cast %swap3A_776 : vector<1x16xf32> to vector<16xf32>
    %swap3A_778 = vector.shape_cast %broadcast_in_dim3A_131 : vector<16xf32> to vector<1x16xf32>
    tpu.vector_store %arg7[%swap3A_774, %swap3A_775], %swap3A_778 {strides = array<i32>} : memref<32x128xf32, #tpu.memory_space<vmem>>, vector<1x16xf32>,
    %swap3A_779 = arith.constant 13 : i32
    %swap3A_780 = arith.index_cast %swap3A_779 : i32 to index
    %swap3A_781 = arith.constant 64 : index
    %swap3A_782 = tpu.vector_load %arg7[%swap3A_780, %swap3A_781] {strides = array<i32>} : memref<32x128xf32, #tpu.memory_space<vmem>>, vector<1x16xf32>,
    %swap3A_783 = vector.shape_cast %swap3A_782 : vector<1x16xf32> to vector<16xf32>
    %swap3A_784 = vector.shape_cast %broadcast_in_dim3A_131 : vector<16xf32> to vector<1x16xf32>
    tpu.vector_store %arg7[%swap3A_780, %swap3A_781], %swap3A_784 {strides = array<i32>} : memref<32x128xf32, #tpu.memory_space<vmem>>, vector<1x16xf32>,
    %swap3A_785 = arith.constant 13 : i32
    %swap3A_786 = arith.index_cast %swap3A_785 : i32 to index
    %swap3A_787 = arith.constant 80 : index
    %swap3A_788 = tpu.vector_load %arg7[%swap3A_786, %swap3A_787] {strides = array<i32>} : memref<32x128xf32, #tpu.memory_space<vmem>>, vector<1x16xf32>,
    %swap3A_789 = vector.shape_cast %swap3A_788 : vector<1x16xf32> to vector<16xf32>
    %swap3A_790 = vector.shape_cast %broadcast_in_dim3A_131 : vector<16xf32> to vector<1x16xf32>
    tpu.vector_store %arg7[%swap3A_786, %swap3A_787], %swap3A_790 {strides = array<i32>} : memref<32x128xf32, #tpu.memory_space<vmem>>, vector<1x16xf32>,
    %swap3A_791 = arith.constant 13 : i32
    %swap3A_792 = arith.index_cast %swap3A_791 : i32 to index
    %swap3A_793 = arith.constant 96 : index
    %swap3A_794 = tpu.vector_load %arg7[%swap3A_792, %swap3A_793] {strides = array<i32>} : memref<32x128xf32, #tpu.memory_space<vmem>>, vector<1x16xf32>,
    %swap3A_795 = vector.shape_cast %swap3A_794 : vector<1x16xf32> to vector<16xf32>
    %swap3A_796 = vector.shape_cast %broadcast_in_dim3A_131 : vector<16xf32> to vector<1x16xf32>
    tpu.vector_store %arg7[%swap3A_792, %swap3A_793], %swap3A_796 {strides = array<i32>} : memref<32x128xf32, #tpu.memory_space<vmem>>, vector<1x16xf32>,
    %swap3A_797 = arith.constant 13 : i32
    %swap3A_798 = arith.index_cast %swap3A_797 : i32 to index
    %swap3A_799 = arith.constant 112 : index
    %swap3A_800 = tpu.vector_load %arg7[%swap3A_798, %swap3A_799] {strides = array<i32>} : memref<32x128xf32, #tpu.memory_space<vmem>>, vector<1x16xf32>,
    %swap3A_801 = vector.shape_cast %swap3A_800 : vector<1x16xf32> to vector<16xf32>
    %swap3A_802 = vector.shape_cast %broadcast_in_dim3A_131 : vector<16xf32> to vector<1x16xf32>
    tpu.vector_store %arg7[%swap3A_798, %swap3A_799], %swap3A_802 {strides = array<i32>} : memref<32x128xf32, #tpu.memory_space<vmem>>, vector<1x16xf32>,
    %swap3A_803 = arith.constant 14 : i32
    %swap3A_804 = arith.index_cast %swap3A_803 : i32 to index
    %swap3A_805 = arith.constant 0 : index
    %swap3A_806 = tpu.vector_load %arg7[%swap3A_804, %swap3A_805] {strides = array<i32>} : memref<32x128xf32, #tpu.memory_space<vmem>>, vector<1x16xf32>,
    %swap3A_807 = vector.shape_cast %swap3A_806 : vector<1x16xf32> to vector<16xf32>
    %swap3A_808 = vector.shape_cast %broadcast_in_dim3A_131 : vector<16xf32> to vector<1x16xf32>
    tpu.vector_store %arg7[%swap3A_804, %swap3A_805], %swap3A_808 {strides = array<i32>} : memref<32x128xf32, #tpu.memory_space<vmem>>, vector<1x16xf32>,
    %swap3A_809 = arith.constant 14 : i32
    %swap3A_810 = arith.index_cast %swap3A_809 : i32 to index
    %swap3A_811 = arith.constant 16 : index
    %swap3A_812 = tpu.vector_load %arg7[%swap3A_810, %swap3A_811] {strides = array<i32>} : memref<32x128xf32, #tpu.memory_space<vmem>>, vector<1x16xf32>,
    %swap3A_813 = vector.shape_cast %swap3A_812 : vector<1x16xf32> to vector<16xf32>
    %swap3A_814 = vector.shape_cast %broadcast_in_dim3A_131 : vector<16xf32> to vector<1x16xf32>
    tpu.vector_store %arg7[%swap3A_810, %swap3A_811], %swap3A_814 {strides = array<i32>} : memref<32x128xf32, #tpu.memory_space<vmem>>, vector<1x16xf32>,
    %swap3A_815 = arith.constant 14 : i32
    %swap3A_816 = arith.index_cast %swap3A_815 : i32 to index
    %swap3A_817 = arith.constant 32 : index
    %swap3A_818 = tpu.vector_load %arg7[%swap3A_816, %swap3A_817] {strides = array<i32>} : memref<32x128xf32, #tpu.memory_space<vmem>>, vector<1x16xf32>,
    %swap3A_819 = vector.shape_cast %swap3A_818 : vector<1x16xf32> to vector<16xf32>
    %swap3A_820 = vector.shape_cast %broadcast_in_dim3A_131 : vector<16xf32> to vector<1x16xf32>
    tpu.vector_store %arg7[%swap3A_816, %swap3A_817], %swap3A_820 {strides = array<i32>} : memref<32x128xf32, #tpu.memory_space<vmem>>, vector<1x16xf32>,
    %swap3A_821 = arith.constant 14 : i32
    %swap3A_822 = arith.index_cast %swap3A_821 : i32 to index
    %swap3A_823 = arith.constant 48 : index
    %swap3A_824 = tpu.vector_load %arg7[%swap3A_822, %swap3A_823] {strides = array<i32>} : memref<32x128xf32, #tpu.memory_space<vmem>>, vector<1x16xf32>,
    %swap3A_825 = vector.shape_cast %swap3A_824 : vector<1x16xf32> to vector<16xf32>
    %swap3A_826 = vector.shape_cast %broadcast_in_dim3A_131 : vector<16xf32> to vector<1x16xf32>
    tpu.vector_store %arg7[%swap3A_822, %swap3A_823], %swap3A_826 {strides = array<i32>} : memref<32x128xf32, #tpu.memory_space<vmem>>, vector<1x16xf32>,
    %swap3A_827 = arith.constant 14 : i32
    %swap3A_828 = arith.index_cast %swap3A_827 : i32 to index
    %swap3A_829 = arith.constant 64 : index
    %swap3A_830 = tpu.vector_load %arg7[%swap3A_828, %swap3A_829] {strides = array<i32>} : memref<32x128xf32, #tpu.memory_space<vmem>>, vector<1x16xf32>,
    %swap3A_831 = vector.shape_cast %swap3A_830 : vector<1x16xf32> to vector<16xf32>
    %swap3A_832 = vector.shape_cast %broadcast_in_dim3A_131 : vector<16xf32> to vector<1x16xf32>
    tpu.vector_store %arg7[%swap3A_828, %swap3A_829], %swap3A_832 {strides = array<i32>} : memref<32x128xf32, #tpu.memory_space<vmem>>, vector<1x16xf32>,
    %swap3A_833 = arith.constant 14 : i32
    %swap3A_834 = arith.index_cast %swap3A_833 : i32 to index
    %swap3A_835 = arith.constant 80 : index
    %swap3A_836 = tpu.vector_load %arg7[%swap3A_834, %swap3A_835] {strides = array<i32>} : memref<32x128xf32, #tpu.memory_space<vmem>>, vector<1x16xf32>,
    %swap3A_837 = vector.shape_cast %swap3A_836 : vector<1x16xf32> to vector<16xf32>
    %swap3A_838 = vector.shape_cast %broadcast_in_dim3A_131 : vector<16xf32> to vector<1x16xf32>
    tpu.vector_store %arg7[%swap3A_834, %swap3A_835], %swap3A_838 {strides = array<i32>} : memref<32x128xf32, #tpu.memory_space<vmem>>, vector<1x16xf32>,
    %swap3A_839 = arith.constant 14 : i32
    %swap3A_840 = arith.index_cast %swap3A_839 : i32 to index
    %swap3A_841 = arith.constant 96 : index
    %swap3A_842 = tpu.vector_load %arg7[%swap3A_840, %swap3A_841] {strides = array<i32>} : memref<32x128xf32, #tpu.memory_space<vmem>>, vector<1x16xf32>,
    %swap3A_843 = vector.shape_cast %swap3A_842 : vector<1x16xf32> to vector<16xf32>
    %swap3A_844 = vector.shape_cast %broadcast_in_dim3A_131 : vector<16xf32> to vector<1x16xf32>
    tpu.vector_store %arg7[%swap3A_840, %swap3A_841], %swap3A_844 {strides = array<i32>} : memref<32x128xf32, #tpu.memory_space<vmem>>, vector<1x16xf32>,
    %swap3A_845 = arith.constant 14 : i32
    %swap3A_846 = arith.index_cast %swap3A_845 : i32 to index
    %swap3A_847 = arith.constant 112 : index
    %swap3A_848 = tpu.vector_load %arg7[%swap3A_846, %swap3A_847] {strides = array<i32>} : memref<32x128xf32, #tpu.memory_space<vmem>>, vector<1x16xf32>,
    %swap3A_849 = vector.shape_cast %swap3A_848 : vector<1x16xf32> to vector<16xf32>
    %swap3A_850 = vector.shape_cast %broadcast_in_dim3A_131 : vector<16xf32> to vector<1x16xf32>
    tpu.vector_store %arg7[%swap3A_846, %swap3A_847], %swap3A_850 {strides = array<i32>} : memref<32x128xf32, #tpu.memory_space<vmem>>, vector<1x16xf32>,
    %swap3A_851 = arith.constant 15 : i32
    %swap3A_852 = arith.index_cast %swap3A_851 : i32 to index
    %swap3A_853 = arith.constant 0 : index
    %swap3A_854 = tpu.vector_load %arg7[%swap3A_852, %swap3A_853] {strides = array<i32>} : memref<32x128xf32, #tpu.memory_space<vmem>>, vector<1x16xf32>,
    %swap3A_855 = vector.shape_cast %swap3A_854 : vector<1x16xf32> to vector<16xf32>
    %swap3A_856 = vector.shape_cast %broadcast_in_dim3A_131 : vector<16xf32> to vector<1x16xf32>
    tpu.vector_store %arg7[%swap3A_852, %swap3A_853], %swap3A_856 {strides = array<i32>} : memref<32x128xf32, #tpu.memory_space<vmem>>, vector<1x16xf32>,
    %swap3A_857 = arith.constant 15 : i32
    %swap3A_858 = arith.index_cast %swap3A_857 : i32 to index
    %swap3A_859 = arith.constant 16 : index
    %swap3A_860 = tpu.vector_load %arg7[%swap3A_858, %swap3A_859] {strides = array<i32>} : memref<32x128xf32, #tpu.memory_space<vmem>>, vector<1x16xf32>,
    %swap3A_861 = vector.shape_cast %swap3A_860 : vector<1x16xf32> to vector<16xf32>
    %swap3A_862 = vector.shape_cast %broadcast_in_dim3A_131 : vector<16xf32> to vector<1x16xf32>
    tpu.vector_store %arg7[%swap3A_858, %swap3A_859], %swap3A_862 {strides = array<i32>} : memref<32x128xf32, #tpu.memory_space<vmem>>, vector<1x16xf32>,
    %swap3A_863 = arith.constant 15 : i32
    %swap3A_864 = arith.index_cast %swap3A_863 : i32 to index
    %swap3A_865 = arith.constant 32 : index
    %swap3A_866 = tpu.vector_load %arg7[%swap3A_864, %swap3A_865] {strides = array<i32>} : memref<32x128xf32, #tpu.memory_space<vmem>>, vector<1x16xf32>,
    %swap3A_867 = vector.shape_cast %swap3A_866 : vector<1x16xf32> to vector<16xf32>
    %swap3A_868 = vector.shape_cast %broadcast_in_dim3A_131 : vector<16xf32> to vector<1x16xf32>
    tpu.vector_store %arg7[%swap3A_864, %swap3A_865], %swap3A_868 {strides = array<i32>} : memref<32x128xf32, #tpu.memory_space<vmem>>, vector<1x16xf32>,
    %swap3A_869 = arith.constant 15 : i32
    %swap3A_870 = arith.index_cast %swap3A_869 : i32 to index
    %swap3A_871 = arith.constant 48 : index
    %swap3A_872 = tpu.vector_load %arg7[%swap3A_870, %swap3A_871] {strides = array<i32>} : memref<32x128xf32, #tpu.memory_space<vmem>>, vector<1x16xf32>,
    %swap3A_873 = vector.shape_cast %swap3A_872 : vector<1x16xf32> to vector<16xf32>
    %swap3A_874 = vector.shape_cast %broadcast_in_dim3A_131 : vector<16xf32> to vector<1x16xf32>
    tpu.vector_store %arg7[%swap3A_870, %swap3A_871], %swap3A_874 {strides = array<i32>} : memref<32x128xf32, #tpu.memory_space<vmem>>, vector<1x16xf32>,
    %swap3A_875 = arith.constant 15 : i32
    %swap3A_876 = arith.index_cast %swap3A_875 : i32 to index
    %swap3A_877 = arith.constant 64 : index
    %swap3A_878 = tpu.vector_load %arg7[%swap3A_876, %swap3A_877] {strides = array<i32>} : memref<32x128xf32, #tpu.memory_space<vmem>>, vector<1x16xf32>,
    %swap3A_879 = vector.shape_cast %swap3A_878 : vector<1x16xf32> to vector<16xf32>
    %swap3A_880 = vector.shape_cast %broadcast_in_dim3A_131 : vector<16xf32> to vector<1x16xf32>
    tpu.vector_store %arg7[%swap3A_876, %swap3A_877], %swap3A_880 {strides = array<i32>} : memref<32x128xf32, #tpu.memory_space<vmem>>, vector<1x16xf32>,
    %swap3A_881 = arith.constant 15 : i32
    %swap3A_882 = arith.index_cast %swap3A_881 : i32 to index
    %swap3A_883 = arith.constant 80 : index
    %swap3A_884 = tpu.vector_load %arg7[%swap3A_882, %swap3A_883] {strides = array<i32>} : memref<32x128xf32, #tpu.memory_space<vmem>>, vector<1x16xf32>,
    %swap3A_885 = vector.shape_cast %swap3A_884 : vector<1x16xf32> to vector<16xf32>
    %swap3A_886 = vector.shape_cast %broadcast_in_dim3A_131 : vector<16xf32> to vector<1x16xf32>
    tpu.vector_store %arg7[%swap3A_882, %swap3A_883], %swap3A_886 {strides = array<i32>} : memref<32x128xf32, #tpu.memory_space<vmem>>, vector<1x16xf32>,
    %swap3A_887 = arith.constant 15 : i32
    %swap3A_888 = arith.index_cast %swap3A_887 : i32 to index
    %swap3A_889 = arith.constant 96 : index
    %swap3A_890 = tpu.vector_load %arg7[%swap3A_888, %swap3A_889] {strides = array<i32>} : memref<32x128xf32, #tpu.memory_space<vmem>>, vector<1x16xf32>,
    %swap3A_891 = vector.shape_cast %swap3A_890 : vector<1x16xf32> to vector<16xf32>
    %swap3A_892 = vector.shape_cast %broadcast_in_dim3A_131 : vector<16xf32> to vector<1x16xf32>
    tpu.vector_store %arg7[%swap3A_888, %swap3A_889], %swap3A_892 {strides = array<i32>} : memref<32x128xf32, #tpu.memory_space<vmem>>, vector<1x16xf32>,
    %swap3A_893 = arith.constant 15 : i32
    %swap3A_894 = arith.index_cast %swap3A_893 : i32 to index
    %swap3A_895 = arith.constant 112 : index
    %swap3A_896 = tpu.vector_load %arg7[%swap3A_894, %swap3A_895] {strides = array<i32>} : memref<32x128xf32, #tpu.memory_space<vmem>>, vector<1x16xf32>,
    %swap3A_897 = vector.shape_cast %swap3A_896 : vector<1x16xf32> to vector<16xf32>
    %swap3A_898 = vector.shape_cast %broadcast_in_dim3A_131 : vector<16xf32> to vector<1x16xf32>
    tpu.vector_store %arg7[%swap3A_894, %swap3A_895], %swap3A_898 {strides = array<i32>} : memref<32x128xf32, #tpu.memory_space<vmem>>, vector<1x16xf32>,
    %swap3A_899 = arith.constant 16 : i32
    %swap3A_900 = arith.index_cast %swap3A_899 : i32 to index
    %swap3A_901 = arith.constant 0 : index
    %swap3A_902 = tpu.vector_load %arg7[%swap3A_900, %swap3A_901] {strides = array<i32>} : memref<32x128xf32, #tpu.memory_space<vmem>>, vector<1x16xf32>,
    %swap3A_903 = vector.shape_cast %swap3A_902 : vector<1x16xf32> to vector<16xf32>
    %swap3A_904 = vector.shape_cast %broadcast_in_dim3A_131 : vector<16xf32> to vector<1x16xf32>
    tpu.vector_store %arg7[%swap3A_900, %swap3A_901], %swap3A_904 {strides = array<i32>} : memref<32x128xf32, #tpu.memory_space<vmem>>, vector<1x16xf32>,
    %swap3A_905 = arith.constant 16 : i32
    %swap3A_906 = arith.index_cast %swap3A_905 : i32 to index
    %swap3A_907 = arith.constant 16 : index
    %swap3A_908 = tpu.vector_load %arg7[%swap3A_906, %swap3A_907] {strides = array<i32>} : memref<32x128xf32, #tpu.memory_space<vmem>>, vector<1x16xf32>,
    %swap3A_909 = vector.shape_cast %swap3A_908 : vector<1x16xf32> to vector<16xf32>
    %swap3A_910 = vector.shape_cast %broadcast_in_dim3A_131 : vector<16xf32> to vector<1x16xf32>
    tpu.vector_store %arg7[%swap3A_906, %swap3A_907], %swap3A_910 {strides = array<i32>} : memref<32x128xf32, #tpu.memory_space<vmem>>, vector<1x16xf32>,
    %swap3A_911 = arith.constant 16 : i32
    %swap3A_912 = arith.index_cast %swap3A_911 : i32 to index
    %swap3A_913 = arith.constant 32 : index
    %swap3A_914 = tpu.vector_load %arg7[%swap3A_912, %swap3A_913] {strides = array<i32>} : memref<32x128xf32, #tpu.memory_space<vmem>>, vector<1x16xf32>,
    %swap3A_915 = vector.shape_cast %swap3A_914 : vector<1x16xf32> to vector<16xf32>
    %swap3A_916 = vector.shape_cast %broadcast_in_dim3A_131 : vector<16xf32> to vector<1x16xf32>
    tpu.vector_store %arg7[%swap3A_912, %swap3A_913], %swap3A_916 {strides = array<i32>} : memref<32x128xf32, #tpu.memory_space<vmem>>, vector<1x16xf32>,
    %swap3A_917 = arith.constant 16 : i32
    %swap3A_918 = arith.index_cast %swap3A_917 : i32 to index
    %swap3A_919 = arith.constant 48 : index
    %swap3A_920 = tpu.vector_load %arg7[%swap3A_918, %swap3A_919] {strides = array<i32>} : memref<32x128xf32, #tpu.memory_space<vmem>>, vector<1x16xf32>,
    %swap3A_921 = vector.shape_cast %swap3A_920 : vector<1x16xf32> to vector<16xf32>
    %swap3A_922 = vector.shape_cast %broadcast_in_dim3A_131 : vector<16xf32> to vector<1x16xf32>
    tpu.vector_store %arg7[%swap3A_918, %swap3A_919], %swap3A_922 {strides = array<i32>} : memref<32x128xf32, #tpu.memory_space<vmem>>, vector<1x16xf32>,
    %swap3A_923 = arith.constant 16 : i32
    %swap3A_924 = arith.index_cast %swap3A_923 : i32 to index
    %swap3A_925 = arith.constant 64 : index
    %swap3A_926 = tpu.vector_load %arg7[%swap3A_924, %swap3A_925] {strides = array<i32>} : memref<32x128xf32, #tpu.memory_space<vmem>>, vector<1x16xf32>,
    %swap3A_927 = vector.shape_cast %swap3A_926 : vector<1x16xf32> to vector<16xf32>
    %swap3A_928 = vector.shape_cast %broadcast_in_dim3A_131 : vector<16xf32> to vector<1x16xf32>
    tpu.vector_store %arg7[%swap3A_924, %swap3A_925], %swap3A_928 {strides = array<i32>} : memref<32x128xf32, #tpu.memory_space<vmem>>, vector<1x16xf32>,
    %swap3A_929 = arith.constant 16 : i32
    %swap3A_930 = arith.index_cast %swap3A_929 : i32 to index
    %swap3A_931 = arith.constant 80 : index
    %swap3A_932 = tpu.vector_load %arg7[%swap3A_930, %swap3A_931] {strides = array<i32>} : memref<32x128xf32, #tpu.memory_space<vmem>>, vector<1x16xf32>,
    %swap3A_933 = vector.shape_cast %swap3A_932 : vector<1x16xf32> to vector<16xf32>
    %swap3A_934 = vector.shape_cast %broadcast_in_dim3A_131 : vector<16xf32> to vector<1x16xf32>
    tpu.vector_store %arg7[%swap3A_930, %swap3A_931], %swap3A_934 {strides = array<i32>} : memref<32x128xf32, #tpu.memory_space<vmem>>, vector<1x16xf32>,
    %swap3A_935 = arith.constant 16 : i32
    %swap3A_936 = arith.index_cast %swap3A_935 : i32 to index
    %swap3A_937 = arith.constant 96 : index
    %swap3A_938 = tpu.vector_load %arg7[%swap3A_936, %swap3A_937] {strides = array<i32>} : memref<32x128xf32, #tpu.memory_space<vmem>>, vector<1x16xf32>,
    %swap3A_939 = vector.shape_cast %swap3A_938 : vector<1x16xf32> to vector<16xf32>
    %swap3A_940 = vector.shape_cast %broadcast_in_dim3A_131 : vector<16xf32> to vector<1x16xf32>
    tpu.vector_store %arg7[%swap3A_936, %swap3A_937], %swap3A_940 {strides = array<i32>} : memref<32x128xf32, #tpu.memory_space<vmem>>, vector<1x16xf32>,
    %swap3A_941 = arith.constant 16 : i32
    %swap3A_942 = arith.index_cast %swap3A_941 : i32 to index
    %swap3A_943 = arith.constant 112 : index
    %swap3A_944 = tpu.vector_load %arg7[%swap3A_942, %swap3A_943] {strides = array<i32>} : memref<32x128xf32, #tpu.memory_space<vmem>>, vector<1x16xf32>,
    %swap3A_945 = vector.shape_cast %swap3A_944 : vector<1x16xf32> to vector<16xf32>
    %swap3A_946 = vector.shape_cast %broadcast_in_dim3A_131 : vector<16xf32> to vector<1x16xf32>
    tpu.vector_store %arg7[%swap3A_942, %swap3A_943], %swap3A_946 {strides = array<i32>} : memref<32x128xf32, #tpu.memory_space<vmem>>, vector<1x16xf32>,
    %swap3A_947 = arith.constant 17 : i32
    %swap3A_948 = arith.index_cast %swap3A_947 : i32 to index
    %swap3A_949 = arith.constant 0 : index
    %swap3A_950 = tpu.vector_load %arg7[%swap3A_948, %swap3A_949] {strides = array<i32>} : memref<32x128xf32, #tpu.memory_space<vmem>>, vector<1x16xf32>,
    %swap3A_951 = vector.shape_cast %swap3A_950 : vector<1x16xf32> to vector<16xf32>
    %swap3A_952 = vector.shape_cast %broadcast_in_dim3A_131 : vector<16xf32> to vector<1x16xf32>
    tpu.vector_store %arg7[%swap3A_948, %swap3A_949], %swap3A_952 {strides = array<i32>} : memref<32x128xf32, #tpu.memory_space<vmem>>, vector<1x16xf32>,
    %swap3A_953 = arith.constant 17 : i32
    %swap3A_954 = arith.index_cast %swap3A_953 : i32 to index
    %swap3A_955 = arith.constant 16 : index
    %swap3A_956 = tpu.vector_load %arg7[%swap3A_954, %swap3A_955] {strides = array<i32>} : memref<32x128xf32, #tpu.memory_space<vmem>>, vector<1x16xf32>,
    %swap3A_957 = vector.shape_cast %swap3A_956 : vector<1x16xf32> to vector<16xf32>
    %swap3A_958 = vector.shape_cast %broadcast_in_dim3A_131 : vector<16xf32> to vector<1x16xf32>
    tpu.vector_store %arg7[%swap3A_954, %swap3A_955], %swap3A_958 {strides = array<i32>} : memref<32x128xf32, #tpu.memory_space<vmem>>, vector<1x16xf32>,
    %swap3A_959 = arith.constant 17 : i32
    %swap3A_960 = arith.index_cast %swap3A_959 : i32 to index
    %swap3A_961 = arith.constant 32 : index
    %swap3A_962 = tpu.vector_load %arg7[%swap3A_960, %swap3A_961] {strides = array<i32>} : memref<32x128xf32, #tpu.memory_space<vmem>>, vector<1x16xf32>,
    %swap3A_963 = vector.shape_cast %swap3A_962 : vector<1x16xf32> to vector<16xf32>
    %swap3A_964 = vector.shape_cast %broadcast_in_dim3A_131 : vector<16xf32> to vector<1x16xf32>
    tpu.vector_store %arg7[%swap3A_960, %swap3A_961], %swap3A_964 {strides = array<i32>} : memref<32x128xf32, #tpu.memory_space<vmem>>, vector<1x16xf32>,
    %swap3A_965 = arith.constant 17 : i32
    %swap3A_966 = arith.index_cast %swap3A_965 : i32 to index
    %swap3A_967 = arith.constant 48 : index
    %swap3A_968 = tpu.vector_load %arg7[%swap3A_966, %swap3A_967] {strides = array<i32>} : memref<32x128xf32, #tpu.memory_space<vmem>>, vector<1x16xf32>,
    %swap3A_969 = vector.shape_cast %swap3A_968 : vector<1x16xf32> to vector<16xf32>
    %swap3A_970 = vector.shape_cast %broadcast_in_dim3A_131 : vector<16xf32> to vector<1x16xf32>
    tpu.vector_store %arg7[%swap3A_966, %swap3A_967], %swap3A_970 {strides = array<i32>} : memref<32x128xf32, #tpu.memory_space<vmem>>, vector<1x16xf32>,
    %swap3A_971 = arith.constant 17 : i32
    %swap3A_972 = arith.index_cast %swap3A_971 : i32 to index
    %swap3A_973 = arith.constant 64 : index
    %swap3A_974 = tpu.vector_load %arg7[%swap3A_972, %swap3A_973] {strides = array<i32>} : memref<32x128xf32, #tpu.memory_space<vmem>>, vector<1x16xf32>,
    %swap3A_975 = vector.shape_cast %swap3A_974 : vector<1x16xf32> to vector<16xf32>
    %swap3A_976 = vector.shape_cast %broadcast_in_dim3A_131 : vector<16xf32> to vector<1x16xf32>
    tpu.vector_store %arg7[%swap3A_972, %swap3A_973], %swap3A_976 {strides = array<i32>} : memref<32x128xf32, #tpu.memory_space<vmem>>, vector<1x16xf32>,
    %swap3A_977 = arith.constant 17 : i32
    %swap3A_978 = arith.index_cast %swap3A_977 : i32 to index
    %swap3A_979 = arith.constant 80 : index
    %swap3A_980 = tpu.vector_load %arg7[%swap3A_978, %swap3A_979] {strides = array<i32>} : memref<32x128xf32, #tpu.memory_space<vmem>>, vector<1x16xf32>,
    %swap3A_981 = vector.shape_cast %swap3A_980 : vector<1x16xf32> to vector<16xf32>
    %swap3A_982 = vector.shape_cast %broadcast_in_dim3A_131 : vector<16xf32> to vector<1x16xf32>
    tpu.vector_store %arg7[%swap3A_978, %swap3A_979], %swap3A_982 {strides = array<i32>} : memref<32x128xf32, #tpu.memory_space<vmem>>, vector<1x16xf32>,
    %swap3A_983 = arith.constant 17 : i32
    %swap3A_984 = arith.index_cast %swap3A_983 : i32 to index
    %swap3A_985 = arith.constant 96 : index
    %swap3A_986 = tpu.vector_load %arg7[%swap3A_984, %swap3A_985] {strides = array<i32>} : memref<32x128xf32, #tpu.memory_space<vmem>>, vector<1x16xf32>,
    %swap3A_987 = vector.shape_cast %swap3A_986 : vector<1x16xf32> to vector<16xf32>
    %swap3A_988 = vector.shape_cast %broadcast_in_dim3A_131 : vector<16xf32> to vector<1x16xf32>
    tpu.vector_store %arg7[%swap3A_984, %swap3A_985], %swap3A_988 {strides = array<i32>} : memref<32x128xf32, #tpu.memory_space<vmem>>, vector<1x16xf32>,
    %swap3A_989 = arith.constant 17 : i32
    %swap3A_990 = arith.index_cast %swap3A_989 : i32 to index
    %swap3A_991 = arith.constant 112 : index
    %swap3A_992 = tpu.vector_load %arg7[%swap3A_990, %swap3A_991] {strides = array<i32>} : memref<32x128xf32, #tpu.memory_space<vmem>>, vector<1x16xf32>,
    %swap3A_993 = vector.shape_cast %swap3A_992 : vector<1x16xf32> to vector<16xf32>
    %swap3A_994 = vector.shape_cast %broadcast_in_dim3A_131 : vector<16xf32> to vector<1x16xf32>
    tpu.vector_store %arg7[%swap3A_990, %swap3A_991], %swap3A_994 {strides = array<i32>} : memref<32x128xf32, #tpu.memory_space<vmem>>, vector<1x16xf32>,
    %swap3A_995 = arith.constant 18 : i32
    %swap3A_996 = arith.index_cast %swap3A_995 : i32 to index
    %swap3A_997 = arith.constant 0 : index
    %swap3A_998 = tpu.vector_load %arg7[%swap3A_996, %swap3A_997] {strides = array<i32>} : memref<32x128xf32, #tpu.memory_space<vmem>>, vector<1x16xf32>,
    %swap3A_999 = vector.shape_cast %swap3A_998 : vector<1x16xf32> to vector<16xf32>
    %swap3A_1000 = vector.shape_cast %broadcast_in_dim3A_131 : vector<16xf32> to vector<1x16xf32>
    tpu.vector_store %arg7[%swap3A_996, %swap3A_997], %swap3A_1000 {strides = array<i32>} : memref<32x128xf32, #tpu.memory_space<vmem>>, vector<1x16xf32>,
    %swap3A_1001 = arith.constant 18 : i32
    %swap3A_1002 = arith.index_cast %swap3A_1001 : i32 to index
    %swap3A_1003 = arith.constant 16 : index
    %swap3A_1004 = tpu.vector_load %arg7[%swap3A_1002, %swap3A_1003] {strides = array<i32>} : memref<32x128xf32, #tpu.memory_space<vmem>>, vector<1x16xf32>,
    %swap3A_1005 = vector.shape_cast %swap3A_1004 : vector<1x16xf32> to vector<16xf32>
    %swap3A_1006 = vector.shape_cast %broadcast_in_dim3A_131 : vector<16xf32> to vector<1x16xf32>
    tpu.vector_store %arg7[%swap3A_1002, %swap3A_1003], %swap3A_1006 {strides = array<i32>} : memref<32x128xf32, #tpu.memory_space<vmem>>, vector<1x16xf32>,
    %swap3A_1007 = arith.constant 18 : i32
    %swap3A_1008 = arith.index_cast %swap3A_1007 : i32 to index
    %swap3A_1009 = arith.constant 32 : index
    %swap3A_1010 = tpu.vector_load %arg7[%swap3A_1008, %swap3A_1009] {strides = array<i32>} : memref<32x128xf32, #tpu.memory_space<vmem>>, vector<1x16xf32>,
    %swap3A_1011 = vector.shape_cast %swap3A_1010 : vector<1x16xf32> to vector<16xf32>
    %swap3A_1012 = vector.shape_cast %broadcast_in_dim3A_131 : vector<16xf32> to vector<1x16xf32>
    tpu.vector_store %arg7[%swap3A_1008, %swap3A_1009], %swap3A_1012 {strides = array<i32>} : memref<32x128xf32, #tpu.memory_space<vmem>>, vector<1x16xf32>,
    %swap3A_1013 = arith.constant 18 : i32
    %swap3A_1014 = arith.index_cast %swap3A_1013 : i32 to index
    %swap3A_1015 = arith.constant 48 : index
    %swap3A_1016 = tpu.vector_load %arg7[%swap3A_1014, %swap3A_1015] {strides = array<i32>} : memref<32x128xf32, #tpu.memory_space<vmem>>, vector<1x16xf32>,
    %swap3A_1017 = vector.shape_cast %swap3A_1016 : vector<1x16xf32> to vector<16xf32>
    %swap3A_1018 = vector.shape_cast %broadcast_in_dim3A_131 : vector<16xf32> to vector<1x16xf32>
    tpu.vector_store %arg7[%swap3A_1014, %swap3A_1015], %swap3A_1018 {strides = array<i32>} : memref<32x128xf32, #tpu.memory_space<vmem>>, vector<1x16xf32>,
    %swap3A_1019 = arith.constant 18 : i32
    %swap3A_1020 = arith.index_cast %swap3A_1019 : i32 to index
    %swap3A_1021 = arith.constant 64 : index
    %swap3A_1022 = tpu.vector_load %arg7[%swap3A_1020, %swap3A_1021] {strides = array<i32>} : memref<32x128xf32, #tpu.memory_space<vmem>>, vector<1x16xf32>,
    %swap3A_1023 = vector.shape_cast %swap3A_1022 : vector<1x16xf32> to vector<16xf32>
    %swap3A_1024 = vector.shape_cast %broadcast_in_dim3A_131 : vector<16xf32> to vector<1x16xf32>
    tpu.vector_store %arg7[%swap3A_1020, %swap3A_1021], %swap3A_1024 {strides = array<i32>} : memref<32x128xf32, #tpu.memory_space<vmem>>, vector<1x16xf32>,
    %swap3A_1025 = arith.constant 18 : i32
    %swap3A_1026 = arith.index_cast %swap3A_1025 : i32 to index
    %swap3A_1027 = arith.constant 80 : index
    %swap3A_1028 = tpu.vector_load %arg7[%swap3A_1026, %swap3A_1027] {strides = array<i32>} : memref<32x128xf32, #tpu.memory_space<vmem>>, vector<1x16xf32>,
    %swap3A_1029 = vector.shape_cast %swap3A_1028 : vector<1x16xf32> to vector<16xf32>
    %swap3A_1030 = vector.shape_cast %broadcast_in_dim3A_131 : vector<16xf32> to vector<1x16xf32>
    tpu.vector_store %arg7[%swap3A_1026, %swap3A_1027], %swap3A_1030 {strides = array<i32>} : memref<32x128xf32, #tpu.memory_space<vmem>>, vector<1x16xf32>,
    %swap3A_1031 = arith.constant 18 : i32
    %swap3A_1032 = arith.index_cast %swap3A_1031 : i32 to index
    %swap3A_1033 = arith.constant 96 : index
    %swap3A_1034 = tpu.vector_load %arg7[%swap3A_1032, %swap3A_1033] {strides = array<i32>} : memref<32x128xf32, #tpu.memory_space<vmem>>, vector<1x16xf32>,
    %swap3A_1035 = vector.shape_cast %swap3A_1034 : vector<1x16xf32> to vector<16xf32>
    %swap3A_1036 = vector.shape_cast %broadcast_in_dim3A_131 : vector<16xf32> to vector<1x16xf32>
    tpu.vector_store %arg7[%swap3A_1032, %swap3A_1033], %swap3A_1036 {strides = array<i32>} : memref<32x128xf32, #tpu.memory_space<vmem>>, vector<1x16xf32>,
    %swap3A_1037 = arith.constant 18 : i32
    %swap3A_1038 = arith.index_cast %swap3A_1037 : i32 to index
    %swap3A_1039 = arith.constant 112 : index
    %swap3A_1040 = tpu.vector_load %arg7[%swap3A_1038, %swap3A_1039] {strides = array<i32>} : memref<32x128xf32, #tpu.memory_space<vmem>>, vector<1x16xf32>,
    %swap3A_1041 = vector.shape_cast %swap3A_1040 : vector<1x16xf32> to vector<16xf32>
    %swap3A_1042 = vector.shape_cast %broadcast_in_dim3A_131 : vector<16xf32> to vector<1x16xf32>
    tpu.vector_store %arg7[%swap3A_1038, %swap3A_1039], %swap3A_1042 {strides = array<i32>} : memref<32x128xf32, #tpu.memory_space<vmem>>, vector<1x16xf32>,
    %swap3A_1043 = arith.constant 19 : i32
    %swap3A_1044 = arith.index_cast %swap3A_1043 : i32 to index
    %swap3A_1045 = arith.constant 0 : index
    %swap3A_1046 = tpu.vector_load %arg7[%swap3A_1044, %swap3A_1045] {strides = array<i32>} : memref<32x128xf32, #tpu.memory_space<vmem>>, vector<1x16xf32>,
    %swap3A_1047 = vector.shape_cast %swap3A_1046 : vector<1x16xf32> to vector<16xf32>
    %swap3A_1048 = vector.shape_cast %broadcast_in_dim3A_131 : vector<16xf32> to vector<1x16xf32>
    tpu.vector_store %arg7[%swap3A_1044, %swap3A_1045], %swap3A_1048 {strides = array<i32>} : memref<32x128xf32, #tpu.memory_space<vmem>>, vector<1x16xf32>,
    %swap3A_1049 = arith.constant 19 : i32
    %swap3A_1050 = arith.index_cast %swap3A_1049 : i32 to index
    %swap3A_1051 = arith.constant 16 : index
    %swap3A_1052 = tpu.vector_load %arg7[%swap3A_1050, %swap3A_1051] {strides = array<i32>} : memref<32x128xf32, #tpu.memory_space<vmem>>, vector<1x16xf32>,
    %swap3A_1053 = vector.shape_cast %swap3A_1052 : vector<1x16xf32> to vector<16xf32>
    %swap3A_1054 = vector.shape_cast %broadcast_in_dim3A_131 : vector<16xf32> to vector<1x16xf32>
    tpu.vector_store %arg7[%swap3A_1050, %swap3A_1051], %swap3A_1054 {strides = array<i32>} : memref<32x128xf32, #tpu.memory_space<vmem>>, vector<1x16xf32>,
    %swap3A_1055 = arith.constant 19 : i32
    %swap3A_1056 = arith.index_cast %swap3A_1055 : i32 to index
    %swap3A_1057 = arith.constant 32 : index
    %swap3A_1058 = tpu.vector_load %arg7[%swap3A_1056, %swap3A_1057] {strides = array<i32>} : memref<32x128xf32, #tpu.memory_space<vmem>>, vector<1x16xf32>,
    %swap3A_1059 = vector.shape_cast %swap3A_1058 : vector<1x16xf32> to vector<16xf32>
    %swap3A_1060 = vector.shape_cast %broadcast_in_dim3A_131 : vector<16xf32> to vector<1x16xf32>
    tpu.vector_store %arg7[%swap3A_1056, %swap3A_1057], %swap3A_1060 {strides = array<i32>} : memref<32x128xf32, #tpu.memory_space<vmem>>, vector<1x16xf32>,
    %swap3A_1061 = arith.constant 19 : i32
    %swap3A_1062 = arith.index_cast %swap3A_1061 : i32 to index
    %swap3A_1063 = arith.constant 48 : index
    %swap3A_1064 = tpu.vector_load %arg7[%swap3A_1062, %swap3A_1063] {strides = array<i32>} : memref<32x128xf32, #tpu.memory_space<vmem>>, vector<1x16xf32>,
    %swap3A_1065 = vector.shape_cast %swap3A_1064 : vector<1x16xf32> to vector<16xf32>
    %swap3A_1066 = vector.shape_cast %broadcast_in_dim3A_131 : vector<16xf32> to vector<1x16xf32>
    tpu.vector_store %arg7[%swap3A_1062, %swap3A_1063], %swap3A_1066 {strides = array<i32>} : memref<32x128xf32, #tpu.memory_space<vmem>>, vector<1x16xf32>,
    %swap3A_1067 = arith.constant 19 : i32
    %swap3A_1068 = arith.index_cast %swap3A_1067 : i32 to index
    %swap3A_1069 = arith.constant 64 : index
    %swap3A_1070 = tpu.vector_load %arg7[%swap3A_1068, %swap3A_1069] {strides = array<i32>} : memref<32x128xf32, #tpu.memory_space<vmem>>, vector<1x16xf32>,
    %swap3A_1071 = vector.shape_cast %swap3A_1070 : vector<1x16xf32> to vector<16xf32>
    %swap3A_1072 = vector.shape_cast %broadcast_in_dim3A_131 : vector<16xf32> to vector<1x16xf32>
    tpu.vector_store %arg7[%swap3A_1068, %swap3A_1069], %swap3A_1072 {strides = array<i32>} : memref<32x128xf32, #tpu.memory_space<vmem>>, vector<1x16xf32>,
    %swap3A_1073 = arith.constant 19 : i32
    %swap3A_1074 = arith.index_cast %swap3A_1073 : i32 to index
    %swap3A_1075 = arith.constant 80 : index
    %swap3A_1076 = tpu.vector_load %arg7[%swap3A_1074, %swap3A_1075] {strides = array<i32>} : memref<32x128xf32, #tpu.memory_space<vmem>>, vector<1x16xf32>,
    %swap3A_1077 = vector.shape_cast %swap3A_1076 : vector<1x16xf32> to vector<16xf32>
    %swap3A_1078 = vector.shape_cast %broadcast_in_dim3A_131 : vector<16xf32> to vector<1x16xf32>
    tpu.vector_store %arg7[%swap3A_1074, %swap3A_1075], %swap3A_1078 {strides = array<i32>} : memref<32x128xf32, #tpu.memory_space<vmem>>, vector<1x16xf32>,
    %swap3A_1079 = arith.constant 19 : i32
    %swap3A_1080 = arith.index_cast %swap3A_1079 : i32 to index
    %swap3A_1081 = arith.constant 96 : index
    %swap3A_1082 = tpu.vector_load %arg7[%swap3A_1080, %swap3A_1081] {strides = array<i32>} : memref<32x128xf32, #tpu.memory_space<vmem>>, vector<1x16xf32>,
    %swap3A_1083 = vector.shape_cast %swap3A_1082 : vector<1x16xf32> to vector<16xf32>
    %swap3A_1084 = vector.shape_cast %broadcast_in_dim3A_131 : vector<16xf32> to vector<1x16xf32>
    tpu.vector_store %arg7[%swap3A_1080, %swap3A_1081], %swap3A_1084 {strides = array<i32>} : memref<32x128xf32, #tpu.memory_space<vmem>>, vector<1x16xf32>,
    %swap3A_1085 = arith.constant 19 : i32
    %swap3A_1086 = arith.index_cast %swap3A_1085 : i32 to index
    %swap3A_1087 = arith.constant 112 : index
    %swap3A_1088 = tpu.vector_load %arg7[%swap3A_1086, %swap3A_1087] {strides = array<i32>} : memref<32x128xf32, #tpu.memory_space<vmem>>, vector<1x16xf32>,
    %swap3A_1089 = vector.shape_cast %swap3A_1088 : vector<1x16xf32> to vector<16xf32>
    %swap3A_1090 = vector.shape_cast %broadcast_in_dim3A_131 : vector<16xf32> to vector<1x16xf32>
    tpu.vector_store %arg7[%swap3A_1086, %swap3A_1087], %swap3A_1090 {strides = array<i32>} : memref<32x128xf32, #tpu.memory_space<vmem>>, vector<1x16xf32>,
    %swap3A_1091 = arith.constant 20 : i32
    %swap3A_1092 = arith.index_cast %swap3A_1091 : i32 to index
    %swap3A_1093 = arith.constant 0 : index
    %swap3A_1094 = tpu.vector_load %arg7[%swap3A_1092, %swap3A_1093] {strides = array<i32>} : memref<32x128xf32, #tpu.memory_space<vmem>>, vector<1x16xf32>,
    %swap3A_1095 = vector.shape_cast %swap3A_1094 : vector<1x16xf32> to vector<16xf32>
    %swap3A_1096 = vector.shape_cast %broadcast_in_dim3A_131 : vector<16xf32> to vector<1x16xf32>
    tpu.vector_store %arg7[%swap3A_1092, %swap3A_1093], %swap3A_1096 {strides = array<i32>} : memref<32x128xf32, #tpu.memory_space<vmem>>, vector<1x16xf32>,
    %swap3A_1097 = arith.constant 20 : i32
    %swap3A_1098 = arith.index_cast %swap3A_1097 : i32 to index
    %swap3A_1099 = arith.constant 16 : index
    %swap3A_1100 = tpu.vector_load %arg7[%swap3A_1098, %swap3A_1099] {strides = array<i32>} : memref<32x128xf32, #tpu.memory_space<vmem>>, vector<1x16xf32>,
    %swap3A_1101 = vector.shape_cast %swap3A_1100 : vector<1x16xf32> to vector<16xf32>
    %swap3A_1102 = vector.shape_cast %broadcast_in_dim3A_131 : vector<16xf32> to vector<1x16xf32>
    tpu.vector_store %arg7[%swap3A_1098, %swap3A_1099], %swap3A_1102 {strides = array<i32>} : memref<32x128xf32, #tpu.memory_space<vmem>>, vector<1x16xf32>,
    %swap3A_1103 = arith.constant 20 : i32
    %swap3A_1104 = arith.index_cast %swap3A_1103 : i32 to index
    %swap3A_1105 = arith.constant 32 : index
    %swap3A_1106 = tpu.vector_load %arg7[%swap3A_1104, %swap3A_1105] {strides = array<i32>} : memref<32x128xf32, #tpu.memory_space<vmem>>, vector<1x16xf32>,
    %swap3A_1107 = vector.shape_cast %swap3A_1106 : vector<1x16xf32> to vector<16xf32>
    %swap3A_1108 = vector.shape_cast %broadcast_in_dim3A_131 : vector<16xf32> to vector<1x16xf32>
    tpu.vector_store %arg7[%swap3A_1104, %swap3A_1105], %swap3A_1108 {strides = array<i32>} : memref<32x128xf32, #tpu.memory_space<vmem>>, vector<1x16xf32>,
    %swap3A_1109 = arith.constant 20 : i32
    %swap3A_1110 = arith.index_cast %swap3A_1109 : i32 to index
    %swap3A_1111 = arith.constant 48 : index
    %swap3A_1112 = tpu.vector_load %arg7[%swap3A_1110, %swap3A_1111] {strides = array<i32>} : memref<32x128xf32, #tpu.memory_space<vmem>>, vector<1x16xf32>,
    %swap3A_1113 = vector.shape_cast %swap3A_1112 : vector<1x16xf32> to vector<16xf32>
    %swap3A_1114 = vector.shape_cast %broadcast_in_dim3A_131 : vector<16xf32> to vector<1x16xf32>
    tpu.vector_store %arg7[%swap3A_1110, %swap3A_1111], %swap3A_1114 {strides = array<i32>} : memref<32x128xf32, #tpu.memory_space<vmem>>, vector<1x16xf32>,
    %swap3A_1115 = arith.constant 20 : i32
    %swap3A_1116 = arith.index_cast %swap3A_1115 : i32 to index
    %swap3A_1117 = arith.constant 64 : index
    %swap3A_1118 = tpu.vector_load %arg7[%swap3A_1116, %swap3A_1117] {strides = array<i32>} : memref<32x128xf32, #tpu.memory_space<vmem>>, vector<1x16xf32>,
    %swap3A_1119 = vector.shape_cast %swap3A_1118 : vector<1x16xf32> to vector<16xf32>
    %swap3A_1120 = vector.shape_cast %broadcast_in_dim3A_131 : vector<16xf32> to vector<1x16xf32>
    tpu.vector_store %arg7[%swap3A_1116, %swap3A_1117], %swap3A_1120 {strides = array<i32>} : memref<32x128xf32, #tpu.memory_space<vmem>>, vector<1x16xf32>,
    %swap3A_1121 = arith.constant 20 : i32
    %swap3A_1122 = arith.index_cast %swap3A_1121 : i32 to index
    %swap3A_1123 = arith.constant 80 : index
    %swap3A_1124 = tpu.vector_load %arg7[%swap3A_1122, %swap3A_1123] {strides = array<i32>} : memref<32x128xf32, #tpu.memory_space<vmem>>, vector<1x16xf32>,
    %swap3A_1125 = vector.shape_cast %swap3A_1124 : vector<1x16xf32> to vector<16xf32>
    %swap3A_1126 = vector.shape_cast %broadcast_in_dim3A_131 : vector<16xf32> to vector<1x16xf32>
    tpu.vector_store %arg7[%swap3A_1122, %swap3A_1123], %swap3A_1126 {strides = array<i32>} : memref<32x128xf32, #tpu.memory_space<vmem>>, vector<1x16xf32>,
    %swap3A_1127 = arith.constant 20 : i32
    %swap3A_1128 = arith.index_cast %swap3A_1127 : i32 to index
    %swap3A_1129 = arith.constant 96 : index
    %swap3A_1130 = tpu.vector_load %arg7[%swap3A_1128, %swap3A_1129] {strides = array<i32>} : memref<32x128xf32, #tpu.memory_space<vmem>>, vector<1x16xf32>,
    %swap3A_1131 = vector.shape_cast %swap3A_1130 : vector<1x16xf32> to vector<16xf32>
    %swap3A_1132 = vector.shape_cast %broadcast_in_dim3A_131 : vector<16xf32> to vector<1x16xf32>
    tpu.vector_store %arg7[%swap3A_1128, %swap3A_1129], %swap3A_1132 {strides = array<i32>} : memref<32x128xf32, #tpu.memory_space<vmem>>, vector<1x16xf32>,
    %swap3A_1133 = arith.constant 20 : i32
    %swap3A_1134 = arith.index_cast %swap3A_1133 : i32 to index
    %swap3A_1135 = arith.constant 112 : index
    %swap3A_1136 = tpu.vector_load %arg7[%swap3A_1134, %swap3A_1135] {strides = array<i32>} : memref<32x128xf32, #tpu.memory_space<vmem>>, vector<1x16xf32>,
    %swap3A_1137 = vector.shape_cast %swap3A_1136 : vector<1x16xf32> to vector<16xf32>
    %swap3A_1138 = vector.shape_cast %broadcast_in_dim3A_131 : vector<16xf32> to vector<1x16xf32>
    tpu.vector_store %arg7[%swap3A_1134, %swap3A_1135], %swap3A_1138 {strides = array<i32>} : memref<32x128xf32, #tpu.memory_space<vmem>>, vector<1x16xf32>,
    %swap3A_1139 = arith.constant 21 : i32
    %swap3A_1140 = arith.index_cast %swap3A_1139 : i32 to index
    %swap3A_1141 = arith.constant 0 : index
    %swap3A_1142 = tpu.vector_load %arg7[%swap3A_1140, %swap3A_1141] {strides = array<i32>} : memref<32x128xf32, #tpu.memory_space<vmem>>, vector<1x16xf32>,
    %swap3A_1143 = vector.shape_cast %swap3A_1142 : vector<1x16xf32> to vector<16xf32>
    %swap3A_1144 = vector.shape_cast %broadcast_in_dim3A_131 : vector<16xf32> to vector<1x16xf32>
    tpu.vector_store %arg7[%swap3A_1140, %swap3A_1141], %swap3A_1144 {strides = array<i32>} : memref<32x128xf32, #tpu.memory_space<vmem>>, vector<1x16xf32>,
    %swap3A_1145 = arith.constant 21 : i32
    %swap3A_1146 = arith.index_cast %swap3A_1145 : i32 to index
    %swap3A_1147 = arith.constant 16 : index
    %swap3A_1148 = tpu.vector_load %arg7[%swap3A_1146, %swap3A_1147] {strides = array<i32>} : memref<32x128xf32, #tpu.memory_space<vmem>>, vector<1x16xf32>,
    %swap3A_1149 = vector.shape_cast %swap3A_1148 : vector<1x16xf32> to vector<16xf32>
    %swap3A_1150 = vector.shape_cast %broadcast_in_dim3A_131 : vector<16xf32> to vector<1x16xf32>
    tpu.vector_store %arg7[%swap3A_1146, %swap3A_1147], %swap3A_1150 {strides = array<i32>} : memref<32x128xf32, #tpu.memory_space<vmem>>, vector<1x16xf32>,
    %swap3A_1151 = arith.constant 21 : i32
    %swap3A_1152 = arith.index_cast %swap3A_1151 : i32 to index
    %swap3A_1153 = arith.constant 32 : index
    %swap3A_1154 = tpu.vector_load %arg7[%swap3A_1152, %swap3A_1153] {strides = array<i32>} : memref<32x128xf32, #tpu.memory_space<vmem>>, vector<1x16xf32>,
    %swap3A_1155 = vector.shape_cast %swap3A_1154 : vector<1x16xf32> to vector<16xf32>
    %swap3A_1156 = vector.shape_cast %broadcast_in_dim3A_131 : vector<16xf32> to vector<1x16xf32>
    tpu.vector_store %arg7[%swap3A_1152, %swap3A_1153], %swap3A_1156 {strides = array<i32>} : memref<32x128xf32, #tpu.memory_space<vmem>>, vector<1x16xf32>,
    %swap3A_1157 = arith.constant 21 : i32
    %swap3A_1158 = arith.index_cast %swap3A_1157 : i32 to index
    %swap3A_1159 = arith.constant 48 : index
    %swap3A_1160 = tpu.vector_load %arg7[%swap3A_1158, %swap3A_1159] {strides = array<i32>} : memref<32x128xf32, #tpu.memory_space<vmem>>, vector<1x16xf32>,
    %swap3A_1161 = vector.shape_cast %swap3A_1160 : vector<1x16xf32> to vector<16xf32>
    %swap3A_1162 = vector.shape_cast %broadcast_in_dim3A_131 : vector<16xf32> to vector<1x16xf32>
    tpu.vector_store %arg7[%swap3A_1158, %swap3A_1159], %swap3A_1162 {strides = array<i32>} : memref<32x128xf32, #tpu.memory_space<vmem>>, vector<1x16xf32>,
    %swap3A_1163 = arith.constant 21 : i32
    %swap3A_1164 = arith.index_cast %swap3A_1163 : i32 to index
    %swap3A_1165 = arith.constant 64 : index
    %swap3A_1166 = tpu.vector_load %arg7[%swap3A_1164, %swap3A_1165] {strides = array<i32>} : memref<32x128xf32, #tpu.memory_space<vmem>>, vector<1x16xf32>,
    %swap3A_1167 = vector.shape_cast %swap3A_1166 : vector<1x16xf32> to vector<16xf32>
    %swap3A_1168 = vector.shape_cast %broadcast_in_dim3A_131 : vector<16xf32> to vector<1x16xf32>
    tpu.vector_store %arg7[%swap3A_1164, %swap3A_1165], %swap3A_1168 {strides = array<i32>} : memref<32x128xf32, #tpu.memory_space<vmem>>, vector<1x16xf32>,
    %swap3A_1169 = arith.constant 21 : i32
    %swap3A_1170 = arith.index_cast %swap3A_1169 : i32 to index
    %swap3A_1171 = arith.constant 80 : index
    %swap3A_1172 = tpu.vector_load %arg7[%swap3A_1170, %swap3A_1171] {strides = array<i32>} : memref<32x128xf32, #tpu.memory_space<vmem>>, vector<1x16xf32>,
    %swap3A_1173 = vector.shape_cast %swap3A_1172 : vector<1x16xf32> to vector<16xf32>
    %swap3A_1174 = vector.shape_cast %broadcast_in_dim3A_131 : vector<16xf32> to vector<1x16xf32>
    tpu.vector_store %arg7[%swap3A_1170, %swap3A_1171], %swap3A_1174 {strides = array<i32>} : memref<32x128xf32, #tpu.memory_space<vmem>>, vector<1x16xf32>,
    %swap3A_1175 = arith.constant 21 : i32
    %swap3A_1176 = arith.index_cast %swap3A_1175 : i32 to index
    %swap3A_1177 = arith.constant 96 : index
    %swap3A_1178 = tpu.vector_load %arg7[%swap3A_1176, %swap3A_1177] {strides = array<i32>} : memref<32x128xf32, #tpu.memory_space<vmem>>, vector<1x16xf32>,
    %swap3A_1179 = vector.shape_cast %swap3A_1178 : vector<1x16xf32> to vector<16xf32>
    %swap3A_1180 = vector.shape_cast %broadcast_in_dim3A_131 : vector<16xf32> to vector<1x16xf32>
    tpu.vector_store %arg7[%swap3A_1176, %swap3A_1177], %swap3A_1180 {strides = array<i32>} : memref<32x128xf32, #tpu.memory_space<vmem>>, vector<1x16xf32>,
    %swap3A_1181 = arith.constant 21 : i32
    %swap3A_1182 = arith.index_cast %swap3A_1181 : i32 to index
    %swap3A_1183 = arith.constant 112 : index
    %swap3A_1184 = tpu.vector_load %arg7[%swap3A_1182, %swap3A_1183] {strides = array<i32>} : memref<32x128xf32, #tpu.memory_space<vmem>>, vector<1x16xf32>,
    %swap3A_1185 = vector.shape_cast %swap3A_1184 : vector<1x16xf32> to vector<16xf32>
    %swap3A_1186 = vector.shape_cast %broadcast_in_dim3A_131 : vector<16xf32> to vector<1x16xf32>
    tpu.vector_store %arg7[%swap3A_1182, %swap3A_1183], %swap3A_1186 {strides = array<i32>} : memref<32x128xf32, #tpu.memory_space<vmem>>, vector<1x16xf32>,
    %swap3A_1187 = arith.constant 22 : i32
    %swap3A_1188 = arith.index_cast %swap3A_1187 : i32 to index
    %swap3A_1189 = arith.constant 0 : index
    %swap3A_1190 = tpu.vector_load %arg7[%swap3A_1188, %swap3A_1189] {strides = array<i32>} : memref<32x128xf32, #tpu.memory_space<vmem>>, vector<1x16xf32>,
    %swap3A_1191 = vector.shape_cast %swap3A_1190 : vector<1x16xf32> to vector<16xf32>
    %swap3A_1192 = vector.shape_cast %broadcast_in_dim3A_131 : vector<16xf32> to vector<1x16xf32>
    tpu.vector_store %arg7[%swap3A_1188, %swap3A_1189], %swap3A_1192 {strides = array<i32>} : memref<32x128xf32, #tpu.memory_space<vmem>>, vector<1x16xf32>,
    %swap3A_1193 = arith.constant 22 : i32
    %swap3A_1194 = arith.index_cast %swap3A_1193 : i32 to index
    %swap3A_1195 = arith.constant 16 : index
    %swap3A_1196 = tpu.vector_load %arg7[%swap3A_1194, %swap3A_1195] {strides = array<i32>} : memref<32x128xf32, #tpu.memory_space<vmem>>, vector<1x16xf32>,
    %swap3A_1197 = vector.shape_cast %swap3A_1196 : vector<1x16xf32> to vector<16xf32>
    %swap3A_1198 = vector.shape_cast %broadcast_in_dim3A_131 : vector<16xf32> to vector<1x16xf32>
    tpu.vector_store %arg7[%swap3A_1194, %swap3A_1195], %swap3A_1198 {strides = array<i32>} : memref<32x128xf32, #tpu.memory_space<vmem>>, vector<1x16xf32>,
    %swap3A_1199 = arith.constant 22 : i32
    %swap3A_1200 = arith.index_cast %swap3A_1199 : i32 to index
    %swap3A_1201 = arith.constant 32 : index
    %swap3A_1202 = tpu.vector_load %arg7[%swap3A_1200, %swap3A_1201] {strides = array<i32>} : memref<32x128xf32, #tpu.memory_space<vmem>>, vector<1x16xf32>,
    %swap3A_1203 = vector.shape_cast %swap3A_1202 : vector<1x16xf32> to vector<16xf32>
    %swap3A_1204 = vector.shape_cast %broadcast_in_dim3A_131 : vector<16xf32> to vector<1x16xf32>
    tpu.vector_store %arg7[%swap3A_1200, %swap3A_1201], %swap3A_1204 {strides = array<i32>} : memref<32x128xf32, #tpu.memory_space<vmem>>, vector<1x16xf32>,
    %swap3A_1205 = arith.constant 22 : i32
    %swap3A_1206 = arith.index_cast %swap3A_1205 : i32 to index
    %swap3A_1207 = arith.constant 48 : index
    %swap3A_1208 = tpu.vector_load %arg7[%swap3A_1206, %swap3A_1207] {strides = array<i32>} : memref<32x128xf32, #tpu.memory_space<vmem>>, vector<1x16xf32>,
    %swap3A_1209 = vector.shape_cast %swap3A_1208 : vector<1x16xf32> to vector<16xf32>
    %swap3A_1210 = vector.shape_cast %broadcast_in_dim3A_131 : vector<16xf32> to vector<1x16xf32>
    tpu.vector_store %arg7[%swap3A_1206, %swap3A_1207], %swap3A_1210 {strides = array<i32>} : memref<32x128xf32, #tpu.memory_space<vmem>>, vector<1x16xf32>,
    %swap3A_1211 = arith.constant 22 : i32
    %swap3A_1212 = arith.index_cast %swap3A_1211 : i32 to index
    %swap3A_1213 = arith.constant 64 : index
    %swap3A_1214 = tpu.vector_load %arg7[%swap3A_1212, %swap3A_1213] {strides = array<i32>} : memref<32x128xf32, #tpu.memory_space<vmem>>, vector<1x16xf32>,
    %swap3A_1215 = vector.shape_cast %swap3A_1214 : vector<1x16xf32> to vector<16xf32>
    %swap3A_1216 = vector.shape_cast %broadcast_in_dim3A_131 : vector<16xf32> to vector<1x16xf32>
    tpu.vector_store %arg7[%swap3A_1212, %swap3A_1213], %swap3A_1216 {strides = array<i32>} : memref<32x128xf32, #tpu.memory_space<vmem>>, vector<1x16xf32>,
    %swap3A_1217 = arith.constant 22 : i32
    %swap3A_1218 = arith.index_cast %swap3A_1217 : i32 to index
    %swap3A_1219 = arith.constant 80 : index
    %swap3A_1220 = tpu.vector_load %arg7[%swap3A_1218, %swap3A_1219] {strides = array<i32>} : memref<32x128xf32, #tpu.memory_space<vmem>>, vector<1x16xf32>,
    %swap3A_1221 = vector.shape_cast %swap3A_1220 : vector<1x16xf32> to vector<16xf32>
    %swap3A_1222 = vector.shape_cast %broadcast_in_dim3A_131 : vector<16xf32> to vector<1x16xf32>
    tpu.vector_store %arg7[%swap3A_1218, %swap3A_1219], %swap3A_1222 {strides = array<i32>} : memref<32x128xf32, #tpu.memory_space<vmem>>, vector<1x16xf32>,
    %swap3A_1223 = arith.constant 22 : i32
    %swap3A_1224 = arith.index_cast %swap3A_1223 : i32 to index
    %swap3A_1225 = arith.constant 96 : index
    %swap3A_1226 = tpu.vector_load %arg7[%swap3A_1224, %swap3A_1225] {strides = array<i32>} : memref<32x128xf32, #tpu.memory_space<vmem>>, vector<1x16xf32>,
    %swap3A_1227 = vector.shape_cast %swap3A_1226 : vector<1x16xf32> to vector<16xf32>
    %swap3A_1228 = vector.shape_cast %broadcast_in_dim3A_131 : vector<16xf32> to vector<1x16xf32>
    tpu.vector_store %arg7[%swap3A_1224, %swap3A_1225], %swap3A_1228 {strides = array<i32>} : memref<32x128xf32, #tpu.memory_space<vmem>>, vector<1x16xf32>,
    %swap3A_1229 = arith.constant 22 : i32
    %swap3A_1230 = arith.index_cast %swap3A_1229 : i32 to index
    %swap3A_1231 = arith.constant 112 : index
    %swap3A_1232 = tpu.vector_load %arg7[%swap3A_1230, %swap3A_1231] {strides = array<i32>} : memref<32x128xf32, #tpu.memory_space<vmem>>, vector<1x16xf32>,
    %swap3A_1233 = vector.shape_cast %swap3A_1232 : vector<1x16xf32> to vector<16xf32>
    %swap3A_1234 = vector.shape_cast %broadcast_in_dim3A_131 : vector<16xf32> to vector<1x16xf32>
    tpu.vector_store %arg7[%swap3A_1230, %swap3A_1231], %swap3A_1234 {strides = array<i32>} : memref<32x128xf32, #tpu.memory_space<vmem>>, vector<1x16xf32>,
    %swap3A_1235 = arith.constant 23 : i32
    %swap3A_1236 = arith.index_cast %swap3A_1235 : i32 to index
    %swap3A_1237 = arith.constant 0 : index
    %swap3A_1238 = tpu.vector_load %arg7[%swap3A_1236, %swap3A_1237] {strides = array<i32>} : memref<32x128xf32, #tpu.memory_space<vmem>>, vector<1x16xf32>,
    %swap3A_1239 = vector.shape_cast %swap3A_1238 : vector<1x16xf32> to vector<16xf32>
    %swap3A_1240 = vector.shape_cast %broadcast_in_dim3A_131 : vector<16xf32> to vector<1x16xf32>
    tpu.vector_store %arg7[%swap3A_1236, %swap3A_1237], %swap3A_1240 {strides = array<i32>} : memref<32x128xf32, #tpu.memory_space<vmem>>, vector<1x16xf32>,
    %swap3A_1241 = arith.constant 23 : i32
    %swap3A_1242 = arith.index_cast %swap3A_1241 : i32 to index
    %swap3A_1243 = arith.constant 16 : index
    %swap3A_1244 = tpu.vector_load %arg7[%swap3A_1242, %swap3A_1243] {strides = array<i32>} : memref<32x128xf32, #tpu.memory_space<vmem>>, vector<1x16xf32>,
    %swap3A_1245 = vector.shape_cast %swap3A_1244 : vector<1x16xf32> to vector<16xf32>
    %swap3A_1246 = vector.shape_cast %broadcast_in_dim3A_131 : vector<16xf32> to vector<1x16xf32>
    tpu.vector_store %arg7[%swap3A_1242, %swap3A_1243], %swap3A_1246 {strides = array<i32>} : memref<32x128xf32, #tpu.memory_space<vmem>>, vector<1x16xf32>,
    %swap3A_1247 = arith.constant 23 : i32
    %swap3A_1248 = arith.index_cast %swap3A_1247 : i32 to index
    %swap3A_1249 = arith.constant 32 : index
    %swap3A_1250 = tpu.vector_load %arg7[%swap3A_1248, %swap3A_1249] {strides = array<i32>} : memref<32x128xf32, #tpu.memory_space<vmem>>, vector<1x16xf32>,
    %swap3A_1251 = vector.shape_cast %swap3A_1250 : vector<1x16xf32> to vector<16xf32>
    %swap3A_1252 = vector.shape_cast %broadcast_in_dim3A_131 : vector<16xf32> to vector<1x16xf32>
    tpu.vector_store %arg7[%swap3A_1248, %swap3A_1249], %swap3A_1252 {strides = array<i32>} : memref<32x128xf32, #tpu.memory_space<vmem>>, vector<1x16xf32>,
    %swap3A_1253 = arith.constant 23 : i32
    %swap3A_1254 = arith.index_cast %swap3A_1253 : i32 to index
    %swap3A_1255 = arith.constant 48 : index
    %swap3A_1256 = tpu.vector_load %arg7[%swap3A_1254, %swap3A_1255] {strides = array<i32>} : memref<32x128xf32, #tpu.memory_space<vmem>>, vector<1x16xf32>,
    %swap3A_1257 = vector.shape_cast %swap3A_1256 : vector<1x16xf32> to vector<16xf32>
    %swap3A_1258 = vector.shape_cast %broadcast_in_dim3A_131 : vector<16xf32> to vector<1x16xf32>
    tpu.vector_store %arg7[%swap3A_1254, %swap3A_1255], %swap3A_1258 {strides = array<i32>} : memref<32x128xf32, #tpu.memory_space<vmem>>, vector<1x16xf32>,
    %swap3A_1259 = arith.constant 23 : i32
    %swap3A_1260 = arith.index_cast %swap3A_1259 : i32 to index
    %swap3A_1261 = arith.constant 64 : index
    %swap3A_1262 = tpu.vector_load %arg7[%swap3A_1260, %swap3A_1261] {strides = array<i32>} : memref<32x128xf32, #tpu.memory_space<vmem>>, vector<1x16xf32>,
    %swap3A_1263 = vector.shape_cast %swap3A_1262 : vector<1x16xf32> to vector<16xf32>
    %swap3A_1264 = vector.shape_cast %broadcast_in_dim3A_131 : vector<16xf32> to vector<1x16xf32>
    tpu.vector_store %arg7[%swap3A_1260, %swap3A_1261], %swap3A_1264 {strides = array<i32>} : memref<32x128xf32, #tpu.memory_space<vmem>>, vector<1x16xf32>,
    %swap3A_1265 = arith.constant 23 : i32
    %swap3A_1266 = arith.index_cast %swap3A_1265 : i32 to index
    %swap3A_1267 = arith.constant 80 : index
    %swap3A_1268 = tpu.vector_load %arg7[%swap3A_1266, %swap3A_1267] {strides = array<i32>} : memref<32x128xf32, #tpu.memory_space<vmem>>, vector<1x16xf32>,
    %swap3A_1269 = vector.shape_cast %swap3A_1268 : vector<1x16xf32> to vector<16xf32>
    %swap3A_1270 = vector.shape_cast %broadcast_in_dim3A_131 : vector<16xf32> to vector<1x16xf32>
    tpu.vector_store %arg7[%swap3A_1266, %swap3A_1267], %swap3A_1270 {strides = array<i32>} : memref<32x128xf32, #tpu.memory_space<vmem>>, vector<1x16xf32>,
    %swap3A_1271 = arith.constant 23 : i32
    %swap3A_1272 = arith.index_cast %swap3A_1271 : i32 to index
    %swap3A_1273 = arith.constant 96 : index
    %swap3A_1274 = tpu.vector_load %arg7[%swap3A_1272, %swap3A_1273] {strides = array<i32>} : memref<32x128xf32, #tpu.memory_space<vmem>>, vector<1x16xf32>,
    %swap3A_1275 = vector.shape_cast %swap3A_1274 : vector<1x16xf32> to vector<16xf32>
    %swap3A_1276 = vector.shape_cast %broadcast_in_dim3A_131 : vector<16xf32> to vector<1x16xf32>
    tpu.vector_store %arg7[%swap3A_1272, %swap3A_1273], %swap3A_1276 {strides = array<i32>} : memref<32x128xf32, #tpu.memory_space<vmem>>, vector<1x16xf32>,
    %swap3A_1277 = arith.constant 23 : i32
    %swap3A_1278 = arith.index_cast %swap3A_1277 : i32 to index
    %swap3A_1279 = arith.constant 112 : index
    %swap3A_1280 = tpu.vector_load %arg7[%swap3A_1278, %swap3A_1279] {strides = array<i32>} : memref<32x128xf32, #tpu.memory_space<vmem>>, vector<1x16xf32>,
    %swap3A_1281 = vector.shape_cast %swap3A_1280 : vector<1x16xf32> to vector<16xf32>
    %swap3A_1282 = vector.shape_cast %broadcast_in_dim3A_131 : vector<16xf32> to vector<1x16xf32>
    tpu.vector_store %arg7[%swap3A_1278, %swap3A_1279], %swap3A_1282 {strides = array<i32>} : memref<32x128xf32, #tpu.memory_space<vmem>>, vector<1x16xf32>,
    %swap3A_1283 = arith.constant 24 : i32
    %swap3A_1284 = arith.index_cast %swap3A_1283 : i32 to index
    %swap3A_1285 = arith.constant 0 : index
    %swap3A_1286 = tpu.vector_load %arg7[%swap3A_1284, %swap3A_1285] {strides = array<i32>} : memref<32x128xf32, #tpu.memory_space<vmem>>, vector<1x16xf32>,
    %swap3A_1287 = vector.shape_cast %swap3A_1286 : vector<1x16xf32> to vector<16xf32>
    %swap3A_1288 = vector.shape_cast %broadcast_in_dim3A_131 : vector<16xf32> to vector<1x16xf32>
    tpu.vector_store %arg7[%swap3A_1284, %swap3A_1285], %swap3A_1288 {strides = array<i32>} : memref<32x128xf32, #tpu.memory_space<vmem>>, vector<1x16xf32>,
    %swap3A_1289 = arith.constant 24 : i32
    %swap3A_1290 = arith.index_cast %swap3A_1289 : i32 to index
    %swap3A_1291 = arith.constant 16 : index
    %swap3A_1292 = tpu.vector_load %arg7[%swap3A_1290, %swap3A_1291] {strides = array<i32>} : memref<32x128xf32, #tpu.memory_space<vmem>>, vector<1x16xf32>,
    %swap3A_1293 = vector.shape_cast %swap3A_1292 : vector<1x16xf32> to vector<16xf32>
    %swap3A_1294 = vector.shape_cast %broadcast_in_dim3A_131 : vector<16xf32> to vector<1x16xf32>
    tpu.vector_store %arg7[%swap3A_1290, %swap3A_1291], %swap3A_1294 {strides = array<i32>} : memref<32x128xf32, #tpu.memory_space<vmem>>, vector<1x16xf32>,
    %swap3A_1295 = arith.constant 24 : i32
    %swap3A_1296 = arith.index_cast %swap3A_1295 : i32 to index
    %swap3A_1297 = arith.constant 32 : index
    %swap3A_1298 = tpu.vector_load %arg7[%swap3A_1296, %swap3A_1297] {strides = array<i32>} : memref<32x128xf32, #tpu.memory_space<vmem>>, vector<1x16xf32>,
    %swap3A_1299 = vector.shape_cast %swap3A_1298 : vector<1x16xf32> to vector<16xf32>
    %swap3A_1300 = vector.shape_cast %broadcast_in_dim3A_131 : vector<16xf32> to vector<1x16xf32>
    tpu.vector_store %arg7[%swap3A_1296, %swap3A_1297], %swap3A_1300 {strides = array<i32>} : memref<32x128xf32, #tpu.memory_space<vmem>>, vector<1x16xf32>,
    %swap3A_1301 = arith.constant 24 : i32
    %swap3A_1302 = arith.index_cast %swap3A_1301 : i32 to index
    %swap3A_1303 = arith.constant 48 : index
    %swap3A_1304 = tpu.vector_load %arg7[%swap3A_1302, %swap3A_1303] {strides = array<i32>} : memref<32x128xf32, #tpu.memory_space<vmem>>, vector<1x16xf32>,
    %swap3A_1305 = vector.shape_cast %swap3A_1304 : vector<1x16xf32> to vector<16xf32>
    %swap3A_1306 = vector.shape_cast %broadcast_in_dim3A_131 : vector<16xf32> to vector<1x16xf32>
    tpu.vector_store %arg7[%swap3A_1302, %swap3A_1303], %swap3A_1306 {strides = array<i32>} : memref<32x128xf32, #tpu.memory_space<vmem>>, vector<1x16xf32>,
    %swap3A_1307 = arith.constant 24 : i32
    %swap3A_1308 = arith.index_cast %swap3A_1307 : i32 to index
    %swap3A_1309 = arith.constant 64 : index
    %swap3A_1310 = tpu.vector_load %arg7[%swap3A_1308, %swap3A_1309] {strides = array<i32>} : memref<32x128xf32, #tpu.memory_space<vmem>>, vector<1x16xf32>,
    %swap3A_1311 = vector.shape_cast %swap3A_1310 : vector<1x16xf32> to vector<16xf32>
    %swap3A_1312 = vector.shape_cast %broadcast_in_dim3A_131 : vector<16xf32> to vector<1x16xf32>
    tpu.vector_store %arg7[%swap3A_1308, %swap3A_1309], %swap3A_1312 {strides = array<i32>} : memref<32x128xf32, #tpu.memory_space<vmem>>, vector<1x16xf32>,
    %swap3A_1313 = arith.constant 24 : i32
    %swap3A_1314 = arith.index_cast %swap3A_1313 : i32 to index
    %swap3A_1315 = arith.constant 80 : index
    %swap3A_1316 = tpu.vector_load %arg7[%swap3A_1314, %swap3A_1315] {strides = array<i32>} : memref<32x128xf32, #tpu.memory_space<vmem>>, vector<1x16xf32>,
    %swap3A_1317 = vector.shape_cast %swap3A_1316 : vector<1x16xf32> to vector<16xf32>
    %swap3A_1318 = vector.shape_cast %broadcast_in_dim3A_131 : vector<16xf32> to vector<1x16xf32>
    tpu.vector_store %arg7[%swap3A_1314, %swap3A_1315], %swap3A_1318 {strides = array<i32>} : memref<32x128xf32, #tpu.memory_space<vmem>>, vector<1x16xf32>,
    %swap3A_1319 = arith.constant 24 : i32
    %swap3A_1320 = arith.index_cast %swap3A_1319 : i32 to index
    %swap3A_1321 = arith.constant 96 : index
    %swap3A_1322 = tpu.vector_load %arg7[%swap3A_1320, %swap3A_1321] {strides = array<i32>} : memref<32x128xf32, #tpu.memory_space<vmem>>, vector<1x16xf32>,
    %swap3A_1323 = vector.shape_cast %swap3A_1322 : vector<1x16xf32> to vector<16xf32>
    %swap3A_1324 = vector.shape_cast %broadcast_in_dim3A_131 : vector<16xf32> to vector<1x16xf32>
    tpu.vector_store %arg7[%swap3A_1320, %swap3A_1321], %swap3A_1324 {strides = array<i32>} : memref<32x128xf32, #tpu.memory_space<vmem>>, vector<1x16xf32>,
    %swap3A_1325 = arith.constant 24 : i32
    %swap3A_1326 = arith.index_cast %swap3A_1325 : i32 to index
    %swap3A_1327 = arith.constant 112 : index
    %swap3A_1328 = tpu.vector_load %arg7[%swap3A_1326, %swap3A_1327] {strides = array<i32>} : memref<32x128xf32, #tpu.memory_space<vmem>>, vector<1x16xf32>,
    %swap3A_1329 = vector.shape_cast %swap3A_1328 : vector<1x16xf32> to vector<16xf32>
    %swap3A_1330 = vector.shape_cast %broadcast_in_dim3A_131 : vector<16xf32> to vector<1x16xf32>
    tpu.vector_store %arg7[%swap3A_1326, %swap3A_1327], %swap3A_1330 {strides = array<i32>} : memref<32x128xf32, #tpu.memory_space<vmem>>, vector<1x16xf32>,
    %swap3A_1331 = arith.constant 25 : i32
    %swap3A_1332 = arith.index_cast %swap3A_1331 : i32 to index
    %swap3A_1333 = arith.constant 0 : index
    %swap3A_1334 = tpu.vector_load %arg7[%swap3A_1332, %swap3A_1333] {strides = array<i32>} : memref<32x128xf32, #tpu.memory_space<vmem>>, vector<1x16xf32>,
    %swap3A_1335 = vector.shape_cast %swap3A_1334 : vector<1x16xf32> to vector<16xf32>
    %swap3A_1336 = vector.shape_cast %broadcast_in_dim3A_131 : vector<16xf32> to vector<1x16xf32>
    tpu.vector_store %arg7[%swap3A_1332, %swap3A_1333], %swap3A_1336 {strides = array<i32>} : memref<32x128xf32, #tpu.memory_space<vmem>>, vector<1x16xf32>,
    %swap3A_1337 = arith.constant 25 : i32
    %swap3A_1338 = arith.index_cast %swap3A_1337 : i32 to index
    %swap3A_1339 = arith.constant 16 : index
    %swap3A_1340 = tpu.vector_load %arg7[%swap3A_1338, %swap3A_1339] {strides = array<i32>} : memref<32x128xf32, #tpu.memory_space<vmem>>, vector<1x16xf32>,
    %swap3A_1341 = vector.shape_cast %swap3A_1340 : vector<1x16xf32> to vector<16xf32>
    %swap3A_1342 = vector.shape_cast %broadcast_in_dim3A_131 : vector<16xf32> to vector<1x16xf32>
    tpu.vector_store %arg7[%swap3A_1338, %swap3A_1339], %swap3A_1342 {strides = array<i32>} : memref<32x128xf32, #tpu.memory_space<vmem>>, vector<1x16xf32>,
    %swap3A_1343 = arith.constant 25 : i32
    %swap3A_1344 = arith.index_cast %swap3A_1343 : i32 to index
    %swap3A_1345 = arith.constant 32 : index
    %swap3A_1346 = tpu.vector_load %arg7[%swap3A_1344, %swap3A_1345] {strides = array<i32>} : memref<32x128xf32, #tpu.memory_space<vmem>>, vector<1x16xf32>,
    %swap3A_1347 = vector.shape_cast %swap3A_1346 : vector<1x16xf32> to vector<16xf32>
    %swap3A_1348 = vector.shape_cast %broadcast_in_dim3A_131 : vector<16xf32> to vector<1x16xf32>
    tpu.vector_store %arg7[%swap3A_1344, %swap3A_1345], %swap3A_1348 {strides = array<i32>} : memref<32x128xf32, #tpu.memory_space<vmem>>, vector<1x16xf32>,
    %swap3A_1349 = arith.constant 25 : i32
    %swap3A_1350 = arith.index_cast %swap3A_1349 : i32 to index
    %swap3A_1351 = arith.constant 48 : index
    %swap3A_1352 = tpu.vector_load %arg7[%swap3A_1350, %swap3A_1351] {strides = array<i32>} : memref<32x128xf32, #tpu.memory_space<vmem>>, vector<1x16xf32>,
    %swap3A_1353 = vector.shape_cast %swap3A_1352 : vector<1x16xf32> to vector<16xf32>
    %swap3A_1354 = vector.shape_cast %broadcast_in_dim3A_131 : vector<16xf32> to vector<1x16xf32>
    tpu.vector_store %arg7[%swap3A_1350, %swap3A_1351], %swap3A_1354 {strides = array<i32>} : memref<32x128xf32, #tpu.memory_space<vmem>>, vector<1x16xf32>,
    %swap3A_1355 = arith.constant 25 : i32
    %swap3A_1356 = arith.index_cast %swap3A_1355 : i32 to index
    %swap3A_1357 = arith.constant 64 : index
    %swap3A_1358 = tpu.vector_load %arg7[%swap3A_1356, %swap3A_1357] {strides = array<i32>} : memref<32x128xf32, #tpu.memory_space<vmem>>, vector<1x16xf32>,
    %swap3A_1359 = vector.shape_cast %swap3A_1358 : vector<1x16xf32> to vector<16xf32>
    %swap3A_1360 = vector.shape_cast %broadcast_in_dim3A_131 : vector<16xf32> to vector<1x16xf32>
    tpu.vector_store %arg7[%swap3A_1356, %swap3A_1357], %swap3A_1360 {strides = array<i32>} : memref<32x128xf32, #tpu.memory_space<vmem>>, vector<1x16xf32>,
    %swap3A_1361 = arith.constant 25 : i32
    %swap3A_1362 = arith.index_cast %swap3A_1361 : i32 to index
    %swap3A_1363 = arith.constant 80 : index
    %swap3A_1364 = tpu.vector_load %arg7[%swap3A_1362, %swap3A_1363] {strides = array<i32>} : memref<32x128xf32, #tpu.memory_space<vmem>>, vector<1x16xf32>,
    %swap3A_1365 = vector.shape_cast %swap3A_1364 : vector<1x16xf32> to vector<16xf32>
    %swap3A_1366 = vector.shape_cast %broadcast_in_dim3A_131 : vector<16xf32> to vector<1x16xf32>
    tpu.vector_store %arg7[%swap3A_1362, %swap3A_1363], %swap3A_1366 {strides = array<i32>} : memref<32x128xf32, #tpu.memory_space<vmem>>, vector<1x16xf32>,
    %swap3A_1367 = arith.constant 25 : i32
    %swap3A_1368 = arith.index_cast %swap3A_1367 : i32 to index
    %swap3A_1369 = arith.constant 96 : index
    %swap3A_1370 = tpu.vector_load %arg7[%swap3A_1368, %swap3A_1369] {strides = array<i32>} : memref<32x128xf32, #tpu.memory_space<vmem>>, vector<1x16xf32>,
    %swap3A_1371 = vector.shape_cast %swap3A_1370 : vector<1x16xf32> to vector<16xf32>
    %swap3A_1372 = vector.shape_cast %broadcast_in_dim3A_131 : vector<16xf32> to vector<1x16xf32>
    tpu.vector_store %arg7[%swap3A_1368, %swap3A_1369], %swap3A_1372 {strides = array<i32>} : memref<32x128xf32, #tpu.memory_space<vmem>>, vector<1x16xf32>,
    %swap3A_1373 = arith.constant 25 : i32
    %swap3A_1374 = arith.index_cast %swap3A_1373 : i32 to index
    %swap3A_1375 = arith.constant 112 : index
    %swap3A_1376 = tpu.vector_load %arg7[%swap3A_1374, %swap3A_1375] {strides = array<i32>} : memref<32x128xf32, #tpu.memory_space<vmem>>, vector<1x16xf32>,
    %swap3A_1377 = vector.shape_cast %swap3A_1376 : vector<1x16xf32> to vector<16xf32>
    %swap3A_1378 = vector.shape_cast %broadcast_in_dim3A_131 : vector<16xf32> to vector<1x16xf32>
    tpu.vector_store %arg7[%swap3A_1374, %swap3A_1375], %swap3A_1378 {strides = array<i32>} : memref<32x128xf32, #tpu.memory_space<vmem>>, vector<1x16xf32>,
    %swap3A_1379 = arith.constant 26 : i32
    %swap3A_1380 = arith.index_cast %swap3A_1379 : i32 to index
    %swap3A_1381 = arith.constant 0 : index
    %swap3A_1382 = tpu.vector_load %arg7[%swap3A_1380, %swap3A_1381] {strides = array<i32>} : memref<32x128xf32, #tpu.memory_space<vmem>>, vector<1x16xf32>,
    %swap3A_1383 = vector.shape_cast %swap3A_1382 : vector<1x16xf32> to vector<16xf32>
    %swap3A_1384 = vector.shape_cast %broadcast_in_dim3A_131 : vector<16xf32> to vector<1x16xf32>
    tpu.vector_store %arg7[%swap3A_1380, %swap3A_1381], %swap3A_1384 {strides = array<i32>} : memref<32x128xf32, #tpu.memory_space<vmem>>, vector<1x16xf32>,
    %swap3A_1385 = arith.constant 26 : i32
    %swap3A_1386 = arith.index_cast %swap3A_1385 : i32 to index
    %swap3A_1387 = arith.constant 16 : index
    %swap3A_1388 = tpu.vector_load %arg7[%swap3A_1386, %swap3A_1387] {strides = array<i32>} : memref<32x128xf32, #tpu.memory_space<vmem>>, vector<1x16xf32>,
    %swap3A_1389 = vector.shape_cast %swap3A_1388 : vector<1x16xf32> to vector<16xf32>
    %swap3A_1390 = vector.shape_cast %broadcast_in_dim3A_131 : vector<16xf32> to vector<1x16xf32>
    tpu.vector_store %arg7[%swap3A_1386, %swap3A_1387], %swap3A_1390 {strides = array<i32>} : memref<32x128xf32, #tpu.memory_space<vmem>>, vector<1x16xf32>,
    %swap3A_1391 = arith.constant 26 : i32
    %swap3A_1392 = arith.index_cast %swap3A_1391 : i32 to index
    %swap3A_1393 = arith.constant 32 : index
    %swap3A_1394 = tpu.vector_load %arg7[%swap3A_1392, %swap3A_1393] {strides = array<i32>} : memref<32x128xf32, #tpu.memory_space<vmem>>, vector<1x16xf32>,
    %swap3A_1395 = vector.shape_cast %swap3A_1394 : vector<1x16xf32> to vector<16xf32>
    %swap3A_1396 = vector.shape_cast %broadcast_in_dim3A_131 : vector<16xf32> to vector<1x16xf32>
    tpu.vector_store %arg7[%swap3A_1392, %swap3A_1393], %swap3A_1396 {strides = array<i32>} : memref<32x128xf32, #tpu.memory_space<vmem>>, vector<1x16xf32>,
    %swap3A_1397 = arith.constant 26 : i32
    %swap3A_1398 = arith.index_cast %swap3A_1397 : i32 to index
    %swap3A_1399 = arith.constant 48 : index
    %swap3A_1400 = tpu.vector_load %arg7[%swap3A_1398, %swap3A_1399] {strides = array<i32>} : memref<32x128xf32, #tpu.memory_space<vmem>>, vector<1x16xf32>,
    %swap3A_1401 = vector.shape_cast %swap3A_1400 : vector<1x16xf32> to vector<16xf32>
    %swap3A_1402 = vector.shape_cast %broadcast_in_dim3A_131 : vector<16xf32> to vector<1x16xf32>
    tpu.vector_store %arg7[%swap3A_1398, %swap3A_1399], %swap3A_1402 {strides = array<i32>} : memref<32x128xf32, #tpu.memory_space<vmem>>, vector<1x16xf32>,
    %swap3A_1403 = arith.constant 26 : i32
    %swap3A_1404 = arith.index_cast %swap3A_1403 : i32 to index
    %swap3A_1405 = arith.constant 64 : index
    %swap3A_1406 = tpu.vector_load %arg7[%swap3A_1404, %swap3A_1405] {strides = array<i32>} : memref<32x128xf32, #tpu.memory_space<vmem>>, vector<1x16xf32>,
    %swap3A_1407 = vector.shape_cast %swap3A_1406 : vector<1x16xf32> to vector<16xf32>
    %swap3A_1408 = vector.shape_cast %broadcast_in_dim3A_131 : vector<16xf32> to vector<1x16xf32>
    tpu.vector_store %arg7[%swap3A_1404, %swap3A_1405], %swap3A_1408 {strides = array<i32>} : memref<32x128xf32, #tpu.memory_space<vmem>>, vector<1x16xf32>,
    %swap3A_1409 = arith.constant 26 : i32
    %swap3A_1410 = arith.index_cast %swap3A_1409 : i32 to index
    %swap3A_1411 = arith.constant 80 : index
    %swap3A_1412 = tpu.vector_load %arg7[%swap3A_1410, %swap3A_1411] {strides = array<i32>} : memref<32x128xf32, #tpu.memory_space<vmem>>, vector<1x16xf32>,
    %swap3A_1413 = vector.shape_cast %swap3A_1412 : vector<1x16xf32> to vector<16xf32>
    %swap3A_1414 = vector.shape_cast %broadcast_in_dim3A_131 : vector<16xf32> to vector<1x16xf32>
    tpu.vector_store %arg7[%swap3A_1410, %swap3A_1411], %swap3A_1414 {strides = array<i32>} : memref<32x128xf32, #tpu.memory_space<vmem>>, vector<1x16xf32>,
    %swap3A_1415 = arith.constant 26 : i32
    %swap3A_1416 = arith.index_cast %swap3A_1415 : i32 to index
    %swap3A_1417 = arith.constant 96 : index
    %swap3A_1418 = tpu.vector_load %arg7[%swap3A_1416, %swap3A_1417] {strides = array<i32>} : memref<32x128xf32, #tpu.memory_space<vmem>>, vector<1x16xf32>,
    %swap3A_1419 = vector.shape_cast %swap3A_1418 : vector<1x16xf32> to vector<16xf32>
    %swap3A_1420 = vector.shape_cast %broadcast_in_dim3A_131 : vector<16xf32> to vector<1x16xf32>
    tpu.vector_store %arg7[%swap3A_1416, %swap3A_1417], %swap3A_1420 {strides = array<i32>} : memref<32x128xf32, #tpu.memory_space<vmem>>, vector<1x16xf32>,
    %swap3A_1421 = arith.constant 26 : i32
    %swap3A_1422 = arith.index_cast %swap3A_1421 : i32 to index
    %swap3A_1423 = arith.constant 112 : index
    %swap3A_1424 = tpu.vector_load %arg7[%swap3A_1422, %swap3A_1423] {strides = array<i32>} : memref<32x128xf32, #tpu.memory_space<vmem>>, vector<1x16xf32>,
    %swap3A_1425 = vector.shape_cast %swap3A_1424 : vector<1x16xf32> to vector<16xf32>
    %swap3A_1426 = vector.shape_cast %broadcast_in_dim3A_131 : vector<16xf32> to vector<1x16xf32>
    tpu.vector_store %arg7[%swap3A_1422, %swap3A_1423], %swap3A_1426 {strides = array<i32>} : memref<32x128xf32, #tpu.memory_space<vmem>>, vector<1x16xf32>,
    %swap3A_1427 = arith.constant 27 : i32
    %swap3A_1428 = arith.index_cast %swap3A_1427 : i32 to index
    %swap3A_1429 = arith.constant 0 : index
    %swap3A_1430 = tpu.vector_load %arg7[%swap3A_1428, %swap3A_1429] {strides = array<i32>} : memref<32x128xf32, #tpu.memory_space<vmem>>, vector<1x16xf32>,
    %swap3A_1431 = vector.shape_cast %swap3A_1430 : vector<1x16xf32> to vector<16xf32>
    %swap3A_1432 = vector.shape_cast %broadcast_in_dim3A_131 : vector<16xf32> to vector<1x16xf32>
    tpu.vector_store %arg7[%swap3A_1428, %swap3A_1429], %swap3A_1432 {strides = array<i32>} : memref<32x128xf32, #tpu.memory_space<vmem>>, vector<1x16xf32>,
    %swap3A_1433 = arith.constant 27 : i32
    %swap3A_1434 = arith.index_cast %swap3A_1433 : i32 to index
    %swap3A_1435 = arith.constant 16 : index
    %swap3A_1436 = tpu.vector_load %arg7[%swap3A_1434, %swap3A_1435] {strides = array<i32>} : memref<32x128xf32, #tpu.memory_space<vmem>>, vector<1x16xf32>,
    %swap3A_1437 = vector.shape_cast %swap3A_1436 : vector<1x16xf32> to vector<16xf32>
    %swap3A_1438 = vector.shape_cast %broadcast_in_dim3A_131 : vector<16xf32> to vector<1x16xf32>
    tpu.vector_store %arg7[%swap3A_1434, %swap3A_1435], %swap3A_1438 {strides = array<i32>} : memref<32x128xf32, #tpu.memory_space<vmem>>, vector<1x16xf32>,
    %swap3A_1439 = arith.constant 27 : i32
    %swap3A_1440 = arith.index_cast %swap3A_1439 : i32 to index
    %swap3A_1441 = arith.constant 32 : index
    %swap3A_1442 = tpu.vector_load %arg7[%swap3A_1440, %swap3A_1441] {strides = array<i32>} : memref<32x128xf32, #tpu.memory_space<vmem>>, vector<1x16xf32>,
    %swap3A_1443 = vector.shape_cast %swap3A_1442 : vector<1x16xf32> to vector<16xf32>
    %swap3A_1444 = vector.shape_cast %broadcast_in_dim3A_131 : vector<16xf32> to vector<1x16xf32>
    tpu.vector_store %arg7[%swap3A_1440, %swap3A_1441], %swap3A_1444 {strides = array<i32>} : memref<32x128xf32, #tpu.memory_space<vmem>>, vector<1x16xf32>,
    %swap3A_1445 = arith.constant 27 : i32
    %swap3A_1446 = arith.index_cast %swap3A_1445 : i32 to index
    %swap3A_1447 = arith.constant 48 : index
    %swap3A_1448 = tpu.vector_load %arg7[%swap3A_1446, %swap3A_1447] {strides = array<i32>} : memref<32x128xf32, #tpu.memory_space<vmem>>, vector<1x16xf32>,
    %swap3A_1449 = vector.shape_cast %swap3A_1448 : vector<1x16xf32> to vector<16xf32>
    %swap3A_1450 = vector.shape_cast %broadcast_in_dim3A_131 : vector<16xf32> to vector<1x16xf32>
    tpu.vector_store %arg7[%swap3A_1446, %swap3A_1447], %swap3A_1450 {strides = array<i32>} : memref<32x128xf32, #tpu.memory_space<vmem>>, vector<1x16xf32>,
    %swap3A_1451 = arith.constant 27 : i32
    %swap3A_1452 = arith.index_cast %swap3A_1451 : i32 to index
    %swap3A_1453 = arith.constant 64 : index
    %swap3A_1454 = tpu.vector_load %arg7[%swap3A_1452, %swap3A_1453] {strides = array<i32>} : memref<32x128xf32, #tpu.memory_space<vmem>>, vector<1x16xf32>,
    %swap3A_1455 = vector.shape_cast %swap3A_1454 : vector<1x16xf32> to vector<16xf32>
    %swap3A_1456 = vector.shape_cast %broadcast_in_dim3A_131 : vector<16xf32> to vector<1x16xf32>
    tpu.vector_store %arg7[%swap3A_1452, %swap3A_1453], %swap3A_1456 {strides = array<i32>} : memref<32x128xf32, #tpu.memory_space<vmem>>, vector<1x16xf32>,
    %swap3A_1457 = arith.constant 27 : i32
    %swap3A_1458 = arith.index_cast %swap3A_1457 : i32 to index
    %swap3A_1459 = arith.constant 80 : index
    %swap3A_1460 = tpu.vector_load %arg7[%swap3A_1458, %swap3A_1459] {strides = array<i32>} : memref<32x128xf32, #tpu.memory_space<vmem>>, vector<1x16xf32>,
    %swap3A_1461 = vector.shape_cast %swap3A_1460 : vector<1x16xf32> to vector<16xf32>
    %swap3A_1462 = vector.shape_cast %broadcast_in_dim3A_131 : vector<16xf32> to vector<1x16xf32>
    tpu.vector_store %arg7[%swap3A_1458, %swap3A_1459], %swap3A_1462 {strides = array<i32>} : memref<32x128xf32, #tpu.memory_space<vmem>>, vector<1x16xf32>,
    %swap3A_1463 = arith.constant 27 : i32
    %swap3A_1464 = arith.index_cast %swap3A_1463 : i32 to index
    %swap3A_1465 = arith.constant 96 : index
    %swap3A_1466 = tpu.vector_load %arg7[%swap3A_1464, %swap3A_1465] {strides = array<i32>} : memref<32x128xf32, #tpu.memory_space<vmem>>, vector<1x16xf32>,
    %swap3A_1467 = vector.shape_cast %swap3A_1466 : vector<1x16xf32> to vector<16xf32>
    %swap3A_1468 = vector.shape_cast %broadcast_in_dim3A_131 : vector<16xf32> to vector<1x16xf32>
    tpu.vector_store %arg7[%swap3A_1464, %swap3A_1465], %swap3A_1468 {strides = array<i32>} : memref<32x128xf32, #tpu.memory_space<vmem>>, vector<1x16xf32>,
    %swap3A_1469 = arith.constant 27 : i32
    %swap3A_1470 = arith.index_cast %swap3A_1469 : i32 to index
    %swap3A_1471 = arith.constant 112 : index
    %swap3A_1472 = tpu.vector_load %arg7[%swap3A_1470, %swap3A_1471] {strides = array<i32>} : memref<32x128xf32, #tpu.memory_space<vmem>>, vector<1x16xf32>,
    %swap3A_1473 = vector.shape_cast %swap3A_1472 : vector<1x16xf32> to vector<16xf32>
    %swap3A_1474 = vector.shape_cast %broadcast_in_dim3A_131 : vector<16xf32> to vector<1x16xf32>
    tpu.vector_store %arg7[%swap3A_1470, %swap3A_1471], %swap3A_1474 {strides = array<i32>} : memref<32x128xf32, #tpu.memory_space<vmem>>, vector<1x16xf32>,
    %swap3A_1475 = arith.constant 28 : i32
    %swap3A_1476 = arith.index_cast %swap3A_1475 : i32 to index
    %swap3A_1477 = arith.constant 0 : index
    %swap3A_1478 = tpu.vector_load %arg7[%swap3A_1476, %swap3A_1477] {strides = array<i32>} : memref<32x128xf32, #tpu.memory_space<vmem>>, vector<1x16xf32>,
    %swap3A_1479 = vector.shape_cast %swap3A_1478 : vector<1x16xf32> to vector<16xf32>
    %swap3A_1480 = vector.shape_cast %broadcast_in_dim3A_131 : vector<16xf32> to vector<1x16xf32>
    tpu.vector_store %arg7[%swap3A_1476, %swap3A_1477], %swap3A_1480 {strides = array<i32>} : memref<32x128xf32, #tpu.memory_space<vmem>>, vector<1x16xf32>,
    %swap3A_1481 = arith.constant 28 : i32
    %swap3A_1482 = arith.index_cast %swap3A_1481 : i32 to index
    %swap3A_1483 = arith.constant 16 : index
    %swap3A_1484 = tpu.vector_load %arg7[%swap3A_1482, %swap3A_1483] {strides = array<i32>} : memref<32x128xf32, #tpu.memory_space<vmem>>, vector<1x16xf32>,
    %swap3A_1485 = vector.shape_cast %swap3A_1484 : vector<1x16xf32> to vector<16xf32>
    %swap3A_1486 = vector.shape_cast %broadcast_in_dim3A_131 : vector<16xf32> to vector<1x16xf32>
    tpu.vector_store %arg7[%swap3A_1482, %swap3A_1483], %swap3A_1486 {strides = array<i32>} : memref<32x128xf32, #tpu.memory_space<vmem>>, vector<1x16xf32>,
    %swap3A_1487 = arith.constant 28 : i32
    %swap3A_1488 = arith.index_cast %swap3A_1487 : i32 to index
    %swap3A_1489 = arith.constant 32 : index
    %swap3A_1490 = tpu.vector_load %arg7[%swap3A_1488, %swap3A_1489] {strides = array<i32>} : memref<32x128xf32, #tpu.memory_space<vmem>>, vector<1x16xf32>,
    %swap3A_1491 = vector.shape_cast %swap3A_1490 : vector<1x16xf32> to vector<16xf32>
    %swap3A_1492 = vector.shape_cast %broadcast_in_dim3A_131 : vector<16xf32> to vector<1x16xf32>
    tpu.vector_store %arg7[%swap3A_1488, %swap3A_1489], %swap3A_1492 {strides = array<i32>} : memref<32x128xf32, #tpu.memory_space<vmem>>, vector<1x16xf32>,
    %swap3A_1493 = arith.constant 28 : i32
    %swap3A_1494 = arith.index_cast %swap3A_1493 : i32 to index
    %swap3A_1495 = arith.constant 48 : index
    %swap3A_1496 = tpu.vector_load %arg7[%swap3A_1494, %swap3A_1495] {strides = array<i32>} : memref<32x128xf32, #tpu.memory_space<vmem>>, vector<1x16xf32>,
    %swap3A_1497 = vector.shape_cast %swap3A_1496 : vector<1x16xf32> to vector<16xf32>
    %swap3A_1498 = vector.shape_cast %broadcast_in_dim3A_131 : vector<16xf32> to vector<1x16xf32>
    tpu.vector_store %arg7[%swap3A_1494, %swap3A_1495], %swap3A_1498 {strides = array<i32>} : memref<32x128xf32, #tpu.memory_space<vmem>>, vector<1x16xf32>,
    %swap3A_1499 = arith.constant 28 : i32
    %swap3A_1500 = arith.index_cast %swap3A_1499 : i32 to index
    %swap3A_1501 = arith.constant 64 : index
    %swap3A_1502 = tpu.vector_load %arg7[%swap3A_1500, %swap3A_1501] {strides = array<i32>} : memref<32x128xf32, #tpu.memory_space<vmem>>, vector<1x16xf32>,
    %swap3A_1503 = vector.shape_cast %swap3A_1502 : vector<1x16xf32> to vector<16xf32>
    %swap3A_1504 = vector.shape_cast %broadcast_in_dim3A_131 : vector<16xf32> to vector<1x16xf32>
    tpu.vector_store %arg7[%swap3A_1500, %swap3A_1501], %swap3A_1504 {strides = array<i32>} : memref<32x128xf32, #tpu.memory_space<vmem>>, vector<1x16xf32>,
    %swap3A_1505 = arith.constant 28 : i32
    %swap3A_1506 = arith.index_cast %swap3A_1505 : i32 to index
    %swap3A_1507 = arith.constant 80 : index
    %swap3A_1508 = tpu.vector_load %arg7[%swap3A_1506, %swap3A_1507] {strides = array<i32>} : memref<32x128xf32, #tpu.memory_space<vmem>>, vector<1x16xf32>,
    %swap3A_1509 = vector.shape_cast %swap3A_1508 : vector<1x16xf32> to vector<16xf32>
    %swap3A_1510 = vector.shape_cast %broadcast_in_dim3A_131 : vector<16xf32> to vector<1x16xf32>
    tpu.vector_store %arg7[%swap3A_1506, %swap3A_1507], %swap3A_1510 {strides = array<i32>} : memref<32x128xf32, #tpu.memory_space<vmem>>, vector<1x16xf32>,
    %swap3A_1511 = arith.constant 28 : i32
    %swap3A_1512 = arith.index_cast %swap3A_1511 : i32 to index
    %swap3A_1513 = arith.constant 96 : index
    %swap3A_1514 = tpu.vector_load %arg7[%swap3A_1512, %swap3A_1513] {strides = array<i32>} : memref<32x128xf32, #tpu.memory_space<vmem>>, vector<1x16xf32>,
    %swap3A_1515 = vector.shape_cast %swap3A_1514 : vector<1x16xf32> to vector<16xf32>
    %swap3A_1516 = vector.shape_cast %broadcast_in_dim3A_131 : vector<16xf32> to vector<1x16xf32>
    tpu.vector_store %arg7[%swap3A_1512, %swap3A_1513], %swap3A_1516 {strides = array<i32>} : memref<32x128xf32, #tpu.memory_space<vmem>>, vector<1x16xf32>,
    %swap3A_1517 = arith.constant 28 : i32
    %swap3A_1518 = arith.index_cast %swap3A_1517 : i32 to index
    %swap3A_1519 = arith.constant 112 : index
    %swap3A_1520 = tpu.vector_load %arg7[%swap3A_1518, %swap3A_1519] {strides = array<i32>} : memref<32x128xf32, #tpu.memory_space<vmem>>, vector<1x16xf32>,
    %swap3A_1521 = vector.shape_cast %swap3A_1520 : vector<1x16xf32> to vector<16xf32>
    %swap3A_1522 = vector.shape_cast %broadcast_in_dim3A_131 : vector<16xf32> to vector<1x16xf32>
    tpu.vector_store %arg7[%swap3A_1518, %swap3A_1519], %swap3A_1522 {strides = array<i32>} : memref<32x128xf32, #tpu.memory_space<vmem>>, vector<1x16xf32>,
    %swap3A_1523 = arith.constant 29 : i32
    %swap3A_1524 = arith.index_cast %swap3A_1523 : i32 to index
    %swap3A_1525 = arith.constant 0 : index
    %swap3A_1526 = tpu.vector_load %arg7[%swap3A_1524, %swap3A_1525] {strides = array<i32>} : memref<32x128xf32, #tpu.memory_space<vmem>>, vector<1x16xf32>,
    %swap3A_1527 = vector.shape_cast %swap3A_1526 : vector<1x16xf32> to vector<16xf32>
    %swap3A_1528 = vector.shape_cast %broadcast_in_dim3A_131 : vector<16xf32> to vector<1x16xf32>
    tpu.vector_store %arg7[%swap3A_1524, %swap3A_1525], %swap3A_1528 {strides = array<i32>} : memref<32x128xf32, #tpu.memory_space<vmem>>, vector<1x16xf32>,
    %swap3A_1529 = arith.constant 29 : i32
    %swap3A_1530 = arith.index_cast %swap3A_1529 : i32 to index
    %swap3A_1531 = arith.constant 16 : index
    %swap3A_1532 = tpu.vector_load %arg7[%swap3A_1530, %swap3A_1531] {strides = array<i32>} : memref<32x128xf32, #tpu.memory_space<vmem>>, vector<1x16xf32>,
    %swap3A_1533 = vector.shape_cast %swap3A_1532 : vector<1x16xf32> to vector<16xf32>
    %swap3A_1534 = vector.shape_cast %broadcast_in_dim3A_131 : vector<16xf32> to vector<1x16xf32>
    tpu.vector_store %arg7[%swap3A_1530, %swap3A_1531], %swap3A_1534 {strides = array<i32>} : memref<32x128xf32, #tpu.memory_space<vmem>>, vector<1x16xf32>,
    %swap3A_1535 = arith.constant 29 : i32
    %swap3A_1536 = arith.index_cast %swap3A_1535 : i32 to index
    %swap3A_1537 = arith.constant 32 : index
    %swap3A_1538 = tpu.vector_load %arg7[%swap3A_1536, %swap3A_1537] {strides = array<i32>} : memref<32x128xf32, #tpu.memory_space<vmem>>, vector<1x16xf32>,
    %swap3A_1539 = vector.shape_cast %swap3A_1538 : vector<1x16xf32> to vector<16xf32>
    %swap3A_1540 = vector.shape_cast %broadcast_in_dim3A_131 : vector<16xf32> to vector<1x16xf32>
    tpu.vector_store %arg7[%swap3A_1536, %swap3A_1537], %swap3A_1540 {strides = array<i32>} : memref<32x128xf32, #tpu.memory_space<vmem>>, vector<1x16xf32>,
    %swap3A_1541 = arith.constant 29 : i32
    %swap3A_1542 = arith.index_cast %swap3A_1541 : i32 to index
    %swap3A_1543 = arith.constant 48 : index
    %swap3A_1544 = tpu.vector_load %arg7[%swap3A_1542, %swap3A_1543] {strides = array<i32>} : memref<32x128xf32, #tpu.memory_space<vmem>>, vector<1x16xf32>,
    %swap3A_1545 = vector.shape_cast %swap3A_1544 : vector<1x16xf32> to vector<16xf32>
    %swap3A_1546 = vector.shape_cast %broadcast_in_dim3A_131 : vector<16xf32> to vector<1x16xf32>
    tpu.vector_store %arg7[%swap3A_1542, %swap3A_1543], %swap3A_1546 {strides = array<i32>} : memref<32x128xf32, #tpu.memory_space<vmem>>, vector<1x16xf32>,
    %swap3A_1547 = arith.constant 29 : i32
    %swap3A_1548 = arith.index_cast %swap3A_1547 : i32 to index
    %swap3A_1549 = arith.constant 64 : index
    %swap3A_1550 = tpu.vector_load %arg7[%swap3A_1548, %swap3A_1549] {strides = array<i32>} : memref<32x128xf32, #tpu.memory_space<vmem>>, vector<1x16xf32>,
    %swap3A_1551 = vector.shape_cast %swap3A_1550 : vector<1x16xf32> to vector<16xf32>
    %swap3A_1552 = vector.shape_cast %broadcast_in_dim3A_131 : vector<16xf32> to vector<1x16xf32>
    tpu.vector_store %arg7[%swap3A_1548, %swap3A_1549], %swap3A_1552 {strides = array<i32>} : memref<32x128xf32, #tpu.memory_space<vmem>>, vector<1x16xf32>,
    %swap3A_1553 = arith.constant 29 : i32
    %swap3A_1554 = arith.index_cast %swap3A_1553 : i32 to index
    %swap3A_1555 = arith.constant 80 : index
    %swap3A_1556 = tpu.vector_load %arg7[%swap3A_1554, %swap3A_1555] {strides = array<i32>} : memref<32x128xf32, #tpu.memory_space<vmem>>, vector<1x16xf32>,
    %swap3A_1557 = vector.shape_cast %swap3A_1556 : vector<1x16xf32> to vector<16xf32>
    %swap3A_1558 = vector.shape_cast %broadcast_in_dim3A_131 : vector<16xf32> to vector<1x16xf32>
    tpu.vector_store %arg7[%swap3A_1554, %swap3A_1555], %swap3A_1558 {strides = array<i32>} : memref<32x128xf32, #tpu.memory_space<vmem>>, vector<1x16xf32>,
    %swap3A_1559 = arith.constant 29 : i32
    %swap3A_1560 = arith.index_cast %swap3A_1559 : i32 to index
    %swap3A_1561 = arith.constant 96 : index
    %swap3A_1562 = tpu.vector_load %arg7[%swap3A_1560, %swap3A_1561] {strides = array<i32>} : memref<32x128xf32, #tpu.memory_space<vmem>>, vector<1x16xf32>,
    %swap3A_1563 = vector.shape_cast %swap3A_1562 : vector<1x16xf32> to vector<16xf32>
    %swap3A_1564 = vector.shape_cast %broadcast_in_dim3A_131 : vector<16xf32> to vector<1x16xf32>
    tpu.vector_store %arg7[%swap3A_1560, %swap3A_1561], %swap3A_1564 {strides = array<i32>} : memref<32x128xf32, #tpu.memory_space<vmem>>, vector<1x16xf32>,
    %swap3A_1565 = arith.constant 29 : i32
    %swap3A_1566 = arith.index_cast %swap3A_1565 : i32 to index
    %swap3A_1567 = arith.constant 112 : index
    %swap3A_1568 = tpu.vector_load %arg7[%swap3A_1566, %swap3A_1567] {strides = array<i32>} : memref<32x128xf32, #tpu.memory_space<vmem>>, vector<1x16xf32>,
    %swap3A_1569 = vector.shape_cast %swap3A_1568 : vector<1x16xf32> to vector<16xf32>
    %swap3A_1570 = vector.shape_cast %broadcast_in_dim3A_131 : vector<16xf32> to vector<1x16xf32>
    tpu.vector_store %arg7[%swap3A_1566, %swap3A_1567], %swap3A_1570 {strides = array<i32>} : memref<32x128xf32, #tpu.memory_space<vmem>>, vector<1x16xf32>,
    %swap3A_1571 = arith.constant 30 : i32
    %swap3A_1572 = arith.index_cast %swap3A_1571 : i32 to index
    %swap3A_1573 = arith.constant 0 : index
    %swap3A_1574 = tpu.vector_load %arg7[%swap3A_1572, %swap3A_1573] {strides = array<i32>} : memref<32x128xf32, #tpu.memory_space<vmem>>, vector<1x16xf32>,
    %swap3A_1575 = vector.shape_cast %swap3A_1574 : vector<1x16xf32> to vector<16xf32>
    %swap3A_1576 = vector.shape_cast %broadcast_in_dim3A_131 : vector<16xf32> to vector<1x16xf32>
    tpu.vector_store %arg7[%swap3A_1572, %swap3A_1573], %swap3A_1576 {strides = array<i32>} : memref<32x128xf32, #tpu.memory_space<vmem>>, vector<1x16xf32>,
    %swap3A_1577 = arith.constant 30 : i32
    %swap3A_1578 = arith.index_cast %swap3A_1577 : i32 to index
    %swap3A_1579 = arith.constant 16 : index
    %swap3A_1580 = tpu.vector_load %arg7[%swap3A_1578, %swap3A_1579] {strides = array<i32>} : memref<32x128xf32, #tpu.memory_space<vmem>>, vector<1x16xf32>,
    %swap3A_1581 = vector.shape_cast %swap3A_1580 : vector<1x16xf32> to vector<16xf32>
    %swap3A_1582 = vector.shape_cast %broadcast_in_dim3A_131 : vector<16xf32> to vector<1x16xf32>
    tpu.vector_store %arg7[%swap3A_1578, %swap3A_1579], %swap3A_1582 {strides = array<i32>} : memref<32x128xf32, #tpu.memory_space<vmem>>, vector<1x16xf32>,
    %swap3A_1583 = arith.constant 30 : i32
    %swap3A_1584 = arith.index_cast %swap3A_1583 : i32 to index
    %swap3A_1585 = arith.constant 32 : index
    %swap3A_1586 = tpu.vector_load %arg7[%swap3A_1584, %swap3A_1585] {strides = array<i32>} : memref<32x128xf32, #tpu.memory_space<vmem>>, vector<1x16xf32>,
    %swap3A_1587 = vector.shape_cast %swap3A_1586 : vector<1x16xf32> to vector<16xf32>
    %swap3A_1588 = vector.shape_cast %broadcast_in_dim3A_131 : vector<16xf32> to vector<1x16xf32>
    tpu.vector_store %arg7[%swap3A_1584, %swap3A_1585], %swap3A_1588 {strides = array<i32>} : memref<32x128xf32, #tpu.memory_space<vmem>>, vector<1x16xf32>,
    %swap3A_1589 = arith.constant 30 : i32
    %swap3A_1590 = arith.index_cast %swap3A_1589 : i32 to index
    %swap3A_1591 = arith.constant 48 : index
    %swap3A_1592 = tpu.vector_load %arg7[%swap3A_1590, %swap3A_1591] {strides = array<i32>} : memref<32x128xf32, #tpu.memory_space<vmem>>, vector<1x16xf32>,
    %swap3A_1593 = vector.shape_cast %swap3A_1592 : vector<1x16xf32> to vector<16xf32>
    %swap3A_1594 = vector.shape_cast %broadcast_in_dim3A_131 : vector<16xf32> to vector<1x16xf32>
    tpu.vector_store %arg7[%swap3A_1590, %swap3A_1591], %swap3A_1594 {strides = array<i32>} : memref<32x128xf32, #tpu.memory_space<vmem>>, vector<1x16xf32>,
    %swap3A_1595 = arith.constant 30 : i32
    %swap3A_1596 = arith.index_cast %swap3A_1595 : i32 to index
    %swap3A_1597 = arith.constant 64 : index
    %swap3A_1598 = tpu.vector_load %arg7[%swap3A_1596, %swap3A_1597] {strides = array<i32>} : memref<32x128xf32, #tpu.memory_space<vmem>>, vector<1x16xf32>,
    %swap3A_1599 = vector.shape_cast %swap3A_1598 : vector<1x16xf32> to vector<16xf32>
    %swap3A_1600 = vector.shape_cast %broadcast_in_dim3A_131 : vector<16xf32> to vector<1x16xf32>
    tpu.vector_store %arg7[%swap3A_1596, %swap3A_1597], %swap3A_1600 {strides = array<i32>} : memref<32x128xf32, #tpu.memory_space<vmem>>, vector<1x16xf32>,
    %swap3A_1601 = arith.constant 30 : i32
    %swap3A_1602 = arith.index_cast %swap3A_1601 : i32 to index
    %swap3A_1603 = arith.constant 80 : index
    %swap3A_1604 = tpu.vector_load %arg7[%swap3A_1602, %swap3A_1603] {strides = array<i32>} : memref<32x128xf32, #tpu.memory_space<vmem>>, vector<1x16xf32>,
    %swap3A_1605 = vector.shape_cast %swap3A_1604 : vector<1x16xf32> to vector<16xf32>
    %swap3A_1606 = vector.shape_cast %broadcast_in_dim3A_131 : vector<16xf32> to vector<1x16xf32>
    tpu.vector_store %arg7[%swap3A_1602, %swap3A_1603], %swap3A_1606 {strides = array<i32>} : memref<32x128xf32, #tpu.memory_space<vmem>>, vector<1x16xf32>,
    %swap3A_1607 = arith.constant 30 : i32
    %swap3A_1608 = arith.index_cast %swap3A_1607 : i32 to index
    %swap3A_1609 = arith.constant 96 : index
    %swap3A_1610 = tpu.vector_load %arg7[%swap3A_1608, %swap3A_1609] {strides = array<i32>} : memref<32x128xf32, #tpu.memory_space<vmem>>, vector<1x16xf32>,
    %swap3A_1611 = vector.shape_cast %swap3A_1610 : vector<1x16xf32> to vector<16xf32>
    %swap3A_1612 = vector.shape_cast %broadcast_in_dim3A_131 : vector<16xf32> to vector<1x16xf32>
    tpu.vector_store %arg7[%swap3A_1608, %swap3A_1609], %swap3A_1612 {strides = array<i32>} : memref<32x128xf32, #tpu.memory_space<vmem>>, vector<1x16xf32>,
    %swap3A_1613 = arith.constant 30 : i32
    %swap3A_1614 = arith.index_cast %swap3A_1613 : i32 to index
    %swap3A_1615 = arith.constant 112 : index
    %swap3A_1616 = tpu.vector_load %arg7[%swap3A_1614, %swap3A_1615] {strides = array<i32>} : memref<32x128xf32, #tpu.memory_space<vmem>>, vector<1x16xf32>,
    %swap3A_1617 = vector.shape_cast %swap3A_1616 : vector<1x16xf32> to vector<16xf32>
    %swap3A_1618 = vector.shape_cast %broadcast_in_dim3A_131 : vector<16xf32> to vector<1x16xf32>
    tpu.vector_store %arg7[%swap3A_1614, %swap3A_1615], %swap3A_1618 {strides = array<i32>} : memref<32x128xf32, #tpu.memory_space<vmem>>, vector<1x16xf32>,
    %swap3A_1619 = arith.constant 31 : i32
    %swap3A_1620 = arith.index_cast %swap3A_1619 : i32 to index
    %swap3A_1621 = arith.constant 0 : index
    %swap3A_1622 = tpu.vector_load %arg7[%swap3A_1620, %swap3A_1621] {strides = array<i32>} : memref<32x128xf32, #tpu.memory_space<vmem>>, vector<1x16xf32>,
    %swap3A_1623 = vector.shape_cast %swap3A_1622 : vector<1x16xf32> to vector<16xf32>
    %swap3A_1624 = vector.shape_cast %broadcast_in_dim3A_131 : vector<16xf32> to vector<1x16xf32>
    tpu.vector_store %arg7[%swap3A_1620, %swap3A_1621], %swap3A_1624 {strides = array<i32>} : memref<32x128xf32, #tpu.memory_space<vmem>>, vector<1x16xf32>,
    %swap3A_1625 = arith.constant 31 : i32
    %swap3A_1626 = arith.index_cast %swap3A_1625 : i32 to index
    %swap3A_1627 = arith.constant 16 : index
    %swap3A_1628 = tpu.vector_load %arg7[%swap3A_1626, %swap3A_1627] {strides = array<i32>} : memref<32x128xf32, #tpu.memory_space<vmem>>, vector<1x16xf32>,
    %swap3A_1629 = vector.shape_cast %swap3A_1628 : vector<1x16xf32> to vector<16xf32>
    %swap3A_1630 = vector.shape_cast %broadcast_in_dim3A_131 : vector<16xf32> to vector<1x16xf32>
    tpu.vector_store %arg7[%swap3A_1626, %swap3A_1627], %swap3A_1630 {strides = array<i32>} : memref<32x128xf32, #tpu.memory_space<vmem>>, vector<1x16xf32>,
    %swap3A_1631 = arith.constant 31 : i32
    %swap3A_1632 = arith.index_cast %swap3A_1631 : i32 to index
    %swap3A_1633 = arith.constant 32 : index
    %swap3A_1634 = tpu.vector_load %arg7[%swap3A_1632, %swap3A_1633] {strides = array<i32>} : memref<32x128xf32, #tpu.memory_space<vmem>>, vector<1x16xf32>,
    %swap3A_1635 = vector.shape_cast %swap3A_1634 : vector<1x16xf32> to vector<16xf32>
    %swap3A_1636 = vector.shape_cast %broadcast_in_dim3A_131 : vector<16xf32> to vector<1x16xf32>
    tpu.vector_store %arg7[%swap3A_1632, %swap3A_1633], %swap3A_1636 {strides = array<i32>} : memref<32x128xf32, #tpu.memory_space<vmem>>, vector<1x16xf32>,
    %swap3A_1637 = arith.constant 31 : i32
    %swap3A_1638 = arith.index_cast %swap3A_1637 : i32 to index
    %swap3A_1639 = arith.constant 48 : index
    %swap3A_1640 = tpu.vector_load %arg7[%swap3A_1638, %swap3A_1639] {strides = array<i32>} : memref<32x128xf32, #tpu.memory_space<vmem>>, vector<1x16xf32>,
    %swap3A_1641 = vector.shape_cast %swap3A_1640 : vector<1x16xf32> to vector<16xf32>
    %swap3A_1642 = vector.shape_cast %broadcast_in_dim3A_131 : vector<16xf32> to vector<1x16xf32>
    tpu.vector_store %arg7[%swap3A_1638, %swap3A_1639], %swap3A_1642 {strides = array<i32>} : memref<32x128xf32, #tpu.memory_space<vmem>>, vector<1x16xf32>,
    %swap3A_1643 = arith.constant 31 : i32
    %swap3A_1644 = arith.index_cast %swap3A_1643 : i32 to index
    %swap3A_1645 = arith.constant 64 : index
    %swap3A_1646 = tpu.vector_load %arg7[%swap3A_1644, %swap3A_1645] {strides = array<i32>} : memref<32x128xf32, #tpu.memory_space<vmem>>, vector<1x16xf32>,
    %swap3A_1647 = vector.shape_cast %swap3A_1646 : vector<1x16xf32> to vector<16xf32>
    %swap3A_1648 = vector.shape_cast %broadcast_in_dim3A_131 : vector<16xf32> to vector<1x16xf32>
    tpu.vector_store %arg7[%swap3A_1644, %swap3A_1645], %swap3A_1648 {strides = array<i32>} : memref<32x128xf32, #tpu.memory_space<vmem>>, vector<1x16xf32>,
    %swap3A_1649 = arith.constant 31 : i32
    %swap3A_1650 = arith.index_cast %swap3A_1649 : i32 to index
    %swap3A_1651 = arith.constant 80 : index
    %swap3A_1652 = tpu.vector_load %arg7[%swap3A_1650, %swap3A_1651] {strides = array<i32>} : memref<32x128xf32, #tpu.memory_space<vmem>>, vector<1x16xf32>,
    %swap3A_1653 = vector.shape_cast %swap3A_1652 : vector<1x16xf32> to vector<16xf32>
    %swap3A_1654 = vector.shape_cast %broadcast_in_dim3A_131 : vector<16xf32> to vector<1x16xf32>
    tpu.vector_store %arg7[%swap3A_1650, %swap3A_1651], %swap3A_1654 {strides = array<i32>} : memref<32x128xf32, #tpu.memory_space<vmem>>, vector<1x16xf32>,
    %swap3A_1655 = arith.constant 31 : i32
    %swap3A_1656 = arith.index_cast %swap3A_1655 : i32 to index
    %swap3A_1657 = arith.constant 96 : index
    %swap3A_1658 = tpu.vector_load %arg7[%swap3A_1656, %swap3A_1657] {strides = array<i32>} : memref<32x128xf32, #tpu.memory_space<vmem>>, vector<1x16xf32>,
    %swap3A_1659 = vector.shape_cast %swap3A_1658 : vector<1x16xf32> to vector<16xf32>
    %swap3A_1660 = vector.shape_cast %broadcast_in_dim3A_131 : vector<16xf32> to vector<1x16xf32>
    tpu.vector_store %arg7[%swap3A_1656, %swap3A_1657], %swap3A_1660 {strides = array<i32>} : memref<32x128xf32, #tpu.memory_space<vmem>>, vector<1x16xf32>,
    %swap3A_1661 = arith.constant 31 : i32
    %swap3A_1662 = arith.index_cast %swap3A_1661 : i32 to index
    %swap3A_1663 = arith.constant 112 : index
    %swap3A_1664 = tpu.vector_load %arg7[%swap3A_1662, %swap3A_1663] {strides = array<i32>} : memref<32x128xf32, #tpu.memory_space<vmem>>, vector<1x16xf32>,
    %swap3A_1665 = vector.shape_cast %swap3A_1664 : vector<1x16xf32> to vector<16xf32>
    %swap3A_1666 = vector.shape_cast %broadcast_in_dim3A_131 : vector<16xf32> to vector<1x16xf32>
    tpu.vector_store %arg7[%swap3A_1662, %swap3A_1663], %swap3A_1666 {strides = array<i32>} : memref<32x128xf32, #tpu.memory_space<vmem>>, vector<1x16xf32>,
    %mul3A_1667 = arith.constant 64 : i32
    %mul3A_1668 = arith.muli %arg1, %mul3A_1667 : i32
    %add3A_1669 = arith.constant 0 : i32
    %add3A_1670 = arith.addi %mul3A_1668, %add3A_1669 : i32
    "tpu.region"() ({
      %run_scoped3A = tpu.sem_alloc : memref<!tpu.dma_semaphore, #tpu.memory_space<semaphore_mem>>
      %dma_start3A_1724 = arith.constant 0 : i32
      %dma_start3A_1725 = tpu.memref_slice %arg8[%add3A_1670, %dma_start3A_1724] : memref<1024x128xf32, #tpu.memory_space<vmem_shared>> -> memref<32x128xf32, #tpu.memory_space<vmem_shared>>
      %dma_start3A_1726 = arith.constant 0 : i32
      %dma_start3A_1727 = tpu.memref_slice %arg8[%add3A_1670, %dma_start3A_1726] : memref<1024x128xf32, #tpu.memory_space<vmem_shared>> -> memref<32x128xf32, #tpu.memory_space<vmem_shared>>
      tpu.enqueue_dma source(%arg7 : memref<32x128xf32, #tpu.memory_space<vmem>>) target(%dma_start3A_1727 : memref<32x128xf32, #tpu.memory_space<vmem_shared>>) target_semaphore(%run_scoped3A : memref<!tpu.dma_semaphore, #tpu.memory_space<semaphore_mem>>)
      %dma_wait3A_1728 = arith.constant 0 : i32
      %dma_wait3A_1729 = tpu.memref_slice %arg8[%add3A_1670, %dma_wait3A_1728] : memref<1024x128xf32, #tpu.memory_space<vmem_shared>> -> memref<32x128xf32, #tpu.memory_space<vmem_shared>>
      %dma_wait3A_1730 = arith.constant 0 : i32
      %dma_wait3A_1731 = tpu.memref_slice %arg8[%add3A_1670, %dma_wait3A_1730] : memref<1024x128xf32, #tpu.memory_space<vmem_shared>> -> memref<32x128xf32, #tpu.memory_space<vmem_shared>>
      tpu.wait_dma2 semaphore(%run_scoped3A : memref<!tpu.dma_semaphore, #tpu.memory_space<semaphore_mem>>) src(%arg7 : memref<32x128xf32, #tpu.memory_space<vmem>>) dst(%dma_wait3A_1731 : memref<32x128xf32, #tpu.memory_space<vmem_shared>>)
      tpu.yield
    }) : () -> ()
    %mul3A_1671 = arith.constant 64 : i32
    %mul3A_1672 = arith.muli %arg1, %mul3A_1671 : i32
    %add3A_1673 = arith.constant 32 : i32
    %add3A_1674 = arith.addi %mul3A_1672, %add3A_1673 : i32
    "tpu.region"() ({
      %run_scoped3A = tpu.sem_alloc : memref<!tpu.dma_semaphore, #tpu.memory_space<semaphore_mem>>
      %dma_start3A_1724 = arith.constant 0 : i32
      %dma_start3A_1725 = tpu.memref_slice %arg8[%add3A_1674, %dma_start3A_1724] : memref<1024x128xf32, #tpu.memory_space<vmem_shared>> -> memref<32x128xf32, #tpu.memory_space<vmem_shared>>
      %dma_start3A_1726 = arith.constant 0 : i32
      %dma_start3A_1727 = tpu.memref_slice %arg8[%add3A_1674, %dma_start3A_1726] : memref<1024x128xf32, #tpu.memory_space<vmem_shared>> -> memref<32x128xf32, #tpu.memory_space<vmem_shared>>
      tpu.enqueue_dma source(%arg7 : memref<32x128xf32, #tpu.memory_space<vmem>>) target(%dma_start3A_1727 : memref<32x128xf32, #tpu.memory_space<vmem_shared>>) target_semaphore(%run_scoped3A : memref<!tpu.dma_semaphore, #tpu.memory_space<semaphore_mem>>)
      %dma_wait3A_1728 = arith.constant 0 : i32
      %dma_wait3A_1729 = tpu.memref_slice %arg8[%add3A_1674, %dma_wait3A_1728] : memref<1024x128xf32, #tpu.memory_space<vmem_shared>> -> memref<32x128xf32, #tpu.memory_space<vmem_shared>>
      %dma_wait3A_1730 = arith.constant 0 : i32
      %dma_wait3A_1731 = tpu.memref_slice %arg8[%add3A_1674, %dma_wait3A_1730] : memref<1024x128xf32, #tpu.memory_space<vmem_shared>> -> memref<32x128xf32, #tpu.memory_space<vmem_shared>>
      tpu.wait_dma2 semaphore(%run_scoped3A : memref<!tpu.dma_semaphore, #tpu.memory_space<semaphore_mem>>) src(%arg7 : memref<32x128xf32, #tpu.memory_space<vmem>>) dst(%dma_wait3A_1731 : memref<32x128xf32, #tpu.memory_space<vmem_shared>>)
      tpu.yield
    }) : () -> ()
    %barrier3A = arith.constant 0 : index
    tpu.barrier barrier_id(%barrier3A)
    %scan3A = arith.constant 0 : i32
    %scan3A_1675 = arith.constant 0 : i32
    %scan3A_1676 = arith.constant 0 : i32
    %scan3A_1677 = arith.constant 4 : i32
    %scan3A_1678 = arith.constant 4 : i32
    %scan3A_1679 = arith.constant 1 : i32
    %scan3A_1680 = arith.constant 1 : i32
    %scan3A_1681 = arith.constant 2 : i32
    %scan3A_1682 = arith.constant 2 : i32
    %scan3A_1683 = arith.constant 3 : i32
    %scan3A_1684 = arith.constant 3 : i32
    %scan3A_1685 = arith.constant 0 : i32
    %scan3A_1686 = arith.constant 13 : i32
    %scan3A_1687 = arith.addi %scan3A_1685, %scan3A_1686 : i32
    %scan3A_1688 = arith.constant 1 : i32
    scf.for %scan3A_1724 = %scan3A_1685 to %scan3A_1687 step %scan3A_1688  : i32 {
      %mul3A_1725 = arith.constant 5 : i32
      %mul3A_1726 = arith.muli %mul3A_1725, %scan3A_1724 : i32
      %add3A_1727 = arith.constant 0 : i32
      %add3A_1728 = arith.addi %mul3A_1726, %add3A_1727 : i32
      %dma_wait3A_1729 = arith.constant 0 : i32
      %dma_wait3A_1730 = tpu.memref_slice %arg5[%scan3A_1675, %dma_wait3A_1729] : memref<5x128xi32, #tpu.memory_space<vmem>> -> memref<1x128xi32, #tpu.memory_space<vmem>>
      %dma_wait3A_1731 = tpu.memref_squeeze %dma_wait3A_1730 : memref<1x128xi32, #tpu.memory_space<vmem>> -> memref<128xi32, #tpu.memory_space<vmem>>
      %dma_wait3A_1732 = arith.constant 0 : i32
      %dma_wait3A_1733 = tpu.memref_slice %arg3[%dma_wait3A_1732] : memref<400000xi32, #tpu.memory_space<hbm>> -> memref<128xi32, #tpu.memory_space<hbm>>
      %dma_wait3A_1734 = arith.constant 0 : i32
      %dma_wait3A_1735 = tpu.memref_slice %arg5[%scan3A_1675, %dma_wait3A_1734] : memref<5x128xi32, #tpu.memory_space<vmem>> -> memref<1x128xi32, #tpu.memory_space<vmem>>
      %dma_wait3A_1736 = tpu.memref_squeeze %dma_wait3A_1735 : memref<1x128xi32, #tpu.memory_space<vmem>> -> memref<128xi32, #tpu.memory_space<vmem>>
      %dma_wait3A_1737 = arith.constant 0 : i32
      %dma_wait3A_1738 = tpu.memref_slice %arg3[%dma_wait3A_1737] : memref<400000xi32, #tpu.memory_space<hbm>> -> memref<128xi32, #tpu.memory_space<hbm>>
      tpu.wait_dma2 semaphore(%arg9 : memref<!tpu.dma_semaphore, #tpu.memory_space<semaphore_mem>>) src(%dma_wait3A_1738 : memref<128xi32, #tpu.memory_space<hbm>>) dst(%dma_wait3A_1736 : memref<128xi32, #tpu.memory_space<vmem>>)
      %dma_wait3A_1739 = arith.constant 0 : i32
      %dma_wait3A_1740 = arith.constant 0 : i32
      %dma_wait3A_1741 = tpu.memref_slice %arg6[%scan3A_1676, %dma_wait3A_1739, %dma_wait3A_1740] : memref<5x128x128xf32, #tpu.memory_space<vmem>> -> memref<1x128x128xf32, #tpu.memory_space<vmem>>
      %dma_wait3A_1742 = tpu.memref_squeeze %dma_wait3A_1741 : memref<1x128x128xf32, #tpu.memory_space<vmem>> -> memref<128x128xf32, #tpu.memory_space<vmem>>
      %dma_wait3A_1743 = arith.constant 0 : i32
      %dma_wait3A_1744 = arith.constant 0 : i32
      %dma_wait3A_1745 = tpu.memref_slice %arg2[%dma_wait3A_1743, %dma_wait3A_1744] : memref<400000x128xf32, #tpu.memory_space<hbm>> -> memref<128x128xf32, #tpu.memory_space<hbm>>
      %dma_wait3A_1746 = arith.constant 0 : i32
      %dma_wait3A_1747 = arith.constant 0 : i32
      %dma_wait3A_1748 = tpu.memref_slice %arg6[%scan3A_1676, %dma_wait3A_1746, %dma_wait3A_1747] : memref<5x128x128xf32, #tpu.memory_space<vmem>> -> memref<1x128x128xf32, #tpu.memory_space<vmem>>
      %dma_wait3A_1749 = tpu.memref_squeeze %dma_wait3A_1748 : memref<1x128x128xf32, #tpu.memory_space<vmem>> -> memref<128x128xf32, #tpu.memory_space<vmem>>
      %dma_wait3A_1750 = arith.constant 0 : i32
      %dma_wait3A_1751 = arith.constant 0 : i32
      %dma_wait3A_1752 = tpu.memref_slice %arg2[%dma_wait3A_1750, %dma_wait3A_1751] : memref<400000x128xf32, #tpu.memory_space<hbm>> -> memref<128x128xf32, #tpu.memory_space<hbm>>
      tpu.wait_dma2 semaphore(%arg9 : memref<!tpu.dma_semaphore, #tpu.memory_space<semaphore_mem>>) src(%dma_wait3A_1752 : memref<128x128xf32, #tpu.memory_space<hbm>>) dst(%dma_wait3A_1749 : memref<128x128xf32, #tpu.memory_space<vmem>>)
      %get3A = arith.constant 0 : i32
      %get3A_1753 = arith.index_cast %get3A : i32 to index
      %get3A_1754 = arith.constant 0 : index
      %get3A_1755 = tpu.vector_load %arg5[%get3A_1753, %get3A_1754] {strides = array<i32>} : memref<5x128xi32, #tpu.memory_space<vmem>>, vector<1x16xi32>,
      %get3A_1756 = vector.shape_cast %get3A_1755 : vector<1x16xi32> to vector<16xi32>
      %mul3A_1757 = arith.constant 512 : i32
      %mul3A_1758 = arith.muli %select_n3A, %mul3A_1757 : i32
      %add3A_1759 = vector.broadcast %mul3A_1758 : i32 to vector<16xi32>
      %add3A_1760 = arith.addi %get3A_1756, %add3A_1759 : vector<16xi32>
      %swap3A_1761 = arith.constant 0 : i32
      %swap3A_1762 = arith.index_cast %swap3A_1761 : i32 to index
      %swap3A_1763 = arith.constant 0 : index
      %swap3A_1764 = tpu.vector_load %arg5[%swap3A_1762, %swap3A_1763] {strides = array<i32>} : memref<5x128xi32, #tpu.memory_space<vmem>>, vector<1x16xi32>,
      %swap3A_1765 = vector.shape_cast %swap3A_1764 : vector<1x16xi32> to vector<16xi32>
      %swap3A_1766 = vector.shape_cast %add3A_1760 : vector<16xi32> to vector<1x16xi32>
      tpu.vector_store %arg5[%swap3A_1762, %swap3A_1763], %swap3A_1766 {strides = array<i32>} : memref<5x128xi32, #tpu.memory_space<vmem>>, vector<1x16xi32>,
      %get3A_1767 = arith.constant 0 : i32
      %get3A_1768 = arith.index_cast %get3A_1767 : i32 to index
      %get3A_1769 = arith.constant 16 : index
      %get3A_1770 = tpu.vector_load %arg5[%get3A_1768, %get3A_1769] {strides = array<i32>} : memref<5x128xi32, #tpu.memory_space<vmem>>, vector<1x16xi32>,
      %get3A_1771 = vector.shape_cast %get3A_1770 : vector<1x16xi32> to vector<16xi32>
      %mul3A_1772 = arith.constant 512 : i32
      %mul3A_1773 = arith.muli %select_n3A, %mul3A_1772 : i32
      %add3A_1774 = vector.broadcast %mul3A_1773 : i32 to vector<16xi32>
      %add3A_1775 = arith.addi %get3A_1771, %add3A_1774 : vector<16xi32>
      %swap3A_1776 = arith.constant 0 : i32
      %swap3A_1777 = arith.index_cast %swap3A_1776 : i32 to index
      %swap3A_1778 = arith.constant 16 : index
      %swap3A_1779 = tpu.vector_load %arg5[%swap3A_1777, %swap3A_1778] {strides = array<i32>} : memref<5x128xi32, #tpu.memory_space<vmem>>, vector<1x16xi32>,
      %swap3A_1780 = vector.shape_cast %swap3A_1779 : vector<1x16xi32> to vector<16xi32>
      %swap3A_1781 = vector.shape_cast %add3A_1775 : vector<16xi32> to vector<1x16xi32>
      tpu.vector_store %arg5[%swap3A_1777, %swap3A_1778], %swap3A_1781 {strides = array<i32>} : memref<5x128xi32, #tpu.memory_space<vmem>>, vector<1x16xi32>,
      %get3A_1782 = arith.constant 0 : i32
      %get3A_1783 = arith.index_cast %get3A_1782 : i32 to index
      %get3A_1784 = arith.constant 32 : index
      %get3A_1785 = tpu.vector_load %arg5[%get3A_1783, %get3A_1784] {strides = array<i32>} : memref<5x128xi32, #tpu.memory_space<vmem>>, vector<1x16xi32>,
      %get3A_1786 = vector.shape_cast %get3A_1785 : vector<1x16xi32> to vector<16xi32>
      %mul3A_1787 = arith.constant 512 : i32
      %mul3A_1788 = arith.muli %select_n3A, %mul3A_1787 : i32
      %add3A_1789 = vector.broadcast %mul3A_1788 : i32 to vector<16xi32>
      %add3A_1790 = arith.addi %get3A_1786, %add3A_1789 : vector<16xi32>
      %swap3A_1791 = arith.constant 0 : i32
      %swap3A_1792 = arith.index_cast %swap3A_1791 : i32 to index
      %swap3A_1793 = arith.constant 32 : index
      %swap3A_1794 = tpu.vector_load %arg5[%swap3A_1792, %swap3A_1793] {strides = array<i32>} : memref<5x128xi32, #tpu.memory_space<vmem>>, vector<1x16xi32>,
      %swap3A_1795 = vector.shape_cast %swap3A_1794 : vector<1x16xi32> to vector<16xi32>
      %swap3A_1796 = vector.shape_cast %add3A_1790 : vector<16xi32> to vector<1x16xi32>
      tpu.vector_store %arg5[%swap3A_1792, %swap3A_1793], %swap3A_1796 {strides = array<i32>} : memref<5x128xi32, #tpu.memory_space<vmem>>, vector<1x16xi32>,
      %get3A_1797 = arith.constant 0 : i32
      %get3A_1798 = arith.index_cast %get3A_1797 : i32 to index
      %get3A_1799 = arith.constant 48 : index
      %get3A_1800 = tpu.vector_load %arg5[%get3A_1798, %get3A_1799] {strides = array<i32>} : memref<5x128xi32, #tpu.memory_space<vmem>>, vector<1x16xi32>,
      %get3A_1801 = vector.shape_cast %get3A_1800 : vector<1x16xi32> to vector<16xi32>
      %mul3A_1802 = arith.constant 512 : i32
      %mul3A_1803 = arith.muli %select_n3A, %mul3A_1802 : i32
      %add3A_1804 = vector.broadcast %mul3A_1803 : i32 to vector<16xi32>
      %add3A_1805 = arith.addi %get3A_1801, %add3A_1804 : vector<16xi32>
      %swap3A_1806 = arith.constant 0 : i32
      %swap3A_1807 = arith.index_cast %swap3A_1806 : i32 to index
      %swap3A_1808 = arith.constant 48 : index
      %swap3A_1809 = tpu.vector_load %arg5[%swap3A_1807, %swap3A_1808] {strides = array<i32>} : memref<5x128xi32, #tpu.memory_space<vmem>>, vector<1x16xi32>,
      %swap3A_1810 = vector.shape_cast %swap3A_1809 : vector<1x16xi32> to vector<16xi32>
      %swap3A_1811 = vector.shape_cast %add3A_1805 : vector<16xi32> to vector<1x16xi32>
      tpu.vector_store %arg5[%swap3A_1807, %swap3A_1808], %swap3A_1811 {strides = array<i32>} : memref<5x128xi32, #tpu.memory_space<vmem>>, vector<1x16xi32>,
      %get3A_1812 = arith.constant 0 : i32
      %get3A_1813 = arith.index_cast %get3A_1812 : i32 to index
      %get3A_1814 = arith.constant 64 : index
      %get3A_1815 = tpu.vector_load %arg5[%get3A_1813, %get3A_1814] {strides = array<i32>} : memref<5x128xi32, #tpu.memory_space<vmem>>, vector<1x16xi32>,
      %get3A_1816 = vector.shape_cast %get3A_1815 : vector<1x16xi32> to vector<16xi32>
      %mul3A_1817 = arith.constant 512 : i32
      %mul3A_1818 = arith.muli %select_n3A, %mul3A_1817 : i32
      %add3A_1819 = vector.broadcast %mul3A_1818 : i32 to vector<16xi32>
      %add3A_1820 = arith.addi %get3A_1816, %add3A_1819 : vector<16xi32>
      %swap3A_1821 = arith.constant 0 : i32
      %swap3A_1822 = arith.index_cast %swap3A_1821 : i32 to index
      %swap3A_1823 = arith.constant 64 : index
      %swap3A_1824 = tpu.vector_load %arg5[%swap3A_1822, %swap3A_1823] {strides = array<i32>} : memref<5x128xi32, #tpu.memory_space<vmem>>, vector<1x16xi32>,
      %swap3A_1825 = vector.shape_cast %swap3A_1824 : vector<1x16xi32> to vector<16xi32>
      %swap3A_1826 = vector.shape_cast %add3A_1820 : vector<16xi32> to vector<1x16xi32>
      tpu.vector_store %arg5[%swap3A_1822, %swap3A_1823], %swap3A_1826 {strides = array<i32>} : memref<5x128xi32, #tpu.memory_space<vmem>>, vector<1x16xi32>,
      %get3A_1827 = arith.constant 0 : i32
      %get3A_1828 = arith.index_cast %get3A_1827 : i32 to index
      %get3A_1829 = arith.constant 80 : index
      %get3A_1830 = tpu.vector_load %arg5[%get3A_1828, %get3A_1829] {strides = array<i32>} : memref<5x128xi32, #tpu.memory_space<vmem>>, vector<1x16xi32>,
      %get3A_1831 = vector.shape_cast %get3A_1830 : vector<1x16xi32> to vector<16xi32>
      %mul3A_1832 = arith.constant 512 : i32
      %mul3A_1833 = arith.muli %select_n3A, %mul3A_1832 : i32
      %add3A_1834 = vector.broadcast %mul3A_1833 : i32 to vector<16xi32>
      %add3A_1835 = arith.addi %get3A_1831, %add3A_1834 : vector<16xi32>
      %swap3A_1836 = arith.constant 0 : i32
      %swap3A_1837 = arith.index_cast %swap3A_1836 : i32 to index
      %swap3A_1838 = arith.constant 80 : index
      %swap3A_1839 = tpu.vector_load %arg5[%swap3A_1837, %swap3A_1838] {strides = array<i32>} : memref<5x128xi32, #tpu.memory_space<vmem>>, vector<1x16xi32>,
      %swap3A_1840 = vector.shape_cast %swap3A_1839 : vector<1x16xi32> to vector<16xi32>
      %swap3A_1841 = vector.shape_cast %add3A_1835 : vector<16xi32> to vector<1x16xi32>
      tpu.vector_store %arg5[%swap3A_1837, %swap3A_1838], %swap3A_1841 {strides = array<i32>} : memref<5x128xi32, #tpu.memory_space<vmem>>, vector<1x16xi32>,
      %get3A_1842 = arith.constant 0 : i32
      %get3A_1843 = arith.index_cast %get3A_1842 : i32 to index
      %get3A_1844 = arith.constant 96 : index
      %get3A_1845 = tpu.vector_load %arg5[%get3A_1843, %get3A_1844] {strides = array<i32>} : memref<5x128xi32, #tpu.memory_space<vmem>>, vector<1x16xi32>,
      %get3A_1846 = vector.shape_cast %get3A_1845 : vector<1x16xi32> to vector<16xi32>
      %mul3A_1847 = arith.constant 512 : i32
      %mul3A_1848 = arith.muli %select_n3A, %mul3A_1847 : i32
      %add3A_1849 = vector.broadcast %mul3A_1848 : i32 to vector<16xi32>
      %add3A_1850 = arith.addi %get3A_1846, %add3A_1849 : vector<16xi32>
      %swap3A_1851 = arith.constant 0 : i32
      %swap3A_1852 = arith.index_cast %swap3A_1851 : i32 to index
      %swap3A_1853 = arith.constant 96 : index
      %swap3A_1854 = tpu.vector_load %arg5[%swap3A_1852, %swap3A_1853] {strides = array<i32>} : memref<5x128xi32, #tpu.memory_space<vmem>>, vector<1x16xi32>,
      %swap3A_1855 = vector.shape_cast %swap3A_1854 : vector<1x16xi32> to vector<16xi32>
      %swap3A_1856 = vector.shape_cast %add3A_1850 : vector<16xi32> to vector<1x16xi32>
      tpu.vector_store %arg5[%swap3A_1852, %swap3A_1853], %swap3A_1856 {strides = array<i32>} : memref<5x128xi32, #tpu.memory_space<vmem>>, vector<1x16xi32>,
      %get3A_1857 = arith.constant 0 : i32
      %get3A_1858 = arith.index_cast %get3A_1857 : i32 to index
      %get3A_1859 = arith.constant 112 : index
      %get3A_1860 = tpu.vector_load %arg5[%get3A_1858, %get3A_1859] {strides = array<i32>} : memref<5x128xi32, #tpu.memory_space<vmem>>, vector<1x16xi32>,
      %get3A_1861 = vector.shape_cast %get3A_1860 : vector<1x16xi32> to vector<16xi32>
      %mul3A_1862 = arith.constant 512 : i32
      %mul3A_1863 = arith.muli %select_n3A, %mul3A_1862 : i32
      %add3A_1864 = vector.broadcast %mul3A_1863 : i32 to vector<16xi32>
      %add3A_1865 = arith.addi %get3A_1861, %add3A_1864 : vector<16xi32>
      %swap3A_1866 = arith.constant 0 : i32
      %swap3A_1867 = arith.index_cast %swap3A_1866 : i32 to index
      %swap3A_1868 = arith.constant 112 : index
      %swap3A_1869 = tpu.vector_load %arg5[%swap3A_1867, %swap3A_1868] {strides = array<i32>} : memref<5x128xi32, #tpu.memory_space<vmem>>, vector<1x16xi32>,
      %swap3A_1870 = vector.shape_cast %swap3A_1869 : vector<1x16xi32> to vector<16xi32>
      %swap3A_1871 = vector.shape_cast %add3A_1865 : vector<16xi32> to vector<1x16xi32>
      tpu.vector_store %arg5[%swap3A_1867, %swap3A_1868], %swap3A_1871 {strides = array<i32>} : memref<5x128xi32, #tpu.memory_space<vmem>>, vector<1x16xi32>,
      %dma_start3A_1872 = arith.constant 0 : i32
      %dma_start3A_1873 = arith.constant 0 : i32
      %dma_start3A_1874 = tpu.memref_slice %arg6[%scan3A_1676, %dma_start3A_1872, %dma_start3A_1873] : memref<5x128x128xf32, #tpu.memory_space<vmem>> -> memref<1x128x128xf32, #tpu.memory_space<vmem>>
      %dma_start3A_1875 = tpu.memref_squeeze %dma_start3A_1874 : memref<1x128x128xf32, #tpu.memory_space<vmem>> -> memref<128x128xf32, #tpu.memory_space<vmem>>
      %dma_start3A_1876 = arith.constant 0 : i32
      %dma_start3A_1877 = tpu.memref_slice %arg5[%scan3A_1675, %dma_start3A_1876] : memref<5x128xi32, #tpu.memory_space<vmem>> -> memref<1x128xi32, #tpu.memory_space<vmem>>
      %dma_start3A_1878 = tpu.memref_squeeze %dma_start3A_1877 : memref<1x128xi32, #tpu.memory_space<vmem>> -> memref<128xi32, #tpu.memory_space<vmem>>
      %dma_start3A_1879 = arith.constant 0 : i32
      %dma_start3A_1880 = arith.constant 0 : i32
      %dma_start3A_1881 = tpu.memref_slice %arg8[%dma_start3A_1879, %dma_start3A_1880] : memref<1024x128xf32, #tpu.memory_space<vmem_shared>> -> memref<1024x128xf32, #tpu.memory_space<vmem_shared>>
      tpu.enqueue_indirect_dma source(%dma_start3A_1875 : memref<128x128xf32, #tpu.memory_space<vmem>>) target(%dma_start3A_1881 : memref<1024x128xf32, #tpu.memory_space<vmem_shared>>) offsets(%dma_start3A_1878 : memref<128xi32, #tpu.memory_space<vmem>>) semaphore(%arg14 : memref<!tpu.dma_semaphore, #tpu.memory_space<semaphore_mem>>) {add = true}
      %ge3A = arith.constant 1 : i32
      %ge3A_1882 = arith.cmpi sge, %add3A_1728, %ge3A : i32
      %convert_element_type3A = arith.extui %ge3A_1882 : i1 to i32
      %cond3A = arith.constant 0 : i32
      %cond3A_1883 = arith.cmpi ne, %convert_element_type3A, %cond3A : i32
      scf.if %cond3A_1883 {
        %dma_wait3A_2571 = arith.constant 0 : i32
        %dma_wait3A_2572 = arith.constant 0 : i32
        %dma_wait3A_2573 = tpu.memref_slice %arg6[%scan3A_1677, %dma_wait3A_2571, %dma_wait3A_2572] : memref<5x128x128xf32, #tpu.memory_space<vmem>> -> memref<1x128x128xf32, #tpu.memory_space<vmem>>
        %dma_wait3A_2574 = tpu.memref_squeeze %dma_wait3A_2573 : memref<1x128x128xf32, #tpu.memory_space<vmem>> -> memref<128x128xf32, #tpu.memory_space<vmem>>
        %dma_wait3A_2575 = arith.constant 0 : i32
        %dma_wait3A_2576 = tpu.memref_slice %arg5[%scan3A_1678, %dma_wait3A_2575] : memref<5x128xi32, #tpu.memory_space<vmem>> -> memref<1x128xi32, #tpu.memory_space<vmem>>
        %dma_wait3A_2577 = tpu.memref_squeeze %dma_wait3A_2576 : memref<1x128xi32, #tpu.memory_space<vmem>> -> memref<128xi32, #tpu.memory_space<vmem>>
        %dma_wait3A_2578 = arith.constant 0 : i32
        %dma_wait3A_2579 = arith.constant 0 : i32
        %dma_wait3A_2580 = tpu.memref_slice %arg8[%dma_wait3A_2578, %dma_wait3A_2579] : memref<1024x128xf32, #tpu.memory_space<vmem_shared>> -> memref<1024x128xf32, #tpu.memory_space<vmem_shared>>
        tpu.wait_indirect_dma semaphore(%arg18 : memref<!tpu.dma_semaphore, #tpu.memory_space<semaphore_mem>>) src(%dma_wait3A_2574 : memref<128x128xf32, #tpu.memory_space<vmem>>) dst(%dma_wait3A_2580 : memref<1024x128xf32, #tpu.memory_space<vmem_shared>>)
      } else {
      }
      %add3A_1884 = arith.constant 4 : i32
      %add3A_1885 = arith.addi %add3A_1728, %add3A_1884 : i32
      %lt3A_1886 = arith.constant 65 : i32
      %lt3A_1887 = arith.cmpi slt, %add3A_1885, %lt3A_1886 : i32
      %convert_element_type3A_1888 = arith.extui %lt3A_1887 : i1 to i32
      %cond3A_1889 = arith.constant 0 : i32
      %cond3A_1890 = arith.cmpi ne, %convert_element_type3A_1888, %cond3A_1889 : i32
      scf.if %cond3A_1890 {
        %add3A_2571 = arith.constant 4 : i32
        %add3A_2572 = arith.addi %add3A_1728, %add3A_2571 : i32
        %mul3A_2573 = arith.constant 128 : i32
        %mul3A_2574 = arith.muli %add3A_2572, %mul3A_2573 : i32
        %add3A_2575 = arith.addi %add3A_35, %mul3A_2574 : i32
        %dma_start3A_2576 = arith.constant 0 : i32
        %dma_start3A_2577 = tpu.memref_slice %arg5[%scan3A_1678, %dma_start3A_2576] : memref<5x128xi32, #tpu.memory_space<vmem>> -> memref<1x128xi32, #tpu.memory_space<vmem>>
        %dma_start3A_2578 = tpu.memref_squeeze %dma_start3A_2577 : memref<1x128xi32, #tpu.memory_space<vmem>> -> memref<128xi32, #tpu.memory_space<vmem>>
        %dma_start3A_2579 = tpu.memref_slice %arg3[%add3A_2575] : memref<400000xi32, #tpu.memory_space<hbm>> -> memref<128xi32, #tpu.memory_space<hbm>>
        %dma_start3A_2580 = arith.constant 0 : i32
        %dma_start3A_2581 = tpu.memref_slice %arg5[%scan3A_1678, %dma_start3A_2580] : memref<5x128xi32, #tpu.memory_space<vmem>> -> memref<1x128xi32, #tpu.memory_space<vmem>>
        %dma_start3A_2582 = tpu.memref_squeeze %dma_start3A_2581 : memref<1x128xi32, #tpu.memory_space<vmem>> -> memref<128xi32, #tpu.memory_space<vmem>>
        %dma_start3A_2583 = tpu.memref_slice %arg3[%add3A_2575] : memref<400000xi32, #tpu.memory_space<hbm>> -> memref<128xi32, #tpu.memory_space<hbm>>
        tpu.enqueue_dma source(%dma_start3A_2583 : memref<128xi32, #tpu.memory_space<hbm>>) target(%dma_start3A_2582 : memref<128xi32, #tpu.memory_space<vmem>>) target_semaphore(%arg13 : memref<!tpu.dma_semaphore, #tpu.memory_space<semaphore_mem>>)
        %dma_start3A_2584 = arith.constant 0 : i32
        %dma_start3A_2585 = arith.constant 0 : i32
        %dma_start3A_2586 = tpu.memref_slice %arg6[%scan3A_1677, %dma_start3A_2584, %dma_start3A_2585] : memref<5x128x128xf32, #tpu.memory_space<vmem>> -> memref<1x128x128xf32, #tpu.memory_space<vmem>>
        %dma_start3A_2587 = tpu.memref_squeeze %dma_start3A_2586 : memref<1x128x128xf32, #tpu.memory_space<vmem>> -> memref<128x128xf32, #tpu.memory_space<vmem>>
        %dma_start3A_2588 = arith.constant 0 : i32
        %dma_start3A_2589 = tpu.memref_slice %arg2[%add3A_2575, %dma_start3A_2588] : memref<400000x128xf32, #tpu.memory_space<hbm>> -> memref<128x128xf32, #tpu.memory_space<hbm>>
        %dma_start3A_2590 = arith.constant 0 : i32
        %dma_start3A_2591 = arith.constant 0 : i32
        %dma_start3A_2592 = tpu.memref_slice %arg6[%scan3A_1677, %dma_start3A_2590, %dma_start3A_2591] : memref<5x128x128xf32, #tpu.memory_space<vmem>> -> memref<1x128x128xf32, #tpu.memory_space<vmem>>
        %dma_start3A_2593 = tpu.memref_squeeze %dma_start3A_2592 : memref<1x128x128xf32, #tpu.memory_space<vmem>> -> memref<128x128xf32, #tpu.memory_space<vmem>>
        %dma_start3A_2594 = arith.constant 0 : i32
        %dma_start3A_2595 = tpu.memref_slice %arg2[%add3A_2575, %dma_start3A_2594] : memref<400000x128xf32, #tpu.memory_space<hbm>> -> memref<128x128xf32, #tpu.memory_space<hbm>>
        tpu.enqueue_dma source(%dma_start3A_2595 : memref<128x128xf32, #tpu.memory_space<hbm>>) target(%dma_start3A_2593 : memref<128x128xf32, #tpu.memory_space<vmem>>) target_semaphore(%arg13 : memref<!tpu.dma_semaphore, #tpu.memory_space<semaphore_mem>>)
      } else {
      }
      %mul3A_1891 = arith.constant 5 : i32
      %mul3A_1892 = arith.muli %mul3A_1891, %scan3A_1724 : i32
      %add3A_1893 = arith.constant 1 : i32
      %add3A_1894 = arith.addi %mul3A_1892, %add3A_1893 : i32
      %dma_wait3A_1895 = arith.constant 0 : i32
      %dma_wait3A_1896 = tpu.memref_slice %arg5[%scan3A_1679, %dma_wait3A_1895] : memref<5x128xi32, #tpu.memory_space<vmem>> -> memref<1x128xi32, #tpu.memory_space<vmem>>
      %dma_wait3A_1897 = tpu.memref_squeeze %dma_wait3A_1896 : memref<1x128xi32, #tpu.memory_space<vmem>> -> memref<128xi32, #tpu.memory_space<vmem>>
      %dma_wait3A_1898 = arith.constant 0 : i32
      %dma_wait3A_1899 = tpu.memref_slice %arg3[%dma_wait3A_1898] : memref<400000xi32, #tpu.memory_space<hbm>> -> memref<128xi32, #tpu.memory_space<hbm>>
      %dma_wait3A_1900 = arith.constant 0 : i32
      %dma_wait3A_1901 = tpu.memref_slice %arg5[%scan3A_1679, %dma_wait3A_1900] : memref<5x128xi32, #tpu.memory_space<vmem>> -> memref<1x128xi32, #tpu.memory_space<vmem>>
      %dma_wait3A_1902 = tpu.memref_squeeze %dma_wait3A_1901 : memref<1x128xi32, #tpu.memory_space<vmem>> -> memref<128xi32, #tpu.memory_space<vmem>>
      %dma_wait3A_1903 = arith.constant 0 : i32
      %dma_wait3A_1904 = tpu.memref_slice %arg3[%dma_wait3A_1903] : memref<400000xi32, #tpu.memory_space<hbm>> -> memref<128xi32, #tpu.memory_space<hbm>>
      tpu.wait_dma2 semaphore(%arg10 : memref<!tpu.dma_semaphore, #tpu.memory_space<semaphore_mem>>) src(%dma_wait3A_1904 : memref<128xi32, #tpu.memory_space<hbm>>) dst(%dma_wait3A_1902 : memref<128xi32, #tpu.memory_space<vmem>>)
      %dma_wait3A_1905 = arith.constant 0 : i32
      %dma_wait3A_1906 = arith.constant 0 : i32
      %dma_wait3A_1907 = tpu.memref_slice %arg6[%scan3A_1680, %dma_wait3A_1905, %dma_wait3A_1906] : memref<5x128x128xf32, #tpu.memory_space<vmem>> -> memref<1x128x128xf32, #tpu.memory_space<vmem>>
      %dma_wait3A_1908 = tpu.memref_squeeze %dma_wait3A_1907 : memref<1x128x128xf32, #tpu.memory_space<vmem>> -> memref<128x128xf32, #tpu.memory_space<vmem>>
      %dma_wait3A_1909 = arith.constant 0 : i32
      %dma_wait3A_1910 = arith.constant 0 : i32
      %dma_wait3A_1911 = tpu.memref_slice %arg2[%dma_wait3A_1909, %dma_wait3A_1910] : memref<400000x128xf32, #tpu.memory_space<hbm>> -> memref<128x128xf32, #tpu.memory_space<hbm>>
      %dma_wait3A_1912 = arith.constant 0 : i32
      %dma_wait3A_1913 = arith.constant 0 : i32
      %dma_wait3A_1914 = tpu.memref_slice %arg6[%scan3A_1680, %dma_wait3A_1912, %dma_wait3A_1913] : memref<5x128x128xf32, #tpu.memory_space<vmem>> -> memref<1x128x128xf32, #tpu.memory_space<vmem>>
      %dma_wait3A_1915 = tpu.memref_squeeze %dma_wait3A_1914 : memref<1x128x128xf32, #tpu.memory_space<vmem>> -> memref<128x128xf32, #tpu.memory_space<vmem>>
      %dma_wait3A_1916 = arith.constant 0 : i32
      %dma_wait3A_1917 = arith.constant 0 : i32
      %dma_wait3A_1918 = tpu.memref_slice %arg2[%dma_wait3A_1916, %dma_wait3A_1917] : memref<400000x128xf32, #tpu.memory_space<hbm>> -> memref<128x128xf32, #tpu.memory_space<hbm>>
      tpu.wait_dma2 semaphore(%arg10 : memref<!tpu.dma_semaphore, #tpu.memory_space<semaphore_mem>>) src(%dma_wait3A_1918 : memref<128x128xf32, #tpu.memory_space<hbm>>) dst(%dma_wait3A_1915 : memref<128x128xf32, #tpu.memory_space<vmem>>)
      %get3A_1919 = arith.constant 1 : i32
      %get3A_1920 = arith.index_cast %get3A_1919 : i32 to index
      %get3A_1921 = arith.constant 0 : index
      %get3A_1922 = tpu.vector_load %arg5[%get3A_1920, %get3A_1921] {strides = array<i32>} : memref<5x128xi32, #tpu.memory_space<vmem>>, vector<1x16xi32>,
      %get3A_1923 = vector.shape_cast %get3A_1922 : vector<1x16xi32> to vector<16xi32>
      %mul3A_1924 = arith.constant 512 : i32
      %mul3A_1925 = arith.muli %select_n3A, %mul3A_1924 : i32
      %add3A_1926 = vector.broadcast %mul3A_1925 : i32 to vector<16xi32>
      %add3A_1927 = arith.addi %get3A_1923, %add3A_1926 : vector<16xi32>
      %swap3A_1928 = arith.constant 1 : i32
      %swap3A_1929 = arith.index_cast %swap3A_1928 : i32 to index
      %swap3A_1930 = arith.constant 0 : index
      %swap3A_1931 = tpu.vector_load %arg5[%swap3A_1929, %swap3A_1930] {strides = array<i32>} : memref<5x128xi32, #tpu.memory_space<vmem>>, vector<1x16xi32>,
      %swap3A_1932 = vector.shape_cast %swap3A_1931 : vector<1x16xi32> to vector<16xi32>
      %swap3A_1933 = vector.shape_cast %add3A_1927 : vector<16xi32> to vector<1x16xi32>
      tpu.vector_store %arg5[%swap3A_1929, %swap3A_1930], %swap3A_1933 {strides = array<i32>} : memref<5x128xi32, #tpu.memory_space<vmem>>, vector<1x16xi32>,
      %get3A_1934 = arith.constant 1 : i32
      %get3A_1935 = arith.index_cast %get3A_1934 : i32 to index
      %get3A_1936 = arith.constant 16 : index
      %get3A_1937 = tpu.vector_load %arg5[%get3A_1935, %get3A_1936] {strides = array<i32>} : memref<5x128xi32, #tpu.memory_space<vmem>>, vector<1x16xi32>,
      %get3A_1938 = vector.shape_cast %get3A_1937 : vector<1x16xi32> to vector<16xi32>
      %mul3A_1939 = arith.constant 512 : i32
      %mul3A_1940 = arith.muli %select_n3A, %mul3A_1939 : i32
      %add3A_1941 = vector.broadcast %mul3A_1940 : i32 to vector<16xi32>
      %add3A_1942 = arith.addi %get3A_1938, %add3A_1941 : vector<16xi32>
      %swap3A_1943 = arith.constant 1 : i32
      %swap3A_1944 = arith.index_cast %swap3A_1943 : i32 to index
      %swap3A_1945 = arith.constant 16 : index
      %swap3A_1946 = tpu.vector_load %arg5[%swap3A_1944, %swap3A_1945] {strides = array<i32>} : memref<5x128xi32, #tpu.memory_space<vmem>>, vector<1x16xi32>,
      %swap3A_1947 = vector.shape_cast %swap3A_1946 : vector<1x16xi32> to vector<16xi32>
      %swap3A_1948 = vector.shape_cast %add3A_1942 : vector<16xi32> to vector<1x16xi32>
      tpu.vector_store %arg5[%swap3A_1944, %swap3A_1945], %swap3A_1948 {strides = array<i32>} : memref<5x128xi32, #tpu.memory_space<vmem>>, vector<1x16xi32>,
      %get3A_1949 = arith.constant 1 : i32
      %get3A_1950 = arith.index_cast %get3A_1949 : i32 to index
      %get3A_1951 = arith.constant 32 : index
      %get3A_1952 = tpu.vector_load %arg5[%get3A_1950, %get3A_1951] {strides = array<i32>} : memref<5x128xi32, #tpu.memory_space<vmem>>, vector<1x16xi32>,
      %get3A_1953 = vector.shape_cast %get3A_1952 : vector<1x16xi32> to vector<16xi32>
      %mul3A_1954 = arith.constant 512 : i32
      %mul3A_1955 = arith.muli %select_n3A, %mul3A_1954 : i32
      %add3A_1956 = vector.broadcast %mul3A_1955 : i32 to vector<16xi32>
      %add3A_1957 = arith.addi %get3A_1953, %add3A_1956 : vector<16xi32>
      %swap3A_1958 = arith.constant 1 : i32
      %swap3A_1959 = arith.index_cast %swap3A_1958 : i32 to index
      %swap3A_1960 = arith.constant 32 : index
      %swap3A_1961 = tpu.vector_load %arg5[%swap3A_1959, %swap3A_1960] {strides = array<i32>} : memref<5x128xi32, #tpu.memory_space<vmem>>, vector<1x16xi32>,
      %swap3A_1962 = vector.shape_cast %swap3A_1961 : vector<1x16xi32> to vector<16xi32>
      %swap3A_1963 = vector.shape_cast %add3A_1957 : vector<16xi32> to vector<1x16xi32>
      tpu.vector_store %arg5[%swap3A_1959, %swap3A_1960], %swap3A_1963 {strides = array<i32>} : memref<5x128xi32, #tpu.memory_space<vmem>>, vector<1x16xi32>,
      %get3A_1964 = arith.constant 1 : i32
      %get3A_1965 = arith.index_cast %get3A_1964 : i32 to index
      %get3A_1966 = arith.constant 48 : index
      %get3A_1967 = tpu.vector_load %arg5[%get3A_1965, %get3A_1966] {strides = array<i32>} : memref<5x128xi32, #tpu.memory_space<vmem>>, vector<1x16xi32>,
      %get3A_1968 = vector.shape_cast %get3A_1967 : vector<1x16xi32> to vector<16xi32>
      %mul3A_1969 = arith.constant 512 : i32
      %mul3A_1970 = arith.muli %select_n3A, %mul3A_1969 : i32
      %add3A_1971 = vector.broadcast %mul3A_1970 : i32 to vector<16xi32>
      %add3A_1972 = arith.addi %get3A_1968, %add3A_1971 : vector<16xi32>
      %swap3A_1973 = arith.constant 1 : i32
      %swap3A_1974 = arith.index_cast %swap3A_1973 : i32 to index
      %swap3A_1975 = arith.constant 48 : index
      %swap3A_1976 = tpu.vector_load %arg5[%swap3A_1974, %swap3A_1975] {strides = array<i32>} : memref<5x128xi32, #tpu.memory_space<vmem>>, vector<1x16xi32>,
      %swap3A_1977 = vector.shape_cast %swap3A_1976 : vector<1x16xi32> to vector<16xi32>
      %swap3A_1978 = vector.shape_cast %add3A_1972 : vector<16xi32> to vector<1x16xi32>
      tpu.vector_store %arg5[%swap3A_1974, %swap3A_1975], %swap3A_1978 {strides = array<i32>} : memref<5x128xi32, #tpu.memory_space<vmem>>, vector<1x16xi32>,
      %get3A_1979 = arith.constant 1 : i32
      %get3A_1980 = arith.index_cast %get3A_1979 : i32 to index
      %get3A_1981 = arith.constant 64 : index
      %get3A_1982 = tpu.vector_load %arg5[%get3A_1980, %get3A_1981] {strides = array<i32>} : memref<5x128xi32, #tpu.memory_space<vmem>>, vector<1x16xi32>,
      %get3A_1983 = vector.shape_cast %get3A_1982 : vector<1x16xi32> to vector<16xi32>
      %mul3A_1984 = arith.constant 512 : i32
      %mul3A_1985 = arith.muli %select_n3A, %mul3A_1984 : i32
      %add3A_1986 = vector.broadcast %mul3A_1985 : i32 to vector<16xi32>
      %add3A_1987 = arith.addi %get3A_1983, %add3A_1986 : vector<16xi32>
      %swap3A_1988 = arith.constant 1 : i32
      %swap3A_1989 = arith.index_cast %swap3A_1988 : i32 to index
      %swap3A_1990 = arith.constant 64 : index
      %swap3A_1991 = tpu.vector_load %arg5[%swap3A_1989, %swap3A_1990] {strides = array<i32>} : memref<5x128xi32, #tpu.memory_space<vmem>>, vector<1x16xi32>,
      %swap3A_1992 = vector.shape_cast %swap3A_1991 : vector<1x16xi32> to vector<16xi32>
      %swap3A_1993 = vector.shape_cast %add3A_1987 : vector<16xi32> to vector<1x16xi32>
      tpu.vector_store %arg5[%swap3A_1989, %swap3A_1990], %swap3A_1993 {strides = array<i32>} : memref<5x128xi32, #tpu.memory_space<vmem>>, vector<1x16xi32>,
      %get3A_1994 = arith.constant 1 : i32
      %get3A_1995 = arith.index_cast %get3A_1994 : i32 to index
      %get3A_1996 = arith.constant 80 : index
      %get3A_1997 = tpu.vector_load %arg5[%get3A_1995, %get3A_1996] {strides = array<i32>} : memref<5x128xi32, #tpu.memory_space<vmem>>, vector<1x16xi32>,
      %get3A_1998 = vector.shape_cast %get3A_1997 : vector<1x16xi32> to vector<16xi32>
      %mul3A_1999 = arith.constant 512 : i32
      %mul3A_2000 = arith.muli %select_n3A, %mul3A_1999 : i32
      %add3A_2001 = vector.broadcast %mul3A_2000 : i32 to vector<16xi32>
      %add3A_2002 = arith.addi %get3A_1998, %add3A_2001 : vector<16xi32>
      %swap3A_2003 = arith.constant 1 : i32
      %swap3A_2004 = arith.index_cast %swap3A_2003 : i32 to index
      %swap3A_2005 = arith.constant 80 : index
      %swap3A_2006 = tpu.vector_load %arg5[%swap3A_2004, %swap3A_2005] {strides = array<i32>} : memref<5x128xi32, #tpu.memory_space<vmem>>, vector<1x16xi32>,
      %swap3A_2007 = vector.shape_cast %swap3A_2006 : vector<1x16xi32> to vector<16xi32>
      %swap3A_2008 = vector.shape_cast %add3A_2002 : vector<16xi32> to vector<1x16xi32>
      tpu.vector_store %arg5[%swap3A_2004, %swap3A_2005], %swap3A_2008 {strides = array<i32>} : memref<5x128xi32, #tpu.memory_space<vmem>>, vector<1x16xi32>,
      %get3A_2009 = arith.constant 1 : i32
      %get3A_2010 = arith.index_cast %get3A_2009 : i32 to index
      %get3A_2011 = arith.constant 96 : index
      %get3A_2012 = tpu.vector_load %arg5[%get3A_2010, %get3A_2011] {strides = array<i32>} : memref<5x128xi32, #tpu.memory_space<vmem>>, vector<1x16xi32>,
      %get3A_2013 = vector.shape_cast %get3A_2012 : vector<1x16xi32> to vector<16xi32>
      %mul3A_2014 = arith.constant 512 : i32
      %mul3A_2015 = arith.muli %select_n3A, %mul3A_2014 : i32
      %add3A_2016 = vector.broadcast %mul3A_2015 : i32 to vector<16xi32>
      %add3A_2017 = arith.addi %get3A_2013, %add3A_2016 : vector<16xi32>
      %swap3A_2018 = arith.constant 1 : i32
      %swap3A_2019 = arith.index_cast %swap3A_2018 : i32 to index
      %swap3A_2020 = arith.constant 96 : index
      %swap3A_2021 = tpu.vector_load %arg5[%swap3A_2019, %swap3A_2020] {strides = array<i32>} : memref<5x128xi32, #tpu.memory_space<vmem>>, vector<1x16xi32>,
      %swap3A_2022 = vector.shape_cast %swap3A_2021 : vector<1x16xi32> to vector<16xi32>
      %swap3A_2023 = vector.shape_cast %add3A_2017 : vector<16xi32> to vector<1x16xi32>
      tpu.vector_store %arg5[%swap3A_2019, %swap3A_2020], %swap3A_2023 {strides = array<i32>} : memref<5x128xi32, #tpu.memory_space<vmem>>, vector<1x16xi32>,
      %get3A_2024 = arith.constant 1 : i32
      %get3A_2025 = arith.index_cast %get3A_2024 : i32 to index
      %get3A_2026 = arith.constant 112 : index
      %get3A_2027 = tpu.vector_load %arg5[%get3A_2025, %get3A_2026] {strides = array<i32>} : memref<5x128xi32, #tpu.memory_space<vmem>>, vector<1x16xi32>,
      %get3A_2028 = vector.shape_cast %get3A_2027 : vector<1x16xi32> to vector<16xi32>
      %mul3A_2029 = arith.constant 512 : i32
      %mul3A_2030 = arith.muli %select_n3A, %mul3A_2029 : i32
      %add3A_2031 = vector.broadcast %mul3A_2030 : i32 to vector<16xi32>
      %add3A_2032 = arith.addi %get3A_2028, %add3A_2031 : vector<16xi32>
      %swap3A_2033 = arith.constant 1 : i32
      %swap3A_2034 = arith.index_cast %swap3A_2033 : i32 to index
      %swap3A_2035 = arith.constant 112 : index
      %swap3A_2036 = tpu.vector_load %arg5[%swap3A_2034, %swap3A_2035] {strides = array<i32>} : memref<5x128xi32, #tpu.memory_space<vmem>>, vector<1x16xi32>,
      %swap3A_2037 = vector.shape_cast %swap3A_2036 : vector<1x16xi32> to vector<16xi32>
      %swap3A_2038 = vector.shape_cast %add3A_2032 : vector<16xi32> to vector<1x16xi32>
      tpu.vector_store %arg5[%swap3A_2034, %swap3A_2035], %swap3A_2038 {strides = array<i32>} : memref<5x128xi32, #tpu.memory_space<vmem>>, vector<1x16xi32>,
      %dma_start3A_2039 = arith.constant 0 : i32
      %dma_start3A_2040 = arith.constant 0 : i32
      %dma_start3A_2041 = tpu.memref_slice %arg6[%scan3A_1680, %dma_start3A_2039, %dma_start3A_2040] : memref<5x128x128xf32, #tpu.memory_space<vmem>> -> memref<1x128x128xf32, #tpu.memory_space<vmem>>
      %dma_start3A_2042 = tpu.memref_squeeze %dma_start3A_2041 : memref<1x128x128xf32, #tpu.memory_space<vmem>> -> memref<128x128xf32, #tpu.memory_space<vmem>>
      %dma_start3A_2043 = arith.constant 0 : i32
      %dma_start3A_2044 = tpu.memref_slice %arg5[%scan3A_1679, %dma_start3A_2043] : memref<5x128xi32, #tpu.memory_space<vmem>> -> memref<1x128xi32, #tpu.memory_space<vmem>>
      %dma_start3A_2045 = tpu.memref_squeeze %dma_start3A_2044 : memref<1x128xi32, #tpu.memory_space<vmem>> -> memref<128xi32, #tpu.memory_space<vmem>>
      %dma_start3A_2046 = arith.constant 0 : i32
      %dma_start3A_2047 = arith.constant 0 : i32
      %dma_start3A_2048 = tpu.memref_slice %arg8[%dma_start3A_2046, %dma_start3A_2047] : memref<1024x128xf32, #tpu.memory_space<vmem_shared>> -> memref<1024x128xf32, #tpu.memory_space<vmem_shared>>
      tpu.enqueue_indirect_dma source(%dma_start3A_2042 : memref<128x128xf32, #tpu.memory_space<vmem>>) target(%dma_start3A_2048 : memref<1024x128xf32, #tpu.memory_space<vmem_shared>>) offsets(%dma_start3A_2045 : memref<128xi32, #tpu.memory_space<vmem>>) semaphore(%arg15 : memref<!tpu.dma_semaphore, #tpu.memory_space<semaphore_mem>>) {add = true}
      %ge3A_2049 = arith.constant 1 : i32
      %ge3A_2050 = arith.cmpi sge, %add3A_1894, %ge3A_2049 : i32
      %convert_element_type3A_2051 = arith.extui %ge3A_2050 : i1 to i32
      %cond3A_2052 = arith.constant 0 : i32
      %cond3A_2053 = arith.cmpi ne, %convert_element_type3A_2051, %cond3A_2052 : i32
      scf.if %cond3A_2053 {
        %dma_wait3A_2571 = arith.constant 0 : i32
        %dma_wait3A_2572 = arith.constant 0 : i32
        %dma_wait3A_2573 = tpu.memref_slice %arg6[%scan3A_1676, %dma_wait3A_2571, %dma_wait3A_2572] : memref<5x128x128xf32, #tpu.memory_space<vmem>> -> memref<1x128x128xf32, #tpu.memory_space<vmem>>
        %dma_wait3A_2574 = tpu.memref_squeeze %dma_wait3A_2573 : memref<1x128x128xf32, #tpu.memory_space<vmem>> -> memref<128x128xf32, #tpu.memory_space<vmem>>
        %dma_wait3A_2575 = arith.constant 0 : i32
        %dma_wait3A_2576 = tpu.memref_slice %arg5[%scan3A_1675, %dma_wait3A_2575] : memref<5x128xi32, #tpu.memory_space<vmem>> -> memref<1x128xi32, #tpu.memory_space<vmem>>
        %dma_wait3A_2577 = tpu.memref_squeeze %dma_wait3A_2576 : memref<1x128xi32, #tpu.memory_space<vmem>> -> memref<128xi32, #tpu.memory_space<vmem>>
        %dma_wait3A_2578 = arith.constant 0 : i32
        %dma_wait3A_2579 = arith.constant 0 : i32
        %dma_wait3A_2580 = tpu.memref_slice %arg8[%dma_wait3A_2578, %dma_wait3A_2579] : memref<1024x128xf32, #tpu.memory_space<vmem_shared>> -> memref<1024x128xf32, #tpu.memory_space<vmem_shared>>
        tpu.wait_indirect_dma semaphore(%arg14 : memref<!tpu.dma_semaphore, #tpu.memory_space<semaphore_mem>>) src(%dma_wait3A_2574 : memref<128x128xf32, #tpu.memory_space<vmem>>) dst(%dma_wait3A_2580 : memref<1024x128xf32, #tpu.memory_space<vmem_shared>>)
      } else {
      }
      %add3A_2054 = arith.constant 4 : i32
      %add3A_2055 = arith.addi %add3A_1894, %add3A_2054 : i32
      %lt3A_2056 = arith.constant 65 : i32
      %lt3A_2057 = arith.cmpi slt, %add3A_2055, %lt3A_2056 : i32
      %convert_element_type3A_2058 = arith.extui %lt3A_2057 : i1 to i32
      %cond3A_2059 = arith.constant 0 : i32
      %cond3A_2060 = arith.cmpi ne, %convert_element_type3A_2058, %cond3A_2059 : i32
      scf.if %cond3A_2060 {
        %add3A_2571 = arith.constant 4 : i32
        %add3A_2572 = arith.addi %add3A_1894, %add3A_2571 : i32
        %mul3A_2573 = arith.constant 128 : i32
        %mul3A_2574 = arith.muli %add3A_2572, %mul3A_2573 : i32
        %add3A_2575 = arith.addi %add3A_35, %mul3A_2574 : i32
        %dma_start3A_2576 = arith.constant 0 : i32
        %dma_start3A_2577 = tpu.memref_slice %arg5[%scan3A_1675, %dma_start3A_2576] : memref<5x128xi32, #tpu.memory_space<vmem>> -> memref<1x128xi32, #tpu.memory_space<vmem>>
        %dma_start3A_2578 = tpu.memref_squeeze %dma_start3A_2577 : memref<1x128xi32, #tpu.memory_space<vmem>> -> memref<128xi32, #tpu.memory_space<vmem>>
        %dma_start3A_2579 = tpu.memref_slice %arg3[%add3A_2575] : memref<400000xi32, #tpu.memory_space<hbm>> -> memref<128xi32, #tpu.memory_space<hbm>>
        %dma_start3A_2580 = arith.constant 0 : i32
        %dma_start3A_2581 = tpu.memref_slice %arg5[%scan3A_1675, %dma_start3A_2580] : memref<5x128xi32, #tpu.memory_space<vmem>> -> memref<1x128xi32, #tpu.memory_space<vmem>>
        %dma_start3A_2582 = tpu.memref_squeeze %dma_start3A_2581 : memref<1x128xi32, #tpu.memory_space<vmem>> -> memref<128xi32, #tpu.memory_space<vmem>>
        %dma_start3A_2583 = tpu.memref_slice %arg3[%add3A_2575] : memref<400000xi32, #tpu.memory_space<hbm>> -> memref<128xi32, #tpu.memory_space<hbm>>
        tpu.enqueue_dma source(%dma_start3A_2583 : memref<128xi32, #tpu.memory_space<hbm>>) target(%dma_start3A_2582 : memref<128xi32, #tpu.memory_space<vmem>>) target_semaphore(%arg9 : memref<!tpu.dma_semaphore, #tpu.memory_space<semaphore_mem>>)
        %dma_start3A_2584 = arith.constant 0 : i32
        %dma_start3A_2585 = arith.constant 0 : i32
        %dma_start3A_2586 = tpu.memref_slice %arg6[%scan3A_1676, %dma_start3A_2584, %dma_start3A_2585] : memref<5x128x128xf32, #tpu.memory_space<vmem>> -> memref<1x128x128xf32, #tpu.memory_space<vmem>>
        %dma_start3A_2587 = tpu.memref_squeeze %dma_start3A_2586 : memref<1x128x128xf32, #tpu.memory_space<vmem>> -> memref<128x128xf32, #tpu.memory_space<vmem>>
        %dma_start3A_2588 = arith.constant 0 : i32
        %dma_start3A_2589 = tpu.memref_slice %arg2[%add3A_2575, %dma_start3A_2588] : memref<400000x128xf32, #tpu.memory_space<hbm>> -> memref<128x128xf32, #tpu.memory_space<hbm>>
        %dma_start3A_2590 = arith.constant 0 : i32
        %dma_start3A_2591 = arith.constant 0 : i32
        %dma_start3A_2592 = tpu.memref_slice %arg6[%scan3A_1676, %dma_start3A_2590, %dma_start3A_2591] : memref<5x128x128xf32, #tpu.memory_space<vmem>> -> memref<1x128x128xf32, #tpu.memory_space<vmem>>
        %dma_start3A_2593 = tpu.memref_squeeze %dma_start3A_2592 : memref<1x128x128xf32, #tpu.memory_space<vmem>> -> memref<128x128xf32, #tpu.memory_space<vmem>>
        %dma_start3A_2594 = arith.constant 0 : i32
        %dma_start3A_2595 = tpu.memref_slice %arg2[%add3A_2575, %dma_start3A_2594] : memref<400000x128xf32, #tpu.memory_space<hbm>> -> memref<128x128xf32, #tpu.memory_space<hbm>>
        tpu.enqueue_dma source(%dma_start3A_2595 : memref<128x128xf32, #tpu.memory_space<hbm>>) target(%dma_start3A_2593 : memref<128x128xf32, #tpu.memory_space<vmem>>) target_semaphore(%arg9 : memref<!tpu.dma_semaphore, #tpu.memory_space<semaphore_mem>>)
      } else {
      }
      %mul3A_2061 = arith.constant 5 : i32
      %mul3A_2062 = arith.muli %mul3A_2061, %scan3A_1724 : i32
      %add3A_2063 = arith.constant 2 : i32
      %add3A_2064 = arith.addi %mul3A_2062, %add3A_2063 : i32
      %dma_wait3A_2065 = arith.constant 0 : i32
      %dma_wait3A_2066 = tpu.memref_slice %arg5[%scan3A_1681, %dma_wait3A_2065] : memref<5x128xi32, #tpu.memory_space<vmem>> -> memref<1x128xi32, #tpu.memory_space<vmem>>
      %dma_wait3A_2067 = tpu.memref_squeeze %dma_wait3A_2066 : memref<1x128xi32, #tpu.memory_space<vmem>> -> memref<128xi32, #tpu.memory_space<vmem>>
      %dma_wait3A_2068 = arith.constant 0 : i32
      %dma_wait3A_2069 = tpu.memref_slice %arg3[%dma_wait3A_2068] : memref<400000xi32, #tpu.memory_space<hbm>> -> memref<128xi32, #tpu.memory_space<hbm>>
      %dma_wait3A_2070 = arith.constant 0 : i32
      %dma_wait3A_2071 = tpu.memref_slice %arg5[%scan3A_1681, %dma_wait3A_2070] : memref<5x128xi32, #tpu.memory_space<vmem>> -> memref<1x128xi32, #tpu.memory_space<vmem>>
      %dma_wait3A_2072 = tpu.memref_squeeze %dma_wait3A_2071 : memref<1x128xi32, #tpu.memory_space<vmem>> -> memref<128xi32, #tpu.memory_space<vmem>>
      %dma_wait3A_2073 = arith.constant 0 : i32
      %dma_wait3A_2074 = tpu.memref_slice %arg3[%dma_wait3A_2073] : memref<400000xi32, #tpu.memory_space<hbm>> -> memref<128xi32, #tpu.memory_space<hbm>>
      tpu.wait_dma2 semaphore(%arg11 : memref<!tpu.dma_semaphore, #tpu.memory_space<semaphore_mem>>) src(%dma_wait3A_2074 : memref<128xi32, #tpu.memory_space<hbm>>) dst(%dma_wait3A_2072 : memref<128xi32, #tpu.memory_space<vmem>>)
      %dma_wait3A_2075 = arith.constant 0 : i32
      %dma_wait3A_2076 = arith.constant 0 : i32
      %dma_wait3A_2077 = tpu.memref_slice %arg6[%scan3A_1682, %dma_wait3A_2075, %dma_wait3A_2076] : memref<5x128x128xf32, #tpu.memory_space<vmem>> -> memref<1x128x128xf32, #tpu.memory_space<vmem>>
      %dma_wait3A_2078 = tpu.memref_squeeze %dma_wait3A_2077 : memref<1x128x128xf32, #tpu.memory_space<vmem>> -> memref<128x128xf32, #tpu.memory_space<vmem>>
      %dma_wait3A_2079 = arith.constant 0 : i32
      %dma_wait3A_2080 = arith.constant 0 : i32
      %dma_wait3A_2081 = tpu.memref_slice %arg2[%dma_wait3A_2079, %dma_wait3A_2080] : memref<400000x128xf32, #tpu.memory_space<hbm>> -> memref<128x128xf32, #tpu.memory_space<hbm>>
      %dma_wait3A_2082 = arith.constant 0 : i32
      %dma_wait3A_2083 = arith.constant 0 : i32
      %dma_wait3A_2084 = tpu.memref_slice %arg6[%scan3A_1682, %dma_wait3A_2082, %dma_wait3A_2083] : memref<5x128x128xf32, #tpu.memory_space<vmem>> -> memref<1x128x128xf32, #tpu.memory_space<vmem>>
      %dma_wait3A_2085 = tpu.memref_squeeze %dma_wait3A_2084 : memref<1x128x128xf32, #tpu.memory_space<vmem>> -> memref<128x128xf32, #tpu.memory_space<vmem>>
      %dma_wait3A_2086 = arith.constant 0 : i32
      %dma_wait3A_2087 = arith.constant 0 : i32
      %dma_wait3A_2088 = tpu.memref_slice %arg2[%dma_wait3A_2086, %dma_wait3A_2087] : memref<400000x128xf32, #tpu.memory_space<hbm>> -> memref<128x128xf32, #tpu.memory_space<hbm>>
      tpu.wait_dma2 semaphore(%arg11 : memref<!tpu.dma_semaphore, #tpu.memory_space<semaphore_mem>>) src(%dma_wait3A_2088 : memref<128x128xf32, #tpu.memory_space<hbm>>) dst(%dma_wait3A_2085 : memref<128x128xf32, #tpu.memory_space<vmem>>)
      %get3A_2089 = arith.constant 2 : i32
      %get3A_2090 = arith.index_cast %get3A_2089 : i32 to index
      %get3A_2091 = arith.constant 0 : index
      %get3A_2092 = tpu.vector_load %arg5[%get3A_2090, %get3A_2091] {strides = array<i32>} : memref<5x128xi32, #tpu.memory_space<vmem>>, vector<1x16xi32>,
      %get3A_2093 = vector.shape_cast %get3A_2092 : vector<1x16xi32> to vector<16xi32>
      %mul3A_2094 = arith.constant 512 : i32
      %mul3A_2095 = arith.muli %select_n3A, %mul3A_2094 : i32
      %add3A_2096 = vector.broadcast %mul3A_2095 : i32 to vector<16xi32>
      %add3A_2097 = arith.addi %get3A_2093, %add3A_2096 : vector<16xi32>
      %swap3A_2098 = arith.constant 2 : i32
      %swap3A_2099 = arith.index_cast %swap3A_2098 : i32 to index
      %swap3A_2100 = arith.constant 0 : index
      %swap3A_2101 = tpu.vector_load %arg5[%swap3A_2099, %swap3A_2100] {strides = array<i32>} : memref<5x128xi32, #tpu.memory_space<vmem>>, vector<1x16xi32>,
      %swap3A_2102 = vector.shape_cast %swap3A_2101 : vector<1x16xi32> to vector<16xi32>
      %swap3A_2103 = vector.shape_cast %add3A_2097 : vector<16xi32> to vector<1x16xi32>
      tpu.vector_store %arg5[%swap3A_2099, %swap3A_2100], %swap3A_2103 {strides = array<i32>} : memref<5x128xi32, #tpu.memory_space<vmem>>, vector<1x16xi32>,
      %get3A_2104 = arith.constant 2 : i32
      %get3A_2105 = arith.index_cast %get3A_2104 : i32 to index
      %get3A_2106 = arith.constant 16 : index
      %get3A_2107 = tpu.vector_load %arg5[%get3A_2105, %get3A_2106] {strides = array<i32>} : memref<5x128xi32, #tpu.memory_space<vmem>>, vector<1x16xi32>,
      %get3A_2108 = vector.shape_cast %get3A_2107 : vector<1x16xi32> to vector<16xi32>
      %mul3A_2109 = arith.constant 512 : i32
      %mul3A_2110 = arith.muli %select_n3A, %mul3A_2109 : i32
      %add3A_2111 = vector.broadcast %mul3A_2110 : i32 to vector<16xi32>
      %add3A_2112 = arith.addi %get3A_2108, %add3A_2111 : vector<16xi32>
      %swap3A_2113 = arith.constant 2 : i32
      %swap3A_2114 = arith.index_cast %swap3A_2113 : i32 to index
      %swap3A_2115 = arith.constant 16 : index
      %swap3A_2116 = tpu.vector_load %arg5[%swap3A_2114, %swap3A_2115] {strides = array<i32>} : memref<5x128xi32, #tpu.memory_space<vmem>>, vector<1x16xi32>,
      %swap3A_2117 = vector.shape_cast %swap3A_2116 : vector<1x16xi32> to vector<16xi32>
      %swap3A_2118 = vector.shape_cast %add3A_2112 : vector<16xi32> to vector<1x16xi32>
      tpu.vector_store %arg5[%swap3A_2114, %swap3A_2115], %swap3A_2118 {strides = array<i32>} : memref<5x128xi32, #tpu.memory_space<vmem>>, vector<1x16xi32>,
      %get3A_2119 = arith.constant 2 : i32
      %get3A_2120 = arith.index_cast %get3A_2119 : i32 to index
      %get3A_2121 = arith.constant 32 : index
      %get3A_2122 = tpu.vector_load %arg5[%get3A_2120, %get3A_2121] {strides = array<i32>} : memref<5x128xi32, #tpu.memory_space<vmem>>, vector<1x16xi32>,
      %get3A_2123 = vector.shape_cast %get3A_2122 : vector<1x16xi32> to vector<16xi32>
      %mul3A_2124 = arith.constant 512 : i32
      %mul3A_2125 = arith.muli %select_n3A, %mul3A_2124 : i32
      %add3A_2126 = vector.broadcast %mul3A_2125 : i32 to vector<16xi32>
      %add3A_2127 = arith.addi %get3A_2123, %add3A_2126 : vector<16xi32>
      %swap3A_2128 = arith.constant 2 : i32
      %swap3A_2129 = arith.index_cast %swap3A_2128 : i32 to index
      %swap3A_2130 = arith.constant 32 : index
      %swap3A_2131 = tpu.vector_load %arg5[%swap3A_2129, %swap3A_2130] {strides = array<i32>} : memref<5x128xi32, #tpu.memory_space<vmem>>, vector<1x16xi32>,
      %swap3A_2132 = vector.shape_cast %swap3A_2131 : vector<1x16xi32> to vector<16xi32>
      %swap3A_2133 = vector.shape_cast %add3A_2127 : vector<16xi32> to vector<1x16xi32>
      tpu.vector_store %arg5[%swap3A_2129, %swap3A_2130], %swap3A_2133 {strides = array<i32>} : memref<5x128xi32, #tpu.memory_space<vmem>>, vector<1x16xi32>,
      %get3A_2134 = arith.constant 2 : i32
      %get3A_2135 = arith.index_cast %get3A_2134 : i32 to index
      %get3A_2136 = arith.constant 48 : index
      %get3A_2137 = tpu.vector_load %arg5[%get3A_2135, %get3A_2136] {strides = array<i32>} : memref<5x128xi32, #tpu.memory_space<vmem>>, vector<1x16xi32>,
      %get3A_2138 = vector.shape_cast %get3A_2137 : vector<1x16xi32> to vector<16xi32>
      %mul3A_2139 = arith.constant 512 : i32
      %mul3A_2140 = arith.muli %select_n3A, %mul3A_2139 : i32
      %add3A_2141 = vector.broadcast %mul3A_2140 : i32 to vector<16xi32>
      %add3A_2142 = arith.addi %get3A_2138, %add3A_2141 : vector<16xi32>
      %swap3A_2143 = arith.constant 2 : i32
      %swap3A_2144 = arith.index_cast %swap3A_2143 : i32 to index
      %swap3A_2145 = arith.constant 48 : index
      %swap3A_2146 = tpu.vector_load %arg5[%swap3A_2144, %swap3A_2145] {strides = array<i32>} : memref<5x128xi32, #tpu.memory_space<vmem>>, vector<1x16xi32>,
      %swap3A_2147 = vector.shape_cast %swap3A_2146 : vector<1x16xi32> to vector<16xi32>
      %swap3A_2148 = vector.shape_cast %add3A_2142 : vector<16xi32> to vector<1x16xi32>
      tpu.vector_store %arg5[%swap3A_2144, %swap3A_2145], %swap3A_2148 {strides = array<i32>} : memref<5x128xi32, #tpu.memory_space<vmem>>, vector<1x16xi32>,
      %get3A_2149 = arith.constant 2 : i32
      %get3A_2150 = arith.index_cast %get3A_2149 : i32 to index
      %get3A_2151 = arith.constant 64 : index
      %get3A_2152 = tpu.vector_load %arg5[%get3A_2150, %get3A_2151] {strides = array<i32>} : memref<5x128xi32, #tpu.memory_space<vmem>>, vector<1x16xi32>,
      %get3A_2153 = vector.shape_cast %get3A_2152 : vector<1x16xi32> to vector<16xi32>
      %mul3A_2154 = arith.constant 512 : i32
      %mul3A_2155 = arith.muli %select_n3A, %mul3A_2154 : i32
      %add3A_2156 = vector.broadcast %mul3A_2155 : i32 to vector<16xi32>
      %add3A_2157 = arith.addi %get3A_2153, %add3A_2156 : vector<16xi32>
      %swap3A_2158 = arith.constant 2 : i32
      %swap3A_2159 = arith.index_cast %swap3A_2158 : i32 to index
      %swap3A_2160 = arith.constant 64 : index
      %swap3A_2161 = tpu.vector_load %arg5[%swap3A_2159, %swap3A_2160] {strides = array<i32>} : memref<5x128xi32, #tpu.memory_space<vmem>>, vector<1x16xi32>,
      %swap3A_2162 = vector.shape_cast %swap3A_2161 : vector<1x16xi32> to vector<16xi32>
      %swap3A_2163 = vector.shape_cast %add3A_2157 : vector<16xi32> to vector<1x16xi32>
      tpu.vector_store %arg5[%swap3A_2159, %swap3A_2160], %swap3A_2163 {strides = array<i32>} : memref<5x128xi32, #tpu.memory_space<vmem>>, vector<1x16xi32>,
      %get3A_2164 = arith.constant 2 : i32
      %get3A_2165 = arith.index_cast %get3A_2164 : i32 to index
      %get3A_2166 = arith.constant 80 : index
      %get3A_2167 = tpu.vector_load %arg5[%get3A_2165, %get3A_2166] {strides = array<i32>} : memref<5x128xi32, #tpu.memory_space<vmem>>, vector<1x16xi32>,
      %get3A_2168 = vector.shape_cast %get3A_2167 : vector<1x16xi32> to vector<16xi32>
      %mul3A_2169 = arith.constant 512 : i32
      %mul3A_2170 = arith.muli %select_n3A, %mul3A_2169 : i32
      %add3A_2171 = vector.broadcast %mul3A_2170 : i32 to vector<16xi32>
      %add3A_2172 = arith.addi %get3A_2168, %add3A_2171 : vector<16xi32>
      %swap3A_2173 = arith.constant 2 : i32
      %swap3A_2174 = arith.index_cast %swap3A_2173 : i32 to index
      %swap3A_2175 = arith.constant 80 : index
      %swap3A_2176 = tpu.vector_load %arg5[%swap3A_2174, %swap3A_2175] {strides = array<i32>} : memref<5x128xi32, #tpu.memory_space<vmem>>, vector<1x16xi32>,
      %swap3A_2177 = vector.shape_cast %swap3A_2176 : vector<1x16xi32> to vector<16xi32>
      %swap3A_2178 = vector.shape_cast %add3A_2172 : vector<16xi32> to vector<1x16xi32>
      tpu.vector_store %arg5[%swap3A_2174, %swap3A_2175], %swap3A_2178 {strides = array<i32>} : memref<5x128xi32, #tpu.memory_space<vmem>>, vector<1x16xi32>,
      %get3A_2179 = arith.constant 2 : i32
      %get3A_2180 = arith.index_cast %get3A_2179 : i32 to index
      %get3A_2181 = arith.constant 96 : index
      %get3A_2182 = tpu.vector_load %arg5[%get3A_2180, %get3A_2181] {strides = array<i32>} : memref<5x128xi32, #tpu.memory_space<vmem>>, vector<1x16xi32>,
      %get3A_2183 = vector.shape_cast %get3A_2182 : vector<1x16xi32> to vector<16xi32>
      %mul3A_2184 = arith.constant 512 : i32
      %mul3A_2185 = arith.muli %select_n3A, %mul3A_2184 : i32
      %add3A_2186 = vector.broadcast %mul3A_2185 : i32 to vector<16xi32>
      %add3A_2187 = arith.addi %get3A_2183, %add3A_2186 : vector<16xi32>
      %swap3A_2188 = arith.constant 2 : i32
      %swap3A_2189 = arith.index_cast %swap3A_2188 : i32 to index
      %swap3A_2190 = arith.constant 96 : index
      %swap3A_2191 = tpu.vector_load %arg5[%swap3A_2189, %swap3A_2190] {strides = array<i32>} : memref<5x128xi32, #tpu.memory_space<vmem>>, vector<1x16xi32>,
      %swap3A_2192 = vector.shape_cast %swap3A_2191 : vector<1x16xi32> to vector<16xi32>
      %swap3A_2193 = vector.shape_cast %add3A_2187 : vector<16xi32> to vector<1x16xi32>
      tpu.vector_store %arg5[%swap3A_2189, %swap3A_2190], %swap3A_2193 {strides = array<i32>} : memref<5x128xi32, #tpu.memory_space<vmem>>, vector<1x16xi32>,
      %get3A_2194 = arith.constant 2 : i32
      %get3A_2195 = arith.index_cast %get3A_2194 : i32 to index
      %get3A_2196 = arith.constant 112 : index
      %get3A_2197 = tpu.vector_load %arg5[%get3A_2195, %get3A_2196] {strides = array<i32>} : memref<5x128xi32, #tpu.memory_space<vmem>>, vector<1x16xi32>,
      %get3A_2198 = vector.shape_cast %get3A_2197 : vector<1x16xi32> to vector<16xi32>
      %mul3A_2199 = arith.constant 512 : i32
      %mul3A_2200 = arith.muli %select_n3A, %mul3A_2199 : i32
      %add3A_2201 = vector.broadcast %mul3A_2200 : i32 to vector<16xi32>
      %add3A_2202 = arith.addi %get3A_2198, %add3A_2201 : vector<16xi32>
      %swap3A_2203 = arith.constant 2 : i32
      %swap3A_2204 = arith.index_cast %swap3A_2203 : i32 to index
      %swap3A_2205 = arith.constant 112 : index
      %swap3A_2206 = tpu.vector_load %arg5[%swap3A_2204, %swap3A_2205] {strides = array<i32>} : memref<5x128xi32, #tpu.memory_space<vmem>>, vector<1x16xi32>,
      %swap3A_2207 = vector.shape_cast %swap3A_2206 : vector<1x16xi32> to vector<16xi32>
      %swap3A_2208 = vector.shape_cast %add3A_2202 : vector<16xi32> to vector<1x16xi32>
      tpu.vector_store %arg5[%swap3A_2204, %swap3A_2205], %swap3A_2208 {strides = array<i32>} : memref<5x128xi32, #tpu.memory_space<vmem>>, vector<1x16xi32>,
      %dma_start3A_2209 = arith.constant 0 : i32
      %dma_start3A_2210 = arith.constant 0 : i32
      %dma_start3A_2211 = tpu.memref_slice %arg6[%scan3A_1682, %dma_start3A_2209, %dma_start3A_2210] : memref<5x128x128xf32, #tpu.memory_space<vmem>> -> memref<1x128x128xf32, #tpu.memory_space<vmem>>
      %dma_start3A_2212 = tpu.memref_squeeze %dma_start3A_2211 : memref<1x128x128xf32, #tpu.memory_space<vmem>> -> memref<128x128xf32, #tpu.memory_space<vmem>>
      %dma_start3A_2213 = arith.constant 0 : i32
      %dma_start3A_2214 = tpu.memref_slice %arg5[%scan3A_1681, %dma_start3A_2213] : memref<5x128xi32, #tpu.memory_space<vmem>> -> memref<1x128xi32, #tpu.memory_space<vmem>>
      %dma_start3A_2215 = tpu.memref_squeeze %dma_start3A_2214 : memref<1x128xi32, #tpu.memory_space<vmem>> -> memref<128xi32, #tpu.memory_space<vmem>>
      %dma_start3A_2216 = arith.constant 0 : i32
      %dma_start3A_2217 = arith.constant 0 : i32
      %dma_start3A_2218 = tpu.memref_slice %arg8[%dma_start3A_2216, %dma_start3A_2217] : memref<1024x128xf32, #tpu.memory_space<vmem_shared>> -> memref<1024x128xf32, #tpu.memory_space<vmem_shared>>
      tpu.enqueue_indirect_dma source(%dma_start3A_2212 : memref<128x128xf32, #tpu.memory_space<vmem>>) target(%dma_start3A_2218 : memref<1024x128xf32, #tpu.memory_space<vmem_shared>>) offsets(%dma_start3A_2215 : memref<128xi32, #tpu.memory_space<vmem>>) semaphore(%arg16 : memref<!tpu.dma_semaphore, #tpu.memory_space<semaphore_mem>>) {add = true}
      %ge3A_2219 = arith.constant 1 : i32
      %ge3A_2220 = arith.cmpi sge, %add3A_2064, %ge3A_2219 : i32
      %convert_element_type3A_2221 = arith.extui %ge3A_2220 : i1 to i32
      %cond3A_2222 = arith.constant 0 : i32
      %cond3A_2223 = arith.cmpi ne, %convert_element_type3A_2221, %cond3A_2222 : i32
      scf.if %cond3A_2223 {
        %dma_wait3A_2571 = arith.constant 0 : i32
        %dma_wait3A_2572 = arith.constant 0 : i32
        %dma_wait3A_2573 = tpu.memref_slice %arg6[%scan3A_1680, %dma_wait3A_2571, %dma_wait3A_2572] : memref<5x128x128xf32, #tpu.memory_space<vmem>> -> memref<1x128x128xf32, #tpu.memory_space<vmem>>
        %dma_wait3A_2574 = tpu.memref_squeeze %dma_wait3A_2573 : memref<1x128x128xf32, #tpu.memory_space<vmem>> -> memref<128x128xf32, #tpu.memory_space<vmem>>
        %dma_wait3A_2575 = arith.constant 0 : i32
        %dma_wait3A_2576 = tpu.memref_slice %arg5[%scan3A_1679, %dma_wait3A_2575] : memref<5x128xi32, #tpu.memory_space<vmem>> -> memref<1x128xi32, #tpu.memory_space<vmem>>
        %dma_wait3A_2577 = tpu.memref_squeeze %dma_wait3A_2576 : memref<1x128xi32, #tpu.memory_space<vmem>> -> memref<128xi32, #tpu.memory_space<vmem>>
        %dma_wait3A_2578 = arith.constant 0 : i32
        %dma_wait3A_2579 = arith.constant 0 : i32
        %dma_wait3A_2580 = tpu.memref_slice %arg8[%dma_wait3A_2578, %dma_wait3A_2579] : memref<1024x128xf32, #tpu.memory_space<vmem_shared>> -> memref<1024x128xf32, #tpu.memory_space<vmem_shared>>
        tpu.wait_indirect_dma semaphore(%arg15 : memref<!tpu.dma_semaphore, #tpu.memory_space<semaphore_mem>>) src(%dma_wait3A_2574 : memref<128x128xf32, #tpu.memory_space<vmem>>) dst(%dma_wait3A_2580 : memref<1024x128xf32, #tpu.memory_space<vmem_shared>>)
      } else {
      }
      %add3A_2224 = arith.constant 4 : i32
      %add3A_2225 = arith.addi %add3A_2064, %add3A_2224 : i32
      %lt3A_2226 = arith.constant 65 : i32
      %lt3A_2227 = arith.cmpi slt, %add3A_2225, %lt3A_2226 : i32
      %convert_element_type3A_2228 = arith.extui %lt3A_2227 : i1 to i32
      %cond3A_2229 = arith.constant 0 : i32
      %cond3A_2230 = arith.cmpi ne, %convert_element_type3A_2228, %cond3A_2229 : i32
      scf.if %cond3A_2230 {
        %add3A_2571 = arith.constant 4 : i32
        %add3A_2572 = arith.addi %add3A_2064, %add3A_2571 : i32
        %mul3A_2573 = arith.constant 128 : i32
        %mul3A_2574 = arith.muli %add3A_2572, %mul3A_2573 : i32
        %add3A_2575 = arith.addi %add3A_35, %mul3A_2574 : i32
        %dma_start3A_2576 = arith.constant 0 : i32
        %dma_start3A_2577 = tpu.memref_slice %arg5[%scan3A_1679, %dma_start3A_2576] : memref<5x128xi32, #tpu.memory_space<vmem>> -> memref<1x128xi32, #tpu.memory_space<vmem>>
        %dma_start3A_2578 = tpu.memref_squeeze %dma_start3A_2577 : memref<1x128xi32, #tpu.memory_space<vmem>> -> memref<128xi32, #tpu.memory_space<vmem>>
        %dma_start3A_2579 = tpu.memref_slice %arg3[%add3A_2575] : memref<400000xi32, #tpu.memory_space<hbm>> -> memref<128xi32, #tpu.memory_space<hbm>>
        %dma_start3A_2580 = arith.constant 0 : i32
        %dma_start3A_2581 = tpu.memref_slice %arg5[%scan3A_1679, %dma_start3A_2580] : memref<5x128xi32, #tpu.memory_space<vmem>> -> memref<1x128xi32, #tpu.memory_space<vmem>>
        %dma_start3A_2582 = tpu.memref_squeeze %dma_start3A_2581 : memref<1x128xi32, #tpu.memory_space<vmem>> -> memref<128xi32, #tpu.memory_space<vmem>>
        %dma_start3A_2583 = tpu.memref_slice %arg3[%add3A_2575] : memref<400000xi32, #tpu.memory_space<hbm>> -> memref<128xi32, #tpu.memory_space<hbm>>
        tpu.enqueue_dma source(%dma_start3A_2583 : memref<128xi32, #tpu.memory_space<hbm>>) target(%dma_start3A_2582 : memref<128xi32, #tpu.memory_space<vmem>>) target_semaphore(%arg10 : memref<!tpu.dma_semaphore, #tpu.memory_space<semaphore_mem>>)
        %dma_start3A_2584 = arith.constant 0 : i32
        %dma_start3A_2585 = arith.constant 0 : i32
        %dma_start3A_2586 = tpu.memref_slice %arg6[%scan3A_1680, %dma_start3A_2584, %dma_start3A_2585] : memref<5x128x128xf32, #tpu.memory_space<vmem>> -> memref<1x128x128xf32, #tpu.memory_space<vmem>>
        %dma_start3A_2587 = tpu.memref_squeeze %dma_start3A_2586 : memref<1x128x128xf32, #tpu.memory_space<vmem>> -> memref<128x128xf32, #tpu.memory_space<vmem>>
        %dma_start3A_2588 = arith.constant 0 : i32
        %dma_start3A_2589 = tpu.memref_slice %arg2[%add3A_2575, %dma_start3A_2588] : memref<400000x128xf32, #tpu.memory_space<hbm>> -> memref<128x128xf32, #tpu.memory_space<hbm>>
        %dma_start3A_2590 = arith.constant 0 : i32
        %dma_start3A_2591 = arith.constant 0 : i32
        %dma_start3A_2592 = tpu.memref_slice %arg6[%scan3A_1680, %dma_start3A_2590, %dma_start3A_2591] : memref<5x128x128xf32, #tpu.memory_space<vmem>> -> memref<1x128x128xf32, #tpu.memory_space<vmem>>
        %dma_start3A_2593 = tpu.memref_squeeze %dma_start3A_2592 : memref<1x128x128xf32, #tpu.memory_space<vmem>> -> memref<128x128xf32, #tpu.memory_space<vmem>>
        %dma_start3A_2594 = arith.constant 0 : i32
        %dma_start3A_2595 = tpu.memref_slice %arg2[%add3A_2575, %dma_start3A_2594] : memref<400000x128xf32, #tpu.memory_space<hbm>> -> memref<128x128xf32, #tpu.memory_space<hbm>>
        tpu.enqueue_dma source(%dma_start3A_2595 : memref<128x128xf32, #tpu.memory_space<hbm>>) target(%dma_start3A_2593 : memref<128x128xf32, #tpu.memory_space<vmem>>) target_semaphore(%arg10 : memref<!tpu.dma_semaphore, #tpu.memory_space<semaphore_mem>>)
      } else {
      }
      %mul3A_2231 = arith.constant 5 : i32
      %mul3A_2232 = arith.muli %mul3A_2231, %scan3A_1724 : i32
      %add3A_2233 = arith.constant 3 : i32
      %add3A_2234 = arith.addi %mul3A_2232, %add3A_2233 : i32
      %dma_wait3A_2235 = arith.constant 0 : i32
      %dma_wait3A_2236 = tpu.memref_slice %arg5[%scan3A_1683, %dma_wait3A_2235] : memref<5x128xi32, #tpu.memory_space<vmem>> -> memref<1x128xi32, #tpu.memory_space<vmem>>
      %dma_wait3A_2237 = tpu.memref_squeeze %dma_wait3A_2236 : memref<1x128xi32, #tpu.memory_space<vmem>> -> memref<128xi32, #tpu.memory_space<vmem>>
      %dma_wait3A_2238 = arith.constant 0 : i32
      %dma_wait3A_2239 = tpu.memref_slice %arg3[%dma_wait3A_2238] : memref<400000xi32, #tpu.memory_space<hbm>> -> memref<128xi32, #tpu.memory_space<hbm>>
      %dma_wait3A_2240 = arith.constant 0 : i32
      %dma_wait3A_2241 = tpu.memref_slice %arg5[%scan3A_1683, %dma_wait3A_2240] : memref<5x128xi32, #tpu.memory_space<vmem>> -> memref<1x128xi32, #tpu.memory_space<vmem>>
      %dma_wait3A_2242 = tpu.memref_squeeze %dma_wait3A_2241 : memref<1x128xi32, #tpu.memory_space<vmem>> -> memref<128xi32, #tpu.memory_space<vmem>>
      %dma_wait3A_2243 = arith.constant 0 : i32
      %dma_wait3A_2244 = tpu.memref_slice %arg3[%dma_wait3A_2243] : memref<400000xi32, #tpu.memory_space<hbm>> -> memref<128xi32, #tpu.memory_space<hbm>>
      tpu.wait_dma2 semaphore(%arg12 : memref<!tpu.dma_semaphore, #tpu.memory_space<semaphore_mem>>) src(%dma_wait3A_2244 : memref<128xi32, #tpu.memory_space<hbm>>) dst(%dma_wait3A_2242 : memref<128xi32, #tpu.memory_space<vmem>>)
      %dma_wait3A_2245 = arith.constant 0 : i32
      %dma_wait3A_2246 = arith.constant 0 : i32
      %dma_wait3A_2247 = tpu.memref_slice %arg6[%scan3A_1684, %dma_wait3A_2245, %dma_wait3A_2246] : memref<5x128x128xf32, #tpu.memory_space<vmem>> -> memref<1x128x128xf32, #tpu.memory_space<vmem>>
      %dma_wait3A_2248 = tpu.memref_squeeze %dma_wait3A_2247 : memref<1x128x128xf32, #tpu.memory_space<vmem>> -> memref<128x128xf32, #tpu.memory_space<vmem>>
      %dma_wait3A_2249 = arith.constant 0 : i32
      %dma_wait3A_2250 = arith.constant 0 : i32
      %dma_wait3A_2251 = tpu.memref_slice %arg2[%dma_wait3A_2249, %dma_wait3A_2250] : memref<400000x128xf32, #tpu.memory_space<hbm>> -> memref<128x128xf32, #tpu.memory_space<hbm>>
      %dma_wait3A_2252 = arith.constant 0 : i32
      %dma_wait3A_2253 = arith.constant 0 : i32
      %dma_wait3A_2254 = tpu.memref_slice %arg6[%scan3A_1684, %dma_wait3A_2252, %dma_wait3A_2253] : memref<5x128x128xf32, #tpu.memory_space<vmem>> -> memref<1x128x128xf32, #tpu.memory_space<vmem>>
      %dma_wait3A_2255 = tpu.memref_squeeze %dma_wait3A_2254 : memref<1x128x128xf32, #tpu.memory_space<vmem>> -> memref<128x128xf32, #tpu.memory_space<vmem>>
      %dma_wait3A_2256 = arith.constant 0 : i32
      %dma_wait3A_2257 = arith.constant 0 : i32
      %dma_wait3A_2258 = tpu.memref_slice %arg2[%dma_wait3A_2256, %dma_wait3A_2257] : memref<400000x128xf32, #tpu.memory_space<hbm>> -> memref<128x128xf32, #tpu.memory_space<hbm>>
      tpu.wait_dma2 semaphore(%arg12 : memref<!tpu.dma_semaphore, #tpu.memory_space<semaphore_mem>>) src(%dma_wait3A_2258 : memref<128x128xf32, #tpu.memory_space<hbm>>) dst(%dma_wait3A_2255 : memref<128x128xf32, #tpu.memory_space<vmem>>)
      %get3A_2259 = arith.constant 3 : i32
      %get3A_2260 = arith.index_cast %get3A_2259 : i32 to index
      %get3A_2261 = arith.constant 0 : index
      %get3A_2262 = tpu.vector_load %arg5[%get3A_2260, %get3A_2261] {strides = array<i32>} : memref<5x128xi32, #tpu.memory_space<vmem>>, vector<1x16xi32>,
      %get3A_2263 = vector.shape_cast %get3A_2262 : vector<1x16xi32> to vector<16xi32>
      %mul3A_2264 = arith.constant 512 : i32
      %mul3A_2265 = arith.muli %select_n3A, %mul3A_2264 : i32
      %add3A_2266 = vector.broadcast %mul3A_2265 : i32 to vector<16xi32>
      %add3A_2267 = arith.addi %get3A_2263, %add3A_2266 : vector<16xi32>
      %swap3A_2268 = arith.constant 3 : i32
      %swap3A_2269 = arith.index_cast %swap3A_2268 : i32 to index
      %swap3A_2270 = arith.constant 0 : index
      %swap3A_2271 = tpu.vector_load %arg5[%swap3A_2269, %swap3A_2270] {strides = array<i32>} : memref<5x128xi32, #tpu.memory_space<vmem>>, vector<1x16xi32>,
      %swap3A_2272 = vector.shape_cast %swap3A_2271 : vector<1x16xi32> to vector<16xi32>
      %swap3A_2273 = vector.shape_cast %add3A_2267 : vector<16xi32> to vector<1x16xi32>
      tpu.vector_store %arg5[%swap3A_2269, %swap3A_2270], %swap3A_2273 {strides = array<i32>} : memref<5x128xi32, #tpu.memory_space<vmem>>, vector<1x16xi32>,
      %get3A_2274 = arith.constant 3 : i32
      %get3A_2275 = arith.index_cast %get3A_2274 : i32 to index
      %get3A_2276 = arith.constant 16 : index
      %get3A_2277 = tpu.vector_load %arg5[%get3A_2275, %get3A_2276] {strides = array<i32>} : memref<5x128xi32, #tpu.memory_space<vmem>>, vector<1x16xi32>,
      %get3A_2278 = vector.shape_cast %get3A_2277 : vector<1x16xi32> to vector<16xi32>
      %mul3A_2279 = arith.constant 512 : i32
      %mul3A_2280 = arith.muli %select_n3A, %mul3A_2279 : i32
      %add3A_2281 = vector.broadcast %mul3A_2280 : i32 to vector<16xi32>
      %add3A_2282 = arith.addi %get3A_2278, %add3A_2281 : vector<16xi32>
      %swap3A_2283 = arith.constant 3 : i32
      %swap3A_2284 = arith.index_cast %swap3A_2283 : i32 to index
      %swap3A_2285 = arith.constant 16 : index
      %swap3A_2286 = tpu.vector_load %arg5[%swap3A_2284, %swap3A_2285] {strides = array<i32>} : memref<5x128xi32, #tpu.memory_space<vmem>>, vector<1x16xi32>,
      %swap3A_2287 = vector.shape_cast %swap3A_2286 : vector<1x16xi32> to vector<16xi32>
      %swap3A_2288 = vector.shape_cast %add3A_2282 : vector<16xi32> to vector<1x16xi32>
      tpu.vector_store %arg5[%swap3A_2284, %swap3A_2285], %swap3A_2288 {strides = array<i32>} : memref<5x128xi32, #tpu.memory_space<vmem>>, vector<1x16xi32>,
      %get3A_2289 = arith.constant 3 : i32
      %get3A_2290 = arith.index_cast %get3A_2289 : i32 to index
      %get3A_2291 = arith.constant 32 : index
      %get3A_2292 = tpu.vector_load %arg5[%get3A_2290, %get3A_2291] {strides = array<i32>} : memref<5x128xi32, #tpu.memory_space<vmem>>, vector<1x16xi32>,
      %get3A_2293 = vector.shape_cast %get3A_2292 : vector<1x16xi32> to vector<16xi32>
      %mul3A_2294 = arith.constant 512 : i32
      %mul3A_2295 = arith.muli %select_n3A, %mul3A_2294 : i32
      %add3A_2296 = vector.broadcast %mul3A_2295 : i32 to vector<16xi32>
      %add3A_2297 = arith.addi %get3A_2293, %add3A_2296 : vector<16xi32>
      %swap3A_2298 = arith.constant 3 : i32
      %swap3A_2299 = arith.index_cast %swap3A_2298 : i32 to index
      %swap3A_2300 = arith.constant 32 : index
      %swap3A_2301 = tpu.vector_load %arg5[%swap3A_2299, %swap3A_2300] {strides = array<i32>} : memref<5x128xi32, #tpu.memory_space<vmem>>, vector<1x16xi32>,
      %swap3A_2302 = vector.shape_cast %swap3A_2301 : vector<1x16xi32> to vector<16xi32>
      %swap3A_2303 = vector.shape_cast %add3A_2297 : vector<16xi32> to vector<1x16xi32>
      tpu.vector_store %arg5[%swap3A_2299, %swap3A_2300], %swap3A_2303 {strides = array<i32>} : memref<5x128xi32, #tpu.memory_space<vmem>>, vector<1x16xi32>,
      %get3A_2304 = arith.constant 3 : i32
      %get3A_2305 = arith.index_cast %get3A_2304 : i32 to index
      %get3A_2306 = arith.constant 48 : index
      %get3A_2307 = tpu.vector_load %arg5[%get3A_2305, %get3A_2306] {strides = array<i32>} : memref<5x128xi32, #tpu.memory_space<vmem>>, vector<1x16xi32>,
      %get3A_2308 = vector.shape_cast %get3A_2307 : vector<1x16xi32> to vector<16xi32>
      %mul3A_2309 = arith.constant 512 : i32
      %mul3A_2310 = arith.muli %select_n3A, %mul3A_2309 : i32
      %add3A_2311 = vector.broadcast %mul3A_2310 : i32 to vector<16xi32>
      %add3A_2312 = arith.addi %get3A_2308, %add3A_2311 : vector<16xi32>
      %swap3A_2313 = arith.constant 3 : i32
      %swap3A_2314 = arith.index_cast %swap3A_2313 : i32 to index
      %swap3A_2315 = arith.constant 48 : index
      %swap3A_2316 = tpu.vector_load %arg5[%swap3A_2314, %swap3A_2315] {strides = array<i32>} : memref<5x128xi32, #tpu.memory_space<vmem>>, vector<1x16xi32>,
      %swap3A_2317 = vector.shape_cast %swap3A_2316 : vector<1x16xi32> to vector<16xi32>
      %swap3A_2318 = vector.shape_cast %add3A_2312 : vector<16xi32> to vector<1x16xi32>
      tpu.vector_store %arg5[%swap3A_2314, %swap3A_2315], %swap3A_2318 {strides = array<i32>} : memref<5x128xi32, #tpu.memory_space<vmem>>, vector<1x16xi32>,
      %get3A_2319 = arith.constant 3 : i32
      %get3A_2320 = arith.index_cast %get3A_2319 : i32 to index
      %get3A_2321 = arith.constant 64 : index
      %get3A_2322 = tpu.vector_load %arg5[%get3A_2320, %get3A_2321] {strides = array<i32>} : memref<5x128xi32, #tpu.memory_space<vmem>>, vector<1x16xi32>,
      %get3A_2323 = vector.shape_cast %get3A_2322 : vector<1x16xi32> to vector<16xi32>
      %mul3A_2324 = arith.constant 512 : i32
      %mul3A_2325 = arith.muli %select_n3A, %mul3A_2324 : i32
      %add3A_2326 = vector.broadcast %mul3A_2325 : i32 to vector<16xi32>
      %add3A_2327 = arith.addi %get3A_2323, %add3A_2326 : vector<16xi32>
      %swap3A_2328 = arith.constant 3 : i32
      %swap3A_2329 = arith.index_cast %swap3A_2328 : i32 to index
      %swap3A_2330 = arith.constant 64 : index
      %swap3A_2331 = tpu.vector_load %arg5[%swap3A_2329, %swap3A_2330] {strides = array<i32>} : memref<5x128xi32, #tpu.memory_space<vmem>>, vector<1x16xi32>,
      %swap3A_2332 = vector.shape_cast %swap3A_2331 : vector<1x16xi32> to vector<16xi32>
      %swap3A_2333 = vector.shape_cast %add3A_2327 : vector<16xi32> to vector<1x16xi32>
      tpu.vector_store %arg5[%swap3A_2329, %swap3A_2330], %swap3A_2333 {strides = array<i32>} : memref<5x128xi32, #tpu.memory_space<vmem>>, vector<1x16xi32>,
      %get3A_2334 = arith.constant 3 : i32
      %get3A_2335 = arith.index_cast %get3A_2334 : i32 to index
      %get3A_2336 = arith.constant 80 : index
      %get3A_2337 = tpu.vector_load %arg5[%get3A_2335, %get3A_2336] {strides = array<i32>} : memref<5x128xi32, #tpu.memory_space<vmem>>, vector<1x16xi32>,
      %get3A_2338 = vector.shape_cast %get3A_2337 : vector<1x16xi32> to vector<16xi32>
      %mul3A_2339 = arith.constant 512 : i32
      %mul3A_2340 = arith.muli %select_n3A, %mul3A_2339 : i32
      %add3A_2341 = vector.broadcast %mul3A_2340 : i32 to vector<16xi32>
      %add3A_2342 = arith.addi %get3A_2338, %add3A_2341 : vector<16xi32>
      %swap3A_2343 = arith.constant 3 : i32
      %swap3A_2344 = arith.index_cast %swap3A_2343 : i32 to index
      %swap3A_2345 = arith.constant 80 : index
      %swap3A_2346 = tpu.vector_load %arg5[%swap3A_2344, %swap3A_2345] {strides = array<i32>} : memref<5x128xi32, #tpu.memory_space<vmem>>, vector<1x16xi32>,
      %swap3A_2347 = vector.shape_cast %swap3A_2346 : vector<1x16xi32> to vector<16xi32>
      %swap3A_2348 = vector.shape_cast %add3A_2342 : vector<16xi32> to vector<1x16xi32>
      tpu.vector_store %arg5[%swap3A_2344, %swap3A_2345], %swap3A_2348 {strides = array<i32>} : memref<5x128xi32, #tpu.memory_space<vmem>>, vector<1x16xi32>,
      %get3A_2349 = arith.constant 3 : i32
      %get3A_2350 = arith.index_cast %get3A_2349 : i32 to index
      %get3A_2351 = arith.constant 96 : index
      %get3A_2352 = tpu.vector_load %arg5[%get3A_2350, %get3A_2351] {strides = array<i32>} : memref<5x128xi32, #tpu.memory_space<vmem>>, vector<1x16xi32>,
      %get3A_2353 = vector.shape_cast %get3A_2352 : vector<1x16xi32> to vector<16xi32>
      %mul3A_2354 = arith.constant 512 : i32
      %mul3A_2355 = arith.muli %select_n3A, %mul3A_2354 : i32
      %add3A_2356 = vector.broadcast %mul3A_2355 : i32 to vector<16xi32>
      %add3A_2357 = arith.addi %get3A_2353, %add3A_2356 : vector<16xi32>
      %swap3A_2358 = arith.constant 3 : i32
      %swap3A_2359 = arith.index_cast %swap3A_2358 : i32 to index
      %swap3A_2360 = arith.constant 96 : index
      %swap3A_2361 = tpu.vector_load %arg5[%swap3A_2359, %swap3A_2360] {strides = array<i32>} : memref<5x128xi32, #tpu.memory_space<vmem>>, vector<1x16xi32>,
      %swap3A_2362 = vector.shape_cast %swap3A_2361 : vector<1x16xi32> to vector<16xi32>
      %swap3A_2363 = vector.shape_cast %add3A_2357 : vector<16xi32> to vector<1x16xi32>
      tpu.vector_store %arg5[%swap3A_2359, %swap3A_2360], %swap3A_2363 {strides = array<i32>} : memref<5x128xi32, #tpu.memory_space<vmem>>, vector<1x16xi32>,
      %get3A_2364 = arith.constant 3 : i32
      %get3A_2365 = arith.index_cast %get3A_2364 : i32 to index
      %get3A_2366 = arith.constant 112 : index
      %get3A_2367 = tpu.vector_load %arg5[%get3A_2365, %get3A_2366] {strides = array<i32>} : memref<5x128xi32, #tpu.memory_space<vmem>>, vector<1x16xi32>,
      %get3A_2368 = vector.shape_cast %get3A_2367 : vector<1x16xi32> to vector<16xi32>
      %mul3A_2369 = arith.constant 512 : i32
      %mul3A_2370 = arith.muli %select_n3A, %mul3A_2369 : i32
      %add3A_2371 = vector.broadcast %mul3A_2370 : i32 to vector<16xi32>
      %add3A_2372 = arith.addi %get3A_2368, %add3A_2371 : vector<16xi32>
      %swap3A_2373 = arith.constant 3 : i32
      %swap3A_2374 = arith.index_cast %swap3A_2373 : i32 to index
      %swap3A_2375 = arith.constant 112 : index
      %swap3A_2376 = tpu.vector_load %arg5[%swap3A_2374, %swap3A_2375] {strides = array<i32>} : memref<5x128xi32, #tpu.memory_space<vmem>>, vector<1x16xi32>,
      %swap3A_2377 = vector.shape_cast %swap3A_2376 : vector<1x16xi32> to vector<16xi32>
      %swap3A_2378 = vector.shape_cast %add3A_2372 : vector<16xi32> to vector<1x16xi32>
      tpu.vector_store %arg5[%swap3A_2374, %swap3A_2375], %swap3A_2378 {strides = array<i32>} : memref<5x128xi32, #tpu.memory_space<vmem>>, vector<1x16xi32>,
      %dma_start3A_2379 = arith.constant 0 : i32
      %dma_start3A_2380 = arith.constant 0 : i32
      %dma_start3A_2381 = tpu.memref_slice %arg6[%scan3A_1684, %dma_start3A_2379, %dma_start3A_2380] : memref<5x128x128xf32, #tpu.memory_space<vmem>> -> memref<1x128x128xf32, #tpu.memory_space<vmem>>
      %dma_start3A_2382 = tpu.memref_squeeze %dma_start3A_2381 : memref<1x128x128xf32, #tpu.memory_space<vmem>> -> memref<128x128xf32, #tpu.memory_space<vmem>>
      %dma_start3A_2383 = arith.constant 0 : i32
      %dma_start3A_2384 = tpu.memref_slice %arg5[%scan3A_1683, %dma_start3A_2383] : memref<5x128xi32, #tpu.memory_space<vmem>> -> memref<1x128xi32, #tpu.memory_space<vmem>>
      %dma_start3A_2385 = tpu.memref_squeeze %dma_start3A_2384 : memref<1x128xi32, #tpu.memory_space<vmem>> -> memref<128xi32, #tpu.memory_space<vmem>>
      %dma_start3A_2386 = arith.constant 0 : i32
      %dma_start3A_2387 = arith.constant 0 : i32
      %dma_start3A_2388 = tpu.memref_slice %arg8[%dma_start3A_2386, %dma_start3A_2387] : memref<1024x128xf32, #tpu.memory_space<vmem_shared>> -> memref<1024x128xf32, #tpu.memory_space<vmem_shared>>
      tpu.enqueue_indirect_dma source(%dma_start3A_2382 : memref<128x128xf32, #tpu.memory_space<vmem>>) target(%dma_start3A_2388 : memref<1024x128xf32, #tpu.memory_space<vmem_shared>>) offsets(%dma_start3A_2385 : memref<128xi32, #tpu.memory_space<vmem>>) semaphore(%arg17 : memref<!tpu.dma_semaphore, #tpu.memory_space<semaphore_mem>>) {add = true}
      %ge3A_2389 = arith.constant 1 : i32
      %ge3A_2390 = arith.cmpi sge, %add3A_2234, %ge3A_2389 : i32
      %convert_element_type3A_2391 = arith.extui %ge3A_2390 : i1 to i32
      %cond3A_2392 = arith.constant 0 : i32
      %cond3A_2393 = arith.cmpi ne, %convert_element_type3A_2391, %cond3A_2392 : i32
      scf.if %cond3A_2393 {
        %dma_wait3A_2571 = arith.constant 0 : i32
        %dma_wait3A_2572 = arith.constant 0 : i32
        %dma_wait3A_2573 = tpu.memref_slice %arg6[%scan3A_1682, %dma_wait3A_2571, %dma_wait3A_2572] : memref<5x128x128xf32, #tpu.memory_space<vmem>> -> memref<1x128x128xf32, #tpu.memory_space<vmem>>
        %dma_wait3A_2574 = tpu.memref_squeeze %dma_wait3A_2573 : memref<1x128x128xf32, #tpu.memory_space<vmem>> -> memref<128x128xf32, #tpu.memory_space<vmem>>
        %dma_wait3A_2575 = arith.constant 0 : i32
        %dma_wait3A_2576 = tpu.memref_slice %arg5[%scan3A_1681, %dma_wait3A_2575] : memref<5x128xi32, #tpu.memory_space<vmem>> -> memref<1x128xi32, #tpu.memory_space<vmem>>
        %dma_wait3A_2577 = tpu.memref_squeeze %dma_wait3A_2576 : memref<1x128xi32, #tpu.memory_space<vmem>> -> memref<128xi32, #tpu.memory_space<vmem>>
        %dma_wait3A_2578 = arith.constant 0 : i32
        %dma_wait3A_2579 = arith.constant 0 : i32
        %dma_wait3A_2580 = tpu.memref_slice %arg8[%dma_wait3A_2578, %dma_wait3A_2579] : memref<1024x128xf32, #tpu.memory_space<vmem_shared>> -> memref<1024x128xf32, #tpu.memory_space<vmem_shared>>
        tpu.wait_indirect_dma semaphore(%arg16 : memref<!tpu.dma_semaphore, #tpu.memory_space<semaphore_mem>>) src(%dma_wait3A_2574 : memref<128x128xf32, #tpu.memory_space<vmem>>) dst(%dma_wait3A_2580 : memref<1024x128xf32, #tpu.memory_space<vmem_shared>>)
      } else {
      }
      %add3A_2394 = arith.constant 4 : i32
      %add3A_2395 = arith.addi %add3A_2234, %add3A_2394 : i32
      %lt3A_2396 = arith.constant 65 : i32
      %lt3A_2397 = arith.cmpi slt, %add3A_2395, %lt3A_2396 : i32
      %convert_element_type3A_2398 = arith.extui %lt3A_2397 : i1 to i32
      %cond3A_2399 = arith.constant 0 : i32
      %cond3A_2400 = arith.cmpi ne, %convert_element_type3A_2398, %cond3A_2399 : i32
      scf.if %cond3A_2400 {
        %add3A_2571 = arith.constant 4 : i32
        %add3A_2572 = arith.addi %add3A_2234, %add3A_2571 : i32
        %mul3A_2573 = arith.constant 128 : i32
        %mul3A_2574 = arith.muli %add3A_2572, %mul3A_2573 : i32
        %add3A_2575 = arith.addi %add3A_35, %mul3A_2574 : i32
        %dma_start3A_2576 = arith.constant 0 : i32
        %dma_start3A_2577 = tpu.memref_slice %arg5[%scan3A_1681, %dma_start3A_2576] : memref<5x128xi32, #tpu.memory_space<vmem>> -> memref<1x128xi32, #tpu.memory_space<vmem>>
        %dma_start3A_2578 = tpu.memref_squeeze %dma_start3A_2577 : memref<1x128xi32, #tpu.memory_space<vmem>> -> memref<128xi32, #tpu.memory_space<vmem>>
        %dma_start3A_2579 = tpu.memref_slice %arg3[%add3A_2575] : memref<400000xi32, #tpu.memory_space<hbm>> -> memref<128xi32, #tpu.memory_space<hbm>>
        %dma_start3A_2580 = arith.constant 0 : i32
        %dma_start3A_2581 = tpu.memref_slice %arg5[%scan3A_1681, %dma_start3A_2580] : memref<5x128xi32, #tpu.memory_space<vmem>> -> memref<1x128xi32, #tpu.memory_space<vmem>>
        %dma_start3A_2582 = tpu.memref_squeeze %dma_start3A_2581 : memref<1x128xi32, #tpu.memory_space<vmem>> -> memref<128xi32, #tpu.memory_space<vmem>>
        %dma_start3A_2583 = tpu.memref_slice %arg3[%add3A_2575] : memref<400000xi32, #tpu.memory_space<hbm>> -> memref<128xi32, #tpu.memory_space<hbm>>
        tpu.enqueue_dma source(%dma_start3A_2583 : memref<128xi32, #tpu.memory_space<hbm>>) target(%dma_start3A_2582 : memref<128xi32, #tpu.memory_space<vmem>>) target_semaphore(%arg11 : memref<!tpu.dma_semaphore, #tpu.memory_space<semaphore_mem>>)
        %dma_start3A_2584 = arith.constant 0 : i32
        %dma_start3A_2585 = arith.constant 0 : i32
        %dma_start3A_2586 = tpu.memref_slice %arg6[%scan3A_1682, %dma_start3A_2584, %dma_start3A_2585] : memref<5x128x128xf32, #tpu.memory_space<vmem>> -> memref<1x128x128xf32, #tpu.memory_space<vmem>>
        %dma_start3A_2587 = tpu.memref_squeeze %dma_start3A_2586 : memref<1x128x128xf32, #tpu.memory_space<vmem>> -> memref<128x128xf32, #tpu.memory_space<vmem>>
        %dma_start3A_2588 = arith.constant 0 : i32
        %dma_start3A_2589 = tpu.memref_slice %arg2[%add3A_2575, %dma_start3A_2588] : memref<400000x128xf32, #tpu.memory_space<hbm>> -> memref<128x128xf32, #tpu.memory_space<hbm>>
        %dma_start3A_2590 = arith.constant 0 : i32
        %dma_start3A_2591 = arith.constant 0 : i32
        %dma_start3A_2592 = tpu.memref_slice %arg6[%scan3A_1682, %dma_start3A_2590, %dma_start3A_2591] : memref<5x128x128xf32, #tpu.memory_space<vmem>> -> memref<1x128x128xf32, #tpu.memory_space<vmem>>
        %dma_start3A_2593 = tpu.memref_squeeze %dma_start3A_2592 : memref<1x128x128xf32, #tpu.memory_space<vmem>> -> memref<128x128xf32, #tpu.memory_space<vmem>>
        %dma_start3A_2594 = arith.constant 0 : i32
        %dma_start3A_2595 = tpu.memref_slice %arg2[%add3A_2575, %dma_start3A_2594] : memref<400000x128xf32, #tpu.memory_space<hbm>> -> memref<128x128xf32, #tpu.memory_space<hbm>>
        tpu.enqueue_dma source(%dma_start3A_2595 : memref<128x128xf32, #tpu.memory_space<hbm>>) target(%dma_start3A_2593 : memref<128x128xf32, #tpu.memory_space<vmem>>) target_semaphore(%arg11 : memref<!tpu.dma_semaphore, #tpu.memory_space<semaphore_mem>>)
      } else {
      }
      %mul3A_2401 = arith.constant 5 : i32
      %mul3A_2402 = arith.muli %mul3A_2401, %scan3A_1724 : i32
      %add3A_2403 = arith.constant 4 : i32
      %add3A_2404 = arith.addi %mul3A_2402, %add3A_2403 : i32
      %dma_wait3A_2405 = arith.constant 0 : i32
      %dma_wait3A_2406 = tpu.memref_slice %arg5[%scan3A_1678, %dma_wait3A_2405] : memref<5x128xi32, #tpu.memory_space<vmem>> -> memref<1x128xi32, #tpu.memory_space<vmem>>
      %dma_wait3A_2407 = tpu.memref_squeeze %dma_wait3A_2406 : memref<1x128xi32, #tpu.memory_space<vmem>> -> memref<128xi32, #tpu.memory_space<vmem>>
      %dma_wait3A_2408 = arith.constant 0 : i32
      %dma_wait3A_2409 = tpu.memref_slice %arg3[%dma_wait3A_2408] : memref<400000xi32, #tpu.memory_space<hbm>> -> memref<128xi32, #tpu.memory_space<hbm>>
      %dma_wait3A_2410 = arith.constant 0 : i32
      %dma_wait3A_2411 = tpu.memref_slice %arg5[%scan3A_1678, %dma_wait3A_2410] : memref<5x128xi32, #tpu.memory_space<vmem>> -> memref<1x128xi32, #tpu.memory_space<vmem>>
      %dma_wait3A_2412 = tpu.memref_squeeze %dma_wait3A_2411 : memref<1x128xi32, #tpu.memory_space<vmem>> -> memref<128xi32, #tpu.memory_space<vmem>>
      %dma_wait3A_2413 = arith.constant 0 : i32
      %dma_wait3A_2414 = tpu.memref_slice %arg3[%dma_wait3A_2413] : memref<400000xi32, #tpu.memory_space<hbm>> -> memref<128xi32, #tpu.memory_space<hbm>>
      tpu.wait_dma2 semaphore(%arg13 : memref<!tpu.dma_semaphore, #tpu.memory_space<semaphore_mem>>) src(%dma_wait3A_2414 : memref<128xi32, #tpu.memory_space<hbm>>) dst(%dma_wait3A_2412 : memref<128xi32, #tpu.memory_space<vmem>>)
      %dma_wait3A_2415 = arith.constant 0 : i32
      %dma_wait3A_2416 = arith.constant 0 : i32
      %dma_wait3A_2417 = tpu.memref_slice %arg6[%scan3A_1677, %dma_wait3A_2415, %dma_wait3A_2416] : memref<5x128x128xf32, #tpu.memory_space<vmem>> -> memref<1x128x128xf32, #tpu.memory_space<vmem>>
      %dma_wait3A_2418 = tpu.memref_squeeze %dma_wait3A_2417 : memref<1x128x128xf32, #tpu.memory_space<vmem>> -> memref<128x128xf32, #tpu.memory_space<vmem>>
      %dma_wait3A_2419 = arith.constant 0 : i32
      %dma_wait3A_2420 = arith.constant 0 : i32
      %dma_wait3A_2421 = tpu.memref_slice %arg2[%dma_wait3A_2419, %dma_wait3A_2420] : memref<400000x128xf32, #tpu.memory_space<hbm>> -> memref<128x128xf32, #tpu.memory_space<hbm>>
      %dma_wait3A_2422 = arith.constant 0 : i32
      %dma_wait3A_2423 = arith.constant 0 : i32
      %dma_wait3A_2424 = tpu.memref_slice %arg6[%scan3A_1677, %dma_wait3A_2422, %dma_wait3A_2423] : memref<5x128x128xf32, #tpu.memory_space<vmem>> -> memref<1x128x128xf32, #tpu.memory_space<vmem>>
      %dma_wait3A_2425 = tpu.memref_squeeze %dma_wait3A_2424 : memref<1x128x128xf32, #tpu.memory_space<vmem>> -> memref<128x128xf32, #tpu.memory_space<vmem>>
      %dma_wait3A_2426 = arith.constant 0 : i32
      %dma_wait3A_2427 = arith.constant 0 : i32
      %dma_wait3A_2428 = tpu.memref_slice %arg2[%dma_wait3A_2426, %dma_wait3A_2427] : memref<400000x128xf32, #tpu.memory_space<hbm>> -> memref<128x128xf32, #tpu.memory_space<hbm>>
      tpu.wait_dma2 semaphore(%arg13 : memref<!tpu.dma_semaphore, #tpu.memory_space<semaphore_mem>>) src(%dma_wait3A_2428 : memref<128x128xf32, #tpu.memory_space<hbm>>) dst(%dma_wait3A_2425 : memref<128x128xf32, #tpu.memory_space<vmem>>)
      %get3A_2429 = arith.constant 4 : i32
      %get3A_2430 = arith.index_cast %get3A_2429 : i32 to index
      %get3A_2431 = arith.constant 0 : index
      %get3A_2432 = tpu.vector_load %arg5[%get3A_2430, %get3A_2431] {strides = array<i32>} : memref<5x128xi32, #tpu.memory_space<vmem>>, vector<1x16xi32>,
      %get3A_2433 = vector.shape_cast %get3A_2432 : vector<1x16xi32> to vector<16xi32>
      %mul3A_2434 = arith.constant 512 : i32
      %mul3A_2435 = arith.muli %select_n3A, %mul3A_2434 : i32
      %add3A_2436 = vector.broadcast %mul3A_2435 : i32 to vector<16xi32>
      %add3A_2437 = arith.addi %get3A_2433, %add3A_2436 : vector<16xi32>
      %swap3A_2438 = arith.constant 4 : i32
      %swap3A_2439 = arith.index_cast %swap3A_2438 : i32 to index
      %swap3A_2440 = arith.constant 0 : index
      %swap3A_2441 = tpu.vector_load %arg5[%swap3A_2439, %swap3A_2440] {strides = array<i32>} : memref<5x128xi32, #tpu.memory_space<vmem>>, vector<1x16xi32>,
      %swap3A_2442 = vector.shape_cast %swap3A_2441 : vector<1x16xi32> to vector<16xi32>
      %swap3A_2443 = vector.shape_cast %add3A_2437 : vector<16xi32> to vector<1x16xi32>
      tpu.vector_store %arg5[%swap3A_2439, %swap3A_2440], %swap3A_2443 {strides = array<i32>} : memref<5x128xi32, #tpu.memory_space<vmem>>, vector<1x16xi32>,
      %get3A_2444 = arith.constant 4 : i32
      %get3A_2445 = arith.index_cast %get3A_2444 : i32 to index
      %get3A_2446 = arith.constant 16 : index
      %get3A_2447 = tpu.vector_load %arg5[%get3A_2445, %get3A_2446] {strides = array<i32>} : memref<5x128xi32, #tpu.memory_space<vmem>>, vector<1x16xi32>,
      %get3A_2448 = vector.shape_cast %get3A_2447 : vector<1x16xi32> to vector<16xi32>
      %mul3A_2449 = arith.constant 512 : i32
      %mul3A_2450 = arith.muli %select_n3A, %mul3A_2449 : i32
      %add3A_2451 = vector.broadcast %mul3A_2450 : i32 to vector<16xi32>
      %add3A_2452 = arith.addi %get3A_2448, %add3A_2451 : vector<16xi32>
      %swap3A_2453 = arith.constant 4 : i32
      %swap3A_2454 = arith.index_cast %swap3A_2453 : i32 to index
      %swap3A_2455 = arith.constant 16 : index
      %swap3A_2456 = tpu.vector_load %arg5[%swap3A_2454, %swap3A_2455] {strides = array<i32>} : memref<5x128xi32, #tpu.memory_space<vmem>>, vector<1x16xi32>,
      %swap3A_2457 = vector.shape_cast %swap3A_2456 : vector<1x16xi32> to vector<16xi32>
      %swap3A_2458 = vector.shape_cast %add3A_2452 : vector<16xi32> to vector<1x16xi32>
      tpu.vector_store %arg5[%swap3A_2454, %swap3A_2455], %swap3A_2458 {strides = array<i32>} : memref<5x128xi32, #tpu.memory_space<vmem>>, vector<1x16xi32>,
      %get3A_2459 = arith.constant 4 : i32
      %get3A_2460 = arith.index_cast %get3A_2459 : i32 to index
      %get3A_2461 = arith.constant 32 : index
      %get3A_2462 = tpu.vector_load %arg5[%get3A_2460, %get3A_2461] {strides = array<i32>} : memref<5x128xi32, #tpu.memory_space<vmem>>, vector<1x16xi32>,
      %get3A_2463 = vector.shape_cast %get3A_2462 : vector<1x16xi32> to vector<16xi32>
      %mul3A_2464 = arith.constant 512 : i32
      %mul3A_2465 = arith.muli %select_n3A, %mul3A_2464 : i32
      %add3A_2466 = vector.broadcast %mul3A_2465 : i32 to vector<16xi32>
      %add3A_2467 = arith.addi %get3A_2463, %add3A_2466 : vector<16xi32>
      %swap3A_2468 = arith.constant 4 : i32
      %swap3A_2469 = arith.index_cast %swap3A_2468 : i32 to index
      %swap3A_2470 = arith.constant 32 : index
      %swap3A_2471 = tpu.vector_load %arg5[%swap3A_2469, %swap3A_2470] {strides = array<i32>} : memref<5x128xi32, #tpu.memory_space<vmem>>, vector<1x16xi32>,
      %swap3A_2472 = vector.shape_cast %swap3A_2471 : vector<1x16xi32> to vector<16xi32>
      %swap3A_2473 = vector.shape_cast %add3A_2467 : vector<16xi32> to vector<1x16xi32>
      tpu.vector_store %arg5[%swap3A_2469, %swap3A_2470], %swap3A_2473 {strides = array<i32>} : memref<5x128xi32, #tpu.memory_space<vmem>>, vector<1x16xi32>,
      %get3A_2474 = arith.constant 4 : i32
      %get3A_2475 = arith.index_cast %get3A_2474 : i32 to index
      %get3A_2476 = arith.constant 48 : index
      %get3A_2477 = tpu.vector_load %arg5[%get3A_2475, %get3A_2476] {strides = array<i32>} : memref<5x128xi32, #tpu.memory_space<vmem>>, vector<1x16xi32>,
      %get3A_2478 = vector.shape_cast %get3A_2477 : vector<1x16xi32> to vector<16xi32>
      %mul3A_2479 = arith.constant 512 : i32
      %mul3A_2480 = arith.muli %select_n3A, %mul3A_2479 : i32
      %add3A_2481 = vector.broadcast %mul3A_2480 : i32 to vector<16xi32>
      %add3A_2482 = arith.addi %get3A_2478, %add3A_2481 : vector<16xi32>
      %swap3A_2483 = arith.constant 4 : i32
      %swap3A_2484 = arith.index_cast %swap3A_2483 : i32 to index
      %swap3A_2485 = arith.constant 48 : index
      %swap3A_2486 = tpu.vector_load %arg5[%swap3A_2484, %swap3A_2485] {strides = array<i32>} : memref<5x128xi32, #tpu.memory_space<vmem>>, vector<1x16xi32>,
      %swap3A_2487 = vector.shape_cast %swap3A_2486 : vector<1x16xi32> to vector<16xi32>
      %swap3A_2488 = vector.shape_cast %add3A_2482 : vector<16xi32> to vector<1x16xi32>
      tpu.vector_store %arg5[%swap3A_2484, %swap3A_2485], %swap3A_2488 {strides = array<i32>} : memref<5x128xi32, #tpu.memory_space<vmem>>, vector<1x16xi32>,
      %get3A_2489 = arith.constant 4 : i32
      %get3A_2490 = arith.index_cast %get3A_2489 : i32 to index
      %get3A_2491 = arith.constant 64 : index
      %get3A_2492 = tpu.vector_load %arg5[%get3A_2490, %get3A_2491] {strides = array<i32>} : memref<5x128xi32, #tpu.memory_space<vmem>>, vector<1x16xi32>,
      %get3A_2493 = vector.shape_cast %get3A_2492 : vector<1x16xi32> to vector<16xi32>
      %mul3A_2494 = arith.constant 512 : i32
      %mul3A_2495 = arith.muli %select_n3A, %mul3A_2494 : i32
      %add3A_2496 = vector.broadcast %mul3A_2495 : i32 to vector<16xi32>
      %add3A_2497 = arith.addi %get3A_2493, %add3A_2496 : vector<16xi32>
      %swap3A_2498 = arith.constant 4 : i32
      %swap3A_2499 = arith.index_cast %swap3A_2498 : i32 to index
      %swap3A_2500 = arith.constant 64 : index
      %swap3A_2501 = tpu.vector_load %arg5[%swap3A_2499, %swap3A_2500] {strides = array<i32>} : memref<5x128xi32, #tpu.memory_space<vmem>>, vector<1x16xi32>,
      %swap3A_2502 = vector.shape_cast %swap3A_2501 : vector<1x16xi32> to vector<16xi32>
      %swap3A_2503 = vector.shape_cast %add3A_2497 : vector<16xi32> to vector<1x16xi32>
      tpu.vector_store %arg5[%swap3A_2499, %swap3A_2500], %swap3A_2503 {strides = array<i32>} : memref<5x128xi32, #tpu.memory_space<vmem>>, vector<1x16xi32>,
      %get3A_2504 = arith.constant 4 : i32
      %get3A_2505 = arith.index_cast %get3A_2504 : i32 to index
      %get3A_2506 = arith.constant 80 : index
      %get3A_2507 = tpu.vector_load %arg5[%get3A_2505, %get3A_2506] {strides = array<i32>} : memref<5x128xi32, #tpu.memory_space<vmem>>, vector<1x16xi32>,
      %get3A_2508 = vector.shape_cast %get3A_2507 : vector<1x16xi32> to vector<16xi32>
      %mul3A_2509 = arith.constant 512 : i32
      %mul3A_2510 = arith.muli %select_n3A, %mul3A_2509 : i32
      %add3A_2511 = vector.broadcast %mul3A_2510 : i32 to vector<16xi32>
      %add3A_2512 = arith.addi %get3A_2508, %add3A_2511 : vector<16xi32>
      %swap3A_2513 = arith.constant 4 : i32
      %swap3A_2514 = arith.index_cast %swap3A_2513 : i32 to index
      %swap3A_2515 = arith.constant 80 : index
      %swap3A_2516 = tpu.vector_load %arg5[%swap3A_2514, %swap3A_2515] {strides = array<i32>} : memref<5x128xi32, #tpu.memory_space<vmem>>, vector<1x16xi32>,
      %swap3A_2517 = vector.shape_cast %swap3A_2516 : vector<1x16xi32> to vector<16xi32>
      %swap3A_2518 = vector.shape_cast %add3A_2512 : vector<16xi32> to vector<1x16xi32>
      tpu.vector_store %arg5[%swap3A_2514, %swap3A_2515], %swap3A_2518 {strides = array<i32>} : memref<5x128xi32, #tpu.memory_space<vmem>>, vector<1x16xi32>,
      %get3A_2519 = arith.constant 4 : i32
      %get3A_2520 = arith.index_cast %get3A_2519 : i32 to index
      %get3A_2521 = arith.constant 96 : index
      %get3A_2522 = tpu.vector_load %arg5[%get3A_2520, %get3A_2521] {strides = array<i32>} : memref<5x128xi32, #tpu.memory_space<vmem>>, vector<1x16xi32>,
      %get3A_2523 = vector.shape_cast %get3A_2522 : vector<1x16xi32> to vector<16xi32>
      %mul3A_2524 = arith.constant 512 : i32
      %mul3A_2525 = arith.muli %select_n3A, %mul3A_2524 : i32
      %add3A_2526 = vector.broadcast %mul3A_2525 : i32 to vector<16xi32>
      %add3A_2527 = arith.addi %get3A_2523, %add3A_2526 : vector<16xi32>
      %swap3A_2528 = arith.constant 4 : i32
      %swap3A_2529 = arith.index_cast %swap3A_2528 : i32 to index
      %swap3A_2530 = arith.constant 96 : index
      %swap3A_2531 = tpu.vector_load %arg5[%swap3A_2529, %swap3A_2530] {strides = array<i32>} : memref<5x128xi32, #tpu.memory_space<vmem>>, vector<1x16xi32>,
      %swap3A_2532 = vector.shape_cast %swap3A_2531 : vector<1x16xi32> to vector<16xi32>
      %swap3A_2533 = vector.shape_cast %add3A_2527 : vector<16xi32> to vector<1x16xi32>
      tpu.vector_store %arg5[%swap3A_2529, %swap3A_2530], %swap3A_2533 {strides = array<i32>} : memref<5x128xi32, #tpu.memory_space<vmem>>, vector<1x16xi32>,
      %get3A_2534 = arith.constant 4 : i32
      %get3A_2535 = arith.index_cast %get3A_2534 : i32 to index
      %get3A_2536 = arith.constant 112 : index
      %get3A_2537 = tpu.vector_load %arg5[%get3A_2535, %get3A_2536] {strides = array<i32>} : memref<5x128xi32, #tpu.memory_space<vmem>>, vector<1x16xi32>,
      %get3A_2538 = vector.shape_cast %get3A_2537 : vector<1x16xi32> to vector<16xi32>
      %mul3A_2539 = arith.constant 512 : i32
      %mul3A_2540 = arith.muli %select_n3A, %mul3A_2539 : i32
      %add3A_2541 = vector.broadcast %mul3A_2540 : i32 to vector<16xi32>
      %add3A_2542 = arith.addi %get3A_2538, %add3A_2541 : vector<16xi32>
      %swap3A_2543 = arith.constant 4 : i32
      %swap3A_2544 = arith.index_cast %swap3A_2543 : i32 to index
      %swap3A_2545 = arith.constant 112 : index
      %swap3A_2546 = tpu.vector_load %arg5[%swap3A_2544, %swap3A_2545] {strides = array<i32>} : memref<5x128xi32, #tpu.memory_space<vmem>>, vector<1x16xi32>,
      %swap3A_2547 = vector.shape_cast %swap3A_2546 : vector<1x16xi32> to vector<16xi32>
      %swap3A_2548 = vector.shape_cast %add3A_2542 : vector<16xi32> to vector<1x16xi32>
      tpu.vector_store %arg5[%swap3A_2544, %swap3A_2545], %swap3A_2548 {strides = array<i32>} : memref<5x128xi32, #tpu.memory_space<vmem>>, vector<1x16xi32>,
      %dma_start3A_2549 = arith.constant 0 : i32
      %dma_start3A_2550 = arith.constant 0 : i32
      %dma_start3A_2551 = tpu.memref_slice %arg6[%scan3A_1677, %dma_start3A_2549, %dma_start3A_2550] : memref<5x128x128xf32, #tpu.memory_space<vmem>> -> memref<1x128x128xf32, #tpu.memory_space<vmem>>
      %dma_start3A_2552 = tpu.memref_squeeze %dma_start3A_2551 : memref<1x128x128xf32, #tpu.memory_space<vmem>> -> memref<128x128xf32, #tpu.memory_space<vmem>>
      %dma_start3A_2553 = arith.constant 0 : i32
      %dma_start3A_2554 = tpu.memref_slice %arg5[%scan3A_1678, %dma_start3A_2553] : memref<5x128xi32, #tpu.memory_space<vmem>> -> memref<1x128xi32, #tpu.memory_space<vmem>>
      %dma_start3A_2555 = tpu.memref_squeeze %dma_start3A_2554 : memref<1x128xi32, #tpu.memory_space<vmem>> -> memref<128xi32, #tpu.memory_space<vmem>>
      %dma_start3A_2556 = arith.constant 0 : i32
      %dma_start3A_2557 = arith.constant 0 : i32
      %dma_start3A_2558 = tpu.memref_slice %arg8[%dma_start3A_2556, %dma_start3A_2557] : memref<1024x128xf32, #tpu.memory_space<vmem_shared>> -> memref<1024x128xf32, #tpu.memory_space<vmem_shared>>
      tpu.enqueue_indirect_dma source(%dma_start3A_2552 : memref<128x128xf32, #tpu.memory_space<vmem>>) target(%dma_start3A_2558 : memref<1024x128xf32, #tpu.memory_space<vmem_shared>>) offsets(%dma_start3A_2555 : memref<128xi32, #tpu.memory_space<vmem>>) semaphore(%arg18 : memref<!tpu.dma_semaphore, #tpu.memory_space<semaphore_mem>>) {add = true}
      %ge3A_2559 = arith.constant 1 : i32
      %ge3A_2560 = arith.cmpi sge, %add3A_2404, %ge3A_2559 : i32
      %convert_element_type3A_2561 = arith.extui %ge3A_2560 : i1 to i32
      %cond3A_2562 = arith.constant 0 : i32
      %cond3A_2563 = arith.cmpi ne, %convert_element_type3A_2561, %cond3A_2562 : i32
      scf.if %cond3A_2563 {
        %dma_wait3A_2571 = arith.constant 0 : i32
        %dma_wait3A_2572 = arith.constant 0 : i32
        %dma_wait3A_2573 = tpu.memref_slice %arg6[%scan3A_1684, %dma_wait3A_2571, %dma_wait3A_2572] : memref<5x128x128xf32, #tpu.memory_space<vmem>> -> memref<1x128x128xf32, #tpu.memory_space<vmem>>
        %dma_wait3A_2574 = tpu.memref_squeeze %dma_wait3A_2573 : memref<1x128x128xf32, #tpu.memory_space<vmem>> -> memref<128x128xf32, #tpu.memory_space<vmem>>
        %dma_wait3A_2575 = arith.constant 0 : i32
        %dma_wait3A_2576 = tpu.memref_slice %arg5[%scan3A_1683, %dma_wait3A_2575] : memref<5x128xi32, #tpu.memory_space<vmem>> -> memref<1x128xi32, #tpu.memory_space<vmem>>
        %dma_wait3A_2577 = tpu.memref_squeeze %dma_wait3A_2576 : memref<1x128xi32, #tpu.memory_space<vmem>> -> memref<128xi32, #tpu.memory_space<vmem>>
        %dma_wait3A_2578 = arith.constant 0 : i32
        %dma_wait3A_2579 = arith.constant 0 : i32
        %dma_wait3A_2580 = tpu.memref_slice %arg8[%dma_wait3A_2578, %dma_wait3A_2579] : memref<1024x128xf32, #tpu.memory_space<vmem_shared>> -> memref<1024x128xf32, #tpu.memory_space<vmem_shared>>
        tpu.wait_indirect_dma semaphore(%arg17 : memref<!tpu.dma_semaphore, #tpu.memory_space<semaphore_mem>>) src(%dma_wait3A_2574 : memref<128x128xf32, #tpu.memory_space<vmem>>) dst(%dma_wait3A_2580 : memref<1024x128xf32, #tpu.memory_space<vmem_shared>>)
      } else {
      }
      %add3A_2564 = arith.constant 4 : i32
      %add3A_2565 = arith.addi %add3A_2404, %add3A_2564 : i32
      %lt3A_2566 = arith.constant 65 : i32
      %lt3A_2567 = arith.cmpi slt, %add3A_2565, %lt3A_2566 : i32
      %convert_element_type3A_2568 = arith.extui %lt3A_2567 : i1 to i32
      %cond3A_2569 = arith.constant 0 : i32
      %cond3A_2570 = arith.cmpi ne, %convert_element_type3A_2568, %cond3A_2569 : i32
      scf.if %cond3A_2570 {
        %add3A_2571 = arith.constant 4 : i32
        %add3A_2572 = arith.addi %add3A_2404, %add3A_2571 : i32
        %mul3A_2573 = arith.constant 128 : i32
        %mul3A_2574 = arith.muli %add3A_2572, %mul3A_2573 : i32
        %add3A_2575 = arith.addi %add3A_35, %mul3A_2574 : i32
        %dma_start3A_2576 = arith.constant 0 : i32
        %dma_start3A_2577 = tpu.memref_slice %arg5[%scan3A_1683, %dma_start3A_2576] : memref<5x128xi32, #tpu.memory_space<vmem>> -> memref<1x128xi32, #tpu.memory_space<vmem>>
        %dma_start3A_2578 = tpu.memref_squeeze %dma_start3A_2577 : memref<1x128xi32, #tpu.memory_space<vmem>> -> memref<128xi32, #tpu.memory_space<vmem>>
        %dma_start3A_2579 = tpu.memref_slice %arg3[%add3A_2575] : memref<400000xi32, #tpu.memory_space<hbm>> -> memref<128xi32, #tpu.memory_space<hbm>>
        %dma_start3A_2580 = arith.constant 0 : i32
        %dma_start3A_2581 = tpu.memref_slice %arg5[%scan3A_1683, %dma_start3A_2580] : memref<5x128xi32, #tpu.memory_space<vmem>> -> memref<1x128xi32, #tpu.memory_space<vmem>>
        %dma_start3A_2582 = tpu.memref_squeeze %dma_start3A_2581 : memref<1x128xi32, #tpu.memory_space<vmem>> -> memref<128xi32, #tpu.memory_space<vmem>>
        %dma_start3A_2583 = tpu.memref_slice %arg3[%add3A_2575] : memref<400000xi32, #tpu.memory_space<hbm>> -> memref<128xi32, #tpu.memory_space<hbm>>
        tpu.enqueue_dma source(%dma_start3A_2583 : memref<128xi32, #tpu.memory_space<hbm>>) target(%dma_start3A_2582 : memref<128xi32, #tpu.memory_space<vmem>>) target_semaphore(%arg12 : memref<!tpu.dma_semaphore, #tpu.memory_space<semaphore_mem>>)
        %dma_start3A_2584 = arith.constant 0 : i32
        %dma_start3A_2585 = arith.constant 0 : i32
        %dma_start3A_2586 = tpu.memref_slice %arg6[%scan3A_1684, %dma_start3A_2584, %dma_start3A_2585] : memref<5x128x128xf32, #tpu.memory_space<vmem>> -> memref<1x128x128xf32, #tpu.memory_space<vmem>>
        %dma_start3A_2587 = tpu.memref_squeeze %dma_start3A_2586 : memref<1x128x128xf32, #tpu.memory_space<vmem>> -> memref<128x128xf32, #tpu.memory_space<vmem>>
        %dma_start3A_2588 = arith.constant 0 : i32
        %dma_start3A_2589 = tpu.memref_slice %arg2[%add3A_2575, %dma_start3A_2588] : memref<400000x128xf32, #tpu.memory_space<hbm>> -> memref<128x128xf32, #tpu.memory_space<hbm>>
        %dma_start3A_2590 = arith.constant 0 : i32
        %dma_start3A_2591 = arith.constant 0 : i32
        %dma_start3A_2592 = tpu.memref_slice %arg6[%scan3A_1684, %dma_start3A_2590, %dma_start3A_2591] : memref<5x128x128xf32, #tpu.memory_space<vmem>> -> memref<1x128x128xf32, #tpu.memory_space<vmem>>
        %dma_start3A_2593 = tpu.memref_squeeze %dma_start3A_2592 : memref<1x128x128xf32, #tpu.memory_space<vmem>> -> memref<128x128xf32, #tpu.memory_space<vmem>>
        %dma_start3A_2594 = arith.constant 0 : i32
        %dma_start3A_2595 = tpu.memref_slice %arg2[%add3A_2575, %dma_start3A_2594] : memref<400000x128xf32, #tpu.memory_space<hbm>> -> memref<128x128xf32, #tpu.memory_space<hbm>>
        tpu.enqueue_dma source(%dma_start3A_2595 : memref<128x128xf32, #tpu.memory_space<hbm>>) target(%dma_start3A_2593 : memref<128x128xf32, #tpu.memory_space<vmem>>) target_semaphore(%arg12 : memref<!tpu.dma_semaphore, #tpu.memory_space<semaphore_mem>>)
      } else {
      }
    }
    %scan3A_1689 = arith.constant 13 : i32
    %dma_wait3A = arith.constant 4 : i32
    %dma_wait3A_1690 = arith.constant 4 : i32
    %dma_wait3A_1691 = arith.constant 0 : i32
    %dma_wait3A_1692 = arith.constant 0 : i32
    %dma_wait3A_1693 = tpu.memref_slice %arg6[%dma_wait3A, %dma_wait3A_1691, %dma_wait3A_1692] : memref<5x128x128xf32, #tpu.memory_space<vmem>> -> memref<1x128x128xf32, #tpu.memory_space<vmem>>
    %dma_wait3A_1694 = tpu.memref_squeeze %dma_wait3A_1693 : memref<1x128x128xf32, #tpu.memory_space<vmem>> -> memref<128x128xf32, #tpu.memory_space<vmem>>
    %dma_wait3A_1695 = arith.constant 0 : i32
    %dma_wait3A_1696 = tpu.memref_slice %arg5[%dma_wait3A_1690, %dma_wait3A_1695] : memref<5x128xi32, #tpu.memory_space<vmem>> -> memref<1x128xi32, #tpu.memory_space<vmem>>
    %dma_wait3A_1697 = tpu.memref_squeeze %dma_wait3A_1696 : memref<1x128xi32, #tpu.memory_space<vmem>> -> memref<128xi32, #tpu.memory_space<vmem>>
    %dma_wait3A_1698 = arith.constant 0 : i32
    %dma_wait3A_1699 = arith.constant 0 : i32
    %dma_wait3A_1700 = tpu.memref_slice %arg8[%dma_wait3A_1698, %dma_wait3A_1699] : memref<1024x128xf32, #tpu.memory_space<vmem_shared>> -> memref<1024x128xf32, #tpu.memory_space<vmem_shared>>
    tpu.wait_indirect_dma semaphore(%arg18 : memref<!tpu.dma_semaphore, #tpu.memory_space<semaphore_mem>>) src(%dma_wait3A_1694 : memref<128x128xf32, #tpu.memory_space<vmem>>) dst(%dma_wait3A_1700 : memref<1024x128xf32, #tpu.memory_space<vmem_shared>>)
    %barrier3A_1701 = arith.constant 0 : index
    tpu.barrier barrier_id(%barrier3A_1701)
    %mul3A_1702 = arith.constant 64 : i32
    %mul3A_1703 = arith.muli %arg1, %mul3A_1702 : i32
    %add3A_1704 = arith.constant 0 : i32
    %add3A_1705 = arith.addi %mul3A_1703, %add3A_1704 : i32
    "tpu.region"() ({
      %run_scoped3A = tpu.sem_alloc : memref<!tpu.dma_semaphore, #tpu.memory_space<semaphore_mem>>
      %dma_start3A_1724 = arith.constant 0 : i32
      %dma_start3A_1725 = tpu.memref_slice %arg8[%add3A_1705, %dma_start3A_1724] : memref<1024x128xf32, #tpu.memory_space<vmem_shared>> -> memref<32x128xf32, #tpu.memory_space<vmem_shared>>
      %dma_start3A_1726 = arith.constant 0 : i32
      %dma_start3A_1727 = tpu.memref_slice %arg8[%add3A_1705, %dma_start3A_1726] : memref<1024x128xf32, #tpu.memory_space<vmem_shared>> -> memref<32x128xf32, #tpu.memory_space<vmem_shared>>
      tpu.enqueue_dma source(%dma_start3A_1727 : memref<32x128xf32, #tpu.memory_space<vmem_shared>>) target(%arg7 : memref<32x128xf32, #tpu.memory_space<vmem>>) target_semaphore(%run_scoped3A : memref<!tpu.dma_semaphore, #tpu.memory_space<semaphore_mem>>)
      %dma_wait3A_1728 = arith.constant 0 : i32
      %dma_wait3A_1729 = tpu.memref_slice %arg8[%add3A_1705, %dma_wait3A_1728] : memref<1024x128xf32, #tpu.memory_space<vmem_shared>> -> memref<32x128xf32, #tpu.memory_space<vmem_shared>>
      %dma_wait3A_1730 = arith.constant 0 : i32
      %dma_wait3A_1731 = tpu.memref_slice %arg8[%add3A_1705, %dma_wait3A_1730] : memref<1024x128xf32, #tpu.memory_space<vmem_shared>> -> memref<32x128xf32, #tpu.memory_space<vmem_shared>>
      tpu.wait_dma2 semaphore(%run_scoped3A : memref<!tpu.dma_semaphore, #tpu.memory_space<semaphore_mem>>) src(%dma_wait3A_1731 : memref<32x128xf32, #tpu.memory_space<vmem_shared>>) dst(%arg7 : memref<32x128xf32, #tpu.memory_space<vmem>>)
      tpu.yield
    }) : () -> ()
    %mul3A_1706 = arith.constant 1024 : i32
    %mul3A_1707 = arith.muli %arg0, %mul3A_1706 : i32
    %mul3A_1708 = arith.constant 64 : i32
    %mul3A_1709 = arith.muli %arg1, %mul3A_1708 : i32
    %add3A_1710 = arith.addi %mul3A_1707, %mul3A_1709 : i32
    %add3A_1711 = arith.constant 0 : i32
    %add3A_1712 = arith.addi %add3A_1710, %add3A_1711 : i32
    "tpu.region"() ({
      %run_scoped3A = tpu.sem_alloc : memref<!tpu.dma_semaphore, #tpu.memory_space<semaphore_mem>>
      %dma_start3A_1724 = arith.constant 0 : i32
      %dma_start3A_1725 = tpu.memref_slice %arg4[%add3A_1712, %dma_start3A_1724] : memref<2048x128xf32, #tpu.memory_space<hbm>> -> memref<32x128xf32, #tpu.memory_space<hbm>>
      %dma_start3A_1726 = arith.constant 0 : i32
      %dma_start3A_1727 = tpu.memref_slice %arg4[%add3A_1712, %dma_start3A_1726] : memref<2048x128xf32, #tpu.memory_space<hbm>> -> memref<32x128xf32, #tpu.memory_space<hbm>>
      tpu.enqueue_dma source(%arg7 : memref<32x128xf32, #tpu.memory_space<vmem>>) target(%dma_start3A_1727 : memref<32x128xf32, #tpu.memory_space<hbm>>) target_semaphore(%run_scoped3A : memref<!tpu.dma_semaphore, #tpu.memory_space<semaphore_mem>>)
      %dma_wait3A_1728 = arith.constant 0 : i32
      %dma_wait3A_1729 = tpu.memref_slice %arg4[%add3A_1712, %dma_wait3A_1728] : memref<2048x128xf32, #tpu.memory_space<hbm>> -> memref<32x128xf32, #tpu.memory_space<hbm>>
      %dma_wait3A_1730 = arith.constant 0 : i32
      %dma_wait3A_1731 = tpu.memref_slice %arg4[%add3A_1712, %dma_wait3A_1730] : memref<2048x128xf32, #tpu.memory_space<hbm>> -> memref<32x128xf32, #tpu.memory_space<hbm>>
      tpu.wait_dma2 semaphore(%run_scoped3A : memref<!tpu.dma_semaphore, #tpu.memory_space<semaphore_mem>>) src(%arg7 : memref<32x128xf32, #tpu.memory_space<vmem>>) dst(%dma_wait3A_1731 : memref<32x128xf32, #tpu.memory_space<hbm>>)
      tpu.yield
    }) : () -> ()
    %mul3A_1713 = arith.constant 64 : i32
    %mul3A_1714 = arith.muli %arg1, %mul3A_1713 : i32
    %add3A_1715 = arith.constant 32 : i32
    %add3A_1716 = arith.addi %mul3A_1714, %add3A_1715 : i32
    "tpu.region"() ({
      %run_scoped3A = tpu.sem_alloc : memref<!tpu.dma_semaphore, #tpu.memory_space<semaphore_mem>>
      %dma_start3A_1724 = arith.constant 0 : i32
      %dma_start3A_1725 = tpu.memref_slice %arg8[%add3A_1716, %dma_start3A_1724] : memref<1024x128xf32, #tpu.memory_space<vmem_shared>> -> memref<32x128xf32, #tpu.memory_space<vmem_shared>>
      %dma_start3A_1726 = arith.constant 0 : i32
      %dma_start3A_1727 = tpu.memref_slice %arg8[%add3A_1716, %dma_start3A_1726] : memref<1024x128xf32, #tpu.memory_space<vmem_shared>> -> memref<32x128xf32, #tpu.memory_space<vmem_shared>>
      tpu.enqueue_dma source(%dma_start3A_1727 : memref<32x128xf32, #tpu.memory_space<vmem_shared>>) target(%arg7 : memref<32x128xf32, #tpu.memory_space<vmem>>) target_semaphore(%run_scoped3A : memref<!tpu.dma_semaphore, #tpu.memory_space<semaphore_mem>>)
      %dma_wait3A_1728 = arith.constant 0 : i32
      %dma_wait3A_1729 = tpu.memref_slice %arg8[%add3A_1716, %dma_wait3A_1728] : memref<1024x128xf32, #tpu.memory_space<vmem_shared>> -> memref<32x128xf32, #tpu.memory_space<vmem_shared>>
      %dma_wait3A_1730 = arith.constant 0 : i32
      %dma_wait3A_1731 = tpu.memref_slice %arg8[%add3A_1716, %dma_wait3A_1730] : memref<1024x128xf32, #tpu.memory_space<vmem_shared>> -> memref<32x128xf32, #tpu.memory_space<vmem_shared>>
      tpu.wait_dma2 semaphore(%run_scoped3A : memref<!tpu.dma_semaphore, #tpu.memory_space<semaphore_mem>>) src(%dma_wait3A_1731 : memref<32x128xf32, #tpu.memory_space<vmem_shared>>) dst(%arg7 : memref<32x128xf32, #tpu.memory_space<vmem>>)
      tpu.yield
    }) : () -> ()
    %mul3A_1717 = arith.constant 1024 : i32
    %mul3A_1718 = arith.muli %arg0, %mul3A_1717 : i32
    %mul3A_1719 = arith.constant 64 : i32
    %mul3A_1720 = arith.muli %arg1, %mul3A_1719 : i32
    %add3A_1721 = arith.addi %mul3A_1718, %mul3A_1720 : i32
    %add3A_1722 = arith.constant 32 : i32
    %add3A_1723 = arith.addi %add3A_1721, %add3A_1722 : i32
    "tpu.region"() ({
      %run_scoped3A = tpu.sem_alloc : memref<!tpu.dma_semaphore, #tpu.memory_space<semaphore_mem>>
      %dma_start3A_1724 = arith.constant 0 : i32
      %dma_start3A_1725 = tpu.memref_slice %arg4[%add3A_1723, %dma_start3A_1724] : memref<2048x128xf32, #tpu.memory_space<hbm>> -> memref<32x128xf32, #tpu.memory_space<hbm>>
      %dma_start3A_1726 = arith.constant 0 : i32
      %dma_start3A_1727 = tpu.memref_slice %arg4[%add3A_1723, %dma_start3A_1726] : memref<2048x128xf32, #tpu.memory_space<hbm>> -> memref<32x128xf32, #tpu.memory_space<hbm>>
      tpu.enqueue_dma source(%arg7 : memref<32x128xf32, #tpu.memory_space<vmem>>) target(%dma_start3A_1727 : memref<32x128xf32, #tpu.memory_space<hbm>>) target_semaphore(%run_scoped3A : memref<!tpu.dma_semaphore, #tpu.memory_space<semaphore_mem>>)
      %dma_wait3A_1728 = arith.constant 0 : i32
      %dma_wait3A_1729 = tpu.memref_slice %arg4[%add3A_1723, %dma_wait3A_1728] : memref<2048x128xf32, #tpu.memory_space<hbm>> -> memref<32x128xf32, #tpu.memory_space<hbm>>
      %dma_wait3A_1730 = arith.constant 0 : i32
      %dma_wait3A_1731 = tpu.memref_slice %arg4[%add3A_1723, %dma_wait3A_1730] : memref<2048x128xf32, #tpu.memory_space<hbm>> -> memref<32x128xf32, #tpu.memory_space<hbm>>
      tpu.wait_dma2 semaphore(%run_scoped3A : memref<!tpu.dma_semaphore, #tpu.memory_space<semaphore_mem>>) src(%arg7 : memref<32x128xf32, #tpu.memory_space<vmem>>) dst(%dma_wait3A_1731 : memref<32x128xf32, #tpu.memory_space<hbm>>)
      tpu.yield
    }) : () -> ()
    return
  }
}

module attributes {stable_mosaic.version = 14 : i64} {
  func.func @_tc_seg_body(%arg0: i32, %arg1: i32, %arg2: memref<1x1x2000xi32, #tpu.memory_space<vmem>>, %arg3: memref<2000x128xf32, #tpu.memory_space<vmem>>, %arg4: memref<512x128xf32, #tpu.memory_space<vmem>>) attributes {dimension_semantics = [#tpu.dimension_semantics<arbitrary>, #tpu.dimension_semantics<arbitrary>], iteration_bounds = array<i64: 4, 17>, scalar_prefetch = 0 : i64, scratch_operands = 0 : i64, tpu.core_type = #tpu.core_type<tc>, window_params = [{transform_indices = @transform_0, window_bounds = array<i64: 1, 1, 2000>}, {transform_indices = @transform_1, window_bounds = array<i64: 2000, 128>}, {transform_indices = @transform_2, window_bounds = array<i64: 512, 128>}]} {
    %eq3A = arith.constant 0 : i32
    %eq3A_0 = arith.cmpi eq, %arg1, %eq3A : i32
    %convert_element_type3A = arith.extui %eq3A_0 : i1 to i32
    %cond3A = arith.constant 0 : i32
    %cond3A_1 = arith.cmpi ne, %convert_element_type3A, %cond3A : i32
    scf.if %cond3A_1 {
      %broadcast_in_dim3A_27 = arith.constant 0.000000e+00 : f32
      %broadcast_in_dim3A_28 = vector.broadcast %broadcast_in_dim3A_27 : f32 to vector<512x128xf32>
      %swap3A_29 = arith.constant 0 : index
      %swap3A_30 = arith.constant 0 : index
      %swap3A_31 = vector.load %arg4[%swap3A_29, %swap3A_30] : memref<512x128xf32, #tpu.memory_space<vmem>>, vector<512x128xf32>
      tpu.vector_store %arg4[%swap3A_29, %swap3A_30], %broadcast_in_dim3A_28 {strides = array<i32>} : memref<512x128xf32, #tpu.memory_space<vmem>>, vector<512x128xf32>,
    } else {
    }
    %iota3A = tpu.iota {dimensions = array<i32: 0>} : vector<512x2000xi32>
    %iota3A_2 = tpu.iota {dimensions = array<i32: 1>} : vector<512x2000xi32>
    %add3A = arith.constant 33 : i32
    %add3A_3 = arith.addi %add3A, %arg1 : i32
    %mul3A = arith.constant 2000 : i32
    %mul3A_4 = arith.muli %add3A_3, %mul3A : i32
    %sub3A = arith.constant 66560 : i32
    %sub3A_5 = arith.subi %sub3A, %mul3A_4 : i32
    %max3A = arith.constant 0 : i32
    %max3A_6 = arith.maxsi %max3A, %sub3A_5 : i32
    %get3A = arith.constant 0 : index
    %get3A_7 = arith.constant 0 : index
    %get3A_8 = arith.constant 0 : index
    %get3A_9 = vector.load %arg2[%get3A, %get3A_7, %get3A_8] : memref<1x1x2000xi32, #tpu.memory_space<vmem>>, vector<1x1x2000xi32>
    %squeeze3A = vector.shape_cast %get3A_9 : vector<1x1x2000xi32> to vector<2000xi32>
    %broadcast_in_dim3A = vector.shape_cast %squeeze3A : vector<2000xi32> to vector<1x2000xi32>
    %eq3A_10 = vector.broadcast %broadcast_in_dim3A : vector<1x2000xi32> to vector<512x2000xi32>
    %eq3A_11 = arith.cmpi eq, %iota3A, %eq3A_10 : vector<512x2000xi32>
    %ge3A = vector.broadcast %max3A_6 : i32 to vector<512x2000xi32>
    %ge3A_12 = arith.cmpi sge, %iota3A_2, %ge3A : vector<512x2000xi32>
    %and3A = arith.andi %eq3A_11, %ge3A_12 : vector<512x2000xi1>
    %convert_element_type3A_13 = arith.extui %and3A : vector<512x2000xi1> to vector<512x2000xi32>
    %convert_element_type3A_14 = arith.sitofp %convert_element_type3A_13 : vector<512x2000xi32> to vector<512x2000xf32>
    %convert_element_type3A_15 = arith.truncf %convert_element_type3A_14 : vector<512x2000xf32> to vector<512x2000xbf16>
    %get3A_16 = arith.constant 0 : index
    %get3A_17 = arith.constant 0 : index
    %get3A_18 = vector.load %arg3[%get3A_16, %get3A_17] : memref<2000x128xf32, #tpu.memory_space<vmem>>, vector<2000x128xf32>
    %convert_element_type3A_19 = arith.truncf %get3A_18 : vector<2000x128xf32> to vector<2000x128xbf16>
    %get3A_20 = arith.constant 0 : index
    %get3A_21 = arith.constant 0 : index
    %get3A_22 = vector.load %arg4[%get3A_20, %get3A_21] : memref<512x128xf32, #tpu.memory_space<vmem>>, vector<512x128xf32>
    %dot_general3A = arith.constant dense<0.000000e+00> : vector<512x128xf32>
    %dot_general3A_23 = tpu.matmul %convert_element_type3A_15, %convert_element_type3A_19, %dot_general3A {dimension_numbers = #tpu.dot_dimension_numbers<[1], [0], [0], [1], [0, 0, 1, 1], [], []>, transpose_lhs_hint = false} : vector<512x2000xbf16>, vector<2000x128xbf16>, vector<512x128xf32> -> vector<512x128xf32>
    %add3A_24 = arith.addf %get3A_22, %dot_general3A_23 : vector<512x128xf32>
    %swap3A = arith.constant 0 : index
    %swap3A_25 = arith.constant 0 : index
    %swap3A_26 = vector.load %arg4[%swap3A, %swap3A_25] : memref<512x128xf32, #tpu.memory_space<vmem>>, vector<512x128xf32>
    tpu.vector_store %arg4[%swap3A, %swap3A_25], %add3A_24 {strides = array<i32>} : memref<512x128xf32, #tpu.memory_space<vmem>>, vector<512x128xf32>,
    return
  }
  func.func @transform_0(%arg0: i32, %arg1: i32) -> (i32, i32, i32) {
    %mul3A = arith.constant 50 : i32
    %mul3A_0 = arith.muli %arg0, %mul3A : i32
    %add3A = arith.constant 33 : i32
    %add3A_1 = arith.addi %mul3A_0, %add3A : i32
    %add3A_2 = arith.addi %add3A_1, %arg1 : i32
    %c0_i32 = arith.constant 0 : i32
    %c0_i32_3 = arith.constant 0 : i32
    %c0_i32_4 = arith.constant 0 : i32
    return %add3A_2, %c0_i32, %c0_i32_3 : i32, i32, i32
  }
  func.func @transform_1(%arg0: i32, %arg1: i32) -> (i32, i32) {
    %mul3A = arith.constant 50 : i32
    %mul3A_0 = arith.muli %arg0, %mul3A : i32
    %add3A = arith.constant 33 : i32
    %add3A_1 = arith.addi %mul3A_0, %add3A : i32
    %add3A_2 = arith.addi %add3A_1, %arg1 : i32
    %c0_i32 = arith.constant 0 : i32
    %c0_i32_3 = arith.constant 0 : i32
    return %add3A_2, %c0_i32 : i32, i32
  }
  func.func @transform_2(%arg0: i32, %arg1: i32) -> (i32, i32) {
    %c0_i32 = arith.constant 0 : i32
    %c0_i32_0 = arith.constant 0 : i32
    return %arg0, %c0_i32 : i32, i32
  }
}

module attributes {stable_mosaic.version = 14 : i64} {
  func.func @_proj_body(%arg0: memref<2048x128xf32, #tpu.memory_space<vmem>>, %arg1: memref<2048x128xf32, #tpu.memory_space<vmem>>, %arg2: memref<128x512xf32, #tpu.memory_space<vmem>>, %arg3: memref<1x128xf32, #tpu.memory_space<vmem>>, %arg4: memref<512x128xf32, #tpu.memory_space<vmem>>) attributes {dimension_semantics = [], scalar_prefetch = 0 : i64, scratch_operands = 0 : i64, tpu.core_type = #tpu.core_type<tc>} {
    %get3A = arith.constant 0 : index
    %get3A_0 = arith.constant 0 : index
    %get3A_1 = vector.load %arg2[%get3A, %get3A_0] : memref<128x512xf32, #tpu.memory_space<vmem>>, vector<128x512xf32>
    %get3A_2 = arith.constant 0 : index
    %get3A_3 = arith.constant 0 : index
    %get3A_4 = vector.load %arg3[%get3A_2, %get3A_3] : memref<1x128xf32, #tpu.memory_space<vmem>>, vector<1x128xf32>
    %broadcast_in_dim3A = vector.shape_cast %get3A_4 : vector<1x128xf32> to vector<1x128xf32>
    %broadcast_in_dim3A_5 = vector.broadcast %broadcast_in_dim3A : vector<1x128xf32> to vector<512x128xf32>
    %get3A_6 = arith.constant 0 : index
    %get3A_7 = arith.constant 0 : index
    %get3A_8 = vector.load %arg0[%get3A_6, %get3A_7] : memref<2048x128xf32, #tpu.memory_space<vmem>>, vector<512x128xf32>
    %get3A_9 = arith.constant 0 : index
    %get3A_10 = arith.constant 0 : index
    %get3A_11 = vector.load %arg1[%get3A_9, %get3A_10] : memref<2048x128xf32, #tpu.memory_space<vmem>>, vector<512x128xf32>
    %add3A = arith.addf %get3A_8, %get3A_11 : vector<512x128xf32>
    %slice3A = vector.extract_strided_slice %get3A_1 {offsets = [0, 0], sizes = [128, 128], strides = [1, 1]} : vector<128x512xf32> to vector<128x128xf32>
    %dot_general3A = arith.constant dense<0.000000e+00> : vector<512x128xf32>
    %dot_general3A_12 = tpu.matmul %add3A, %slice3A, %dot_general3A {dimension_numbers = #tpu.dot_dimension_numbers<[1], [1], [0], [0], [0, 0, 1, 0], [], []>, transpose_lhs_hint = false} : vector<512x128xf32>, vector<128x128xf32>, vector<512x128xf32> -> vector<512x128xf32>
    %add3A_13 = arith.addf %broadcast_in_dim3A_5, %dot_general3A_12 : vector<512x128xf32>
    %get3A_14 = arith.constant 512 : index
    %get3A_15 = arith.constant 0 : index
    %get3A_16 = vector.load %arg0[%get3A_14, %get3A_15] : memref<2048x128xf32, #tpu.memory_space<vmem>>, vector<512x128xf32>
    %get3A_17 = arith.constant 512 : index
    %get3A_18 = arith.constant 0 : index
    %get3A_19 = vector.load %arg1[%get3A_17, %get3A_18] : memref<2048x128xf32, #tpu.memory_space<vmem>>, vector<512x128xf32>
    %add3A_20 = arith.addf %get3A_16, %get3A_19 : vector<512x128xf32>
    %slice3A_21 = vector.extract_strided_slice %get3A_1 {offsets = [0, 128], sizes = [128, 128], strides = [1, 1]} : vector<128x512xf32> to vector<128x128xf32>
    %dot_general3A_22 = arith.constant dense<0.000000e+00> : vector<512x128xf32>
    %dot_general3A_23 = tpu.matmul %add3A_20, %slice3A_21, %dot_general3A_22 {dimension_numbers = #tpu.dot_dimension_numbers<[1], [1], [0], [0], [0, 0, 1, 0], [], []>, transpose_lhs_hint = false} : vector<512x128xf32>, vector<128x128xf32>, vector<512x128xf32> -> vector<512x128xf32>
    %add3A_24 = arith.addf %add3A_13, %dot_general3A_23 : vector<512x128xf32>
    %get3A_25 = arith.constant 1024 : index
    %get3A_26 = arith.constant 0 : index
    %get3A_27 = vector.load %arg0[%get3A_25, %get3A_26] : memref<2048x128xf32, #tpu.memory_space<vmem>>, vector<512x128xf32>
    %get3A_28 = arith.constant 1024 : index
    %get3A_29 = arith.constant 0 : index
    %get3A_30 = vector.load %arg1[%get3A_28, %get3A_29] : memref<2048x128xf32, #tpu.memory_space<vmem>>, vector<512x128xf32>
    %add3A_31 = arith.addf %get3A_27, %get3A_30 : vector<512x128xf32>
    %slice3A_32 = vector.extract_strided_slice %get3A_1 {offsets = [0, 256], sizes = [128, 128], strides = [1, 1]} : vector<128x512xf32> to vector<128x128xf32>
    %dot_general3A_33 = arith.constant dense<0.000000e+00> : vector<512x128xf32>
    %dot_general3A_34 = tpu.matmul %add3A_31, %slice3A_32, %dot_general3A_33 {dimension_numbers = #tpu.dot_dimension_numbers<[1], [1], [0], [0], [0, 0, 1, 0], [], []>, transpose_lhs_hint = false} : vector<512x128xf32>, vector<128x128xf32>, vector<512x128xf32> -> vector<512x128xf32>
    %add3A_35 = arith.addf %add3A_24, %dot_general3A_34 : vector<512x128xf32>
    %get3A_36 = arith.constant 1536 : index
    %get3A_37 = arith.constant 0 : index
    %get3A_38 = vector.load %arg0[%get3A_36, %get3A_37] : memref<2048x128xf32, #tpu.memory_space<vmem>>, vector<512x128xf32>
    %get3A_39 = arith.constant 1536 : index
    %get3A_40 = arith.constant 0 : index
    %get3A_41 = vector.load %arg1[%get3A_39, %get3A_40] : memref<2048x128xf32, #tpu.memory_space<vmem>>, vector<512x128xf32>
    %add3A_42 = arith.addf %get3A_38, %get3A_41 : vector<512x128xf32>
    %slice3A_43 = vector.extract_strided_slice %get3A_1 {offsets = [0, 384], sizes = [128, 128], strides = [1, 1]} : vector<128x512xf32> to vector<128x128xf32>
    %dot_general3A_44 = arith.constant dense<0.000000e+00> : vector<512x128xf32>
    %dot_general3A_45 = tpu.matmul %add3A_42, %slice3A_43, %dot_general3A_44 {dimension_numbers = #tpu.dot_dimension_numbers<[1], [1], [0], [0], [0, 0, 1, 0], [], []>, transpose_lhs_hint = false} : vector<512x128xf32>, vector<128x128xf32>, vector<512x128xf32> -> vector<512x128xf32>
    %add3A_46 = arith.addf %add3A_35, %dot_general3A_45 : vector<512x128xf32>
    %swap3A = arith.constant 0 : index
    %swap3A_47 = arith.constant 0 : index
    %swap3A_48 = vector.load %arg4[%swap3A, %swap3A_47] : memref<512x128xf32, #tpu.memory_space<vmem>>, vector<512x128xf32>
    tpu.vector_store %arg4[%swap3A, %swap3A_47], %add3A_46 {strides = array<i32>} : memref<512x128xf32, #tpu.memory_space<vmem>>, vector<512x128xf32>,
    return
  }
}

</mosaic_0001>

<sc_bundles>
// kernel: kernel.5.cloned.1.call-start
scs
__scs_entry_jumppad:
0x0: {  	(pc) =	sbr.rel $0x88, $3  }
0x1: {  	(tag) =	ssettag $0x0;
	lr =	simm.s32 $0x1  }
0x2: {  	[smem:$0x3F9D] =	sst lr;
	_ =	strace $0xD0000000  }
0x3: {  	_ = 	snop  }
0x4: {  	_ = 	snop  }
0x5: {  	_ = 	snop  }
0x6: {  	_ = 	snop  }
0x7: {  	_ = 	snop  }
__scs_overlays_trampoline_lowered:
0x8: {  	[smem:$0x3FAC] =	sst s0  }
0x9: {  	[smem:$0x3FAD] =	sst s1  }
0xa: {  	[smem:$0x3FAE] =	sst s2  }
0xb: {  	[smem:$0x3FAF] =	sst s3  }
0xc: {  	[smem:$0x3FB0] =	sst s4  }
0xd: {  	[smem:$0x3FB1] =	sst s5  }
0xe: {  	[smem:$0x3FB2] =	sst s6  }
0xf: {  	[smem:$0x3FB3] =	sst s7  }
0x10: {  	[smem:$0x3FB4] =	sst s8  }
0x11: {  	[smem:$0x3FB5] =	sst s9;
	s0 =	simm.s32 @!p0 $0x0  }
0x12: {  	s1 =	sld [smem:$0x3F9B];
	s0 =	simm.s32 @p0 $0x1  }
0x13: {  	[smem:$0x3FB6] =	sst s0;
	s0 =	simm.s32 @!p1 $0x0  }
0x14: {  	s2 =	sld [smem:$0x3F9A];
	s0 =	simm.s32 @p1 $0x1  }
0x15: {  	[smem:$0x3FB7] =	sst s0;
	s0 =	simm.s32 @!p2 $0x0  }
0x16: {  	s3 =	sld [smem:$0x3FDB];
	s0 =	simm.s32 @p2 $0x1  }
0x17: {  	s4 =	simm.s32 $0x1BF5;
	[smem:$0x3FB9] =	sst s0  }
0x18: {  	s0 =	sld [smem:$0x3F9C];
	_ =	swait.ge [sflag:s4], $0x0  }
0x19: {  	s7 =	sld [smem:$0x3F9D]  }
0x1a: {  	s8 =	sadd.s32 $0xFFFFE003, lr  }
0x1b: {  	s9 =	sadd.s32 $0xFFFFFEF7, lr;
	s5 =	simm.s32 $0xFFFFFFFF;
	p2 =	slt.u32 s8, $0xFFFFF086  }
0x1c: {  	p1 =	slt.u32 s9, $0xF7A;
	s5 =	simm.s32 @!p2 $0x0  }
0x1d: {  	s5 =	simm.s32 @p1 $0x1;
	p0 =	seq.s32 s7, s2  }
0x1e: {  	s7 =	smul.u32 @!p0 $0xF7A, s2;
	p2 =	seq.s32 @!p0 s5, $0x0  }
0x1f: {  	s9 =	smul.u32 $0xF7A, s1;
	s8 =	simm.s32 @!p0 $0x1BF5;
	p2 =	por !p2, p0  }
0x20: {  	[sflag:s8] =	ssyncset.s32 @!p0 $0xFFFFF086;
	s6 =	sadd.s32 @!p0 s3, s7;
	s7 =	simm.s32 @!p0 $0x108  }
0x21: {  	s3 =	sadd.s32 s3, s9;
	s6 =	sadd.s32 @!p0 $0x88, s6;
	s7 =	simm.s32 @p2 $0x1082  }
0x22: {  	[simem:s7], [sflag:s8] =	dma.local @!p0 [hbm:s6], $0xF7A  }
0x23: {  	s9 =	sor.u32 $0xD0000000, s2;
	s6 =	simm.s32 $0x108;
	_ =	swait.ge @!p0 [sflag:s8], $0x0  }
0x24: {  	s3 =	sadd.s32 $0x88, s3;
	s6 =	simm.s32 @!p1 $0x1082;
	[sflag:s4] =	ssyncset.s32 $0xFFFFF086  }
0x25: {  	[simem:s6], [sflag:s4] =	dma.local [hbm:s3], $0xF7A  }
0x26: {  	[smem:$0x3F9D] =	sst s1;
	(tag) =	ssettag s2;
	_ =	strace s9  }
0x27: {  	s1 =	sld [smem:$0x3FAD]  }
0x28: {  	s2 =	sld [smem:$0x3FAE]  }
0x29: {  	s4 =	sld [smem:$0x3FB0]  }
0x2a: {  	p0 =	seq.s32 s5, $0x0;
	s5 =	sld [smem:$0x3FB1]  }
0x2b: {  	s6 =	sld [smem:$0x3FB2]  }
0x2c: {  	s7 =	sld [smem:$0x3FB3]  }
0x2d: {  	s3 =	simm.s32 $0x108;
	s8 =	sld [smem:$0x3FB4]  }
0x2e: {  	s3 =	simm.s32 @!p0 $0x1082;
	s9 =	sld [smem:$0x3FB5]  }
0x2f: {  	lr =	sadd.s32 s0, s3;
	s0 =	sld [smem:$0x3FAC]  }
0x30: {  	s3 =	sld [smem:$0x3FAF]  }
0x31: {  	[smem:$0x3FB8] =	sst s10  }
0x32: {  	s10 =	sld [smem:$0x3FB6];
	_ =	sdelay $0x3  }
0x33: {  	p0 =	seq.s32 s10, $0x1;
	s10 =	sld [smem:$0x3FB8];
	_ =	sdelay $0x3  }
0x34: {  	[smem:$0x3FB8] =	sst s10  }
0x35: {  	s10 =	sld [smem:$0x3FB7];
	_ =	sdelay $0x3  }
0x36: {  	p1 =	seq.s32 s10, $0x1;
	s10 =	sld [smem:$0x3FB8];
	_ =	sdelay $0x3  }
0x37: {  	[smem:$0x3FB8] =	sst s10  }
0x38: {  	s10 =	sld [smem:$0x3FB9]  }
0x39: {  	_ = 	snop;
	(pc) =	sbr.ind lr, $3  }
0x3a: {  	_ = 	snop  }
0x3b: {  	_ = 	snop  }
0x3c: {  	p2 =	seq.s32 s10, $0x1;
	s10 =	sld [smem:$0x3FB8]  }
0x3d: {  	_ =	shalt  }
0x3e: {  	_ =	shalt  }
0x3f: {  	_ =	shalt  }
0x40: {  	_ =	shalt  }
0x41: {  	_ =	shalt  }
0x42: {  	_ =	shalt  }
0x43: {  	_ =	shalt  }
0x44: {  	_ =	shalt  }
0x45: {  	_ =	shalt  }
0x46: {  	_ =	shalt  }
0x47: {  	_ =	shalt  }
0x48: {  	_ =	shalt  }
0x49: {  	_ =	shalt  }
0x4a: {  	_ =	shalt  }
0x4b: {  	_ =	shalt  }
0x4c: {  	_ =	shalt  }
0x4d: {  	_ =	shalt  }
0x4e: {  	_ =	shalt  }
0x4f: {  	_ =	shalt  }
0x50: {  	_ =	shalt  }
0x51: {  	_ =	shalt  }
0x52: {  	_ =	shalt  }
0x53: {  	_ =	shalt  }
0x54: {  	_ =	shalt  }
0x55: {  	_ =	shalt  }
0x56: {  	_ =	shalt  }
0x57: {  	_ =	shalt  }
0x58: {  	_ =	shalt  }
0x59: {  	_ =	shalt  }
0x5a: {  	_ =	shalt  }
0x5b: {  	_ =	shalt  }
0x5c: {  	_ =	shalt  }
0x5d: {  	_ =	shalt  }
0x5e: {  	_ =	shalt  }
0x5f: {  	_ =	shalt  }
0x60: {  	_ =	shalt  }
0x61: {  	_ =	shalt  }
0x62: {  	_ =	shalt  }
0x63: {  	_ =	shalt  }
0x64: {  	_ =	shalt  }
0x65: {  	_ =	shalt  }
0x66: {  	_ =	shalt  }
0x67: {  	_ =	shalt  }
0x68: {  	_ =	shalt  }
0x69: {  	_ =	shalt  }
0x6a: {  	_ =	shalt  }
0x6b: {  	_ =	shalt  }
0x6c: {  	_ =	shalt  }
0x6d: {  	_ =	shalt  }
0x6e: {  	_ =	shalt  }
0x6f: {  	_ =	shalt  }
0x70: {  	_ =	shalt  }
0x71: {  	_ =	shalt  }
0x72: {  	_ =	shalt  }
0x73: {  	_ =	shalt  }
0x74: {  	_ =	shalt  }
0x75: {  	_ =	shalt  }
0x76: {  	_ =	shalt  }
0x77: {  	_ =	shalt  }
0x78: {  	_ =	shalt  }
0x79: {  	_ =	shalt  }
0x7a: {  	_ =	shalt  }
0x7b: {  	_ =	shalt  }
0x7c: {  	_ =	shalt  }
0x7d: {  	_ =	shalt  }
0x7e: {  	_ =	shalt  }
0x7f: {  	_ =	shalt  }
0x80: {  	_ =	shalt  }
0x81: {  	_ =	shalt  }
0x82: {  	_ =	shalt  }
0x83: {  	_ =	shalt  }
0x84: {  	_ =	shalt  }
0x85: {  	_ =	shalt  }
0x86: {  	_ =	shalt  }
0x87: {  	_ =	shalt  }
.Lfunc_end0:
.L_simem_size_0:
called_computation_lowered:
.L_overlay_start_0:
0x88: {  	s2 =	sld [smem:$0x3FD9]  }
0x89: {  	s3 =	sld [smem:$0x3FFE];
	_ =	sdelay $0x1  }
0x8a: {  	s1 =	srdreg.scid  }
0x8b: {  	s0 =	sand.u32 $0x1, s1  }
0x8c: {  	s17 =	sshll.u32 s0, $0xA;
	s2 =	sadd.s32 s3, s2  }
0x8d: {  	s2 =	sadd.s32 s2, s17  }
0x8e: {  	[smem:$0x3FC4] =	sst s2  }
0x8f: {  	_ = 	snop  }
0x90: {  	s2 =	sld [smem:$0x3FC9];
	(tm) =	ssettm $0x1  }
0x91: {  	s18 =	sld [smem:$0x3FFB];
	_ =	sdelay $0x3  }
0x92: {  	_ =	strace s18  }
0x93: {  	s3 =	sld [smem:$0x3FFC];
	_ =	sdelay $0x3  }
0x94: {  	_ =	strace s3  }
0x95: {  	s3 =	sld [smem:$0x3FFD];
	_ =	sdelay $0x3  }
0x96: {  	_ =	strace s3  }
0x97: {  	_ =	strace $0x8FFFFFFF  }
0x98: {  	s19 =	sld [smem:$0x3FDB];
	_ =	sdelay $0x1  }
0x99: {  	s4 =	simm.s32 $_scs_section_size  }
0x9a: {  	s5 =	simm.s32 $_size__tile_overlayer_lowered;
	s6 =	simm.s32 $_tile_overlayer_lowered  }
0x9b: {  	s22 =	simm.s32 $0x1BFF;
	s21 =	sshll.u32 s6, $0x1;
	s3 =	sadd.s32 s4, s19  }
0x9c: {  	s7 =	simm.s32 $0x0;
	s20 =	sshll.u32 s5, $0x1;
	s5 =	sadd.s32 s21, s3  }
0x9d: {  	[timem:s7], [sflag:s22] =	dma.local [hbm:s5], s20  }
0x9e: {  	_ =	swait.ge [sflag:s22], s20  }
0x9f: {  	s4 =	ssub.s32 $0x0, s20;
	[sflag:s22] =	ssyncset.done $0x0  }
0xa0: {  	[sflag:s22] =	ssyncadd.s32 s4;
	_ =	sdelay $0x1  }
0xa1: {  	s23 =	simm.s32 $0x1B8B  }
0xa2: {  	_ =	swait.ge [sflag:s23], $0x1  }
0xa3: {  	[sflag:s23] =	ssyncset.done $0x0  }
0xa4: {  	s25 =	simm.s32 $0x1B8E;
	s24 =	sld [smem:$0x3FFE];
	[sflag:s23] =	ssyncadd.s32 $0xFFFFFFFF  }
0xa5: {  	s26 =	simm.s32 $execute0_lowered;
	[smem:$0x3FD2] =	sst s25  }
0xa6: {  	s5 =	sshll.u32 s26, $0x1;
	_ =	strace $0x80000046;
	[dreg:$0x1] =	wrdreg $0xFFFFFFFF  }
0xa7: {  	s28 =	simm.s32 $_size_execute0_lowered;
	s3 =	sadd.s32 s3, s5;
	[dreg:$0x0] =	wrdreg $0x0  }
0xa8: {  	s5 =	sshll.u32 s28, $0x1;
	[dreg:$0x2] =	wrdreg s3  }
0xa9: {  	[dreg:$0x3] =	wrdreg s5  }
0xaa: {  	[dreg:$0x4] =	wrdreg $0xC0  }
0xab: {  	_ =	task [dreg:s7], $0x5FFFF  }
0xac: {  	[dreg:$0x1] =	wrdreg $0xFFFFFFFF  }
0xad: {  	[dreg:$0x0] =	wrdreg $0x60  }
0xae: {  	[dreg:$0x2] =	wrdreg s2  }
0xaf: {  	[dreg:$0x3] =	wrdreg s24  }
0xb0: {  	[dreg:$0x4] =	wrdreg $0x154000  }
0xb1: {  	[dreg:$0x5] =	wrdreg $0x9  }
0xb2: {  	_ =	task.clear_ibuf [dreg:s7], $0x6FFFF;
	_ =	strace $0x90000046  }
0xb3: {  	s29 =	simm.s32 $0x9;
	_ =	strace $0x80000048  }
0xb4: {  	_ =	swait.ge [sflag:s29], $0x1  }
0xb5: {  	[sflag:s29] =	ssyncadd.s32 $0xFFFFFFFF  }
0xb6: {  	_ =	strace $0x90000048  }
0xb7: {  	_ =	sfence  }
0xb8: {  	s30 =	sld [smem:$0x0];
	_ =	sdelay $0x2  }
0xb9: {  	s31 =	sshll.u32 s1, $0xD;
	s1 =	sshrl.u32 s1, $0x2  }
0xba: {  	s3 =	sand.u32 $0x4000, s31;
	s1 =	sadd.s32 s1, s30  }
0xbb: {  	s0 =	sor.u32 s3, s0;
	s1 =	sshll.u32 s1, $0x11  }
0xbc: {  	s0 =	sor.u32 s1, s0  }
0xbd: {  	s0 =	sadd.s32 $0x8F2B, s0  }
0xbe: {  	[sflag:s0] =	ssyncadd.remote.s32 $0x1  }
0xbf: {  	_ =	sfence.sel $0xFFFF  }
0xc0: {  	[dreg:$0x0] =	wrdreg $0xFFFFFFFF;
	(pc) =	sbr.abs _section_cstart, $3  }
0xc1: {  	[dreg:$0x1] =	wrdreg $0xFFFFFFFF  }
0xc2: {  	_ =	task.clear_ibuf [dreg:s7], $0x2FFFF;
	_ =	strace $0x9FFFFFFF  }
0xc3: {  	(tm) =	ssettm $0x7FFFFFFF  }
tec
execute0_lowered:
.L_overlay_start_1:
0x0: {  	(tag) =	ssettag $0x1  }
0x1: {  	s0 =	rddreg [dreg:$0x0]  }
0x2: {  	s1 =	rddreg [dreg:$0x1]  }
0x3: {  	s2 =	rddreg [dreg:$0x2]  }
0x4: {  	s3 =	srdreg.scid;
	s14 =	stileid.u32;
	s28 =	simm.s32 $0x100  }
0x5: {  	s29 =	simm.s32 $0x8400;
	s30 =	simm.s32 $0x180;
	s31 =	simm.s32 $0xC400  }
0x6: {  	s5 =	sand.u32 $0x1, s3;
	s3 =	simm.s32 $0x0;
	s7 =	sand.u32 $0x7, s14  }
0x7: {  	s6 =	sshrl.u32 s14, $0x3;
	s9 =	sshll.u32 s14, $0xA;
	s11 =	smul.u32 $0x2080, s7  }
0x8: {  	s23 =	sshll.u32 s14, $0xD;
	s4 =	sshll.u32 s5, $0x1;
	s24 =	smul.u32 $0x30D40, s5  }
0x9: {  	[smem:$0x7FF] =	sst s3;
	s10 =	sshll.u32 s5, $0xE;
	s25 =	smul.u32 $0x186A0, s6  }
0xa: {  	s12 =	ssub.s32 $0x2, s5;
	s14 =	sadd.s32 s23, s2;
	s5 =	smul.u32 $0x30D400, s5  }
0xb: {  	s4 =	sor.u32 s6, s4;
	_ =	strace $0x80000047;
	s9 =	sor.u32 s9, s10  }
0xc: {  	s8 =	smul.u32 $0x186A0, s4;
	s4 =	sadd.s32 $0xC00, s1;
	s1 =	sadd.s32 s9, s1  }
0xd: {  	s13 =	sshrl.u32 s12, $0x1;
	[dreg:$0xc] =	wrdreg s14;
	s26 =	sadd.s32 $0xD000, s1  }
0xe: {  	s1 =	sadd.s32 $0xD200, s1;
	s8 =	sadd.s32 s11, s8;
	[dreg:$0xe] =	wrdreg s26  }
0xf: {  	s9 =	ssub.s32 s12, s13;
	[dreg:$0xf] =	wrdreg s1;
	s15 =	sshrl.u32 s8, $0x3  }
0x10: {  	s12 =	sadd.s32 $0x80, s8;
	s16 =	sshll.u32 s8, $0x4;
	s19 =	sadd.s32 $0x100, s8  }
0x11: {  	s8 =	sadd.s32 $0x180, s8;
	s10 =	sadd.s32 s4, s15;
	s13 =	sshrl.u32 s12, $0x3  }
0x12: {  	s18 =	sshll.u32 s12, $0x4;
	s20 =	sshrl.u32 s19, $0x3;
	s21 =	sshrl.u32 s8, $0x3  }
0x13: {  	s8 =	sshll.u32 s8, $0x4;
	[dreg:$0x4] =	wrdreg s10;
	s10 =	sadd.s32 s0, s16  }
0x14: {  	s15 =	smul.u32 $0x20800, s7;
	s17 =	sadd.s32 s4, s13;
	[dreg:$0x5] =	wrdreg s10  }
0x15: {  	s7 =	simm.s32 $0x10400;
	s12 =	sadd.s32 s4, s20;
	[dreg:$0x6] =	wrdreg s17  }
0x16: {  	s22 =	sadd.s32 s4, s21;
	s8 =	sadd.s32 s0, s8;
	[dreg:$0x8] =	wrdreg s12  }
0x17: {  	s13 =	sshll.u32 s6, $0x9;
	s6 =	smul.u32 $0x186A00, s6;
	[dreg:$0xa] =	wrdreg s22  }
0x18: {  	s10 =	sadd.s32 s0, s18;
	[dreg:$0xb] =	wrdreg s8;
	s8 =	sadd.s32 s25, s24  }
0x19: {  	s18 =	smax.u32 s9, $0x1;
	s9 =	simm.s32 $0x6;
	s12 =	simm.s32 $0x4  }
0x1a: {  	[dreg:$0x7] =	wrdreg s10;
	s10 =	sshll.u32 s19, $0x4;
	s19 =	sadd.s32 $0x1000, s14  }
0x1b: {  	s16 =	sadd.s32 s11, s8;
	[dreg:$0x10] =	wrdreg s18;
	s8 =	simm.s32 $0x2  }
0x1c: {  	s11 =	simm.s32 $0x7;
	s10 =	sadd.s32 s0, s10;
	s0 =	sadd.s32 s5, s0  }
0x1d: {  	s17 =	sadd.s32 $0x400, s16;
	s21 =	sadd.s32 $0x380, s16;
	s22 =	sadd.s32 $0x300, s16  }
0x1e: {  	s23 =	sadd.s32 $0x200, s16;
	s26 =	sadd.s32 $0x280, s16;
	[dreg:$0xd] =	wrdreg s19  }
0x1f: {  	s5 =	simm.s32 $0x1;
	s16 =	simm.s32 $0x5;
	[dreg:$0x9] =	wrdreg s10  }
0x20: {  	s0 =	sadd.s32 s6, s0;
	s20 =	sshrl.u32 s17, $0x3;
	s1 =	sshrl.u32 s22, $0x3  }
0x21: {  	s25 =	sshrl.u32 s23, $0x3;
	[dreg:$0x14] =	wrdreg s26;
	s6 =	simm.s32 $0x200  }
0x22: {  	s10 =	simm.s32 $0x3;
	s17 =	simm.s32 $0x9;
	s18 =	sadd.s32 s15, s0  }
.Ltmp0:
0x23: {  	s0 =	sadd.s32 s20, s4;
	s24 =	sadd.s32 s1, s4;
	(pc) =	sbr.rel .LBB2_1-.Ltmp0, $4  }
0x24: {  	s20 =	simm.s32 $0x14400;
	[dreg:$0x11] =	wrdreg s0;
	s0 =	sshrl.u32 s21, $0x3  }
0x25: {  	s15 =	simm.s32 $0x8;
	[dreg:$0x13] =	wrdreg s24;
	s0 =	sadd.s32 s0, s4  }
0x26: {  	s1 =	simm.s32 $0x0;
	[dreg:$0x12] =	wrdreg s0;
	s0 =	sadd.s32 s25, s4  }
0x27: {  	v1 =	vimm.f32 $0.0e+00;
	v0 =	vmov s13;
	s21 =	simm.s32 $0xB;
	s25 =	simm.s32 $0x80;
	[dreg:$0x15] =	wrdreg s0  }
.LBB2_4:
0x28: {  	s0 =	simm.s32 $0xA  }
0x29: {  	_ =	swait.ge [sflag:s0], $0x4000  }
0x2a: {  	[sflag:s0] =	ssyncset.done $0x0  }
0x2b: {  	[sflag:s0] =	ssyncadd.s32 $0xFFFFC000  }
0x2c: {  	[bflag:$0x0] =	sbarrier.arrive $0xFFFF  }
0x2d: {  	s20 =	simm.s32 $0x14400;
	s21 =	simm.s32 $0xB;
	s14 =	rddreg [dreg:$0xc]  }
0x2e: {  	[tilespmem:s20], [sflag:$0xB] =	stream.linear.gather [spmem:s14], $0x1000, $0x38;
	[tilespmem:$0x17400] =	vst v63  }
0x2f: {  	_ =	swait.ge [sflag:s21], $0x1000  }
0x30: {  	[sflag:s21] =	ssyncset.done $0x0  }
0x31: {  	s23 =	rddreg [dreg:$0xe];
	[sflag:s21] =	ssyncadd.s32 $0xFFFFF000  }
0x32: {  	[hbm4b:s23+s3] =	stream.linear.scatter [tilespmem:s20], [sflag:$0xB], $0x1000, $0x38;
	[tilespmem:$0x17400] =	vst v63  }
0x33: {  	_ =	swait.ge [sflag:s21], $0x1000  }
0x34: {  	[sflag:s21] =	ssyncset.done $0x0  }
0x35: {  	s19 =	rddreg [dreg:$0xd];
	[sflag:s21] =	ssyncadd.s32 $0xFFFFF000  }
0x36: {  	[tilespmem:s20], [sflag:$0xB] =	stream.linear.gather [spmem:s19], $0x1000, $0x38;
	[tilespmem:$0x17400] =	vst v63  }
0x37: {  	_ =	swait.ge [sflag:s21], $0x1000  }
0x38: {  	[sflag:s21] =	ssyncset.done $0x0  }
0x39: {  	s24 =	rddreg [dreg:$0xf];
	[sflag:s21] =	ssyncadd.s32 $0xFFFFF000  }
0x3a: {  	[hbm4b:s24+s3] =	stream.linear.scatter [tilespmem:s20], [sflag:$0xB], $0x1000, $0x38;
	[tilespmem:$0x17400] =	vst v63  }
0x3b: {  	_ =	swait.ge [sflag:s21], $0x1000  }
0x3c: {  	s1 =	rddreg [dreg:$0x16]  }
0x3d: {  	s26 =	rddreg [dreg:$0x10];
	s1 =	sadd.s32 $0x1, s1  }
0x3e: {  	p0 =	sne.s32 s1, s26  }
.Ltmp1:
0x3f: {  	_ = 	snop;
	(pc) =	sbr.rel @!p0 .LBB2_5-.Ltmp1, $3  }
0x40: {  	_ =	sdelay $0x1  }
0x41: {  	[sflag:s21] =	ssyncset.done $0x0  }
0x42: {  	[sflag:s21] =	ssyncadd.s32 $0xFFFFF000  }
.LBB2_1:
0x43: {  	[dreg:$0x16] =	wrdreg s1  }
0x44: {  	s0 =	rddreg [dreg:$0x4]  }
0x45: {  	[tilespmem:s3], [sflag:$0x1] =	stream.linear.gather [hbm4b:s0+s3], $0x80, $0x38;
	[tilespmem:$0x17400] =	vst v63  }
0x46: {  	s23 =	rddreg [dreg:$0x5];
	s24 =	simm.s32 $0x400  }
0x47: {  	[tilespmem:s24], [sflag:$0x1] =	stream.linear.gather [hbm4b:s23+s3], $0x4000, $0x38;
	[tilespmem:$0x17400] =	vst v63  }
0x48: {  	s26 =	rddreg [dreg:$0x6]  }
0x49: {  	[tilespmem:s25], [sflag:$0x2] =	stream.linear.gather [hbm4b:s26+s3], $0x80, $0x38;
	[tilespmem:$0x17400] =	vst v63  }
0x4a: {  	s1 =	rddreg [dreg:$0x7];
	s13 =	simm.s32 $0x4400  }
0x4b: {  	[tilespmem:s13], [sflag:$0x2] =	stream.linear.gather [hbm4b:s1+s3], $0x4000, $0x38;
	[tilespmem:$0x17400] =	vst v63  }
0x4c: {  	s22 =	rddreg [dreg:$0x8]  }
0x4d: {  	[tilespmem:s28], [sflag:$0x3] =	stream.linear.gather [hbm4b:s22+s3], $0x80, $0x38;
	[tilespmem:$0x17400] =	vst v63  }
0x4e: {  	s23 =	rddreg [dreg:$0x9]  }
0x4f: {  	[tilespmem:s29], [sflag:$0x3] =	stream.linear.gather [hbm4b:s23+s3], $0x4000, $0x38;
	[tilespmem:$0x17400] =	vst v63  }
0x50: {  	s24 =	rddreg [dreg:$0xa]  }
0x51: {  	[tilespmem:s30], [sflag:$0x4] =	stream.linear.gather [hbm4b:s24+s3], $0x80, $0x38;
	[tilespmem:$0x17400] =	vst v63  }
0x52: {  	s26 =	rddreg [dreg:$0xb]  }
0x53: {  	[tilespmem:s31], [sflag:$0x4] =	stream.linear.gather [hbm4b:s26+s3], $0x4000, $0x38;
	[tilespmem:$0x17400] =	vst v63  }
0x54: {  	[tilespmem:$0x14400] =	vst v1  }
0x55: {  	[tilespmem:$0x14410] =	vst v1  }
0x56: {  	[tilespmem:$0x14420] =	vst v1  }
0x57: {  	[tilespmem:$0x14430] =	vst v1  }
0x58: {  	[tilespmem:$0x14440] =	vst v1  }
0x59: {  	[tilespmem:$0x14450] =	vst v1  }
0x5a: {  	[tilespmem:$0x14460] =	vst v1  }
0x5b: {  	[tilespmem:$0x14470] =	vst v1  }
0x5c: {  	[tilespmem:$0x14480] =	vst v1  }
0x5d: {  	[tilespmem:$0x14490] =	vst v1  }
0x5e: {  	[tilespmem:$0x144A0] =	vst v1  }
0x5f: {  	[tilespmem:$0x144B0] =	vst v1  }
0x60: {  	[tilespmem:$0x144C0] =	vst v1  }
0x61: {  	[tilespmem:$0x144D0] =	vst v1  }
0x62: {  	[tilespmem:$0x144E0] =	vst v1  }
0x63: {  	[tilespmem:$0x144F0] =	vst v1  }
0x64: {  	[tilespmem:$0x14500] =	vst v1  }
0x65: {  	[tilespmem:$0x14510] =	vst v1  }
0x66: {  	[tilespmem:$0x14520] =	vst v1  }
0x67: {  	[tilespmem:$0x14530] =	vst v1  }
0x68: {  	[tilespmem:$0x14540] =	vst v1  }
0x69: {  	[tilespmem:$0x14550] =	vst v1  }
0x6a: {  	[tilespmem:$0x14560] =	vst v1  }
0x6b: {  	[tilespmem:$0x14570] =	vst v1  }
0x6c: {  	[tilespmem:$0x14580] =	vst v1  }
0x6d: {  	[tilespmem:$0x14590] =	vst v1  }
0x6e: {  	[tilespmem:$0x145A0] =	vst v1  }
0x6f: {  	[tilespmem:$0x145B0] =	vst v1  }
0x70: {  	[tilespmem:$0x145C0] =	vst v1  }
0x71: {  	[tilespmem:$0x145D0] =	vst v1  }
0x72: {  	[tilespmem:$0x145E0] =	vst v1  }
0x73: {  	[tilespmem:$0x145F0] =	vst v1  }
0x74: {  	[tilespmem:$0x14600] =	vst v1  }
0x75: {  	[tilespmem:$0x14610] =	vst v1  }
0x76: {  	[tilespmem:$0x14620] =	vst v1  }
0x77: {  	[tilespmem:$0x14630] =	vst v1  }
0x78: {  	[tilespmem:$0x14640] =	vst v1  }
0x79: {  	[tilespmem:$0x14650] =	vst v1  }
0x7a: {  	[tilespmem:$0x14660] =	vst v1  }
0x7b: {  	[tilespmem:$0x14670] =	vst v1  }
0x7c: {  	[tilespmem:$0x14680] =	vst v1  }
0x7d: {  	[tilespmem:$0x14690] =	vst v1  }
0x7e: {  	[tilespmem:$0x146A0] =	vst v1  }
0x7f: {  	[tilespmem:$0x146B0] =	vst v1  }
0x80: {  	[tilespmem:$0x146C0] =	vst v1  }
0x81: {  	[tilespmem:$0x146D0] =	vst v1  }
0x82: {  	[tilespmem:$0x146E0] =	vst v1  }
0x83: {  	[tilespmem:$0x146F0] =	vst v1  }
0x84: {  	[tilespmem:$0x14700] =	vst v1  }
0x85: {  	[tilespmem:$0x14710] =	vst v1  }
0x86: {  	[tilespmem:$0x14720] =	vst v1  }
0x87: {  	[tilespmem:$0x14730] =	vst v1  }
0x88: {  	[tilespmem:$0x14740] =	vst v1  }
0x89: {  	[tilespmem:$0x14750] =	vst v1  }
0x8a: {  	[tilespmem:$0x14760] =	vst v1  }
0x8b: {  	[tilespmem:$0x14770] =	vst v1  }
0x8c: {  	[tilespmem:$0x14780] =	vst v1  }
0x8d: {  	[tilespmem:$0x14790] =	vst v1  }
0x8e: {  	[tilespmem:$0x147A0] =	vst v1  }
0x8f: {  	[tilespmem:$0x147B0] =	vst v1  }
0x90: {  	[tilespmem:$0x147C0] =	vst v1  }
0x91: {  	[tilespmem:$0x147D0] =	vst v1  }
0x92: {  	[tilespmem:$0x147E0] =	vst v1  }
0x93: {  	[tilespmem:$0x147F0] =	vst v1  }
0x94: {  	[tilespmem:$0x14800] =	vst v1  }
0x95: {  	[tilespmem:$0x14810] =	vst v1  }
0x96: {  	[tilespmem:$0x14820] =	vst v1  }
0x97: {  	[tilespmem:$0x14830] =	vst v1  }
0x98: {  	[tilespmem:$0x14840] =	vst v1  }
0x99: {  	[tilespmem:$0x14850] =	vst v1  }
0x9a: {  	[tilespmem:$0x14860] =	vst v1  }
0x9b: {  	[tilespmem:$0x14870] =	vst v1  }
0x9c: {  	[tilespmem:$0x14880] =	vst v1  }
0x9d: {  	[tilespmem:$0x14890] =	vst v1  }
0x9e: {  	[tilespmem:$0x148A0] =	vst v1  }
0x9f: {  	[tilespmem:$0x148B0] =	vst v1  }
0xa0: {  	[tilespmem:$0x148C0] =	vst v1  }
0xa1: {  	[tilespmem:$0x148D0] =	vst v1  }
0xa2: {  	[tilespmem:$0x148E0] =	vst v1  }
0xa3: {  	[tilespmem:$0x148F0] =	vst v1  }
0xa4: {  	[tilespmem:$0x14900] =	vst v1  }
0xa5: {  	[tilespmem:$0x14910] =	vst v1  }
0xa6: {  	[tilespmem:$0x14920] =	vst v1  }
0xa7: {  	[tilespmem:$0x14930] =	vst v1  }
0xa8: {  	[tilespmem:$0x14940] =	vst v1  }
0xa9: {  	[tilespmem:$0x14950] =	vst v1  }
0xaa: {  	[tilespmem:$0x14960] =	vst v1  }
0xab: {  	[tilespmem:$0x14970] =	vst v1  }
0xac: {  	[tilespmem:$0x14980] =	vst v1  }
0xad: {  	[tilespmem:$0x14990] =	vst v1  }
0xae: {  	[tilespmem:$0x149A0] =	vst v1  }
0xaf: {  	[tilespmem:$0x149B0] =	vst v1  }
0xb0: {  	[tilespmem:$0x149C0] =	vst v1  }
0xb1: {  	[tilespmem:$0x149D0] =	vst v1  }
0xb2: {  	[tilespmem:$0x149E0] =	vst v1  }
0xb3: {  	[tilespmem:$0x149F0] =	vst v1  }
0xb4: {  	[tilespmem:$0x14A00] =	vst v1  }
0xb5: {  	[tilespmem:$0x14A10] =	vst v1  }
0xb6: {  	[tilespmem:$0x14A20] =	vst v1  }
0xb7: {  	[tilespmem:$0x14A30] =	vst v1  }
0xb8: {  	[tilespmem:$0x14A40] =	vst v1  }
0xb9: {  	[tilespmem:$0x14A50] =	vst v1  }
0xba: {  	[tilespmem:$0x14A60] =	vst v1  }
0xbb: {  	[tilespmem:$0x14A70] =	vst v1  }
0xbc: {  	[tilespmem:$0x14A80] =	vst v1  }
0xbd: {  	[tilespmem:$0x14A90] =	vst v1  }
0xbe: {  	[tilespmem:$0x14AA0] =	vst v1  }
0xbf: {  	[tilespmem:$0x14AB0] =	vst v1  }
0xc0: {  	[tilespmem:$0x14AC0] =	vst v1  }
0xc1: {  	[tilespmem:$0x14AD0] =	vst v1  }
0xc2: {  	[tilespmem:$0x14AE0] =	vst v1  }
0xc3: {  	[tilespmem:$0x14AF0] =	vst v1  }
0xc4: {  	[tilespmem:$0x14B00] =	vst v1  }
0xc5: {  	[tilespmem:$0x14B10] =	vst v1  }
0xc6: {  	[tilespmem:$0x14B20] =	vst v1  }
0xc7: {  	[tilespmem:$0x14B30] =	vst v1  }
0xc8: {  	[tilespmem:$0x14B40] =	vst v1  }
0xc9: {  	[tilespmem:$0x14B50] =	vst v1  }
0xca: {  	[tilespmem:$0x14B60] =	vst v1  }
0xcb: {  	[tilespmem:$0x14B70] =	vst v1  }
0xcc: {  	[tilespmem:$0x14B80] =	vst v1  }
0xcd: {  	[tilespmem:$0x14B90] =	vst v1  }
0xce: {  	[tilespmem:$0x14BA0] =	vst v1  }
0xcf: {  	[tilespmem:$0x14BB0] =	vst v1  }
0xd0: {  	[tilespmem:$0x14BC0] =	vst v1  }
0xd1: {  	[tilespmem:$0x14BD0] =	vst v1  }
0xd2: {  	[tilespmem:$0x14BE0] =	vst v1  }
0xd3: {  	[tilespmem:$0x14BF0] =	vst v1  }
0xd4: {  	[tilespmem:$0x14C00] =	vst v1  }
0xd5: {  	[tilespmem:$0x14C10] =	vst v1  }
0xd6: {  	[tilespmem:$0x14C20] =	vst v1  }
0xd7: {  	[tilespmem:$0x14C30] =	vst v1  }
0xd8: {  	[tilespmem:$0x14C40] =	vst v1  }
0xd9: {  	[tilespmem:$0x14C50] =	vst v1  }
0xda: {  	[tilespmem:$0x14C60] =	vst v1  }
0xdb: {  	[tilespmem:$0x14C70] =	vst v1  }
0xdc: {  	[tilespmem:$0x14C80] =	vst v1  }
0xdd: {  	[tilespmem:$0x14C90] =	vst v1  }
0xde: {  	[tilespmem:$0x14CA0] =	vst v1  }
0xdf: {  	[tilespmem:$0x14CB0] =	vst v1  }
0xe0: {  	[tilespmem:$0x14CC0] =	vst v1  }
0xe1: {  	[tilespmem:$0x14CD0] =	vst v1  }
0xe2: {  	[tilespmem:$0x14CE0] =	vst v1  }
0xe3: {  	[tilespmem:$0x14CF0] =	vst v1  }
0xe4: {  	[tilespmem:$0x14D00] =	vst v1  }
0xe5: {  	[tilespmem:$0x14D10] =	vst v1  }
0xe6: {  	[tilespmem:$0x14D20] =	vst v1  }
0xe7: {  	[tilespmem:$0x14D30] =	vst v1  }
0xe8: {  	[tilespmem:$0x14D40] =	vst v1  }
0xe9: {  	[tilespmem:$0x14D50] =	vst v1  }
0xea: {  	[tilespmem:$0x14D60] =	vst v1  }
0xeb: {  	[tilespmem:$0x14D70] =	vst v1  }
0xec: {  	[tilespmem:$0x14D80] =	vst v1  }
0xed: {  	[tilespmem:$0x14D90] =	vst v1  }
0xee: {  	[tilespmem:$0x14DA0] =	vst v1  }
0xef: {  	[tilespmem:$0x14DB0] =	vst v1  }
0xf0: {  	[tilespmem:$0x14DC0] =	vst v1  }
0xf1: {  	[tilespmem:$0x14DD0] =	vst v1  }
0xf2: {  	[tilespmem:$0x14DE0] =	vst v1  }
0xf3: {  	[tilespmem:$0x14DF0] =	vst v1  }
0xf4: {  	[tilespmem:$0x14E00] =	vst v1  }
0xf5: {  	[tilespmem:$0x14E10] =	vst v1  }
0xf6: {  	[tilespmem:$0x14E20] =	vst v1  }
0xf7: {  	[tilespmem:$0x14E30] =	vst v1  }
0xf8: {  	[tilespmem:$0x14E40] =	vst v1  }
0xf9: {  	[tilespmem:$0x14E50] =	vst v1  }
0xfa: {  	[tilespmem:$0x14E60] =	vst v1  }
0xfb: {  	[tilespmem:$0x14E70] =	vst v1  }
0xfc: {  	[tilespmem:$0x14E80] =	vst v1  }
0xfd: {  	[tilespmem:$0x14E90] =	vst v1  }
0xfe: {  	[tilespmem:$0x14EA0] =	vst v1  }
0xff: {  	[tilespmem:$0x14EB0] =	vst v1  }
0x100: {  	[tilespmem:$0x14EC0] =	vst v1  }
0x101: {  	[tilespmem:$0x14ED0] =	vst v1  }
0x102: {  	[tilespmem:$0x14EE0] =	vst v1  }
0x103: {  	[tilespmem:$0x14EF0] =	vst v1  }
0x104: {  	[tilespmem:$0x14F00] =	vst v1  }
0x105: {  	[tilespmem:$0x14F10] =	vst v1  }
0x106: {  	[tilespmem:$0x14F20] =	vst v1  }
0x107: {  	[tilespmem:$0x14F30] =	vst v1  }
0x108: {  	[tilespmem:$0x14F40] =	vst v1  }
0x109: {  	[tilespmem:$0x14F50] =	vst v1  }
0x10a: {  	[tilespmem:$0x14F60] =	vst v1  }
0x10b: {  	[tilespmem:$0x14F70] =	vst v1  }
0x10c: {  	[tilespmem:$0x14F80] =	vst v1  }
0x10d: {  	[tilespmem:$0x14F90] =	vst v1  }
0x10e: {  	[tilespmem:$0x14FA0] =	vst v1  }
0x10f: {  	[tilespmem:$0x14FB0] =	vst v1  }
0x110: {  	[tilespmem:$0x14FC0] =	vst v1  }
0x111: {  	[tilespmem:$0x14FD0] =	vst v1  }
0x112: {  	[tilespmem:$0x14FE0] =	vst v1  }
0x113: {  	[tilespmem:$0x14FF0] =	vst v1  }
0x114: {  	[tilespmem:$0x15000] =	vst v1  }
0x115: {  	[tilespmem:$0x15010] =	vst v1  }
0x116: {  	[tilespmem:$0x15020] =	vst v1  }
0x117: {  	[tilespmem:$0x15030] =	vst v1  }
0x118: {  	[tilespmem:$0x15040] =	vst v1  }
0x119: {  	[tilespmem:$0x15050] =	vst v1  }
0x11a: {  	[tilespmem:$0x15060] =	vst v1  }
0x11b: {  	[tilespmem:$0x15070] =	vst v1  }
0x11c: {  	[tilespmem:$0x15080] =	vst v1  }
0x11d: {  	[tilespmem:$0x15090] =	vst v1  }
0x11e: {  	[tilespmem:$0x150A0] =	vst v1  }
0x11f: {  	[tilespmem:$0x150B0] =	vst v1  }
0x120: {  	[tilespmem:$0x150C0] =	vst v1  }
0x121: {  	[tilespmem:$0x150D0] =	vst v1  }
0x122: {  	[tilespmem:$0x150E0] =	vst v1  }
0x123: {  	[tilespmem:$0x150F0] =	vst v1  }
0x124: {  	[tilespmem:$0x15100] =	vst v1  }
0x125: {  	[tilespmem:$0x15110] =	vst v1  }
0x126: {  	[tilespmem:$0x15120] =	vst v1  }
0x127: {  	[tilespmem:$0x15130] =	vst v1  }
0x128: {  	[tilespmem:$0x15140] =	vst v1  }
0x129: {  	[tilespmem:$0x15150] =	vst v1  }
0x12a: {  	[tilespmem:$0x15160] =	vst v1  }
0x12b: {  	[tilespmem:$0x15170] =	vst v1  }
0x12c: {  	[tilespmem:$0x15180] =	vst v1  }
0x12d: {  	[tilespmem:$0x15190] =	vst v1  }
0x12e: {  	[tilespmem:$0x151A0] =	vst v1  }
0x12f: {  	[tilespmem:$0x151B0] =	vst v1  }
0x130: {  	[tilespmem:$0x151C0] =	vst v1  }
0x131: {  	[tilespmem:$0x151D0] =	vst v1  }
0x132: {  	[tilespmem:$0x151E0] =	vst v1  }
0x133: {  	[tilespmem:$0x151F0] =	vst v1  }
0x134: {  	[tilespmem:$0x15200] =	vst v1  }
0x135: {  	[tilespmem:$0x15210] =	vst v1  }
0x136: {  	[tilespmem:$0x15220] =	vst v1  }
0x137: {  	[tilespmem:$0x15230] =	vst v1  }
0x138: {  	[tilespmem:$0x15240] =	vst v1  }
0x139: {  	[tilespmem:$0x15250] =	vst v1  }
0x13a: {  	[tilespmem:$0x15260] =	vst v1  }
0x13b: {  	[tilespmem:$0x15270] =	vst v1  }
0x13c: {  	[tilespmem:$0x15280] =	vst v1  }
0x13d: {  	[tilespmem:$0x15290] =	vst v1  }
0x13e: {  	[tilespmem:$0x152A0] =	vst v1  }
0x13f: {  	[tilespmem:$0x152B0] =	vst v1  }
0x140: {  	[tilespmem:$0x152C0] =	vst v1  }
0x141: {  	[tilespmem:$0x152D0] =	vst v1  }
0x142: {  	[tilespmem:$0x152E0] =	vst v1  }
0x143: {  	[tilespmem:$0x152F0] =	vst v1  }
0x144: {  	[tilespmem:$0x15300] =	vst v1  }
0x145: {  	[tilespmem:$0x15310] =	vst v1  }
0x146: {  	[tilespmem:$0x15320] =	vst v1  }
0x147: {  	[tilespmem:$0x15330] =	vst v1  }
0x148: {  	[tilespmem:$0x15340] =	vst v1  }
0x149: {  	[tilespmem:$0x15350] =	vst v1  }
0x14a: {  	[tilespmem:$0x15360] =	vst v1  }
0x14b: {  	[tilespmem:$0x15370] =	vst v1  }
0x14c: {  	[tilespmem:$0x15380] =	vst v1  }
0x14d: {  	[tilespmem:$0x15390] =	vst v1  }
0x14e: {  	[tilespmem:$0x153A0] =	vst v1  }
0x14f: {  	[tilespmem:$0x153B0] =	vst v1  }
0x150: {  	[tilespmem:$0x153C0] =	vst v1  }
0x151: {  	[tilespmem:$0x153D0] =	vst v1  }
0x152: {  	[tilespmem:$0x153E0] =	vst v1  }
0x153: {  	[tilespmem:$0x153F0] =	vst v1  }
0x154: {  	[spmem:s14] =	stream.linear.scatter [tilespmem:s20], [sflag:$0xB], $0x1000, $0x38;
	[tilespmem:$0x17400] =	vst v63  }
0x155: {  	_ =	swait.ge [sflag:s21], $0x1000  }
0x156: {  	[sflag:s21] =	ssyncset.done $0x0  }
0x157: {  	[sflag:s21] =	ssyncadd.s32 $0xFFFFF000  }
0x158: {  	[spmem:s19] =	stream.linear.scatter [tilespmem:s20], [sflag:$0xB], $0x1000, $0x38;
	[tilespmem:$0x17400] =	vst v63  }
0x159: {  	_ =	swait.ge [sflag:s21], $0x1000  }
0x15a: {  	[sflag:s21] =	ssyncset.done $0x0  }
0x15b: {  	[sflag:s21] =	ssyncadd.s32 $0xFFFFF000  }
0x15c: {  	[bflag:$0x0] =	sbarrier.arrive $0xFFFF  }
0x15d: {  	s23 =	rddreg [dreg:$0x15]  }
0x15e: {  	s22 =	rddreg [dreg:$0x14]  }
0x15f: {  	s21 =	rddreg [dreg:$0x13]  }
0x160: {  	s19 =	rddreg [dreg:$0x12]  }
0x161: {  	s13 =	simm.s32 $0x0;
	s14 =	rddreg [dreg:$0x11]  }
.LBB2_2:
0x162: {  	_ =	swait.ge [sflag:s5], $0x80  }
0x163: {  	[sflag:s5] =	ssyncset.done $0x0  }
0x164: {  	[sflag:s5] =	ssyncadd.s32 $0xFFFFFF80  }
0x165: {  	_ =	swait.ge [sflag:s5], $0x4000  }
0x166: {  	[sflag:s5] =	ssyncset.done $0x0  }
0x167: {  	[sflag:s5] =	ssyncadd.s32 $0xFFFFC000  }
0x168: {  	v2 =	vld [tilespmem:$0x0]  }
0x169: {  	v3 =	vld [tilespmem:$0x10]  }
0x16a: {  	v4 =	vld [tilespmem:$0x20]  }
0x16b: {  	v5 =	vld [tilespmem:$0x30]  }
0x16c: {  	v6 =	vld [tilespmem:$0x40]  }
0x16d: {  	v7 =	vld [tilespmem:$0x50];
	v2 =	vadd.s32 v0, v2  }
0x16e: {  	[tilespmem:$0x0] =	vst v2;
	v2 =	vadd.s32 v0, v3;
	v3 =	vld [tilespmem:$0x60]  }
0x16f: {  	v43 =	vld [tilespmem:$0x70];
	[tilespmem:$0x10] =	vst v2;
	v2 =	vadd.s32 v0, v4  }
0x170: {  	[tilespmem:$0x20] =	vst v2;
	v2 =	vadd.s32 v0, v5  }
0x171: {  	[tilespmem:$0x30] =	vst v2;
	v2 =	vadd.s32 v0, v6  }
0x172: {  	[tilespmem:$0x40] =	vst v2;
	v2 =	vadd.s32 v0, v7  }
0x173: {  	[tilespmem:$0x50] =	vst v2;
	v2 =	vadd.s32 v0, v3  }
0x174: {  	[tilespmem:$0x60] =	vst v2;
	v2 =	vadd.s32 v0, v43  }
0x175: {  	s0 =	simm.s32 $0x400;
	p0 =	seq.s32 s13, $0x0;
	[tilespmem:$0x70] =	vst v2  }
0x176: {  	[spmem:s2] =	stream.indirect.scatter.add.f32 [tilespmem:s0], [sflag:$0x6], $0x80, s3, s25, $0xb8;
	[tilespmem:$0x17400] =	vst v63  }
0x177: {  	s0 =	simm.s32 @!p0 $0xA  }
0x178: {  	_ =	swait.ge @!p0 [sflag:s0], $0x4000  }
0x179: {  	[sflag:s0] =	ssyncset.done @!p0 $0x0  }
0x17a: {  	[sflag:s0] =	ssyncadd.s32 @!p0 $0xFFFFC000;
	s0 =	sadd.s32 s13, s18  }
0x17b: {  	[tilespmem:s6], [sflag:$0x5] =	stream.linear.gather [hbm4b:s23+s3], $0x80, $0x38;
	[tilespmem:$0x17400] =	vst v63  }
0x17c: {  	s1 =	sadd.s32 $0x2000, s0  }
0x17d: {  	[tilespmem:s7], [sflag:$0x5] =	stream.linear.gather [hbm4b:s1+s3], $0x4000, $0x38;
	[tilespmem:$0x17400] =	vst v63  }
0x17e: {  	_ =	swait.ge [sflag:s8], $0x80  }
0x17f: {  	[sflag:s8] =	ssyncset.done $0x0  }
0x180: {  	[sflag:s8] =	ssyncadd.s32 $0xFFFFFF80  }
0x181: {  	_ =	swait.ge [sflag:s8], $0x4000  }
0x182: {  	[sflag:s8] =	ssyncset.done $0x0  }
0x183: {  	[sflag:s8] =	ssyncadd.s32 $0xFFFFC000  }
0x184: {  	v2 =	vld [tilespmem:$0x80]  }
0x185: {  	v3 =	vld [tilespmem:$0x90]  }
0x186: {  	v44 =	vld [tilespmem:$0xA0]  }
0x187: {  	v45 =	vld [tilespmem:$0xB0]  }
0x188: {  	v46 =	vld [tilespmem:$0xC0]  }
0x189: {  	v47 =	vld [tilespmem:$0xD0];
	v2 =	vadd.s32 v0, v2  }
0x18a: {  	[tilespmem:$0x80] =	vst v2;
	v2 =	vadd.s32 v0, v3;
	v3 =	vld [tilespmem:$0xE0]  }
0x18b: {  	v48 =	vld [tilespmem:$0xF0];
	[tilespmem:$0x90] =	vst v2;
	v2 =	vadd.s32 v0, v44  }
0x18c: {  	[tilespmem:$0xA0] =	vst v2;
	v2 =	vadd.s32 v0, v45  }
0x18d: {  	[tilespmem:$0xB0] =	vst v2;
	v2 =	vadd.s32 v0, v46  }
0x18e: {  	[tilespmem:$0xC0] =	vst v2;
	v2 =	vadd.s32 v0, v47  }
0x18f: {  	[tilespmem:$0xD0] =	vst v2;
	v2 =	vadd.s32 v0, v3  }
0x190: {  	[tilespmem:$0xE0] =	vst v2;
	v2 =	vadd.s32 v0, v48  }
0x191: {  	s26 =	simm.s32 $0x4400;
	[tilespmem:$0xF0] =	vst v2  }
0x192: {  	[spmem:s2] =	stream.indirect.scatter.add.f32 [tilespmem:s26], [sflag:$0x7], $0x80, s25, s25, $0xb8;
	[tilespmem:$0x17400] =	vst v63  }
0x193: {  	p0 =	seq.s32 s13, $0x1E000;
	_ =	swait.ge [sflag:s9], $0x4000  }
0x194: {  	s1 =	sshrl.u32 @!p0 s22, $0x3;
	[sflag:s9] =	ssyncset.done $0x0  }
0x195: {  	s20 =	simm.s32 @!p0 $0x0;
	s1 =	sadd.s32 @!p0 s4, s1;
	[sflag:s9] =	ssyncadd.s32 $0xFFFFC000  }
0x196: {  	[tilespmem:s20], [sflag:$0x1] =	stream.linear.gather @!p0 [hbm4b:s1+s20], $0x80, $0x38;
	[tilespmem:$0x17400] =	vst v63  }
0x197: {  	s1 =	sadd.s32 @!p0 s13, s18  }
0x198: {  	s26 =	simm.s32 @!p0 $0x400;
	s24 =	sadd.s32 @!p0 $0x2800, s1  }
0x199: {  	[tilespmem:s26], [sflag:$0x1] =	stream.linear.gather @!p0 [hbm4b:s24+s20], $0x4000, $0x38;
	[tilespmem:$0x17400] =	vst v63  }
0x19a: {  	_ =	swait.ge [sflag:s10], $0x80  }
0x19b: {  	[sflag:s10] =	ssyncset.done $0x0  }
0x19c: {  	[sflag:s10] =	ssyncadd.s32 $0xFFFFFF80  }
0x19d: {  	_ =	swait.ge [sflag:s10], $0x4000  }
0x19e: {  	[sflag:s10] =	ssyncset.done $0x0  }
0x19f: {  	[sflag:s10] =	ssyncadd.s32 $0xFFFFC000  }
0x1a0: {  	v2 =	vld [tilespmem:$0x100]  }
0x1a1: {  	v3 =	vld [tilespmem:$0x110]  }
0x1a2: {  	v49 =	vld [tilespmem:$0x120]  }
0x1a3: {  	v50 =	vld [tilespmem:$0x130]  }
0x1a4: {  	v51 =	vld [tilespmem:$0x140]  }
0x1a5: {  	v52 =	vld [tilespmem:$0x150];
	v2 =	vadd.s32 v0, v2  }
0x1a6: {  	[tilespmem:$0x100] =	vst v2;
	v2 =	vadd.s32 v0, v3;
	v3 =	vld [tilespmem:$0x160]  }
0x1a7: {  	v53 =	vld [tilespmem:$0x170];
	[tilespmem:$0x110] =	vst v2;
	v2 =	vadd.s32 v0, v49  }
0x1a8: {  	[tilespmem:$0x120] =	vst v2;
	v2 =	vadd.s32 v0, v50  }
0x1a9: {  	[tilespmem:$0x130] =	vst v2;
	v2 =	vadd.s32 v0, v51  }
0x1aa: {  	[tilespmem:$0x140] =	vst v2;
	v2 =	vadd.s32 v0, v52  }
0x1ab: {  	[tilespmem:$0x150] =	vst v2;
	v2 =	vadd.s32 v0, v3  }
0x1ac: {  	[tilespmem:$0x160] =	vst v2;
	v2 =	vadd.s32 v0, v53  }
0x1ad: {  	[tilespmem:$0x170] =	vst v2  }
0x1ae: {  	[spmem:s2] =	stream.indirect.scatter.add.f32 [tilespmem:s29], [sflag:$0x8], $0x80, s28, s25, $0xb8;
	[tilespmem:$0x17400] =	vst v63  }
0x1af: {  	_ =	swait.ge [sflag:s11], $0x4000  }
0x1b0: {  	[sflag:s11] =	ssyncset.done $0x0  }
0x1b1: {  	s24 =	simm.s32 @!p0 $0x80;
	[sflag:s11] =	ssyncadd.s32 $0xFFFFC000  }
0x1b2: {  	[tilespmem:s24], [sflag:$0x2] =	stream.linear.gather @!p0 [hbm4b:s21+s20], $0x80, $0x38;
	[tilespmem:$0x17400] =	vst v63  }
0x1b3: {  	s26 =	simm.s32 @!p0 $0x4400;
	s24 =	sadd.s32 @!p0 $0x3000, s1  }
0x1b4: {  	[tilespmem:s26], [sflag:$0x2] =	stream.linear.gather @!p0 [hbm4b:s24+s20], $0x4000, $0x38;
	[tilespmem:$0x17400] =	vst v63  }
0x1b5: {  	_ =	swait.ge [sflag:s12], $0x80  }
0x1b6: {  	[sflag:s12] =	ssyncset.done $0x0  }
0x1b7: {  	[sflag:s12] =	ssyncadd.s32 $0xFFFFFF80  }
0x1b8: {  	_ =	swait.ge [sflag:s12], $0x4000  }
0x1b9: {  	[sflag:s12] =	ssyncset.done $0x0  }
0x1ba: {  	[sflag:s12] =	ssyncadd.s32 $0xFFFFC000  }
0x1bb: {  	v2 =	vld [tilespmem:$0x180]  }
0x1bc: {  	v3 =	vld [tilespmem:$0x190]  }
0x1bd: {  	v54 =	vld [tilespmem:$0x1A0]  }
0x1be: {  	v55 =	vld [tilespmem:$0x1B0]  }
0x1bf: {  	v56 =	vld [tilespmem:$0x1C0]  }
0x1c0: {  	v57 =	vld [tilespmem:$0x1D0];
	v2 =	vadd.s32 v0, v2  }
0x1c1: {  	[tilespmem:$0x180] =	vst v2;
	v2 =	vadd.s32 v0, v3;
	v3 =	vld [tilespmem:$0x1E0]  }
0x1c2: {  	v58 =	vld [tilespmem:$0x1F0];
	[tilespmem:$0x190] =	vst v2;
	v2 =	vadd.s32 v0, v54  }
0x1c3: {  	[tilespmem:$0x1A0] =	vst v2;
	v2 =	vadd.s32 v0, v55  }
0x1c4: {  	[tilespmem:$0x1B0] =	vst v2;
	v2 =	vadd.s32 v0, v56  }
0x1c5: {  	[tilespmem:$0x1C0] =	vst v2;
	v2 =	vadd.s32 v0, v57  }
0x1c6: {  	[tilespmem:$0x1D0] =	vst v2;
	v2 =	vadd.s32 v0, v3  }
0x1c7: {  	[tilespmem:$0x1E0] =	vst v2;
	v2 =	vadd.s32 v0, v58  }
0x1c8: {  	[tilespmem:$0x1F0] =	vst v2  }
0x1c9: {  	[spmem:s2] =	stream.indirect.scatter.add.f32 [tilespmem:s31], [sflag:$0x9], $0x80, s30, s25, $0xb8;
	[tilespmem:$0x17400] =	vst v63  }
0x1ca: {  	_ =	swait.ge [sflag:s15], $0x4000  }
0x1cb: {  	[sflag:s15] =	ssyncset.done $0x0  }
0x1cc: {  	s24 =	simm.s32 @!p0 $0x100;
	[sflag:s15] =	ssyncadd.s32 $0xFFFFC000  }
0x1cd: {  	[tilespmem:s24], [sflag:$0x3] =	stream.linear.gather @!p0 [hbm4b:s19+s20], $0x80, $0x38;
	[tilespmem:$0x17400] =	vst v63  }
0x1ce: {  	s1 =	sadd.s32 @!p0 $0x3800, s1;
	s24 =	simm.s32 @!p0 $0x8400  }
0x1cf: {  	[tilespmem:s24], [sflag:$0x3] =	stream.linear.gather @!p0 [hbm4b:s1+s20], $0x4000, $0x38;
	[tilespmem:$0x17400] =	vst v63  }
0x1d0: {  	_ =	swait.ge [sflag:s16], $0x80  }
0x1d1: {  	[sflag:s16] =	ssyncset.done $0x0  }
0x1d2: {  	[sflag:s16] =	ssyncadd.s32 $0xFFFFFF80  }
0x1d3: {  	_ =	swait.ge [sflag:s16], $0x4000  }
0x1d4: {  	[sflag:s16] =	ssyncset.done $0x0  }
0x1d5: {  	[sflag:s16] =	ssyncadd.s32 $0xFFFFC000  }
0x1d6: {  	v2 =	vld [tilespmem:$0x200]  }
0x1d7: {  	v3 =	vld [tilespmem:$0x210]  }
0x1d8: {  	v59 =	vld [tilespmem:$0x220]  }
0x1d9: {  	v60 =	vld [tilespmem:$0x230]  }
0x1da: {  	v61 =	vld [tilespmem:$0x240]  }
0x1db: {  	v62 =	vld [tilespmem:$0x250];
	v2 =	vadd.s32 v0, v2  }
0x1dc: {  	[tilespmem:$0x200] =	vst v2;
	v2 =	vadd.s32 v0, v3;
	v3 =	vld [tilespmem:$0x260]  }
0x1dd: {  	v63 =	vld [tilespmem:$0x270];
	[tilespmem:$0x210] =	vst v2;
	v2 =	vadd.s32 v0, v59  }
0x1de: {  	[tilespmem:$0x220] =	vst v2;
	v2 =	vadd.s32 v0, v60  }
0x1df: {  	[tilespmem:$0x230] =	vst v2;
	v2 =	vadd.s32 v0, v61  }
0x1e0: {  	[tilespmem:$0x240] =	vst v2;
	v2 =	vadd.s32 v0, v62  }
0x1e1: {  	[tilespmem:$0x250] =	vst v2;
	v2 =	vadd.s32 v0, v3  }
0x1e2: {  	[tilespmem:$0x260] =	vst v2;
	v2 =	vadd.s32 v0, v63  }
.Ltmp2:
0x1e3: {  	[tilespmem:$0x270] =	vst v2;
	(pc) =	sbr.rel @p0 .LBB2_4-.Ltmp2, $4  }
0x1e4: {  	[spmem:s2] =	stream.indirect.scatter.add.f32 [tilespmem:s7], [sflag:$0xA], $0x80, s6, s25, $0xb8;
	[tilespmem:$0x17400] =	vst v63  }
0x1e5: {  	_ =	swait.ge [sflag:s17], $0x4000  }
0x1e6: {  	[sflag:s17] =	ssyncset.done $0x0  }
0x1e7: {  	[sflag:s17] =	ssyncadd.s32 $0xFFFFC000  }
0x1e8: {  	[tilespmem:s30], [sflag:$0x4] =	stream.linear.gather [hbm4b:s14+s3], $0x80, $0x38;
	[tilespmem:$0x17400] =	vst v63  }
.Ltmp3:
0x1e9: {  	_ = 	snop;
	(pc) =	sbr.rel .LBB2_2-.Ltmp3, $4  }
0x1ea: {  	s0 =	sadd.s32 $0x4000, s0  }
0x1eb: {  	s13 =	sadd.s32 $0x2800, s13;
	s14 =	sadd.s32 $0x50, s14;
	s19 =	sadd.s32 $0x50, s19  }
0x1ec: {  	s21 =	sadd.s32 $0x50, s21;
	s22 =	sadd.s32 $0x280, s22;
	s23 =	sadd.s32 $0x50, s23  }
0x1ed: {  	[tilespmem:s31], [sflag:$0x4] =	stream.linear.gather [hbm4b:s0+s3], $0x4000, $0x38;
	[tilespmem:$0x17400] =	vst v63  }
.LBB2_5:
0x1ee: {  	_ =	sfence.sel $0x180000  }
0x1ef: {  	[bflag:$0x0] =	sbarrier.arrive $0xFFFF  }
0x1f0: {  	_ =	strace $0x90000047  }
0x1f1: {  	s0 =	stileid.u32;
	[bflag:$0x2] =	sbarrier.arrive $0xFFFF  }
0x1f2: {  	p0 =	sne.s32 s0, $0x0;
	s0 =	rddreg [dreg:$0x3]  }
0x1f3: {  	s0 =	sadd.s32 @!p0 $0x100000, s0  }
0x1f4: {  	[sflag:s0] =	ssyncadd.tile.s32 @!p0 $0x1;
	_ =	shalt  }
.Lfunc_end2:
_tile_overlayer_lowered:
.L_overlay_start_2:
0x1f5: {  	(tag) =	ssettag $0x2  }
0x1f6: {  	s0 =	rddreg [dreg:$0x0];
	s2 =	stileid.u32  }
0x1f7: {  	s1 =	rddreg [dreg:$0x1];
	p0 =	sne.s32 s2, $0x0  }
0x1f8: {  	s3 =	rddreg [dreg:$0x2];
	[bflag:$0x3] =	sbarrier.arrive $0xFFFF;
	s2 =	simm.s32 @!p0 $0x1C0B  }
0x1f9: {  	[timem:s3], [sflag:s2] =	dma.local @!p0 [hbm:s0], s1  }
0x1fa: {  	s0 =	simm.s32 @!p0 $0xB  }
0x1fb: {  	_ =	swait.ge @!p0 [sflag:s0], s1  }
0x1fc: {  	s1 =	ssub.s32 @!p0 $0x0, s1;
	[sflag:s0] =	ssyncset.done @!p0 $0x0  }
0x1fd: {  	[sflag:s0] =	ssyncadd.s32 @!p0 s1  }
0x1fe: {  	[bflag:$0x3] =	sbarrier.arrive $0xFFFF  }
0x1ff: {  	_ =	shalt  }

</sc_bundles>
